<compile_context>
chip_gen: v7x
topology: tpu7x:2x2x1
jax: 0.10.2.dev20260603
libtpu: 0.0.44.dev20260713+nightly
codegen_flags: <defaults>
</compile_context>

<pallas_src>
import functools

import jax
import jax.numpy as jnp
from jax import lax
from jax.experimental import pallas as pl
from jax.experimental.pallas import tpu as pltpu
from jax.experimental.pallas import tpu_sc as plsc

H = 128
HEADS = 4
NUM_GRAPHS = 64
EPS = 1e-5
NC = 2
NS = 16
NW = NC * NS
CHUNK = 128
BE = 3200




def _dotb(a, b):
    return jnp.dot(a.astype(jnp.bfloat16), b.astype(jnp.bfloat16),
                   preferred_element_type=jnp.float32)

def _sc_mesh():
    return plsc.VectorSubcoreMesh(core_axis_name="c", subcore_axis_name="s")


def _make_gather(E, N):
    nch = E // CHUNK
    maxit = (nch + NW - 1) // NW
    maxit += maxit % 2
    npair = maxit // 2

    @functools.partial(
        pl.kernel,
        mesh=_sc_mesh(),
        out_type=(
            jax.ShapeDtypeStruct((E, H), jnp.float32),
            jax.ShapeDtypeStruct((E, H), jnp.float32),
        ),
        scratch_types=[
            pltpu.VMEM((CHUNK,), jnp.int32),
            pltpu.VMEM((CHUNK,), jnp.int32),
            pltpu.VMEM((CHUNK,), jnp.int32),
            pltpu.VMEM((CHUNK,), jnp.int32),
            pltpu.VMEM((CHUNK, H), jnp.float32),
            pltpu.VMEM((CHUNK, H), jnp.float32),
            pltpu.VMEM((CHUNK, H), jnp.float32),
            pltpu.VMEM((CHUNK, H), jnp.float32),
            pltpu.SemaphoreType.DMA,
            pltpu.SemaphoreType.DMA,
            pltpu.SemaphoreType.DMA,
            pltpu.SemaphoreType.DMA,
            pltpu.SemaphoreType.DMA,
            pltpu.SemaphoreType.DMA,
        ],
    )
    def gather(h_hbm, dst_hbm, src_hbm, hd_hbm, hs_hbm,
               idxd0, idxs0, idxd1, idxs1, rowd0, rows0, rowd1, rows1,
               si0, si1, sg0, sg1, sw0, sw1):
        wid = lax.axis_index("s") * NC + lax.axis_index("c")
        idx = ((idxd0, idxs0), (idxd1, idxs1))
        row = ((rowd0, rows0), (rowd1, rows1))
        si = (si0, si1)
        sg = (sg0, sg1)
        sw = (sw0, sw1)

        def base_of(i):
            return jnp.minimum(wid + i * NW, nch - 1) * CHUNK

        b0 = base_of(0)
        pltpu.async_copy(dst_hbm.at[pl.ds(b0, CHUNK)], idxd0, si0)
        pltpu.async_copy(src_hbm.at[pl.ds(b0, CHUNK)], idxs0, si0)

        def body(j, carry):
            for b in (0, 1):
                i = 2 * j + b
                bn = 1 - b
                base_i = base_of(i)
                base_n = base_of(i + 1)
                pltpu.async_copy(dst_hbm.at[pl.ds(base_n, CHUNK)], idx[bn][0],
                                 si[bn])
                pltpu.async_copy(src_hbm.at[pl.ds(base_n, CHUNK)], idx[bn][1],
                                 si[bn])
                pltpu.make_async_copy(dst_hbm.at[pl.ds(base_i, CHUNK)],
                                      idx[b][0], si[b]).wait()
                pltpu.make_async_copy(src_hbm.at[pl.ds(base_i, CHUNK)],
                                      idx[b][1], si[b]).wait()

                @pl.when(j >= 1)
                def _():
                    base_p = base_of(i - 2)
                    pltpu.make_async_copy(row[b][0],
                                          hd_hbm.at[pl.ds(base_p, CHUNK)],
                                          sw[b]).wait()
                    pltpu.make_async_copy(row[b][1],
                                          hs_hbm.at[pl.ds(base_p, CHUNK)],
                                          sw[b]).wait()

                cp1 = pltpu.async_copy(h_hbm.at[idx[b][0]], row[b][0], sg[b])
                cp2 = pltpu.async_copy(h_hbm.at[idx[b][1]], row[b][1], sg[b])
                cp1.wait()
                cp2.wait()
                pltpu.async_copy(row[b][0], hd_hbm.at[pl.ds(base_i, CHUNK)],
                                 sw[b])
                pltpu.async_copy(row[b][1], hs_hbm.at[pl.ds(base_i, CHUNK)],
                                 sw[b])
            return carry

        lax.fori_loop(0, npair, body, 0)
        base_e = base_of(maxit)
        pltpu.make_async_copy(dst_hbm.at[pl.ds(base_e, CHUNK)], idxd0,
                              si0).wait()
        pltpu.make_async_copy(src_hbm.at[pl.ds(base_e, CHUNK)], idxs0,
                              si0).wait()
        for b in (0, 1):
            base_l = base_of(maxit - 2 + b)
            pltpu.make_async_copy(row[b][0], hd_hbm.at[pl.ds(base_l, CHUNK)],
                                  sw[b]).wait()
            pltpu.make_async_copy(row[b][1], hs_hbm.at[pl.ds(base_l, CHUNK)],
                                  sw[b]).wait()

    return gather


def _make_scatter(E, N):
    nch = E // CHUNK
    maxit = (nch + NW - 1) // NW
    maxit += maxit % 2
    npair = maxit // 2
    D = H

    @functools.partial(
        pl.kernel,
        mesh=_sc_mesh(),
        out_type=jax.ShapeDtypeStruct((NC, N, D), jnp.float32),
        scratch_types=[
            pltpu.VMEM((CHUNK,), jnp.int32),
            pltpu.VMEM((CHUNK,), jnp.int32),
            pltpu.VMEM((CHUNK, D), jnp.float32),
            pltpu.VMEM((CHUNK, D), jnp.float32),
            pltpu.VMEM_SHARED((N + 8, D), jnp.float32),
            pltpu.SemaphoreType.DMA,
            pltpu.SemaphoreType.DMA,
        ],
    )
    def scatter(wm_hbm, dst_hbm, zeros_hbm, out_hbm,
                idx0, idx1, rows0, rows1, acc_sh, sl0, sl1):
        c = lax.axis_index("c")
        s = lax.axis_index("s")
        wid = s * NC + c
        idx = (idx0, idx1)
        rows = (rows0, rows1)
        sl = (sl0, sl1)

        @pl.when(s == 0)
        def _():
            pltpu.sync_copy(zeros_hbm, acc_sh)

        plsc.subcore_barrier()

        def base_of(i):
            return jnp.minimum(wid + i * NW, nch - 1) * CHUNK

        b0 = base_of(0)
        pltpu.async_copy(dst_hbm.at[pl.ds(b0, CHUNK)], idx0, sl0)
        pltpu.async_copy(wm_hbm.at[pl.ds(b0, CHUNK)], rows0, sl0)

        def body(j, carry):
            for b in (0, 1):
                i = 2 * j + b
                bn = 1 - b
                base_i = base_of(i)
                base_n = base_of(i + 1)
                pltpu.make_async_copy(dst_hbm.at[pl.ds(base_i, CHUNK)],
                                      idx[b], sl[b]).wait()
                pltpu.make_async_copy(wm_hbm.at[pl.ds(base_i, CHUNK)],
                                      rows[b], sl[b]).wait()

                @pl.when(wid + i * NW >= nch)
                def _():
                    for k in range(CHUNK // 16):
                        idx[b][pl.ds(k * 16, 16)] = jnp.full(
                            (16,), N, jnp.int32)

                pltpu.async_copy(dst_hbm.at[pl.ds(base_n, CHUNK)], idx[bn],
                                 sl[bn])
                pltpu.async_copy(wm_hbm.at[pl.ds(base_n, CHUNK)], rows[bn],
                                 sl[bn])
                pltpu.sync_copy(rows[b], acc_sh.at[idx[b]], add=True)
            return carry

        lax.fori_loop(0, npair, body, 0)
        base_e = base_of(maxit)
        pltpu.make_async_copy(dst_hbm.at[pl.ds(base_e, CHUNK)], idx0,
                              sl0).wait()
        pltpu.make_async_copy(wm_hbm.at[pl.ds(base_e, CHUNK)], rows0,
                              sl0).wait()
        plsc.subcore_barrier()

        @pl.when(s == 0)
        def _():
            pltpu.sync_copy(acc_sh.at[pl.ds(0, N)], out_hbm.at[c])

    return scatter


def _prologue_body(x_ref, w_ref, b_ref, h_ref):
    h_ref[...] = jnp.maximum(_dotb(x_ref[...], w_ref[...]) + b_ref[...], 0.0)


def _edge_body(hd_ref, hs_ref, ea_ref, wee_ref, eeb_ref, wd_ref, ws_ref,
               we_ref, bcat_ref, a2_ref, a2b_ref, rm_ref, lt_ref):
    e = jnp.maximum(_dotb(ea_ref[...], wee_ref[...]) + eeb_ref[...], 0.0)
    p = (_dotb(hd_ref[...], wd_ref[...])
         + _dotb(hs_ref[...], ws_ref[...])
         + _dotb(e, we_ref[...])
         + bcat_ref[...])
    a = p[:, :H]
    la = jnp.where(a > 0, a, 0.2 * a)
    rm_ref[...] = jnp.maximum(p[:, H:], 0.0)
    lt_ref[...] = lax.dot_general(
        a2_ref[...].astype(jnp.bfloat16), la.astype(jnp.bfloat16),
        (((0,), (1,)), ((), ())),
        preferred_element_type=jnp.float32) + a2b_ref[...]


def _make_softmax(S):
    def body(*refs):
        lts = refs[:S]
        w_ref = refs[S]
        ls = [r[...] for r in lts]
        m = ls[0].max(axis=1, keepdims=True)
        for l in ls[1:]:
            m = jnp.maximum(m, l.max(axis=1, keepdims=True))
        ps = [jnp.exp(l - m) for l in ls]
        s = ps[0].sum(axis=1, keepdims=True)
        for p in ps[1:]:
            s = s + p.sum(axis=1, keepdims=True)
        ws = [jnp.sum(p[:HEADS, :] / s[:HEADS], axis=0, keepdims=True)
              for p in ps]
        w_ref[...] = jnp.concatenate(ws, axis=1) * (1.0 / HEADS)
    return body


def _scale_body(rm_ref, w_ref, m2_ref, m2b_ref, wm_ref):
    wv = w_ref[...]
    msg = _dotb(rm_ref[...], m2_ref[...]) + m2b_ref[...]
    wm_ref[...] = msg * wv


def _make_node(S):
    def body(*refs):
        parts = refs[:S]
        (h_ref, u1h_ref, u1a_ref, u1b_ref, u2_ref, u2b_ref, gnw_ref,
         gnb_ref, gnms_ref, lnw_ref, lnb_ref, hout_ref) = refs[S:]
        agg = parts[0][0] + parts[0][1]
        for p in parts[1:]:
            agg = agg + p[0] + p[1]
        h = h_ref[...]
        _node_tail(h, agg, u1h_ref, u1a_ref, u1b_ref, u2_ref, u2b_ref,
                   gnw_ref, gnb_ref, gnms_ref, lnw_ref, lnb_ref, hout_ref)
    return body


def _node_tail(h, agg, u1h_ref, u1a_ref, u1b_ref,
               u2_ref, u2b_ref, gnw_ref, gnb_ref, gnms_ref, lnw_ref,
               lnb_ref, hout_ref):
    z = jnp.maximum(
        _dotb(h, u1h_ref[...]) + _dotb(agg, u1a_ref[...]) + u1b_ref[...], 0.0)
    out = _dotb(z, u2_ref[...]) + u2b_ref[...]
    mean = jnp.mean(out, axis=0, keepdims=True)
    sub = out - gnms_ref[...] * mean
    var = jnp.mean(sub * sub, axis=0, keepdims=True)
    out = gnw_ref[...] * sub / jnp.sqrt(var + EPS) + gnb_ref[...]
    hres = out + h
    mu = jnp.mean(hres, axis=1, keepdims=True)
    d = hres - mu
    v = jnp.mean(d * d, axis=1, keepdims=True)
    hout_ref[...] = lnw_ref[...] * d / jnp.sqrt(v + EPS) + lnb_ref[...]


def _pool_body(h_ref, b_ref, w1_ref, b1_ref, w2_ref, b2_ref, w3_ref, b3_ref,
               out_ref, hmax_ref):
    h = h_ref[...]
    n = h.shape[0]
    b = b_ref[...]
    gids = lax.broadcasted_iota(jnp.int32, (n, NUM_GRAPHS), 1)
    onehot = (b == gids).astype(jnp.float32)
    counts = lax.dot_general(onehot, jnp.ones((n, 1), jnp.float32),
                             (((0,), (0,)), ((), ())),
                             preferred_element_type=jnp.float32,
                             precision=lax.Precision.HIGHEST)
    h_add = lax.dot_general(onehot, h, (((0,), (0,)), ((), ())),
                            preferred_element_type=jnp.float32,
                            precision=lax.Precision.HIGHEST)
    h_mean = h_add / jnp.maximum(counts, 1.0)

    def mx(g, carry):
        mask = b == g
        mv = jnp.max(jnp.where(mask, h, -jnp.inf), axis=0, keepdims=True)
        hmax_ref[pl.ds(g, 1), :] = mv
        return carry

    lax.fori_loop(0, NUM_GRAPHS, mx, 0)
    h_max = hmax_ref[...]
    h_max = jnp.where(jnp.isfinite(h_max), h_max, 0.0)
    hg = jnp.concatenate([h_mean, h_max, h_add], axis=1)

    cols = []
    for k in range(3):
        z1 = jnp.maximum(
            _dotb(hg, w1_ref[pl.ds(k * 384, 384), :])
            + b1_ref[pl.ds(k, 1), :], 0.0)
        z2 = jnp.maximum(
            _dotb(z1, w2_ref[pl.ds(k * H, H), :])
            + b2_ref[pl.ds(k, 1), :], 0.0)
        z3 = (_dotb(z2, w3_ref[pl.ds(k * 64, 64), :])
              + b3_ref[pl.ds(k, 1), :])
        cols.append(jax.nn.sigmoid(z3[:, :1]))
    comb = 0.45 * cols[0] + 0.35 * cols[1] + 0.2 * cols[2]
    out_ref[...] = jnp.concatenate(cols + [comb], axis=1)


def kernel(x, edge_index, edge_attr, batch, params):
    N = x.shape[0]
    E = edge_index.shape[1]
    f32 = jnp.float32
    src = edge_index[0]
    dst = edge_index[1]
    ea8 = jnp.concatenate(
        [edge_attr, jnp.zeros((E, 1), f32)], axis=1)
    wee8 = jnp.concatenate(
        [params['ee'][0], jnp.zeros((1, H), f32)], axis=0)
    eeb = params['ee'][1][None, :]

    h = pl.pallas_call(
        _prologue_body,
        out_shape=jax.ShapeDtypeStruct((N, H), f32),
    )(x, params['ne'][0], params['ne'][1][None, :])

    S = 2
    ES = E // S
    slabs = [(dst[k * ES:(k + 1) * ES], src[k * ES:(k + 1) * ES],
              ea8[k * ES:(k + 1) * ES]) for k in range(S)]
    gather = _make_gather(ES, N)
    scatter = _make_scatter(ES, N)
    nblk = ES // BE
    zeros_acc = jnp.zeros((N + 8, H), f32)

    for lp in params['layers']:
        a1w, a1b = lp['a1']
        m1w, m1b = lp['m1']
        wd = jnp.concatenate([a1w[:H], m1w[:H]], axis=1)
        ws = jnp.concatenate([a1w[H:2 * H], m1w[H:2 * H]], axis=1)
        we = jnp.concatenate([a1w[2 * H:], m1w[2 * H:]], axis=1)
        bcat = jnp.concatenate([a1b, m1b])[None, :]
        a2p = jnp.concatenate(
            [lp['a2'][0], jnp.zeros((H, 8 - HEADS), f32)], axis=1)
        a2bp = jnp.concatenate(
            [lp['a2'][1], jnp.zeros((8 - HEADS,), f32)])[:, None]
        m2w, m2b = lp['m2']
        u1w, u1b = lp['u1']

        gathered = [gather(h, d, s) for d, s, _ in slabs]

        rms, lts = [], []
        for (hd, hs), (_, _, eas) in zip(gathered, slabs):
            rm, lt = pl.pallas_call(
                _edge_body,
                grid=(nblk,),
                in_specs=[
                    pl.BlockSpec((BE, H), lambda i: (i, 0)),
                    pl.BlockSpec((BE, H), lambda i: (i, 0)),
                    pl.BlockSpec((BE, 8), lambda i: (i, 0)),
                    pl.BlockSpec((8, H), lambda i: (0, 0)),
                    pl.BlockSpec((1, H), lambda i: (0, 0)),
                    pl.BlockSpec((H, 2 * H), lambda i: (0, 0)),
                    pl.BlockSpec((H, 2 * H), lambda i: (0, 0)),
                    pl.BlockSpec((H, 2 * H), lambda i: (0, 0)),
                    pl.BlockSpec((1, 2 * H), lambda i: (0, 0)),
                    pl.BlockSpec((H, 8), lambda i: (0, 0)),
                    pl.BlockSpec((8, 1), lambda i: (0, 0)),
                ],
                out_specs=[
                    pl.BlockSpec((BE, H), lambda i: (i, 0)),
                    pl.BlockSpec((8, BE), lambda i: (0, i)),
                ],
                out_shape=[
                    jax.ShapeDtypeStruct((ES, H), f32),
                    jax.ShapeDtypeStruct((8, ES), f32),
                ],
            )(hd, hs, eas, wee8, eeb, wd, ws, we, bcat, a2p, a2bp)
            rms.append(rm)
            lts.append(lt)

        w = pl.pallas_call(
            _make_softmax(S),
            out_shape=jax.ShapeDtypeStruct((1, E), f32),
        )(*lts)
        w = w.reshape(E, 1)

        parts = []
        for k, ((d, _, _), rm) in enumerate(zip(slabs, rms)):
            wm = pl.pallas_call(
                _scale_body,
                grid=(nblk,),
                in_specs=[
                    pl.BlockSpec((BE, H), lambda i: (i, 0)),
                    pl.BlockSpec((BE, 1), lambda i: (i, 0)),
                    pl.BlockSpec((H, H), lambda i: (0, 0)),
                    pl.BlockSpec((1, H), lambda i: (0, 0)),
                ],
                out_specs=pl.BlockSpec((BE, H), lambda i: (i, 0)),
                out_shape=jax.ShapeDtypeStruct((ES, H), f32),
            )(rm, w[k * ES:(k + 1) * ES], m2w, m2b[None, :])
            parts.append(scatter(wm, d, zeros_acc))

        h = pl.pallas_call(
            _make_node(S),
            out_shape=jax.ShapeDtypeStruct((N, H), f32),
        )(*parts, h, u1w[:H], u1w[H:], u1b[None, :],
          lp['u2'][0], lp['u2'][1][None, :],
          lp['gn_w'][None, :], lp['gn_b'][None, :], lp['gn_ms'][None, :],
          lp['ln_w'][None, :], lp['ln_b'][None, :])

    hp = params['heads']
    w1 = jnp.concatenate([hp[k]['h1'][0] for k in ('tensile', 'tg', 'flex')], 0)
    b1 = jnp.stack([hp[k]['h1'][1] for k in ('tensile', 'tg', 'flex')], 0)
    w2 = jnp.concatenate([hp[k]['h2'][0] for k in ('tensile', 'tg', 'flex')], 0)
    b2 = jnp.stack([hp[k]['h2'][1] for k in ('tensile', 'tg', 'flex')], 0)
    w3 = jnp.concatenate(
        [jnp.concatenate([hp[k]['h3'][0],
                          jnp.zeros((64, 127), f32)], axis=1)
         for k in ('tensile', 'tg', 'flex')], 0)
    b3 = jnp.stack([jnp.concatenate([hp[k]['h3'][1],
                                     jnp.zeros((127,), f32)])
                    for k in ('tensile', 'tg', 'flex')], 0)

    outm = pl.pallas_call(
        _pool_body,
        out_shape=jax.ShapeDtypeStruct((NUM_GRAPHS, 4), f32),
        scratch_shapes=[pltpu.VMEM((NUM_GRAPHS, H), f32)],
    )(h, batch[:, None], w1, b1, w2, b2, w3, b3)

    return (outm[:, 0], outm[:, 1], outm[:, 2], outm[:, 3])

# --- scband reference (transcript-rebuilt; emitter-appended) ---
"""Pipeline reference for scband-mechanical-properties-predictor-49795850830265 (READ-ONLY COPY).

The authoritative reference and input builder live on the scoring server;
editing this copy changes nothing except your own understanding.
"""

import jax, jax.numpy as jnp
import numpy as np

HIDDEN = 128
LAYERS = 2
HEADS = 4
NUM_GRAPHS = 64
EPS = 1e-5


def _lin(key, fin, fout):
    W = jax.random.normal(key, (fin, fout), jnp.float32) / jnp.sqrt(float(fin))
    b = jnp.zeros((fout,), jnp.float32)
    return (W, b)


def _init_params(key):
    keys = iter(jax.random.split(key, 40))
    p = {}
    p['ne'] = _lin(next(keys), 38, HIDDEN)
    p['ee'] = _lin(next(keys), 7, HIDDEN)
    layers = []
    for _ in range(LAYERS):
        lp = {
            'a1': _lin(next(keys), 3 * HIDDEN, HIDDEN),
            'a2': _lin(next(keys), HIDDEN, HEADS),
            'm1': _lin(next(keys), 3 * HIDDEN, HIDDEN),
            'm2': _lin(next(keys), HIDDEN, HIDDEN),
            'u1': _lin(next(keys), 2 * HIDDEN, HIDDEN),
            'u2': _lin(next(keys), HIDDEN, HIDDEN),
            'gn_w': jnp.ones((HIDDEN,), jnp.float32),
            'gn_b': jnp.zeros((HIDDEN,), jnp.float32),
            'gn_ms': jnp.ones((HIDDEN,), jnp.float32),
            'ln_w': jnp.ones((HIDDEN,), jnp.float32),
            'ln_b': jnp.zeros((HIDDEN,), jnp.float32),
        }
        layers.append(lp)
    p['layers'] = layers
    heads = {}
    for name in ('tensile', 'tg', 'flex'):
        heads[name] = {
            'h1': _lin(next(keys), 3 * HIDDEN, HIDDEN),
            'h2': _lin(next(keys), HIDDEN, 64),
            'h3': _lin(next(keys), 64, 1),
        }
    p['heads'] = heads
    return p


def setup_inputs(seed: int = 0):
    key = jax.random.key(seed)
    k1, k2, k3, k4, k5 = jax.random.split(key, 5)
    x = jax.random.normal(k1, (10000, 38), jnp.float32)
    edge_index = jax.random.randint(k2, (2, 320000), 0, 10000, dtype=jnp.int32)
    edge_attr = jax.random.normal(k3, (320000, 7), jnp.float32)
    batch = jnp.sort(jax.random.randint(k4, (10000,), 0, NUM_GRAPHS, dtype=jnp.int32))
    params = _init_params(k5)
    return {'x': x, 'edge_index': edge_index, 'edge_attr': edge_attr, 'batch': batch, 'params': params}


def _forward(x, edge_attr, params, edge_index, batch):
    # eval mode: dropout disabled
    h = jax.nn.relu(x @ params['ne'][0] + params['ne'][1])
    e = jax.nn.relu(edge_attr @ params['ee'][0] + params['ee'][1])
    src = edge_index[0]
    dst = edge_index[1]
    N = x.shape[0]
    for lp in params['layers']:
        h_prev = h
        x_i = h[dst]  # target nodes (PyG flow source_to_target)
        x_j = h[src]  # source nodes
        cat = jnp.concatenate([x_i, x_j, e], axis=-1)
        attn = jax.nn.leaky_relu(cat @ lp['a1'][0] + lp['a1'][1], negative_slope=0.2) @ lp['a2'][0] + lp['a2'][1]
        attn = jax.nn.softmax(attn, axis=0)
        attn = jnp.mean(attn, axis=-1, keepdims=True)
        msg = jax.nn.relu(cat @ lp['m1'][0] + lp['m1'][1]) @ lp['m2'][0] + lp['m2'][1]
        m = attn * msg
        agg = jax.ops.segment_sum(m, dst, num_segments=N)
        out = jax.nn.relu(jnp.concatenate([h, agg], axis=-1) @ lp['u1'][0] + lp['u1'][1]) @ lp['u2'][0] + lp['u2'][1]
        # GraphNorm (called without batch -> single-graph normalization)
        mean = out.mean(axis=0, keepdims=True)
        sub = out - lp['gn_ms'] * mean
        var = (sub * sub).mean(axis=0, keepdims=True)
        out = lp['gn_w'] * sub / jnp.sqrt(var + EPS) + lp['gn_b']
        hres = out + h_prev
        mu = hres.mean(axis=-1, keepdims=True)
        v = ((hres - mu) ** 2).mean(axis=-1, keepdims=True)
        h = lp['ln_w'] * (hres - mu) / jnp.sqrt(v + EPS) + lp['ln_b']
    counts = jax.ops.segment_sum(jnp.ones((N,), jnp.float32), batch, num_segments=NUM_GRAPHS)
    h_add = jax.ops.segment_sum(h, batch, num_segments=NUM_GRAPHS)
    h_mean = h_add / jnp.maximum(counts, 1.0)[:, None]
    h_max = jax.ops.segment_max(h, batch, num_segments=NUM_GRAPHS)
    h_max = jnp.where(jnp.isfinite(h_max), h_max, 0.0)
    hg = jnp.concatenate([h_mean, h_max, h_add], axis=-1)

    def head(hp):
        z = jax.nn.relu(hg @ hp['h1'][0] + hp['h1'][1])
        z = jax.nn.relu(z @ hp['h2'][0] + hp['h2'][1])
        return jax.nn.sigmoid(z @ hp['h3'][0] + hp['h3'][1])[:, 0]

    tensile = head(params['heads']['tensile'])
    tg = head(params['heads']['tg'])
    flex = head(params['heads']['flex'])
    combined = 0.45 * tensile + 0.35 * tg + 0.2 * flex
    return (tensile, tg, flex, combined)


def reference(x, edge_index, edge_attr, batch, params):
    return _forward(x, edge_attr, params, edge_index, batch)

if __name__ == "__main__":
    import jax
    _d = setup_inputs()
    print(jax.jit(kernel)(*tuple(_d.values())))

</pallas_src>

<mosaic_0001>
#map = affine_map<(d0, d1) -> (0, 0)>
#map1 = affine_map<(d0, d1) -> (0)>
module attributes {stable_mosaic.version = 14 : i64} {
  func.func @gather(%arg0: i32, %arg1: i32, %arg2: memref<10000x128xf32, #tpu.memory_space<hbm>>, %arg3: memref<160000xi32, #tpu.memory_space<hbm>>, %arg4: memref<160000xi32, #tpu.memory_space<hbm>>, %arg5: memref<160000x128xf32, #tpu.memory_space<hbm>>, %arg6: memref<160000x128xf32, #tpu.memory_space<hbm>>, %arg7: memref<128xi32, #tpu.memory_space<vmem>>, %arg8: memref<128xi32, #tpu.memory_space<vmem>>, %arg9: memref<128xi32, #tpu.memory_space<vmem>>, %arg10: memref<128xi32, #tpu.memory_space<vmem>>, %arg11: memref<128x128xf32, #tpu.memory_space<vmem>>, %arg12: memref<128x128xf32, #tpu.memory_space<vmem>>, %arg13: memref<128x128xf32, #tpu.memory_space<vmem>>, %arg14: memref<128x128xf32, #tpu.memory_space<vmem>>, %arg15: memref<!tpu.dma_semaphore, #tpu.memory_space<semaphore_mem>>, %arg16: memref<!tpu.dma_semaphore, #tpu.memory_space<semaphore_mem>>, %arg17: memref<!tpu.dma_semaphore, #tpu.memory_space<semaphore_mem>>, %arg18: memref<!tpu.dma_semaphore, #tpu.memory_space<semaphore_mem>>, %arg19: memref<!tpu.dma_semaphore, #tpu.memory_space<semaphore_mem>>, %arg20: memref<!tpu.dma_semaphore, #tpu.memory_space<semaphore_mem>>) attributes {dimension_semantics = [#tpu.dimension_semantics<core_parallel>, #tpu.dimension_semantics<subcore_parallel>], iteration_bounds = array<i64: 2, 16>, scalar_prefetch = 0 : i64, scratch_operands = 14 : i64, tpu.core_type = #tpu.core_type<sc_vector_subcore>, window_params = [{transform_indices = #map}, {transform_indices = #map1}, {transform_indices = #map1}, {transform_indices = #map}, {transform_indices = #map}]} {
    %mul3A = arith.constant 2 : i32
    %mul3A_0 = arith.muli %arg1, %mul3A : i32
    %add3A = arith.addi %mul3A_0, %arg0 : i32
    %add3A_1 = arith.constant 0 : i32
    %add3A_2 = arith.addi %add3A, %add3A_1 : i32
    %min3A = arith.constant 1249 : i32
    %min3A_3 = arith.minsi %add3A_2, %min3A : i32
    %mul3A_4 = arith.constant 128 : i32
    %mul3A_5 = arith.muli %min3A_3, %mul3A_4 : i32
    %dma_start3A = tpu.memref_slice %arg3[%mul3A_5] : memref<160000xi32, #tpu.memory_space<hbm>> -> memref<128xi32, #tpu.memory_space<hbm>>
    %dma_start3A_6 = tpu.memref_slice %arg3[%mul3A_5] : memref<160000xi32, #tpu.memory_space<hbm>> -> memref<128xi32, #tpu.memory_space<hbm>>
    tpu.enqueue_dma source(%dma_start3A_6 : memref<128xi32, #tpu.memory_space<hbm>>) target(%arg7 : memref<128xi32, #tpu.memory_space<vmem>>) target_semaphore(%arg15 : memref<!tpu.dma_semaphore, #tpu.memory_space<semaphore_mem>>)
    %dma_start3A_7 = tpu.memref_slice %arg4[%mul3A_5] : memref<160000xi32, #tpu.memory_space<hbm>> -> memref<128xi32, #tpu.memory_space<hbm>>
    %dma_start3A_8 = tpu.memref_slice %arg4[%mul3A_5] : memref<160000xi32, #tpu.memory_space<hbm>> -> memref<128xi32, #tpu.memory_space<hbm>>
    tpu.enqueue_dma source(%dma_start3A_8 : memref<128xi32, #tpu.memory_space<hbm>>) target(%arg8 : memref<128xi32, #tpu.memory_space<vmem>>) target_semaphore(%arg15 : memref<!tpu.dma_semaphore, #tpu.memory_space<semaphore_mem>>)
    %scan3A = arith.constant 0 : i32
    %scan3A_9 = arith.constant 0 : i32
    %scan3A_10 = arith.constant 20 : i32
    %scan3A_11 = arith.addi %scan3A_9, %scan3A_10 : i32
    %scan3A_12 = arith.constant 1 : i32
    scf.for %scan3A_51 = %scan3A_9 to %scan3A_11 step %scan3A_12  : i32 {
      %mul3A_52 = arith.constant 2 : i32
      %mul3A_53 = arith.muli %mul3A_52, %scan3A_51 : i32
      %add3A_54 = arith.constant 0 : i32
      %add3A_55 = arith.addi %mul3A_53, %add3A_54 : i32
      %mul3A_56 = arith.constant 32 : i32
      %mul3A_57 = arith.muli %add3A_55, %mul3A_56 : i32
      %add3A_58 = arith.addi %add3A, %mul3A_57 : i32
      %min3A_59 = arith.constant 1249 : i32
      %min3A_60 = arith.minsi %add3A_58, %min3A_59 : i32
      %mul3A_61 = arith.constant 128 : i32
      %mul3A_62 = arith.muli %min3A_60, %mul3A_61 : i32
      %add3A_63 = arith.constant 1 : i32
      %add3A_64 = arith.addi %add3A_55, %add3A_63 : i32
      %mul3A_65 = arith.constant 32 : i32
      %mul3A_66 = arith.muli %add3A_64, %mul3A_65 : i32
      %add3A_67 = arith.addi %add3A, %mul3A_66 : i32
      %min3A_68 = arith.constant 1249 : i32
      %min3A_69 = arith.minsi %add3A_67, %min3A_68 : i32
      %mul3A_70 = arith.constant 128 : i32
      %mul3A_71 = arith.muli %min3A_69, %mul3A_70 : i32
      %dma_start3A_72 = tpu.memref_slice %arg3[%mul3A_71] : memref<160000xi32, #tpu.memory_space<hbm>> -> memref<128xi32, #tpu.memory_space<hbm>>
      %dma_start3A_73 = tpu.memref_slice %arg3[%mul3A_71] : memref<160000xi32, #tpu.memory_space<hbm>> -> memref<128xi32, #tpu.memory_space<hbm>>
      tpu.enqueue_dma source(%dma_start3A_73 : memref<128xi32, #tpu.memory_space<hbm>>) target(%arg9 : memref<128xi32, #tpu.memory_space<vmem>>) target_semaphore(%arg16 : memref<!tpu.dma_semaphore, #tpu.memory_space<semaphore_mem>>)
      %dma_start3A_74 = tpu.memref_slice %arg4[%mul3A_71] : memref<160000xi32, #tpu.memory_space<hbm>> -> memref<128xi32, #tpu.memory_space<hbm>>
      %dma_start3A_75 = tpu.memref_slice %arg4[%mul3A_71] : memref<160000xi32, #tpu.memory_space<hbm>> -> memref<128xi32, #tpu.memory_space<hbm>>
      tpu.enqueue_dma source(%dma_start3A_75 : memref<128xi32, #tpu.memory_space<hbm>>) target(%arg10 : memref<128xi32, #tpu.memory_space<vmem>>) target_semaphore(%arg16 : memref<!tpu.dma_semaphore, #tpu.memory_space<semaphore_mem>>)
      %dma_wait3A_76 = tpu.memref_slice %arg3[%mul3A_62] : memref<160000xi32, #tpu.memory_space<hbm>> -> memref<128xi32, #tpu.memory_space<hbm>>
      %dma_wait3A_77 = tpu.memref_slice %arg3[%mul3A_62] : memref<160000xi32, #tpu.memory_space<hbm>> -> memref<128xi32, #tpu.memory_space<hbm>>
      tpu.wait_dma2 semaphore(%arg15 : memref<!tpu.dma_semaphore, #tpu.memory_space<semaphore_mem>>) src(%dma_wait3A_77 : memref<128xi32, #tpu.memory_space<hbm>>) dst(%arg7 : memref<128xi32, #tpu.memory_space<vmem>>)
      %dma_wait3A_78 = tpu.memref_slice %arg4[%mul3A_62] : memref<160000xi32, #tpu.memory_space<hbm>> -> memref<128xi32, #tpu.memory_space<hbm>>
      %dma_wait3A_79 = tpu.memref_slice %arg4[%mul3A_62] : memref<160000xi32, #tpu.memory_space<hbm>> -> memref<128xi32, #tpu.memory_space<hbm>>
      tpu.wait_dma2 semaphore(%arg15 : memref<!tpu.dma_semaphore, #tpu.memory_space<semaphore_mem>>) src(%dma_wait3A_79 : memref<128xi32, #tpu.memory_space<hbm>>) dst(%arg8 : memref<128xi32, #tpu.memory_space<vmem>>)
      %ge3A = arith.constant 1 : i32
      %ge3A_80 = arith.cmpi sge, %scan3A_51, %ge3A : i32
      %convert_element_type3A = arith.extui %ge3A_80 : i1 to i32
      %cond3A = arith.constant 0 : i32
      %cond3A_81 = arith.cmpi ne, %convert_element_type3A, %cond3A : i32
      scf.if %cond3A_81 {
        %sub3A = arith.constant 2 : i32
        %sub3A_155 = arith.subi %add3A_55, %sub3A : i32
        %mul3A_156 = arith.constant 32 : i32
        %mul3A_157 = arith.muli %sub3A_155, %mul3A_156 : i32
        %add3A_158 = arith.addi %add3A, %mul3A_157 : i32
        %min3A_159 = arith.constant 1249 : i32
        %min3A_160 = arith.minsi %add3A_158, %min3A_159 : i32
        %mul3A_161 = arith.constant 128 : i32
        %mul3A_162 = arith.muli %min3A_160, %mul3A_161 : i32
        %dma_wait3A_163 = arith.constant 0 : i32
        %dma_wait3A_164 = tpu.memref_slice %arg5[%mul3A_162, %dma_wait3A_163] : memref<160000x128xf32, #tpu.memory_space<hbm>> -> memref<128x128xf32, #tpu.memory_space<hbm>>
        %dma_wait3A_165 = arith.constant 0 : i32
        %dma_wait3A_166 = tpu.memref_slice %arg5[%mul3A_162, %dma_wait3A_165] : memref<160000x128xf32, #tpu.memory_space<hbm>> -> memref<128x128xf32, #tpu.memory_space<hbm>>
        tpu.wait_dma2 semaphore(%arg19 : memref<!tpu.dma_semaphore, #tpu.memory_space<semaphore_mem>>) src(%arg11 : memref<128x128xf32, #tpu.memory_space<vmem>>) dst(%dma_wait3A_166 : memref<128x128xf32, #tpu.memory_space<hbm>>)
        %dma_wait3A_167 = arith.constant 0 : i32
        %dma_wait3A_168 = tpu.memref_slice %arg6[%mul3A_162, %dma_wait3A_167] : memref<160000x128xf32, #tpu.memory_space<hbm>> -> memref<128x128xf32, #tpu.memory_space<hbm>>
        %dma_wait3A_169 = arith.constant 0 : i32
        %dma_wait3A_170 = tpu.memref_slice %arg6[%mul3A_162, %dma_wait3A_169] : memref<160000x128xf32, #tpu.memory_space<hbm>> -> memref<128x128xf32, #tpu.memory_space<hbm>>
        tpu.wait_dma2 semaphore(%arg19 : memref<!tpu.dma_semaphore, #tpu.memory_space<semaphore_mem>>) src(%arg12 : memref<128x128xf32, #tpu.memory_space<vmem>>) dst(%dma_wait3A_170 : memref<128x128xf32, #tpu.memory_space<hbm>>)
      } else {
      }
      %dma_start3A_82 = arith.constant 0 : i32
      %dma_start3A_83 = arith.constant 0 : i32
      %dma_start3A_84 = tpu.memref_slice %arg2[%dma_start3A_82, %dma_start3A_83] : memref<10000x128xf32, #tpu.memory_space<hbm>> -> memref<10000x128xf32, #tpu.memory_space<hbm>>
      tpu.enqueue_indirect_dma source(%dma_start3A_84 : memref<10000x128xf32, #tpu.memory_space<hbm>>) target(%arg11 : memref<128x128xf32, #tpu.memory_space<vmem>>) offsets(%arg7 : memref<128xi32, #tpu.memory_space<vmem>>) semaphore(%arg17 : memref<!tpu.dma_semaphore, #tpu.memory_space<semaphore_mem>>)
      %dma_start3A_85 = arith.constant 0 : i32
      %dma_start3A_86 = arith.constant 0 : i32
      %dma_start3A_87 = tpu.memref_slice %arg2[%dma_start3A_85, %dma_start3A_86] : memref<10000x128xf32, #tpu.memory_space<hbm>> -> memref<10000x128xf32, #tpu.memory_space<hbm>>
      tpu.enqueue_indirect_dma source(%dma_start3A_87 : memref<10000x128xf32, #tpu.memory_space<hbm>>) target(%arg12 : memref<128x128xf32, #tpu.memory_space<vmem>>) offsets(%arg8 : memref<128xi32, #tpu.memory_space<vmem>>) semaphore(%arg17 : memref<!tpu.dma_semaphore, #tpu.memory_space<semaphore_mem>>)
      %dma_wait3A_88 = arith.constant 0 : i32
      %dma_wait3A_89 = arith.constant 0 : i32
      %dma_wait3A_90 = tpu.memref_slice %arg2[%dma_wait3A_88, %dma_wait3A_89] : memref<10000x128xf32, #tpu.memory_space<hbm>> -> memref<10000x128xf32, #tpu.memory_space<hbm>>
      tpu.wait_indirect_dma semaphore(%arg17 : memref<!tpu.dma_semaphore, #tpu.memory_space<semaphore_mem>>) src(%dma_wait3A_90 : memref<10000x128xf32, #tpu.memory_space<hbm>>) dst(%arg11 : memref<128x128xf32, #tpu.memory_space<vmem>>)
      %dma_wait3A_91 = arith.constant 0 : i32
      %dma_wait3A_92 = arith.constant 0 : i32
      %dma_wait3A_93 = tpu.memref_slice %arg2[%dma_wait3A_91, %dma_wait3A_92] : memref<10000x128xf32, #tpu.memory_space<hbm>> -> memref<10000x128xf32, #tpu.memory_space<hbm>>
      tpu.wait_indirect_dma semaphore(%arg17 : memref<!tpu.dma_semaphore, #tpu.memory_space<semaphore_mem>>) src(%dma_wait3A_93 : memref<10000x128xf32, #tpu.memory_space<hbm>>) dst(%arg12 : memref<128x128xf32, #tpu.memory_space<vmem>>)
      %dma_start3A_94 = arith.constant 0 : i32
      %dma_start3A_95 = tpu.memref_slice %arg5[%mul3A_62, %dma_start3A_94] : memref<160000x128xf32, #tpu.memory_space<hbm>> -> memref<128x128xf32, #tpu.memory_space<hbm>>
      %dma_start3A_96 = arith.constant 0 : i32
      %dma_start3A_97 = tpu.memref_slice %arg5[%mul3A_62, %dma_start3A_96] : memref<160000x128xf32, #tpu.memory_space<hbm>> -> memref<128x128xf32, #tpu.memory_space<hbm>>
      tpu.enqueue_dma source(%arg11 : memref<128x128xf32, #tpu.memory_space<vmem>>) target(%dma_start3A_97 : memref<128x128xf32, #tpu.memory_space<hbm>>) target_semaphore(%arg19 : memref<!tpu.dma_semaphore, #tpu.memory_space<semaphore_mem>>)
      %dma_start3A_98 = arith.constant 0 : i32
      %dma_start3A_99 = tpu.memref_slice %arg6[%mul3A_62, %dma_start3A_98] : memref<160000x128xf32, #tpu.memory_space<hbm>> -> memref<128x128xf32, #tpu.memory_space<hbm>>
      %dma_start3A_100 = arith.constant 0 : i32
      %dma_start3A_101 = tpu.memref_slice %arg6[%mul3A_62, %dma_start3A_100] : memref<160000x128xf32, #tpu.memory_space<hbm>> -> memref<128x128xf32, #tpu.memory_space<hbm>>
      tpu.enqueue_dma source(%arg12 : memref<128x128xf32, #tpu.memory_space<vmem>>) target(%dma_start3A_101 : memref<128x128xf32, #tpu.memory_space<hbm>>) target_semaphore(%arg19 : memref<!tpu.dma_semaphore, #tpu.memory_space<semaphore_mem>>)
      %mul3A_102 = arith.constant 2 : i32
      %mul3A_103 = arith.muli %mul3A_102, %scan3A_51 : i32
      %add3A_104 = arith.constant 1 : i32
      %add3A_105 = arith.addi %mul3A_103, %add3A_104 : i32
      %mul3A_106 = arith.constant 32 : i32
      %mul3A_107 = arith.muli %add3A_105, %mul3A_106 : i32
      %add3A_108 = arith.addi %add3A, %mul3A_107 : i32
      %min3A_109 = arith.constant 1249 : i32
      %min3A_110 = arith.minsi %add3A_108, %min3A_109 : i32
      %mul3A_111 = arith.constant 128 : i32
      %mul3A_112 = arith.muli %min3A_110, %mul3A_111 : i32
      %add3A_113 = arith.constant 1 : i32
      %add3A_114 = arith.addi %add3A_105, %add3A_113 : i32
      %mul3A_115 = arith.constant 32 : i32
      %mul3A_116 = arith.muli %add3A_114, %mul3A_115 : i32
      %add3A_117 = arith.addi %add3A, %mul3A_116 : i32
      %min3A_118 = arith.constant 1249 : i32
      %min3A_119 = arith.minsi %add3A_117, %min3A_118 : i32
      %mul3A_120 = arith.constant 128 : i32
      %mul3A_121 = arith.muli %min3A_119, %mul3A_120 : i32
      %dma_start3A_122 = tpu.memref_slice %arg3[%mul3A_121] : memref<160000xi32, #tpu.memory_space<hbm>> -> memref<128xi32, #tpu.memory_space<hbm>>
      %dma_start3A_123 = tpu.memref_slice %arg3[%mul3A_121] : memref<160000xi32, #tpu.memory_space<hbm>> -> memref<128xi32, #tpu.memory_space<hbm>>
      tpu.enqueue_dma source(%dma_start3A_123 : memref<128xi32, #tpu.memory_space<hbm>>) target(%arg7 : memref<128xi32, #tpu.memory_space<vmem>>) target_semaphore(%arg15 : memref<!tpu.dma_semaphore, #tpu.memory_space<semaphore_mem>>)
      %dma_start3A_124 = tpu.memref_slice %arg4[%mul3A_121] : memref<160000xi32, #tpu.memory_space<hbm>> -> memref<128xi32, #tpu.memory_space<hbm>>
      %dma_start3A_125 = tpu.memref_slice %arg4[%mul3A_121] : memref<160000xi32, #tpu.memory_space<hbm>> -> memref<128xi32, #tpu.memory_space<hbm>>
      tpu.enqueue_dma source(%dma_start3A_125 : memref<128xi32, #tpu.memory_space<hbm>>) target(%arg8 : memref<128xi32, #tpu.memory_space<vmem>>) target_semaphore(%arg15 : memref<!tpu.dma_semaphore, #tpu.memory_space<semaphore_mem>>)
      %dma_wait3A_126 = tpu.memref_slice %arg3[%mul3A_112] : memref<160000xi32, #tpu.memory_space<hbm>> -> memref<128xi32, #tpu.memory_space<hbm>>
      %dma_wait3A_127 = tpu.memref_slice %arg3[%mul3A_112] : memref<160000xi32, #tpu.memory_space<hbm>> -> memref<128xi32, #tpu.memory_space<hbm>>
      tpu.wait_dma2 semaphore(%arg16 : memref<!tpu.dma_semaphore, #tpu.memory_space<semaphore_mem>>) src(%dma_wait3A_127 : memref<128xi32, #tpu.memory_space<hbm>>) dst(%arg9 : memref<128xi32, #tpu.memory_space<vmem>>)
      %dma_wait3A_128 = tpu.memref_slice %arg4[%mul3A_112] : memref<160000xi32, #tpu.memory_space<hbm>> -> memref<128xi32, #tpu.memory_space<hbm>>
      %dma_wait3A_129 = tpu.memref_slice %arg4[%mul3A_112] : memref<160000xi32, #tpu.memory_space<hbm>> -> memref<128xi32, #tpu.memory_space<hbm>>
      tpu.wait_dma2 semaphore(%arg16 : memref<!tpu.dma_semaphore, #tpu.memory_space<semaphore_mem>>) src(%dma_wait3A_129 : memref<128xi32, #tpu.memory_space<hbm>>) dst(%arg10 : memref<128xi32, #tpu.memory_space<vmem>>)
      %ge3A_130 = arith.constant 1 : i32
      %ge3A_131 = arith.cmpi sge, %scan3A_51, %ge3A_130 : i32
      %convert_element_type3A_132 = arith.extui %ge3A_131 : i1 to i32
      %cond3A_133 = arith.constant 0 : i32
      %cond3A_134 = arith.cmpi ne, %convert_element_type3A_132, %cond3A_133 : i32
      scf.if %cond3A_134 {
        %sub3A = arith.constant 2 : i32
        %sub3A_155 = arith.subi %add3A_105, %sub3A : i32
        %mul3A_156 = arith.constant 32 : i32
        %mul3A_157 = arith.muli %sub3A_155, %mul3A_156 : i32
        %add3A_158 = arith.addi %add3A, %mul3A_157 : i32
        %min3A_159 = arith.constant 1249 : i32
        %min3A_160 = arith.minsi %add3A_158, %min3A_159 : i32
        %mul3A_161 = arith.constant 128 : i32
        %mul3A_162 = arith.muli %min3A_160, %mul3A_161 : i32
        %dma_wait3A_163 = arith.constant 0 : i32
        %dma_wait3A_164 = tpu.memref_slice %arg5[%mul3A_162, %dma_wait3A_163] : memref<160000x128xf32, #tpu.memory_space<hbm>> -> memref<128x128xf32, #tpu.memory_space<hbm>>
        %dma_wait3A_165 = arith.constant 0 : i32
        %dma_wait3A_166 = tpu.memref_slice %arg5[%mul3A_162, %dma_wait3A_165] : memref<160000x128xf32, #tpu.memory_space<hbm>> -> memref<128x128xf32, #tpu.memory_space<hbm>>
        tpu.wait_dma2 semaphore(%arg20 : memref<!tpu.dma_semaphore, #tpu.memory_space<semaphore_mem>>) src(%arg13 : memref<128x128xf32, #tpu.memory_space<vmem>>) dst(%dma_wait3A_166 : memref<128x128xf32, #tpu.memory_space<hbm>>)
        %dma_wait3A_167 = arith.constant 0 : i32
        %dma_wait3A_168 = tpu.memref_slice %arg6[%mul3A_162, %dma_wait3A_167] : memref<160000x128xf32, #tpu.memory_space<hbm>> -> memref<128x128xf32, #tpu.memory_space<hbm>>
        %dma_wait3A_169 = arith.constant 0 : i32
        %dma_wait3A_170 = tpu.memref_slice %arg6[%mul3A_162, %dma_wait3A_169] : memref<160000x128xf32, #tpu.memory_space<hbm>> -> memref<128x128xf32, #tpu.memory_space<hbm>>
        tpu.wait_dma2 semaphore(%arg20 : memref<!tpu.dma_semaphore, #tpu.memory_space<semaphore_mem>>) src(%arg14 : memref<128x128xf32, #tpu.memory_space<vmem>>) dst(%dma_wait3A_170 : memref<128x128xf32, #tpu.memory_space<hbm>>)
      } else {
      }
      %dma_start3A_135 = arith.constant 0 : i32
      %dma_start3A_136 = arith.constant 0 : i32
      %dma_start3A_137 = tpu.memref_slice %arg2[%dma_start3A_135, %dma_start3A_136] : memref<10000x128xf32, #tpu.memory_space<hbm>> -> memref<10000x128xf32, #tpu.memory_space<hbm>>
      tpu.enqueue_indirect_dma source(%dma_start3A_137 : memref<10000x128xf32, #tpu.memory_space<hbm>>) target(%arg13 : memref<128x128xf32, #tpu.memory_space<vmem>>) offsets(%arg9 : memref<128xi32, #tpu.memory_space<vmem>>) semaphore(%arg18 : memref<!tpu.dma_semaphore, #tpu.memory_space<semaphore_mem>>)
      %dma_start3A_138 = arith.constant 0 : i32
      %dma_start3A_139 = arith.constant 0 : i32
      %dma_start3A_140 = tpu.memref_slice %arg2[%dma_start3A_138, %dma_start3A_139] : memref<10000x128xf32, #tpu.memory_space<hbm>> -> memref<10000x128xf32, #tpu.memory_space<hbm>>
      tpu.enqueue_indirect_dma source(%dma_start3A_140 : memref<10000x128xf32, #tpu.memory_space<hbm>>) target(%arg14 : memref<128x128xf32, #tpu.memory_space<vmem>>) offsets(%arg10 : memref<128xi32, #tpu.memory_space<vmem>>) semaphore(%arg18 : memref<!tpu.dma_semaphore, #tpu.memory_space<semaphore_mem>>)
      %dma_wait3A_141 = arith.constant 0 : i32
      %dma_wait3A_142 = arith.constant 0 : i32
      %dma_wait3A_143 = tpu.memref_slice %arg2[%dma_wait3A_141, %dma_wait3A_142] : memref<10000x128xf32, #tpu.memory_space<hbm>> -> memref<10000x128xf32, #tpu.memory_space<hbm>>
      tpu.wait_indirect_dma semaphore(%arg18 : memref<!tpu.dma_semaphore, #tpu.memory_space<semaphore_mem>>) src(%dma_wait3A_143 : memref<10000x128xf32, #tpu.memory_space<hbm>>) dst(%arg13 : memref<128x128xf32, #tpu.memory_space<vmem>>)
      %dma_wait3A_144 = arith.constant 0 : i32
      %dma_wait3A_145 = arith.constant 0 : i32
      %dma_wait3A_146 = tpu.memref_slice %arg2[%dma_wait3A_144, %dma_wait3A_145] : memref<10000x128xf32, #tpu.memory_space<hbm>> -> memref<10000x128xf32, #tpu.memory_space<hbm>>
      tpu.wait_indirect_dma semaphore(%arg18 : memref<!tpu.dma_semaphore, #tpu.memory_space<semaphore_mem>>) src(%dma_wait3A_146 : memref<10000x128xf32, #tpu.memory_space<hbm>>) dst(%arg14 : memref<128x128xf32, #tpu.memory_space<vmem>>)
      %dma_start3A_147 = arith.constant 0 : i32
      %dma_start3A_148 = tpu.memref_slice %arg5[%mul3A_112, %dma_start3A_147] : memref<160000x128xf32, #tpu.memory_space<hbm>> -> memref<128x128xf32, #tpu.memory_space<hbm>>
      %dma_start3A_149 = arith.constant 0 : i32
      %dma_start3A_150 = tpu.memref_slice %arg5[%mul3A_112, %dma_start3A_149] : memref<160000x128xf32, #tpu.memory_space<hbm>> -> memref<128x128xf32, #tpu.memory_space<hbm>>
      tpu.enqueue_dma source(%arg13 : memref<128x128xf32, #tpu.memory_space<vmem>>) target(%dma_start3A_150 : memref<128x128xf32, #tpu.memory_space<hbm>>) target_semaphore(%arg20 : memref<!tpu.dma_semaphore, #tpu.memory_space<semaphore_mem>>)
      %dma_start3A_151 = arith.constant 0 : i32
      %dma_start3A_152 = tpu.memref_slice %arg6[%mul3A_112, %dma_start3A_151] : memref<160000x128xf32, #tpu.memory_space<hbm>> -> memref<128x128xf32, #tpu.memory_space<hbm>>
      %dma_start3A_153 = arith.constant 0 : i32
      %dma_start3A_154 = tpu.memref_slice %arg6[%mul3A_112, %dma_start3A_153] : memref<160000x128xf32, #tpu.memory_space<hbm>> -> memref<128x128xf32, #tpu.memory_space<hbm>>
      tpu.enqueue_dma source(%arg14 : memref<128x128xf32, #tpu.memory_space<vmem>>) target(%dma_start3A_154 : memref<128x128xf32, #tpu.memory_space<hbm>>) target_semaphore(%arg20 : memref<!tpu.dma_semaphore, #tpu.memory_space<semaphore_mem>>)
    }
    %scan3A_13 = arith.constant 20 : i32
    %add3A_14 = arith.constant 1280 : i32
    %add3A_15 = arith.addi %add3A, %add3A_14 : i32
    %min3A_16 = arith.constant 1249 : i32
    %min3A_17 = arith.minsi %add3A_15, %min3A_16 : i32
    %mul3A_18 = arith.constant 128 : i32
    %mul3A_19 = arith.muli %min3A_17, %mul3A_18 : i32
    %dma_wait3A = tpu.memref_slice %arg3[%mul3A_19] : memref<160000xi32, #tpu.memory_space<hbm>> -> memref<128xi32, #tpu.memory_space<hbm>>
    %dma_wait3A_20 = tpu.memref_slice %arg3[%mul3A_19] : memref<160000xi32, #tpu.memory_space<hbm>> -> memref<128xi32, #tpu.memory_space<hbm>>
    tpu.wait_dma2 semaphore(%arg15 : memref<!tpu.dma_semaphore, #tpu.memory_space<semaphore_mem>>) src(%dma_wait3A_20 : memref<128xi32, #tpu.memory_space<hbm>>) dst(%arg7 : memref<128xi32, #tpu.memory_space<vmem>>)
    %dma_wait3A_21 = tpu.memref_slice %arg4[%mul3A_19] : memref<160000xi32, #tpu.memory_space<hbm>> -> memref<128xi32, #tpu.memory_space<hbm>>
    %dma_wait3A_22 = tpu.memref_slice %arg4[%mul3A_19] : memref<160000xi32, #tpu.memory_space<hbm>> -> memref<128xi32, #tpu.memory_space<hbm>>
    tpu.wait_dma2 semaphore(%arg15 : memref<!tpu.dma_semaphore, #tpu.memory_space<semaphore_mem>>) src(%dma_wait3A_22 : memref<128xi32, #tpu.memory_space<hbm>>) dst(%arg8 : memref<128xi32, #tpu.memory_space<vmem>>)
    %add3A_23 = arith.constant 1216 : i32
    %add3A_24 = arith.addi %add3A, %add3A_23 : i32
    %min3A_25 = arith.constant 1249 : i32
    %min3A_26 = arith.minsi %add3A_24, %min3A_25 : i32
    %mul3A_27 = arith.constant 128 : i32
    %mul3A_28 = arith.muli %min3A_26, %mul3A_27 : i32
    %dma_wait3A_29 = arith.constant 0 : i32
    %dma_wait3A_30 = tpu.memref_slice %arg5[%mul3A_28, %dma_wait3A_29] : memref<160000x128xf32, #tpu.memory_space<hbm>> -> memref<128x128xf32, #tpu.memory_space<hbm>>
    %dma_wait3A_31 = arith.constant 0 : i32
    %dma_wait3A_32 = tpu.memref_slice %arg5[%mul3A_28, %dma_wait3A_31] : memref<160000x128xf32, #tpu.memory_space<hbm>> -> memref<128x128xf32, #tpu.memory_space<hbm>>
    tpu.wait_dma2 semaphore(%arg19 : memref<!tpu.dma_semaphore, #tpu.memory_space<semaphore_mem>>) src(%arg11 : memref<128x128xf32, #tpu.memory_space<vmem>>) dst(%dma_wait3A_32 : memref<128x128xf32, #tpu.memory_space<hbm>>)
    %dma_wait3A_33 = arith.constant 0 : i32
    %dma_wait3A_34 = tpu.memref_slice %arg6[%mul3A_28, %dma_wait3A_33] : memref<160000x128xf32, #tpu.memory_space<hbm>> -> memref<128x128xf32, #tpu.memory_space<hbm>>
    %dma_wait3A_35 = arith.constant 0 : i32
    %dma_wait3A_36 = tpu.memref_slice %arg6[%mul3A_28, %dma_wait3A_35] : memref<160000x128xf32, #tpu.memory_space<hbm>> -> memref<128x128xf32, #tpu.memory_space<hbm>>
    tpu.wait_dma2 semaphore(%arg19 : memref<!tpu.dma_semaphore, #tpu.memory_space<semaphore_mem>>) src(%arg12 : memref<128x128xf32, #tpu.memory_space<vmem>>) dst(%dma_wait3A_36 : memref<128x128xf32, #tpu.memory_space<hbm>>)
    %add3A_37 = arith.constant 1248 : i32
    %add3A_38 = arith.addi %add3A, %add3A_37 : i32
    %min3A_39 = arith.constant 1249 : i32
    %min3A_40 = arith.minsi %add3A_38, %min3A_39 : i32
    %mul3A_41 = arith.constant 128 : i32
    %mul3A_42 = arith.muli %min3A_40, %mul3A_41 : i32
    %dma_wait3A_43 = arith.constant 0 : i32
    %dma_wait3A_44 = tpu.memref_slice %arg5[%mul3A_42, %dma_wait3A_43] : memref<160000x128xf32, #tpu.memory_space<hbm>> -> memref<128x128xf32, #tpu.memory_space<hbm>>
    %dma_wait3A_45 = arith.constant 0 : i32
    %dma_wait3A_46 = tpu.memref_slice %arg5[%mul3A_42, %dma_wait3A_45] : memref<160000x128xf32, #tpu.memory_space<hbm>> -> memref<128x128xf32, #tpu.memory_space<hbm>>
    tpu.wait_dma2 semaphore(%arg20 : memref<!tpu.dma_semaphore, #tpu.memory_space<semaphore_mem>>) src(%arg13 : memref<128x128xf32, #tpu.memory_space<vmem>>) dst(%dma_wait3A_46 : memref<128x128xf32, #tpu.memory_space<hbm>>)
    %dma_wait3A_47 = arith.constant 0 : i32
    %dma_wait3A_48 = tpu.memref_slice %arg6[%mul3A_42, %dma_wait3A_47] : memref<160000x128xf32, #tpu.memory_space<hbm>> -> memref<128x128xf32, #tpu.memory_space<hbm>>
    %dma_wait3A_49 = arith.constant 0 : i32
    %dma_wait3A_50 = tpu.memref_slice %arg6[%mul3A_42, %dma_wait3A_49] : memref<160000x128xf32, #tpu.memory_space<hbm>> -> memref<128x128xf32, #tpu.memory_space<hbm>>
    tpu.wait_dma2 semaphore(%arg20 : memref<!tpu.dma_semaphore, #tpu.memory_space<semaphore_mem>>) src(%arg14 : memref<128x128xf32, #tpu.memory_space<vmem>>) dst(%dma_wait3A_50 : memref<128x128xf32, #tpu.memory_space<hbm>>)
    return
  }
}

#map = affine_map<(d0, d1) -> (0, 0)>
#map1 = affine_map<(d0, d1) -> (0)>
#map2 = affine_map<(d0, d1) -> (0, 0, 0)>
module attributes {stable_mosaic.version = 14 : i64} {
  func.func @scatter(%arg0: i32, %arg1: i32, %arg2: memref<160000x128xf32, #tpu.memory_space<hbm>>, %arg3: memref<160000xi32, #tpu.memory_space<hbm>>, %arg4: memref<10008x128xf32, #tpu.memory_space<hbm>>, %arg5: memref<2x10000x128xf32, #tpu.memory_space<hbm>>, %arg6: memref<128xi32, #tpu.memory_space<vmem>>, %arg7: memref<128xi32, #tpu.memory_space<vmem>>, %arg8: memref<128x128xf32, #tpu.memory_space<vmem>>, %arg9: memref<128x128xf32, #tpu.memory_space<vmem>>, %arg10: memref<10008x128xf32, #tpu.memory_space<vmem_shared>>, %arg11: memref<!tpu.dma_semaphore, #tpu.memory_space<semaphore_mem>>, %arg12: memref<!tpu.dma_semaphore, #tpu.memory_space<semaphore_mem>>) attributes {dimension_semantics = [#tpu.dimension_semantics<core_parallel>, #tpu.dimension_semantics<subcore_parallel>], iteration_bounds = array<i64: 2, 16>, scalar_prefetch = 0 : i64, scratch_operands = 7 : i64, tpu.core_type = #tpu.core_type<sc_vector_subcore>, window_params = [{transform_indices = #map}, {transform_indices = #map1}, {transform_indices = #map}, {transform_indices = #map2}]} {
    %mul3A = arith.constant 2 : i32
    %mul3A_0 = arith.muli %arg1, %mul3A : i32
    %add3A = arith.addi %mul3A_0, %arg0 : i32
    %eq3A = arith.constant 0 : i32
    %eq3A_1 = arith.cmpi eq, %arg1, %eq3A : i32
    %convert_element_type3A = arith.extui %eq3A_1 : i1 to i32
    %cond3A = arith.constant 0 : i32
    %cond3A_2 = arith.cmpi ne, %convert_element_type3A, %cond3A : i32
    scf.if %cond3A_2 {
      "tpu.region"() ({
        %run_scoped3A = tpu.sem_alloc : memref<!tpu.dma_semaphore, #tpu.memory_space<semaphore_mem>>
        tpu.enqueue_dma source(%arg4 : memref<10008x128xf32, #tpu.memory_space<hbm>>) target(%arg10 : memref<10008x128xf32, #tpu.memory_space<vmem_shared>>) target_semaphore(%run_scoped3A : memref<!tpu.dma_semaphore, #tpu.memory_space<semaphore_mem>>)
        tpu.wait_dma2 semaphore(%run_scoped3A : memref<!tpu.dma_semaphore, #tpu.memory_space<semaphore_mem>>) src(%arg4 : memref<10008x128xf32, #tpu.memory_space<hbm>>) dst(%arg10 : memref<10008x128xf32, #tpu.memory_space<vmem_shared>>)
        tpu.yield
      }) : () -> ()
    } else {
    }
    %barrier3A = arith.constant 0 : index
    tpu.barrier barrier_id(%barrier3A)
    %add3A_3 = arith.constant 0 : i32
    %add3A_4 = arith.addi %add3A, %add3A_3 : i32
    %min3A = arith.constant 1249 : i32
    %min3A_5 = arith.minsi %add3A_4, %min3A : i32
    %mul3A_6 = arith.constant 128 : i32
    %mul3A_7 = arith.muli %min3A_5, %mul3A_6 : i32
    %dma_start3A = tpu.memref_slice %arg3[%mul3A_7] : memref<160000xi32, #tpu.memory_space<hbm>> -> memref<128xi32, #tpu.memory_space<hbm>>
    %dma_start3A_8 = tpu.memref_slice %arg3[%mul3A_7] : memref<160000xi32, #tpu.memory_space<hbm>> -> memref<128xi32, #tpu.memory_space<hbm>>
    tpu.enqueue_dma source(%dma_start3A_8 : memref<128xi32, #tpu.memory_space<hbm>>) target(%arg6 : memref<128xi32, #tpu.memory_space<vmem>>) target_semaphore(%arg11 : memref<!tpu.dma_semaphore, #tpu.memory_space<semaphore_mem>>)
    %dma_start3A_9 = arith.constant 0 : i32
    %dma_start3A_10 = tpu.memref_slice %arg2[%mul3A_7, %dma_start3A_9] : memref<160000x128xf32, #tpu.memory_space<hbm>> -> memref<128x128xf32, #tpu.memory_space<hbm>>
    %dma_start3A_11 = arith.constant 0 : i32
    %dma_start3A_12 = tpu.memref_slice %arg2[%mul3A_7, %dma_start3A_11] : memref<160000x128xf32, #tpu.memory_space<hbm>> -> memref<128x128xf32, #tpu.memory_space<hbm>>
    tpu.enqueue_dma source(%dma_start3A_12 : memref<128x128xf32, #tpu.memory_space<hbm>>) target(%arg8 : memref<128x128xf32, #tpu.memory_space<vmem>>) target_semaphore(%arg11 : memref<!tpu.dma_semaphore, #tpu.memory_space<semaphore_mem>>)
    %scan3A = arith.constant 0 : i32
    %scan3A_13 = arith.constant 0 : i32
    %scan3A_14 = arith.constant 20 : i32
    %scan3A_15 = arith.addi %scan3A_13, %scan3A_14 : i32
    %scan3A_16 = arith.constant 1 : i32
    scf.for %scan3A_35 = %scan3A_13 to %scan3A_15 step %scan3A_16  : i32 {
      %mul3A_36 = arith.constant 2 : i32
      %mul3A_37 = arith.muli %mul3A_36, %scan3A_35 : i32
      %add3A_38 = arith.constant 0 : i32
      %add3A_39 = arith.addi %mul3A_37, %add3A_38 : i32
      %mul3A_40 = arith.constant 32 : i32
      %mul3A_41 = arith.muli %add3A_39, %mul3A_40 : i32
      %add3A_42 = arith.addi %add3A, %mul3A_41 : i32
      %min3A_43 = arith.constant 1249 : i32
      %min3A_44 = arith.minsi %add3A_42, %min3A_43 : i32
      %mul3A_45 = arith.constant 128 : i32
      %mul3A_46 = arith.muli %min3A_44, %mul3A_45 : i32
      %add3A_47 = arith.constant 1 : i32
      %add3A_48 = arith.addi %add3A_39, %add3A_47 : i32
      %mul3A_49 = arith.constant 32 : i32
      %mul3A_50 = arith.muli %add3A_48, %mul3A_49 : i32
      %add3A_51 = arith.addi %add3A, %mul3A_50 : i32
      %min3A_52 = arith.constant 1249 : i32
      %min3A_53 = arith.minsi %add3A_51, %min3A_52 : i32
      %mul3A_54 = arith.constant 128 : i32
      %mul3A_55 = arith.muli %min3A_53, %mul3A_54 : i32
      %dma_wait3A_56 = tpu.memref_slice %arg3[%mul3A_46] : memref<160000xi32, #tpu.memory_space<hbm>> -> memref<128xi32, #tpu.memory_space<hbm>>
      %dma_wait3A_57 = tpu.memref_slice %arg3[%mul3A_46] : memref<160000xi32, #tpu.memory_space<hbm>> -> memref<128xi32, #tpu.memory_space<hbm>>
      tpu.wait_dma2 semaphore(%arg11 : memref<!tpu.dma_semaphore, #tpu.memory_space<semaphore_mem>>) src(%dma_wait3A_57 : memref<128xi32, #tpu.memory_space<hbm>>) dst(%arg6 : memref<128xi32, #tpu.memory_space<vmem>>)
      %dma_wait3A_58 = arith.constant 0 : i32
      %dma_wait3A_59 = tpu.memref_slice %arg2[%mul3A_46, %dma_wait3A_58] : memref<160000x128xf32, #tpu.memory_space<hbm>> -> memref<128x128xf32, #tpu.memory_space<hbm>>
      %dma_wait3A_60 = arith.constant 0 : i32
      %dma_wait3A_61 = tpu.memref_slice %arg2[%mul3A_46, %dma_wait3A_60] : memref<160000x128xf32, #tpu.memory_space<hbm>> -> memref<128x128xf32, #tpu.memory_space<hbm>>
      tpu.wait_dma2 semaphore(%arg11 : memref<!tpu.dma_semaphore, #tpu.memory_space<semaphore_mem>>) src(%dma_wait3A_61 : memref<128x128xf32, #tpu.memory_space<hbm>>) dst(%arg8 : memref<128x128xf32, #tpu.memory_space<vmem>>)
      %mul3A_62 = arith.constant 32 : i32
      %mul3A_63 = arith.muli %add3A_39, %mul3A_62 : i32
      %add3A_64 = arith.addi %add3A, %mul3A_63 : i32
      %ge3A = arith.constant 1250 : i32
      %ge3A_65 = arith.cmpi sge, %add3A_64, %ge3A : i32
      %convert_element_type3A_66 = arith.extui %ge3A_65 : i1 to i32
      %cond3A_67 = arith.constant 0 : i32
      %cond3A_68 = arith.cmpi ne, %convert_element_type3A_66, %cond3A_67 : i32
      scf.if %cond3A_68 {
        %broadcast_in_dim3A = arith.constant 10000 : i32
        %broadcast_in_dim3A_115 = vector.broadcast %broadcast_in_dim3A : i32 to vector<16xi32>
        %swap3A = arith.constant 0 : index
        %swap3A_116 = tpu.vector_load %arg6[%swap3A] {strides = array<i32>} : memref<128xi32, #tpu.memory_space<vmem>>, vector<16xi32>,
        %swap3A_117 = vector.shape_cast %swap3A_116 : vector<16xi32> to vector<16xi32>
        %swap3A_118 = vector.shape_cast %broadcast_in_dim3A_115 : vector<16xi32> to vector<16xi32>
        tpu.vector_store %arg6[%swap3A], %swap3A_118 {strides = array<i32>} : memref<128xi32, #tpu.memory_space<vmem>>, vector<16xi32>,
        %broadcast_in_dim3A_119 = arith.constant 10000 : i32
        %broadcast_in_dim3A_120 = vector.broadcast %broadcast_in_dim3A_119 : i32 to vector<16xi32>
        %swap3A_121 = arith.constant 16 : index
        %swap3A_122 = tpu.vector_load %arg6[%swap3A_121] {strides = array<i32>} : memref<128xi32, #tpu.memory_space<vmem>>, vector<16xi32>,
        %swap3A_123 = vector.shape_cast %swap3A_122 : vector<16xi32> to vector<16xi32>
        %swap3A_124 = vector.shape_cast %broadcast_in_dim3A_120 : vector<16xi32> to vector<16xi32>
        tpu.vector_store %arg6[%swap3A_121], %swap3A_124 {strides = array<i32>} : memref<128xi32, #tpu.memory_space<vmem>>, vector<16xi32>,
        %broadcast_in_dim3A_125 = arith.constant 10000 : i32
        %broadcast_in_dim3A_126 = vector.broadcast %broadcast_in_dim3A_125 : i32 to vector<16xi32>
        %swap3A_127 = arith.constant 32 : index
        %swap3A_128 = tpu.vector_load %arg6[%swap3A_127] {strides = array<i32>} : memref<128xi32, #tpu.memory_space<vmem>>, vector<16xi32>,
        %swap3A_129 = vector.shape_cast %swap3A_128 : vector<16xi32> to vector<16xi32>
        %swap3A_130 = vector.shape_cast %broadcast_in_dim3A_126 : vector<16xi32> to vector<16xi32>
        tpu.vector_store %arg6[%swap3A_127], %swap3A_130 {strides = array<i32>} : memref<128xi32, #tpu.memory_space<vmem>>, vector<16xi32>,
        %broadcast_in_dim3A_131 = arith.constant 10000 : i32
        %broadcast_in_dim3A_132 = vector.broadcast %broadcast_in_dim3A_131 : i32 to vector<16xi32>
        %swap3A_133 = arith.constant 48 : index
        %swap3A_134 = tpu.vector_load %arg6[%swap3A_133] {strides = array<i32>} : memref<128xi32, #tpu.memory_space<vmem>>, vector<16xi32>,
        %swap3A_135 = vector.shape_cast %swap3A_134 : vector<16xi32> to vector<16xi32>
        %swap3A_136 = vector.shape_cast %broadcast_in_dim3A_132 : vector<16xi32> to vector<16xi32>
        tpu.vector_store %arg6[%swap3A_133], %swap3A_136 {strides = array<i32>} : memref<128xi32, #tpu.memory_space<vmem>>, vector<16xi32>,
        %broadcast_in_dim3A_137 = arith.constant 10000 : i32
        %broadcast_in_dim3A_138 = vector.broadcast %broadcast_in_dim3A_137 : i32 to vector<16xi32>
        %swap3A_139 = arith.constant 64 : index
        %swap3A_140 = tpu.vector_load %arg6[%swap3A_139] {strides = array<i32>} : memref<128xi32, #tpu.memory_space<vmem>>, vector<16xi32>,
        %swap3A_141 = vector.shape_cast %swap3A_140 : vector<16xi32> to vector<16xi32>
        %swap3A_142 = vector.shape_cast %broadcast_in_dim3A_138 : vector<16xi32> to vector<16xi32>
        tpu.vector_store %arg6[%swap3A_139], %swap3A_142 {strides = array<i32>} : memref<128xi32, #tpu.memory_space<vmem>>, vector<16xi32>,
        %broadcast_in_dim3A_143 = arith.constant 10000 : i32
        %broadcast_in_dim3A_144 = vector.broadcast %broadcast_in_dim3A_143 : i32 to vector<16xi32>
        %swap3A_145 = arith.constant 80 : index
        %swap3A_146 = tpu.vector_load %arg6[%swap3A_145] {strides = array<i32>} : memref<128xi32, #tpu.memory_space<vmem>>, vector<16xi32>,
        %swap3A_147 = vector.shape_cast %swap3A_146 : vector<16xi32> to vector<16xi32>
        %swap3A_148 = vector.shape_cast %broadcast_in_dim3A_144 : vector<16xi32> to vector<16xi32>
        tpu.vector_store %arg6[%swap3A_145], %swap3A_148 {strides = array<i32>} : memref<128xi32, #tpu.memory_space<vmem>>, vector<16xi32>,
        %broadcast_in_dim3A_149 = arith.constant 10000 : i32
        %broadcast_in_dim3A_150 = vector.broadcast %broadcast_in_dim3A_149 : i32 to vector<16xi32>
        %swap3A_151 = arith.constant 96 : index
        %swap3A_152 = tpu.vector_load %arg6[%swap3A_151] {strides = array<i32>} : memref<128xi32, #tpu.memory_space<vmem>>, vector<16xi32>,
        %swap3A_153 = vector.shape_cast %swap3A_152 : vector<16xi32> to vector<16xi32>
        %swap3A_154 = vector.shape_cast %broadcast_in_dim3A_150 : vector<16xi32> to vector<16xi32>
        tpu.vector_store %arg6[%swap3A_151], %swap3A_154 {strides = array<i32>} : memref<128xi32, #tpu.memory_space<vmem>>, vector<16xi32>,
        %broadcast_in_dim3A_155 = arith.constant 10000 : i32
        %broadcast_in_dim3A_156 = vector.broadcast %broadcast_in_dim3A_155 : i32 to vector<16xi32>
        %swap3A_157 = arith.constant 112 : index
        %swap3A_158 = tpu.vector_load %arg6[%swap3A_157] {strides = array<i32>} : memref<128xi32, #tpu.memory_space<vmem>>, vector<16xi32>,
        %swap3A_159 = vector.shape_cast %swap3A_158 : vector<16xi32> to vector<16xi32>
        %swap3A_160 = vector.shape_cast %broadcast_in_dim3A_156 : vector<16xi32> to vector<16xi32>
        tpu.vector_store %arg6[%swap3A_157], %swap3A_160 {strides = array<i32>} : memref<128xi32, #tpu.memory_space<vmem>>, vector<16xi32>,
      } else {
      }
      %dma_start3A_69 = tpu.memref_slice %arg3[%mul3A_55] : memref<160000xi32, #tpu.memory_space<hbm>> -> memref<128xi32, #tpu.memory_space<hbm>>
      %dma_start3A_70 = tpu.memref_slice %arg3[%mul3A_55] : memref<160000xi32, #tpu.memory_space<hbm>> -> memref<128xi32, #tpu.memory_space<hbm>>
      tpu.enqueue_dma source(%dma_start3A_70 : memref<128xi32, #tpu.memory_space<hbm>>) target(%arg7 : memref<128xi32, #tpu.memory_space<vmem>>) target_semaphore(%arg12 : memref<!tpu.dma_semaphore, #tpu.memory_space<semaphore_mem>>)
      %dma_start3A_71 = arith.constant 0 : i32
      %dma_start3A_72 = tpu.memref_slice %arg2[%mul3A_55, %dma_start3A_71] : memref<160000x128xf32, #tpu.memory_space<hbm>> -> memref<128x128xf32, #tpu.memory_space<hbm>>
      %dma_start3A_73 = arith.constant 0 : i32
      %dma_start3A_74 = tpu.memref_slice %arg2[%mul3A_55, %dma_start3A_73] : memref<160000x128xf32, #tpu.memory_space<hbm>> -> memref<128x128xf32, #tpu.memory_space<hbm>>
      tpu.enqueue_dma source(%dma_start3A_74 : memref<128x128xf32, #tpu.memory_space<hbm>>) target(%arg9 : memref<128x128xf32, #tpu.memory_space<vmem>>) target_semaphore(%arg12 : memref<!tpu.dma_semaphore, #tpu.memory_space<semaphore_mem>>)
      "tpu.region"() ({
        %run_scoped3A = tpu.sem_alloc : memref<!tpu.dma_semaphore, #tpu.memory_space<semaphore_mem>>
        %dma_start3A_115 = arith.constant 0 : i32
        %dma_start3A_116 = arith.constant 0 : i32
        %dma_start3A_117 = tpu.memref_slice %arg10[%dma_start3A_115, %dma_start3A_116] : memref<10008x128xf32, #tpu.memory_space<vmem_shared>> -> memref<10008x128xf32, #tpu.memory_space<vmem_shared>>
        tpu.enqueue_indirect_dma source(%arg8 : memref<128x128xf32, #tpu.memory_space<vmem>>) target(%dma_start3A_117 : memref<10008x128xf32, #tpu.memory_space<vmem_shared>>) offsets(%arg6 : memref<128xi32, #tpu.memory_space<vmem>>) semaphore(%run_scoped3A : memref<!tpu.dma_semaphore, #tpu.memory_space<semaphore_mem>>) {add = true}
        %dma_wait3A_118 = arith.constant 0 : i32
        %dma_wait3A_119 = arith.constant 0 : i32
        %dma_wait3A_120 = tpu.memref_slice %arg10[%dma_wait3A_118, %dma_wait3A_119] : memref<10008x128xf32, #tpu.memory_space<vmem_shared>> -> memref<10008x128xf32, #tpu.memory_space<vmem_shared>>
        tpu.wait_indirect_dma semaphore(%run_scoped3A : memref<!tpu.dma_semaphore, #tpu.memory_space<semaphore_mem>>) src(%arg8 : memref<128x128xf32, #tpu.memory_space<vmem>>) dst(%dma_wait3A_120 : memref<10008x128xf32, #tpu.memory_space<vmem_shared>>)
        tpu.yield
      }) : () -> ()
      %mul3A_75 = arith.constant 2 : i32
      %mul3A_76 = arith.muli %mul3A_75, %scan3A_35 : i32
      %add3A_77 = arith.constant 1 : i32
      %add3A_78 = arith.addi %mul3A_76, %add3A_77 : i32
      %mul3A_79 = arith.constant 32 : i32
      %mul3A_80 = arith.muli %add3A_78, %mul3A_79 : i32
      %add3A_81 = arith.addi %add3A, %mul3A_80 : i32
      %min3A_82 = arith.constant 1249 : i32
      %min3A_83 = arith.minsi %add3A_81, %min3A_82 : i32
      %mul3A_84 = arith.constant 128 : i32
      %mul3A_85 = arith.muli %min3A_83, %mul3A_84 : i32
      %add3A_86 = arith.constant 1 : i32
      %add3A_87 = arith.addi %add3A_78, %add3A_86 : i32
      %mul3A_88 = arith.constant 32 : i32
      %mul3A_89 = arith.muli %add3A_87, %mul3A_88 : i32
      %add3A_90 = arith.addi %add3A, %mul3A_89 : i32
      %min3A_91 = arith.constant 1249 : i32
      %min3A_92 = arith.minsi %add3A_90, %min3A_91 : i32
      %mul3A_93 = arith.constant 128 : i32
      %mul3A_94 = arith.muli %min3A_92, %mul3A_93 : i32
      %dma_wait3A_95 = tpu.memref_slice %arg3[%mul3A_85] : memref<160000xi32, #tpu.memory_space<hbm>> -> memref<128xi32, #tpu.memory_space<hbm>>
      %dma_wait3A_96 = tpu.memref_slice %arg3[%mul3A_85] : memref<160000xi32, #tpu.memory_space<hbm>> -> memref<128xi32, #tpu.memory_space<hbm>>
      tpu.wait_dma2 semaphore(%arg12 : memref<!tpu.dma_semaphore, #tpu.memory_space<semaphore_mem>>) src(%dma_wait3A_96 : memref<128xi32, #tpu.memory_space<hbm>>) dst(%arg7 : memref<128xi32, #tpu.memory_space<vmem>>)
      %dma_wait3A_97 = arith.constant 0 : i32
      %dma_wait3A_98 = tpu.memref_slice %arg2[%mul3A_85, %dma_wait3A_97] : memref<160000x128xf32, #tpu.memory_space<hbm>> -> memref<128x128xf32, #tpu.memory_space<hbm>>
      %dma_wait3A_99 = arith.constant 0 : i32
      %dma_wait3A_100 = tpu.memref_slice %arg2[%mul3A_85, %dma_wait3A_99] : memref<160000x128xf32, #tpu.memory_space<hbm>> -> memref<128x128xf32, #tpu.memory_space<hbm>>
      tpu.wait_dma2 semaphore(%arg12 : memref<!tpu.dma_semaphore, #tpu.memory_space<semaphore_mem>>) src(%dma_wait3A_100 : memref<128x128xf32, #tpu.memory_space<hbm>>) dst(%arg9 : memref<128x128xf32, #tpu.memory_space<vmem>>)
      %mul3A_101 = arith.constant 32 : i32
      %mul3A_102 = arith.muli %add3A_78, %mul3A_101 : i32
      %add3A_103 = arith.addi %add3A, %mul3A_102 : i32
      %ge3A_104 = arith.constant 1250 : i32
      %ge3A_105 = arith.cmpi sge, %add3A_103, %ge3A_104 : i32
      %convert_element_type3A_106 = arith.extui %ge3A_105 : i1 to i32
      %cond3A_107 = arith.constant 0 : i32
      %cond3A_108 = arith.cmpi ne, %convert_element_type3A_106, %cond3A_107 : i32
      scf.if %cond3A_108 {
        %broadcast_in_dim3A = arith.constant 10000 : i32
        %broadcast_in_dim3A_115 = vector.broadcast %broadcast_in_dim3A : i32 to vector<16xi32>
        %swap3A = arith.constant 0 : index
        %swap3A_116 = tpu.vector_load %arg7[%swap3A] {strides = array<i32>} : memref<128xi32, #tpu.memory_space<vmem>>, vector<16xi32>,
        %swap3A_117 = vector.shape_cast %swap3A_116 : vector<16xi32> to vector<16xi32>
        %swap3A_118 = vector.shape_cast %broadcast_in_dim3A_115 : vector<16xi32> to vector<16xi32>
        tpu.vector_store %arg7[%swap3A], %swap3A_118 {strides = array<i32>} : memref<128xi32, #tpu.memory_space<vmem>>, vector<16xi32>,
        %broadcast_in_dim3A_119 = arith.constant 10000 : i32
        %broadcast_in_dim3A_120 = vector.broadcast %broadcast_in_dim3A_119 : i32 to vector<16xi32>
        %swap3A_121 = arith.constant 16 : index
        %swap3A_122 = tpu.vector_load %arg7[%swap3A_121] {strides = array<i32>} : memref<128xi32, #tpu.memory_space<vmem>>, vector<16xi32>,
        %swap3A_123 = vector.shape_cast %swap3A_122 : vector<16xi32> to vector<16xi32>
        %swap3A_124 = vector.shape_cast %broadcast_in_dim3A_120 : vector<16xi32> to vector<16xi32>
        tpu.vector_store %arg7[%swap3A_121], %swap3A_124 {strides = array<i32>} : memref<128xi32, #tpu.memory_space<vmem>>, vector<16xi32>,
        %broadcast_in_dim3A_125 = arith.constant 10000 : i32
        %broadcast_in_dim3A_126 = vector.broadcast %broadcast_in_dim3A_125 : i32 to vector<16xi32>
        %swap3A_127 = arith.constant 32 : index
        %swap3A_128 = tpu.vector_load %arg7[%swap3A_127] {strides = array<i32>} : memref<128xi32, #tpu.memory_space<vmem>>, vector<16xi32>,
        %swap3A_129 = vector.shape_cast %swap3A_128 : vector<16xi32> to vector<16xi32>
        %swap3A_130 = vector.shape_cast %broadcast_in_dim3A_126 : vector<16xi32> to vector<16xi32>
        tpu.vector_store %arg7[%swap3A_127], %swap3A_130 {strides = array<i32>} : memref<128xi32, #tpu.memory_space<vmem>>, vector<16xi32>,
        %broadcast_in_dim3A_131 = arith.constant 10000 : i32
        %broadcast_in_dim3A_132 = vector.broadcast %broadcast_in_dim3A_131 : i32 to vector<16xi32>
        %swap3A_133 = arith.constant 48 : index
        %swap3A_134 = tpu.vector_load %arg7[%swap3A_133] {strides = array<i32>} : memref<128xi32, #tpu.memory_space<vmem>>, vector<16xi32>,
        %swap3A_135 = vector.shape_cast %swap3A_134 : vector<16xi32> to vector<16xi32>
        %swap3A_136 = vector.shape_cast %broadcast_in_dim3A_132 : vector<16xi32> to vector<16xi32>
        tpu.vector_store %arg7[%swap3A_133], %swap3A_136 {strides = array<i32>} : memref<128xi32, #tpu.memory_space<vmem>>, vector<16xi32>,
        %broadcast_in_dim3A_137 = arith.constant 10000 : i32
        %broadcast_in_dim3A_138 = vector.broadcast %broadcast_in_dim3A_137 : i32 to vector<16xi32>
        %swap3A_139 = arith.constant 64 : index
        %swap3A_140 = tpu.vector_load %arg7[%swap3A_139] {strides = array<i32>} : memref<128xi32, #tpu.memory_space<vmem>>, vector<16xi32>,
        %swap3A_141 = vector.shape_cast %swap3A_140 : vector<16xi32> to vector<16xi32>
        %swap3A_142 = vector.shape_cast %broadcast_in_dim3A_138 : vector<16xi32> to vector<16xi32>
        tpu.vector_store %arg7[%swap3A_139], %swap3A_142 {strides = array<i32>} : memref<128xi32, #tpu.memory_space<vmem>>, vector<16xi32>,
        %broadcast_in_dim3A_143 = arith.constant 10000 : i32
        %broadcast_in_dim3A_144 = vector.broadcast %broadcast_in_dim3A_143 : i32 to vector<16xi32>
        %swap3A_145 = arith.constant 80 : index
        %swap3A_146 = tpu.vector_load %arg7[%swap3A_145] {strides = array<i32>} : memref<128xi32, #tpu.memory_space<vmem>>, vector<16xi32>,
        %swap3A_147 = vector.shape_cast %swap3A_146 : vector<16xi32> to vector<16xi32>
        %swap3A_148 = vector.shape_cast %broadcast_in_dim3A_144 : vector<16xi32> to vector<16xi32>
        tpu.vector_store %arg7[%swap3A_145], %swap3A_148 {strides = array<i32>} : memref<128xi32, #tpu.memory_space<vmem>>, vector<16xi32>,
        %broadcast_in_dim3A_149 = arith.constant 10000 : i32
        %broadcast_in_dim3A_150 = vector.broadcast %broadcast_in_dim3A_149 : i32 to vector<16xi32>
        %swap3A_151 = arith.constant 96 : index
        %swap3A_152 = tpu.vector_load %arg7[%swap3A_151] {strides = array<i32>} : memref<128xi32, #tpu.memory_space<vmem>>, vector<16xi32>,
        %swap3A_153 = vector.shape_cast %swap3A_152 : vector<16xi32> to vector<16xi32>
        %swap3A_154 = vector.shape_cast %broadcast_in_dim3A_150 : vector<16xi32> to vector<16xi32>
        tpu.vector_store %arg7[%swap3A_151], %swap3A_154 {strides = array<i32>} : memref<128xi32, #tpu.memory_space<vmem>>, vector<16xi32>,
        %broadcast_in_dim3A_155 = arith.constant 10000 : i32
        %broadcast_in_dim3A_156 = vector.broadcast %broadcast_in_dim3A_155 : i32 to vector<16xi32>
        %swap3A_157 = arith.constant 112 : index
        %swap3A_158 = tpu.vector_load %arg7[%swap3A_157] {strides = array<i32>} : memref<128xi32, #tpu.memory_space<vmem>>, vector<16xi32>,
        %swap3A_159 = vector.shape_cast %swap3A_158 : vector<16xi32> to vector<16xi32>
        %swap3A_160 = vector.shape_cast %broadcast_in_dim3A_156 : vector<16xi32> to vector<16xi32>
        tpu.vector_store %arg7[%swap3A_157], %swap3A_160 {strides = array<i32>} : memref<128xi32, #tpu.memory_space<vmem>>, vector<16xi32>,
      } else {
      }
      %dma_start3A_109 = tpu.memref_slice %arg3[%mul3A_94] : memref<160000xi32, #tpu.memory_space<hbm>> -> memref<128xi32, #tpu.memory_space<hbm>>
      %dma_start3A_110 = tpu.memref_slice %arg3[%mul3A_94] : memref<160000xi32, #tpu.memory_space<hbm>> -> memref<128xi32, #tpu.memory_space<hbm>>
      tpu.enqueue_dma source(%dma_start3A_110 : memref<128xi32, #tpu.memory_space<hbm>>) target(%arg6 : memref<128xi32, #tpu.memory_space<vmem>>) target_semaphore(%arg11 : memref<!tpu.dma_semaphore, #tpu.memory_space<semaphore_mem>>)
      %dma_start3A_111 = arith.constant 0 : i32
      %dma_start3A_112 = tpu.memref_slice %arg2[%mul3A_94, %dma_start3A_111] : memref<160000x128xf32, #tpu.memory_space<hbm>> -> memref<128x128xf32, #tpu.memory_space<hbm>>
      %dma_start3A_113 = arith.constant 0 : i32
      %dma_start3A_114 = tpu.memref_slice %arg2[%mul3A_94, %dma_start3A_113] : memref<160000x128xf32, #tpu.memory_space<hbm>> -> memref<128x128xf32, #tpu.memory_space<hbm>>
      tpu.enqueue_dma source(%dma_start3A_114 : memref<128x128xf32, #tpu.memory_space<hbm>>) target(%arg8 : memref<128x128xf32, #tpu.memory_space<vmem>>) target_semaphore(%arg11 : memref<!tpu.dma_semaphore, #tpu.memory_space<semaphore_mem>>)
      "tpu.region"() ({
        %run_scoped3A = tpu.sem_alloc : memref<!tpu.dma_semaphore, #tpu.memory_space<semaphore_mem>>
        %dma_start3A_115 = arith.constant 0 : i32
        %dma_start3A_116 = arith.constant 0 : i32
        %dma_start3A_117 = tpu.memref_slice %arg10[%dma_start3A_115, %dma_start3A_116] : memref<10008x128xf32, #tpu.memory_space<vmem_shared>> -> memref<10008x128xf32, #tpu.memory_space<vmem_shared>>
        tpu.enqueue_indirect_dma source(%arg9 : memref<128x128xf32, #tpu.memory_space<vmem>>) target(%dma_start3A_117 : memref<10008x128xf32, #tpu.memory_space<vmem_shared>>) offsets(%arg7 : memref<128xi32, #tpu.memory_space<vmem>>) semaphore(%run_scoped3A : memref<!tpu.dma_semaphore, #tpu.memory_space<semaphore_mem>>) {add = true}
        %dma_wait3A_118 = arith.constant 0 : i32
        %dma_wait3A_119 = arith.constant 0 : i32
        %dma_wait3A_120 = tpu.memref_slice %arg10[%dma_wait3A_118, %dma_wait3A_119] : memref<10008x128xf32, #tpu.memory_space<vmem_shared>> -> memref<10008x128xf32, #tpu.memory_space<vmem_shared>>
        tpu.wait_indirect_dma semaphore(%run_scoped3A : memref<!tpu.dma_semaphore, #tpu.memory_space<semaphore_mem>>) src(%arg9 : memref<128x128xf32, #tpu.memory_space<vmem>>) dst(%dma_wait3A_120 : memref<10008x128xf32, #tpu.memory_space<vmem_shared>>)
        tpu.yield
      }) : () -> ()
    }
    %scan3A_17 = arith.constant 20 : i32
    %add3A_18 = arith.constant 1280 : i32
    %add3A_19 = arith.addi %add3A, %add3A_18 : i32
    %min3A_20 = arith.constant 1249 : i32
    %min3A_21 = arith.minsi %add3A_19, %min3A_20 : i32
    %mul3A_22 = arith.constant 128 : i32
    %mul3A_23 = arith.muli %min3A_21, %mul3A_22 : i32
    %dma_wait3A = tpu.memref_slice %arg3[%mul3A_23] : memref<160000xi32, #tpu.memory_space<hbm>> -> memref<128xi32, #tpu.memory_space<hbm>>
    %dma_wait3A_24 = tpu.memref_slice %arg3[%mul3A_23] : memref<160000xi32, #tpu.memory_space<hbm>> -> memref<128xi32, #tpu.memory_space<hbm>>
    tpu.wait_dma2 semaphore(%arg11 : memref<!tpu.dma_semaphore, #tpu.memory_space<semaphore_mem>>) src(%dma_wait3A_24 : memref<128xi32, #tpu.memory_space<hbm>>) dst(%arg6 : memref<128xi32, #tpu.memory_space<vmem>>)
    %dma_wait3A_25 = arith.constant 0 : i32
    %dma_wait3A_26 = tpu.memref_slice %arg2[%mul3A_23, %dma_wait3A_25] : memref<160000x128xf32, #tpu.memory_space<hbm>> -> memref<128x128xf32, #tpu.memory_space<hbm>>
    %dma_wait3A_27 = arith.constant 0 : i32
    %dma_wait3A_28 = tpu.memref_slice %arg2[%mul3A_23, %dma_wait3A_27] : memref<160000x128xf32, #tpu.memory_space<hbm>> -> memref<128x128xf32, #tpu.memory_space<hbm>>
    tpu.wait_dma2 semaphore(%arg11 : memref<!tpu.dma_semaphore, #tpu.memory_space<semaphore_mem>>) src(%dma_wait3A_28 : memref<128x128xf32, #tpu.memory_space<hbm>>) dst(%arg8 : memref<128x128xf32, #tpu.memory_space<vmem>>)
    %barrier3A_29 = arith.constant 0 : index
    tpu.barrier barrier_id(%barrier3A_29)
    %eq3A_30 = arith.constant 0 : i32
    %eq3A_31 = arith.cmpi eq, %arg1, %eq3A_30 : i32
    %convert_element_type3A_32 = arith.extui %eq3A_31 : i1 to i32
    %cond3A_33 = arith.constant 0 : i32
    %cond3A_34 = arith.cmpi ne, %convert_element_type3A_32, %cond3A_33 : i32
    scf.if %cond3A_34 {
      "tpu.region"() ({
        %run_scoped3A = tpu.sem_alloc : memref<!tpu.dma_semaphore, #tpu.memory_space<semaphore_mem>>
        %dma_start3A_35 = arith.constant 0 : i32
        %dma_start3A_36 = arith.constant 0 : i32
        %dma_start3A_37 = tpu.memref_slice %arg5[%arg0, %dma_start3A_35, %dma_start3A_36] : memref<2x10000x128xf32, #tpu.memory_space<hbm>> -> memref<1x10000x128xf32, #tpu.memory_space<hbm>>
        %dma_start3A_38 = tpu.memref_squeeze %dma_start3A_37 : memref<1x10000x128xf32, #tpu.memory_space<hbm>> -> memref<10000x128xf32, #tpu.memory_space<hbm>>
        %dma_start3A_39 = arith.constant 0 : i32
        %dma_start3A_40 = arith.constant 0 : i32
        %dma_start3A_41 = tpu.memref_slice %arg10[%dma_start3A_39, %dma_start3A_40] : memref<10008x128xf32, #tpu.memory_space<vmem_shared>> -> memref<10000x128xf32, #tpu.memory_space<vmem_shared>>
        tpu.enqueue_dma source(%dma_start3A_41 : memref<10000x128xf32, #tpu.memory_space<vmem_shared>>) target(%dma_start3A_38 : memref<10000x128xf32, #tpu.memory_space<hbm>>) target_semaphore(%run_scoped3A : memref<!tpu.dma_semaphore, #tpu.memory_space<semaphore_mem>>)
        %dma_wait3A_42 = arith.constant 0 : i32
        %dma_wait3A_43 = arith.constant 0 : i32
        %dma_wait3A_44 = tpu.memref_slice %arg5[%arg0, %dma_wait3A_42, %dma_wait3A_43] : memref<2x10000x128xf32, #tpu.memory_space<hbm>> -> memref<1x10000x128xf32, #tpu.memory_space<hbm>>
        %dma_wait3A_45 = tpu.memref_squeeze %dma_wait3A_44 : memref<1x10000x128xf32, #tpu.memory_space<hbm>> -> memref<10000x128xf32, #tpu.memory_space<hbm>>
        %dma_wait3A_46 = arith.constant 0 : i32
        %dma_wait3A_47 = arith.constant 0 : i32
        %dma_wait3A_48 = tpu.memref_slice %arg10[%dma_wait3A_46, %dma_wait3A_47] : memref<10008x128xf32, #tpu.memory_space<vmem_shared>> -> memref<10000x128xf32, #tpu.memory_space<vmem_shared>>
        tpu.wait_dma2 semaphore(%run_scoped3A : memref<!tpu.dma_semaphore, #tpu.memory_space<semaphore_mem>>) src(%dma_wait3A_48 : memref<10000x128xf32, #tpu.memory_space<vmem_shared>>) dst(%dma_wait3A_45 : memref<10000x128xf32, #tpu.memory_space<hbm>>)
        tpu.yield
      }) : () -> ()
    } else {
    }
    return
  }
}

#map = affine_map<(d0, d1) -> (0, 0)>
#map1 = affine_map<(d0, d1) -> (0)>
#map2 = affine_map<(d0, d1) -> (0, 0, 0)>
module attributes {stable_mosaic.version = 14 : i64} {
  func.func @scatter(%arg0: i32, %arg1: i32, %arg2: memref<160000x128xf32, #tpu.memory_space<hbm>>, %arg3: memref<160000xi32, #tpu.memory_space<hbm>>, %arg4: memref<10008x128xf32, #tpu.memory_space<hbm>>, %arg5: memref<2x10000x128xf32, #tpu.memory_space<hbm>>, %arg6: memref<128xi32, #tpu.memory_space<vmem>>, %arg7: memref<128xi32, #tpu.memory_space<vmem>>, %arg8: memref<128x128xf32, #tpu.memory_space<vmem>>, %arg9: memref<128x128xf32, #tpu.memory_space<vmem>>, %arg10: memref<10008x128xf32, #tpu.memory_space<vmem_shared>>, %arg11: memref<!tpu.dma_semaphore, #tpu.memory_space<semaphore_mem>>, %arg12: memref<!tpu.dma_semaphore, #tpu.memory_space<semaphore_mem>>) attributes {dimension_semantics = [#tpu.dimension_semantics<core_parallel>, #tpu.dimension_semantics<subcore_parallel>], iteration_bounds = array<i64: 2, 16>, scalar_prefetch = 0 : i64, scratch_operands = 7 : i64, tpu.core_type = #tpu.core_type<sc_vector_subcore>, window_params = [{transform_indices = #map}, {transform_indices = #map1}, {transform_indices = #map}, {transform_indices = #map2}]} {
    %mul3A = arith.constant 2 : i32
    %mul3A_0 = arith.muli %arg1, %mul3A : i32
    %add3A = arith.addi %mul3A_0, %arg0 : i32
    %eq3A = arith.constant 0 : i32
    %eq3A_1 = arith.cmpi eq, %arg1, %eq3A : i32
    %convert_element_type3A = arith.extui %eq3A_1 : i1 to i32
    %cond3A = arith.constant 0 : i32
    %cond3A_2 = arith.cmpi ne, %convert_element_type3A, %cond3A : i32
    scf.if %cond3A_2 {
      "tpu.region"() ({
        %run_scoped3A = tpu.sem_alloc : memref<!tpu.dma_semaphore, #tpu.memory_space<semaphore_mem>>
        tpu.enqueue_dma source(%arg4 : memref<10008x128xf32, #tpu.memory_space<hbm>>) target(%arg10 : memref<10008x128xf32, #tpu.memory_space<vmem_shared>>) target_semaphore(%run_scoped3A : memref<!tpu.dma_semaphore, #tpu.memory_space<semaphore_mem>>)
        tpu.wait_dma2 semaphore(%run_scoped3A : memref<!tpu.dma_semaphore, #tpu.memory_space<semaphore_mem>>) src(%arg4 : memref<10008x128xf32, #tpu.memory_space<hbm>>) dst(%arg10 : memref<10008x128xf32, #tpu.memory_space<vmem_shared>>)
        tpu.yield
      }) : () -> ()
    } else {
    }
    %barrier3A = arith.constant 0 : index
    tpu.barrier barrier_id(%barrier3A)
    %add3A_3 = arith.constant 0 : i32
    %add3A_4 = arith.addi %add3A, %add3A_3 : i32
    %min3A = arith.constant 1249 : i32
    %min3A_5 = arith.minsi %add3A_4, %min3A : i32
    %mul3A_6 = arith.constant 128 : i32
    %mul3A_7 = arith.muli %min3A_5, %mul3A_6 : i32
    %dma_start3A = tpu.memref_slice %arg3[%mul3A_7] : memref<160000xi32, #tpu.memory_space<hbm>> -> memref<128xi32, #tpu.memory_space<hbm>>
    %dma_start3A_8 = tpu.memref_slice %arg3[%mul3A_7] : memref<160000xi32, #tpu.memory_space<hbm>> -> memref<128xi32, #tpu.memory_space<hbm>>
    tpu.enqueue_dma source(%dma_start3A_8 : memref<128xi32, #tpu.memory_space<hbm>>) target(%arg6 : memref<128xi32, #tpu.memory_space<vmem>>) target_semaphore(%arg11 : memref<!tpu.dma_semaphore, #tpu.memory_space<semaphore_mem>>)
    %dma_start3A_9 = arith.constant 0 : i32
    %dma_start3A_10 = tpu.memref_slice %arg2[%mul3A_7, %dma_start3A_9] : memref<160000x128xf32, #tpu.memory_space<hbm>> -> memref<128x128xf32, #tpu.memory_space<hbm>>
    %dma_start3A_11 = arith.constant 0 : i32
    %dma_start3A_12 = tpu.memref_slice %arg2[%mul3A_7, %dma_start3A_11] : memref<160000x128xf32, #tpu.memory_space<hbm>> -> memref<128x128xf32, #tpu.memory_space<hbm>>
    tpu.enqueue_dma source(%dma_start3A_12 : memref<128x128xf32, #tpu.memory_space<hbm>>) target(%arg8 : memref<128x128xf32, #tpu.memory_space<vmem>>) target_semaphore(%arg11 : memref<!tpu.dma_semaphore, #tpu.memory_space<semaphore_mem>>)
    %scan3A = arith.constant 0 : i32
    %scan3A_13 = arith.constant 0 : i32
    %scan3A_14 = arith.constant 20 : i32
    %scan3A_15 = arith.addi %scan3A_13, %scan3A_14 : i32
    %scan3A_16 = arith.constant 1 : i32
    scf.for %scan3A_35 = %scan3A_13 to %scan3A_15 step %scan3A_16  : i32 {
      %mul3A_36 = arith.constant 2 : i32
      %mul3A_37 = arith.muli %mul3A_36, %scan3A_35 : i32
      %add3A_38 = arith.constant 0 : i32
      %add3A_39 = arith.addi %mul3A_37, %add3A_38 : i32
      %mul3A_40 = arith.constant 32 : i32
      %mul3A_41 = arith.muli %add3A_39, %mul3A_40 : i32
      %add3A_42 = arith.addi %add3A, %mul3A_41 : i32
      %min3A_43 = arith.constant 1249 : i32
      %min3A_44 = arith.minsi %add3A_42, %min3A_43 : i32
      %mul3A_45 = arith.constant 128 : i32
      %mul3A_46 = arith.muli %min3A_44, %mul3A_45 : i32
      %add3A_47 = arith.constant 1 : i32
      %add3A_48 = arith.addi %add3A_39, %add3A_47 : i32
      %mul3A_49 = arith.constant 32 : i32
      %mul3A_50 = arith.muli %add3A_48, %mul3A_49 : i32
      %add3A_51 = arith.addi %add3A, %mul3A_50 : i32
      %min3A_52 = arith.constant 1249 : i32
      %min3A_53 = arith.minsi %add3A_51, %min3A_52 : i32
      %mul3A_54 = arith.constant 128 : i32
      %mul3A_55 = arith.muli %min3A_53, %mul3A_54 : i32
      %dma_wait3A_56 = tpu.memref_slice %arg3[%mul3A_46] : memref<160000xi32, #tpu.memory_space<hbm>> -> memref<128xi32, #tpu.memory_space<hbm>>
      %dma_wait3A_57 = tpu.memref_slice %arg3[%mul3A_46] : memref<160000xi32, #tpu.memory_space<hbm>> -> memref<128xi32, #tpu.memory_space<hbm>>
      tpu.wait_dma2 semaphore(%arg11 : memref<!tpu.dma_semaphore, #tpu.memory_space<semaphore_mem>>) src(%dma_wait3A_57 : memref<128xi32, #tpu.memory_space<hbm>>) dst(%arg6 : memref<128xi32, #tpu.memory_space<vmem>>)
      %dma_wait3A_58 = arith.constant 0 : i32
      %dma_wait3A_59 = tpu.memref_slice %arg2[%mul3A_46, %dma_wait3A_58] : memref<160000x128xf32, #tpu.memory_space<hbm>> -> memref<128x128xf32, #tpu.memory_space<hbm>>
      %dma_wait3A_60 = arith.constant 0 : i32
      %dma_wait3A_61 = tpu.memref_slice %arg2[%mul3A_46, %dma_wait3A_60] : memref<160000x128xf32, #tpu.memory_space<hbm>> -> memref<128x128xf32, #tpu.memory_space<hbm>>
      tpu.wait_dma2 semaphore(%arg11 : memref<!tpu.dma_semaphore, #tpu.memory_space<semaphore_mem>>) src(%dma_wait3A_61 : memref<128x128xf32, #tpu.memory_space<hbm>>) dst(%arg8 : memref<128x128xf32, #tpu.memory_space<vmem>>)
      %mul3A_62 = arith.constant 32 : i32
      %mul3A_63 = arith.muli %add3A_39, %mul3A_62 : i32
      %add3A_64 = arith.addi %add3A, %mul3A_63 : i32
      %ge3A = arith.constant 1250 : i32
      %ge3A_65 = arith.cmpi sge, %add3A_64, %ge3A : i32
      %convert_element_type3A_66 = arith.extui %ge3A_65 : i1 to i32
      %cond3A_67 = arith.constant 0 : i32
      %cond3A_68 = arith.cmpi ne, %convert_element_type3A_66, %cond3A_67 : i32
      scf.if %cond3A_68 {
        %broadcast_in_dim3A = arith.constant 10000 : i32
        %broadcast_in_dim3A_115 = vector.broadcast %broadcast_in_dim3A : i32 to vector<16xi32>
        %swap3A = arith.constant 0 : index
        %swap3A_116 = tpu.vector_load %arg6[%swap3A] {strides = array<i32>} : memref<128xi32, #tpu.memory_space<vmem>>, vector<16xi32>,
        %swap3A_117 = vector.shape_cast %swap3A_116 : vector<16xi32> to vector<16xi32>
        %swap3A_118 = vector.shape_cast %broadcast_in_dim3A_115 : vector<16xi32> to vector<16xi32>
        tpu.vector_store %arg6[%swap3A], %swap3A_118 {strides = array<i32>} : memref<128xi32, #tpu.memory_space<vmem>>, vector<16xi32>,
        %broadcast_in_dim3A_119 = arith.constant 10000 : i32
        %broadcast_in_dim3A_120 = vector.broadcast %broadcast_in_dim3A_119 : i32 to vector<16xi32>
        %swap3A_121 = arith.constant 16 : index
        %swap3A_122 = tpu.vector_load %arg6[%swap3A_121] {strides = array<i32>} : memref<128xi32, #tpu.memory_space<vmem>>, vector<16xi32>,
        %swap3A_123 = vector.shape_cast %swap3A_122 : vector<16xi32> to vector<16xi32>
        %swap3A_124 = vector.shape_cast %broadcast_in_dim3A_120 : vector<16xi32> to vector<16xi32>
        tpu.vector_store %arg6[%swap3A_121], %swap3A_124 {strides = array<i32>} : memref<128xi32, #tpu.memory_space<vmem>>, vector<16xi32>,
        %broadcast_in_dim3A_125 = arith.constant 10000 : i32
        %broadcast_in_dim3A_126 = vector.broadcast %broadcast_in_dim3A_125 : i32 to vector<16xi32>
        %swap3A_127 = arith.constant 32 : index
        %swap3A_128 = tpu.vector_load %arg6[%swap3A_127] {strides = array<i32>} : memref<128xi32, #tpu.memory_space<vmem>>, vector<16xi32>,
        %swap3A_129 = vector.shape_cast %swap3A_128 : vector<16xi32> to vector<16xi32>
        %swap3A_130 = vector.shape_cast %broadcast_in_dim3A_126 : vector<16xi32> to vector<16xi32>
        tpu.vector_store %arg6[%swap3A_127], %swap3A_130 {strides = array<i32>} : memref<128xi32, #tpu.memory_space<vmem>>, vector<16xi32>,
        %broadcast_in_dim3A_131 = arith.constant 10000 : i32
        %broadcast_in_dim3A_132 = vector.broadcast %broadcast_in_dim3A_131 : i32 to vector<16xi32>
        %swap3A_133 = arith.constant 48 : index
        %swap3A_134 = tpu.vector_load %arg6[%swap3A_133] {strides = array<i32>} : memref<128xi32, #tpu.memory_space<vmem>>, vector<16xi32>,
        %swap3A_135 = vector.shape_cast %swap3A_134 : vector<16xi32> to vector<16xi32>
        %swap3A_136 = vector.shape_cast %broadcast_in_dim3A_132 : vector<16xi32> to vector<16xi32>
        tpu.vector_store %arg6[%swap3A_133], %swap3A_136 {strides = array<i32>} : memref<128xi32, #tpu.memory_space<vmem>>, vector<16xi32>,
        %broadcast_in_dim3A_137 = arith.constant 10000 : i32
        %broadcast_in_dim3A_138 = vector.broadcast %broadcast_in_dim3A_137 : i32 to vector<16xi32>
        %swap3A_139 = arith.constant 64 : index
        %swap3A_140 = tpu.vector_load %arg6[%swap3A_139] {strides = array<i32>} : memref<128xi32, #tpu.memory_space<vmem>>, vector<16xi32>,
        %swap3A_141 = vector.shape_cast %swap3A_140 : vector<16xi32> to vector<16xi32>
        %swap3A_142 = vector.shape_cast %broadcast_in_dim3A_138 : vector<16xi32> to vector<16xi32>
        tpu.vector_store %arg6[%swap3A_139], %swap3A_142 {strides = array<i32>} : memref<128xi32, #tpu.memory_space<vmem>>, vector<16xi32>,
        %broadcast_in_dim3A_143 = arith.constant 10000 : i32
        %broadcast_in_dim3A_144 = vector.broadcast %broadcast_in_dim3A_143 : i32 to vector<16xi32>
        %swap3A_145 = arith.constant 80 : index
        %swap3A_146 = tpu.vector_load %arg6[%swap3A_145] {strides = array<i32>} : memref<128xi32, #tpu.memory_space<vmem>>, vector<16xi32>,
        %swap3A_147 = vector.shape_cast %swap3A_146 : vector<16xi32> to vector<16xi32>
        %swap3A_148 = vector.shape_cast %broadcast_in_dim3A_144 : vector<16xi32> to vector<16xi32>
        tpu.vector_store %arg6[%swap3A_145], %swap3A_148 {strides = array<i32>} : memref<128xi32, #tpu.memory_space<vmem>>, vector<16xi32>,
        %broadcast_in_dim3A_149 = arith.constant 10000 : i32
        %broadcast_in_dim3A_150 = vector.broadcast %broadcast_in_dim3A_149 : i32 to vector<16xi32>
        %swap3A_151 = arith.constant 96 : index
        %swap3A_152 = tpu.vector_load %arg6[%swap3A_151] {strides = array<i32>} : memref<128xi32, #tpu.memory_space<vmem>>, vector<16xi32>,
        %swap3A_153 = vector.shape_cast %swap3A_152 : vector<16xi32> to vector<16xi32>
        %swap3A_154 = vector.shape_cast %broadcast_in_dim3A_150 : vector<16xi32> to vector<16xi32>
        tpu.vector_store %arg6[%swap3A_151], %swap3A_154 {strides = array<i32>} : memref<128xi32, #tpu.memory_space<vmem>>, vector<16xi32>,
        %broadcast_in_dim3A_155 = arith.constant 10000 : i32
        %broadcast_in_dim3A_156 = vector.broadcast %broadcast_in_dim3A_155 : i32 to vector<16xi32>
        %swap3A_157 = arith.constant 112 : index
        %swap3A_158 = tpu.vector_load %arg6[%swap3A_157] {strides = array<i32>} : memref<128xi32, #tpu.memory_space<vmem>>, vector<16xi32>,
        %swap3A_159 = vector.shape_cast %swap3A_158 : vector<16xi32> to vector<16xi32>
        %swap3A_160 = vector.shape_cast %broadcast_in_dim3A_156 : vector<16xi32> to vector<16xi32>
        tpu.vector_store %arg6[%swap3A_157], %swap3A_160 {strides = array<i32>} : memref<128xi32, #tpu.memory_space<vmem>>, vector<16xi32>,
      } else {
      }
      %dma_start3A_69 = tpu.memref_slice %arg3[%mul3A_55] : memref<160000xi32, #tpu.memory_space<hbm>> -> memref<128xi32, #tpu.memory_space<hbm>>
      %dma_start3A_70 = tpu.memref_slice %arg3[%mul3A_55] : memref<160000xi32, #tpu.memory_space<hbm>> -> memref<128xi32, #tpu.memory_space<hbm>>
      tpu.enqueue_dma source(%dma_start3A_70 : memref<128xi32, #tpu.memory_space<hbm>>) target(%arg7 : memref<128xi32, #tpu.memory_space<vmem>>) target_semaphore(%arg12 : memref<!tpu.dma_semaphore, #tpu.memory_space<semaphore_mem>>)
      %dma_start3A_71 = arith.constant 0 : i32
      %dma_start3A_72 = tpu.memref_slice %arg2[%mul3A_55, %dma_start3A_71] : memref<160000x128xf32, #tpu.memory_space<hbm>> -> memref<128x128xf32, #tpu.memory_space<hbm>>
      %dma_start3A_73 = arith.constant 0 : i32
      %dma_start3A_74 = tpu.memref_slice %arg2[%mul3A_55, %dma_start3A_73] : memref<160000x128xf32, #tpu.memory_space<hbm>> -> memref<128x128xf32, #tpu.memory_space<hbm>>
      tpu.enqueue_dma source(%dma_start3A_74 : memref<128x128xf32, #tpu.memory_space<hbm>>) target(%arg9 : memref<128x128xf32, #tpu.memory_space<vmem>>) target_semaphore(%arg12 : memref<!tpu.dma_semaphore, #tpu.memory_space<semaphore_mem>>)
      "tpu.region"() ({
        %run_scoped3A = tpu.sem_alloc : memref<!tpu.dma_semaphore, #tpu.memory_space<semaphore_mem>>
        %dma_start3A_115 = arith.constant 0 : i32
        %dma_start3A_116 = arith.constant 0 : i32
        %dma_start3A_117 = tpu.memref_slice %arg10[%dma_start3A_115, %dma_start3A_116] : memref<10008x128xf32, #tpu.memory_space<vmem_shared>> -> memref<10008x128xf32, #tpu.memory_space<vmem_shared>>
        tpu.enqueue_indirect_dma source(%arg8 : memref<128x128xf32, #tpu.memory_space<vmem>>) target(%dma_start3A_117 : memref<10008x128xf32, #tpu.memory_space<vmem_shared>>) offsets(%arg6 : memref<128xi32, #tpu.memory_space<vmem>>) semaphore(%run_scoped3A : memref<!tpu.dma_semaphore, #tpu.memory_space<semaphore_mem>>) {add = true}
        %dma_wait3A_118 = arith.constant 0 : i32
        %dma_wait3A_119 = arith.constant 0 : i32
        %dma_wait3A_120 = tpu.memref_slice %arg10[%dma_wait3A_118, %dma_wait3A_119] : memref<10008x128xf32, #tpu.memory_space<vmem_shared>> -> memref<10008x128xf32, #tpu.memory_space<vmem_shared>>
        tpu.wait_indirect_dma semaphore(%run_scoped3A : memref<!tpu.dma_semaphore, #tpu.memory_space<semaphore_mem>>) src(%arg8 : memref<128x128xf32, #tpu.memory_space<vmem>>) dst(%dma_wait3A_120 : memref<10008x128xf32, #tpu.memory_space<vmem_shared>>)
        tpu.yield
      }) : () -> ()
      %mul3A_75 = arith.constant 2 : i32
      %mul3A_76 = arith.muli %mul3A_75, %scan3A_35 : i32
      %add3A_77 = arith.constant 1 : i32
      %add3A_78 = arith.addi %mul3A_76, %add3A_77 : i32
      %mul3A_79 = arith.constant 32 : i32
      %mul3A_80 = arith.muli %add3A_78, %mul3A_79 : i32
      %add3A_81 = arith.addi %add3A, %mul3A_80 : i32
      %min3A_82 = arith.constant 1249 : i32
      %min3A_83 = arith.minsi %add3A_81, %min3A_82 : i32
      %mul3A_84 = arith.constant 128 : i32
      %mul3A_85 = arith.muli %min3A_83, %mul3A_84 : i32
      %add3A_86 = arith.constant 1 : i32
      %add3A_87 = arith.addi %add3A_78, %add3A_86 : i32
      %mul3A_88 = arith.constant 32 : i32
      %mul3A_89 = arith.muli %add3A_87, %mul3A_88 : i32
      %add3A_90 = arith.addi %add3A, %mul3A_89 : i32
      %min3A_91 = arith.constant 1249 : i32
      %min3A_92 = arith.minsi %add3A_90, %min3A_91 : i32
      %mul3A_93 = arith.constant 128 : i32
      %mul3A_94 = arith.muli %min3A_92, %mul3A_93 : i32
      %dma_wait3A_95 = tpu.memref_slice %arg3[%mul3A_85] : memref<160000xi32, #tpu.memory_space<hbm>> -> memref<128xi32, #tpu.memory_space<hbm>>
      %dma_wait3A_96 = tpu.memref_slice %arg3[%mul3A_85] : memref<160000xi32, #tpu.memory_space<hbm>> -> memref<128xi32, #tpu.memory_space<hbm>>
      tpu.wait_dma2 semaphore(%arg12 : memref<!tpu.dma_semaphore, #tpu.memory_space<semaphore_mem>>) src(%dma_wait3A_96 : memref<128xi32, #tpu.memory_space<hbm>>) dst(%arg7 : memref<128xi32, #tpu.memory_space<vmem>>)
      %dma_wait3A_97 = arith.constant 0 : i32
      %dma_wait3A_98 = tpu.memref_slice %arg2[%mul3A_85, %dma_wait3A_97] : memref<160000x128xf32, #tpu.memory_space<hbm>> -> memref<128x128xf32, #tpu.memory_space<hbm>>
      %dma_wait3A_99 = arith.constant 0 : i32
      %dma_wait3A_100 = tpu.memref_slice %arg2[%mul3A_85, %dma_wait3A_99] : memref<160000x128xf32, #tpu.memory_space<hbm>> -> memref<128x128xf32, #tpu.memory_space<hbm>>
      tpu.wait_dma2 semaphore(%arg12 : memref<!tpu.dma_semaphore, #tpu.memory_space<semaphore_mem>>) src(%dma_wait3A_100 : memref<128x128xf32, #tpu.memory_space<hbm>>) dst(%arg9 : memref<128x128xf32, #tpu.memory_space<vmem>>)
      %mul3A_101 = arith.constant 32 : i32
      %mul3A_102 = arith.muli %add3A_78, %mul3A_101 : i32
      %add3A_103 = arith.addi %add3A, %mul3A_102 : i32
      %ge3A_104 = arith.constant 1250 : i32
      %ge3A_105 = arith.cmpi sge, %add3A_103, %ge3A_104 : i32
      %convert_element_type3A_106 = arith.extui %ge3A_105 : i1 to i32
      %cond3A_107 = arith.constant 0 : i32
      %cond3A_108 = arith.cmpi ne, %convert_element_type3A_106, %cond3A_107 : i32
      scf.if %cond3A_108 {
        %broadcast_in_dim3A = arith.constant 10000 : i32
        %broadcast_in_dim3A_115 = vector.broadcast %broadcast_in_dim3A : i32 to vector<16xi32>
        %swap3A = arith.constant 0 : index
        %swap3A_116 = tpu.vector_load %arg7[%swap3A] {strides = array<i32>} : memref<128xi32, #tpu.memory_space<vmem>>, vector<16xi32>,
        %swap3A_117 = vector.shape_cast %swap3A_116 : vector<16xi32> to vector<16xi32>
        %swap3A_118 = vector.shape_cast %broadcast_in_dim3A_115 : vector<16xi32> to vector<16xi32>
        tpu.vector_store %arg7[%swap3A], %swap3A_118 {strides = array<i32>} : memref<128xi32, #tpu.memory_space<vmem>>, vector<16xi32>,
        %broadcast_in_dim3A_119 = arith.constant 10000 : i32
        %broadcast_in_dim3A_120 = vector.broadcast %broadcast_in_dim3A_119 : i32 to vector<16xi32>
        %swap3A_121 = arith.constant 16 : index
        %swap3A_122 = tpu.vector_load %arg7[%swap3A_121] {strides = array<i32>} : memref<128xi32, #tpu.memory_space<vmem>>, vector<16xi32>,
        %swap3A_123 = vector.shape_cast %swap3A_122 : vector<16xi32> to vector<16xi32>
        %swap3A_124 = vector.shape_cast %broadcast_in_dim3A_120 : vector<16xi32> to vector<16xi32>
        tpu.vector_store %arg7[%swap3A_121], %swap3A_124 {strides = array<i32>} : memref<128xi32, #tpu.memory_space<vmem>>, vector<16xi32>,
        %broadcast_in_dim3A_125 = arith.constant 10000 : i32
        %broadcast_in_dim3A_126 = vector.broadcast %broadcast_in_dim3A_125 : i32 to vector<16xi32>
        %swap3A_127 = arith.constant 32 : index
        %swap3A_128 = tpu.vector_load %arg7[%swap3A_127] {strides = array<i32>} : memref<128xi32, #tpu.memory_space<vmem>>, vector<16xi32>,
        %swap3A_129 = vector.shape_cast %swap3A_128 : vector<16xi32> to vector<16xi32>
        %swap3A_130 = vector.shape_cast %broadcast_in_dim3A_126 : vector<16xi32> to vector<16xi32>
        tpu.vector_store %arg7[%swap3A_127], %swap3A_130 {strides = array<i32>} : memref<128xi32, #tpu.memory_space<vmem>>, vector<16xi32>,
        %broadcast_in_dim3A_131 = arith.constant 10000 : i32
        %broadcast_in_dim3A_132 = vector.broadcast %broadcast_in_dim3A_131 : i32 to vector<16xi32>
        %swap3A_133 = arith.constant 48 : index
        %swap3A_134 = tpu.vector_load %arg7[%swap3A_133] {strides = array<i32>} : memref<128xi32, #tpu.memory_space<vmem>>, vector<16xi32>,
        %swap3A_135 = vector.shape_cast %swap3A_134 : vector<16xi32> to vector<16xi32>
        %swap3A_136 = vector.shape_cast %broadcast_in_dim3A_132 : vector<16xi32> to vector<16xi32>
        tpu.vector_store %arg7[%swap3A_133], %swap3A_136 {strides = array<i32>} : memref<128xi32, #tpu.memory_space<vmem>>, vector<16xi32>,
        %broadcast_in_dim3A_137 = arith.constant 10000 : i32
        %broadcast_in_dim3A_138 = vector.broadcast %broadcast_in_dim3A_137 : i32 to vector<16xi32>
        %swap3A_139 = arith.constant 64 : index
        %swap3A_140 = tpu.vector_load %arg7[%swap3A_139] {strides = array<i32>} : memref<128xi32, #tpu.memory_space<vmem>>, vector<16xi32>,
        %swap3A_141 = vector.shape_cast %swap3A_140 : vector<16xi32> to vector<16xi32>
        %swap3A_142 = vector.shape_cast %broadcast_in_dim3A_138 : vector<16xi32> to vector<16xi32>
        tpu.vector_store %arg7[%swap3A_139], %swap3A_142 {strides = array<i32>} : memref<128xi32, #tpu.memory_space<vmem>>, vector<16xi32>,
        %broadcast_in_dim3A_143 = arith.constant 10000 : i32
        %broadcast_in_dim3A_144 = vector.broadcast %broadcast_in_dim3A_143 : i32 to vector<16xi32>
        %swap3A_145 = arith.constant 80 : index
        %swap3A_146 = tpu.vector_load %arg7[%swap3A_145] {strides = array<i32>} : memref<128xi32, #tpu.memory_space<vmem>>, vector<16xi32>,
        %swap3A_147 = vector.shape_cast %swap3A_146 : vector<16xi32> to vector<16xi32>
        %swap3A_148 = vector.shape_cast %broadcast_in_dim3A_144 : vector<16xi32> to vector<16xi32>
        tpu.vector_store %arg7[%swap3A_145], %swap3A_148 {strides = array<i32>} : memref<128xi32, #tpu.memory_space<vmem>>, vector<16xi32>,
        %broadcast_in_dim3A_149 = arith.constant 10000 : i32
        %broadcast_in_dim3A_150 = vector.broadcast %broadcast_in_dim3A_149 : i32 to vector<16xi32>
        %swap3A_151 = arith.constant 96 : index
        %swap3A_152 = tpu.vector_load %arg7[%swap3A_151] {strides = array<i32>} : memref<128xi32, #tpu.memory_space<vmem>>, vector<16xi32>,
        %swap3A_153 = vector.shape_cast %swap3A_152 : vector<16xi32> to vector<16xi32>
        %swap3A_154 = vector.shape_cast %broadcast_in_dim3A_150 : vector<16xi32> to vector<16xi32>
        tpu.vector_store %arg7[%swap3A_151], %swap3A_154 {strides = array<i32>} : memref<128xi32, #tpu.memory_space<vmem>>, vector<16xi32>,
        %broadcast_in_dim3A_155 = arith.constant 10000 : i32
        %broadcast_in_dim3A_156 = vector.broadcast %broadcast_in_dim3A_155 : i32 to vector<16xi32>
        %swap3A_157 = arith.constant 112 : index
        %swap3A_158 = tpu.vector_load %arg7[%swap3A_157] {strides = array<i32>} : memref<128xi32, #tpu.memory_space<vmem>>, vector<16xi32>,
        %swap3A_159 = vector.shape_cast %swap3A_158 : vector<16xi32> to vector<16xi32>
        %swap3A_160 = vector.shape_cast %broadcast_in_dim3A_156 : vector<16xi32> to vector<16xi32>
        tpu.vector_store %arg7[%swap3A_157], %swap3A_160 {strides = array<i32>} : memref<128xi32, #tpu.memory_space<vmem>>, vector<16xi32>,
      } else {
      }
      %dma_start3A_109 = tpu.memref_slice %arg3[%mul3A_94] : memref<160000xi32, #tpu.memory_space<hbm>> -> memref<128xi32, #tpu.memory_space<hbm>>
      %dma_start3A_110 = tpu.memref_slice %arg3[%mul3A_94] : memref<160000xi32, #tpu.memory_space<hbm>> -> memref<128xi32, #tpu.memory_space<hbm>>
      tpu.enqueue_dma source(%dma_start3A_110 : memref<128xi32, #tpu.memory_space<hbm>>) target(%arg6 : memref<128xi32, #tpu.memory_space<vmem>>) target_semaphore(%arg11 : memref<!tpu.dma_semaphore, #tpu.memory_space<semaphore_mem>>)
      %dma_start3A_111 = arith.constant 0 : i32
      %dma_start3A_112 = tpu.memref_slice %arg2[%mul3A_94, %dma_start3A_111] : memref<160000x128xf32, #tpu.memory_space<hbm>> -> memref<128x128xf32, #tpu.memory_space<hbm>>
      %dma_start3A_113 = arith.constant 0 : i32
      %dma_start3A_114 = tpu.memref_slice %arg2[%mul3A_94, %dma_start3A_113] : memref<160000x128xf32, #tpu.memory_space<hbm>> -> memref<128x128xf32, #tpu.memory_space<hbm>>
      tpu.enqueue_dma source(%dma_start3A_114 : memref<128x128xf32, #tpu.memory_space<hbm>>) target(%arg8 : memref<128x128xf32, #tpu.memory_space<vmem>>) target_semaphore(%arg11 : memref<!tpu.dma_semaphore, #tpu.memory_space<semaphore_mem>>)
      "tpu.region"() ({
        %run_scoped3A = tpu.sem_alloc : memref<!tpu.dma_semaphore, #tpu.memory_space<semaphore_mem>>
        %dma_start3A_115 = arith.constant 0 : i32
        %dma_start3A_116 = arith.constant 0 : i32
        %dma_start3A_117 = tpu.memref_slice %arg10[%dma_start3A_115, %dma_start3A_116] : memref<10008x128xf32, #tpu.memory_space<vmem_shared>> -> memref<10008x128xf32, #tpu.memory_space<vmem_shared>>
        tpu.enqueue_indirect_dma source(%arg9 : memref<128x128xf32, #tpu.memory_space<vmem>>) target(%dma_start3A_117 : memref<10008x128xf32, #tpu.memory_space<vmem_shared>>) offsets(%arg7 : memref<128xi32, #tpu.memory_space<vmem>>) semaphore(%run_scoped3A : memref<!tpu.dma_semaphore, #tpu.memory_space<semaphore_mem>>) {add = true}
        %dma_wait3A_118 = arith.constant 0 : i32
        %dma_wait3A_119 = arith.constant 0 : i32
        %dma_wait3A_120 = tpu.memref_slice %arg10[%dma_wait3A_118, %dma_wait3A_119] : memref<10008x128xf32, #tpu.memory_space<vmem_shared>> -> memref<10008x128xf32, #tpu.memory_space<vmem_shared>>
        tpu.wait_indirect_dma semaphore(%run_scoped3A : memref<!tpu.dma_semaphore, #tpu.memory_space<semaphore_mem>>) src(%arg9 : memref<128x128xf32, #tpu.memory_space<vmem>>) dst(%dma_wait3A_120 : memref<10008x128xf32, #tpu.memory_space<vmem_shared>>)
        tpu.yield
      }) : () -> ()
    }
    %scan3A_17 = arith.constant 20 : i32
    %add3A_18 = arith.constant 1280 : i32
    %add3A_19 = arith.addi %add3A, %add3A_18 : i32
    %min3A_20 = arith.constant 1249 : i32
    %min3A_21 = arith.minsi %add3A_19, %min3A_20 : i32
    %mul3A_22 = arith.constant 128 : i32
    %mul3A_23 = arith.muli %min3A_21, %mul3A_22 : i32
    %dma_wait3A = tpu.memref_slice %arg3[%mul3A_23] : memref<160000xi32, #tpu.memory_space<hbm>> -> memref<128xi32, #tpu.memory_space<hbm>>
    %dma_wait3A_24 = tpu.memref_slice %arg3[%mul3A_23] : memref<160000xi32, #tpu.memory_space<hbm>> -> memref<128xi32, #tpu.memory_space<hbm>>
    tpu.wait_dma2 semaphore(%arg11 : memref<!tpu.dma_semaphore, #tpu.memory_space<semaphore_mem>>) src(%dma_wait3A_24 : memref<128xi32, #tpu.memory_space<hbm>>) dst(%arg6 : memref<128xi32, #tpu.memory_space<vmem>>)
    %dma_wait3A_25 = arith.constant 0 : i32
    %dma_wait3A_26 = tpu.memref_slice %arg2[%mul3A_23, %dma_wait3A_25] : memref<160000x128xf32, #tpu.memory_space<hbm>> -> memref<128x128xf32, #tpu.memory_space<hbm>>
    %dma_wait3A_27 = arith.constant 0 : i32
    %dma_wait3A_28 = tpu.memref_slice %arg2[%mul3A_23, %dma_wait3A_27] : memref<160000x128xf32, #tpu.memory_space<hbm>> -> memref<128x128xf32, #tpu.memory_space<hbm>>
    tpu.wait_dma2 semaphore(%arg11 : memref<!tpu.dma_semaphore, #tpu.memory_space<semaphore_mem>>) src(%dma_wait3A_28 : memref<128x128xf32, #tpu.memory_space<hbm>>) dst(%arg8 : memref<128x128xf32, #tpu.memory_space<vmem>>)
    %barrier3A_29 = arith.constant 0 : index
    tpu.barrier barrier_id(%barrier3A_29)
    %eq3A_30 = arith.constant 0 : i32
    %eq3A_31 = arith.cmpi eq, %arg1, %eq3A_30 : i32
    %convert_element_type3A_32 = arith.extui %eq3A_31 : i1 to i32
    %cond3A_33 = arith.constant 0 : i32
    %cond3A_34 = arith.cmpi ne, %convert_element_type3A_32, %cond3A_33 : i32
    scf.if %cond3A_34 {
      "tpu.region"() ({
        %run_scoped3A = tpu.sem_alloc : memref<!tpu.dma_semaphore, #tpu.memory_space<semaphore_mem>>
        %dma_start3A_35 = arith.constant 0 : i32
        %dma_start3A_36 = arith.constant 0 : i32
        %dma_start3A_37 = tpu.memref_slice %arg5[%arg0, %dma_start3A_35, %dma_start3A_36] : memref<2x10000x128xf32, #tpu.memory_space<hbm>> -> memref<1x10000x128xf32, #tpu.memory_space<hbm>>
        %dma_start3A_38 = tpu.memref_squeeze %dma_start3A_37 : memref<1x10000x128xf32, #tpu.memory_space<hbm>> -> memref<10000x128xf32, #tpu.memory_space<hbm>>
        %dma_start3A_39 = arith.constant 0 : i32
        %dma_start3A_40 = arith.constant 0 : i32
        %dma_start3A_41 = tpu.memref_slice %arg10[%dma_start3A_39, %dma_start3A_40] : memref<10008x128xf32, #tpu.memory_space<vmem_shared>> -> memref<10000x128xf32, #tpu.memory_space<vmem_shared>>
        tpu.enqueue_dma source(%dma_start3A_41 : memref<10000x128xf32, #tpu.memory_space<vmem_shared>>) target(%dma_start3A_38 : memref<10000x128xf32, #tpu.memory_space<hbm>>) target_semaphore(%run_scoped3A : memref<!tpu.dma_semaphore, #tpu.memory_space<semaphore_mem>>)
        %dma_wait3A_42 = arith.constant 0 : i32
        %dma_wait3A_43 = arith.constant 0 : i32
        %dma_wait3A_44 = tpu.memref_slice %arg5[%arg0, %dma_wait3A_42, %dma_wait3A_43] : memref<2x10000x128xf32, #tpu.memory_space<hbm>> -> memref<1x10000x128xf32, #tpu.memory_space<hbm>>
        %dma_wait3A_45 = tpu.memref_squeeze %dma_wait3A_44 : memref<1x10000x128xf32, #tpu.memory_space<hbm>> -> memref<10000x128xf32, #tpu.memory_space<hbm>>
        %dma_wait3A_46 = arith.constant 0 : i32
        %dma_wait3A_47 = arith.constant 0 : i32
        %dma_wait3A_48 = tpu.memref_slice %arg10[%dma_wait3A_46, %dma_wait3A_47] : memref<10008x128xf32, #tpu.memory_space<vmem_shared>> -> memref<10000x128xf32, #tpu.memory_space<vmem_shared>>
        tpu.wait_dma2 semaphore(%run_scoped3A : memref<!tpu.dma_semaphore, #tpu.memory_space<semaphore_mem>>) src(%dma_wait3A_48 : memref<10000x128xf32, #tpu.memory_space<vmem_shared>>) dst(%dma_wait3A_45 : memref<10000x128xf32, #tpu.memory_space<hbm>>)
        tpu.yield
      }) : () -> ()
    } else {
    }
    return
  }
}

#map = affine_map<(d0, d1) -> (0, 0)>
#map1 = affine_map<(d0, d1) -> (0)>
module attributes {stable_mosaic.version = 14 : i64} {
  func.func @gather(%arg0: i32, %arg1: i32, %arg2: memref<10000x128xf32, #tpu.memory_space<hbm>>, %arg3: memref<160000xi32, #tpu.memory_space<hbm>>, %arg4: memref<160000xi32, #tpu.memory_space<hbm>>, %arg5: memref<160000x128xf32, #tpu.memory_space<hbm>>, %arg6: memref<160000x128xf32, #tpu.memory_space<hbm>>, %arg7: memref<128xi32, #tpu.memory_space<vmem>>, %arg8: memref<128xi32, #tpu.memory_space<vmem>>, %arg9: memref<128xi32, #tpu.memory_space<vmem>>, %arg10: memref<128xi32, #tpu.memory_space<vmem>>, %arg11: memref<128x128xf32, #tpu.memory_space<vmem>>, %arg12: memref<128x128xf32, #tpu.memory_space<vmem>>, %arg13: memref<128x128xf32, #tpu.memory_space<vmem>>, %arg14: memref<128x128xf32, #tpu.memory_space<vmem>>, %arg15: memref<!tpu.dma_semaphore, #tpu.memory_space<semaphore_mem>>, %arg16: memref<!tpu.dma_semaphore, #tpu.memory_space<semaphore_mem>>, %arg17: memref<!tpu.dma_semaphore, #tpu.memory_space<semaphore_mem>>, %arg18: memref<!tpu.dma_semaphore, #tpu.memory_space<semaphore_mem>>, %arg19: memref<!tpu.dma_semaphore, #tpu.memory_space<semaphore_mem>>, %arg20: memref<!tpu.dma_semaphore, #tpu.memory_space<semaphore_mem>>) attributes {dimension_semantics = [#tpu.dimension_semantics<core_parallel>, #tpu.dimension_semantics<subcore_parallel>], iteration_bounds = array<i64: 2, 16>, scalar_prefetch = 0 : i64, scratch_operands = 14 : i64, tpu.core_type = #tpu.core_type<sc_vector_subcore>, window_params = [{transform_indices = #map}, {transform_indices = #map1}, {transform_indices = #map1}, {transform_indices = #map}, {transform_indices = #map}]} {
    %mul3A = arith.constant 2 : i32
    %mul3A_0 = arith.muli %arg1, %mul3A : i32
    %add3A = arith.addi %mul3A_0, %arg0 : i32
    %add3A_1 = arith.constant 0 : i32
    %add3A_2 = arith.addi %add3A, %add3A_1 : i32
    %min3A = arith.constant 1249 : i32
    %min3A_3 = arith.minsi %add3A_2, %min3A : i32
    %mul3A_4 = arith.constant 128 : i32
    %mul3A_5 = arith.muli %min3A_3, %mul3A_4 : i32
    %dma_start3A = tpu.memref_slice %arg3[%mul3A_5] : memref<160000xi32, #tpu.memory_space<hbm>> -> memref<128xi32, #tpu.memory_space<hbm>>
    %dma_start3A_6 = tpu.memref_slice %arg3[%mul3A_5] : memref<160000xi32, #tpu.memory_space<hbm>> -> memref<128xi32, #tpu.memory_space<hbm>>
    tpu.enqueue_dma source(%dma_start3A_6 : memref<128xi32, #tpu.memory_space<hbm>>) target(%arg7 : memref<128xi32, #tpu.memory_space<vmem>>) target_semaphore(%arg15 : memref<!tpu.dma_semaphore, #tpu.memory_space<semaphore_mem>>)
    %dma_start3A_7 = tpu.memref_slice %arg4[%mul3A_5] : memref<160000xi32, #tpu.memory_space<hbm>> -> memref<128xi32, #tpu.memory_space<hbm>>
    %dma_start3A_8 = tpu.memref_slice %arg4[%mul3A_5] : memref<160000xi32, #tpu.memory_space<hbm>> -> memref<128xi32, #tpu.memory_space<hbm>>
    tpu.enqueue_dma source(%dma_start3A_8 : memref<128xi32, #tpu.memory_space<hbm>>) target(%arg8 : memref<128xi32, #tpu.memory_space<vmem>>) target_semaphore(%arg15 : memref<!tpu.dma_semaphore, #tpu.memory_space<semaphore_mem>>)
    %scan3A = arith.constant 0 : i32
    %scan3A_9 = arith.constant 0 : i32
    %scan3A_10 = arith.constant 20 : i32
    %scan3A_11 = arith.addi %scan3A_9, %scan3A_10 : i32
    %scan3A_12 = arith.constant 1 : i32
    scf.for %scan3A_51 = %scan3A_9 to %scan3A_11 step %scan3A_12  : i32 {
      %mul3A_52 = arith.constant 2 : i32
      %mul3A_53 = arith.muli %mul3A_52, %scan3A_51 : i32
      %add3A_54 = arith.constant 0 : i32
      %add3A_55 = arith.addi %mul3A_53, %add3A_54 : i32
      %mul3A_56 = arith.constant 32 : i32
      %mul3A_57 = arith.muli %add3A_55, %mul3A_56 : i32
      %add3A_58 = arith.addi %add3A, %mul3A_57 : i32
      %min3A_59 = arith.constant 1249 : i32
      %min3A_60 = arith.minsi %add3A_58, %min3A_59 : i32
      %mul3A_61 = arith.constant 128 : i32
      %mul3A_62 = arith.muli %min3A_60, %mul3A_61 : i32
      %add3A_63 = arith.constant 1 : i32
      %add3A_64 = arith.addi %add3A_55, %add3A_63 : i32
      %mul3A_65 = arith.constant 32 : i32
      %mul3A_66 = arith.muli %add3A_64, %mul3A_65 : i32
      %add3A_67 = arith.addi %add3A, %mul3A_66 : i32
      %min3A_68 = arith.constant 1249 : i32
      %min3A_69 = arith.minsi %add3A_67, %min3A_68 : i32
      %mul3A_70 = arith.constant 128 : i32
      %mul3A_71 = arith.muli %min3A_69, %mul3A_70 : i32
      %dma_start3A_72 = tpu.memref_slice %arg3[%mul3A_71] : memref<160000xi32, #tpu.memory_space<hbm>> -> memref<128xi32, #tpu.memory_space<hbm>>
      %dma_start3A_73 = tpu.memref_slice %arg3[%mul3A_71] : memref<160000xi32, #tpu.memory_space<hbm>> -> memref<128xi32, #tpu.memory_space<hbm>>
      tpu.enqueue_dma source(%dma_start3A_73 : memref<128xi32, #tpu.memory_space<hbm>>) target(%arg9 : memref<128xi32, #tpu.memory_space<vmem>>) target_semaphore(%arg16 : memref<!tpu.dma_semaphore, #tpu.memory_space<semaphore_mem>>)
      %dma_start3A_74 = tpu.memref_slice %arg4[%mul3A_71] : memref<160000xi32, #tpu.memory_space<hbm>> -> memref<128xi32, #tpu.memory_space<hbm>>
      %dma_start3A_75 = tpu.memref_slice %arg4[%mul3A_71] : memref<160000xi32, #tpu.memory_space<hbm>> -> memref<128xi32, #tpu.memory_space<hbm>>
      tpu.enqueue_dma source(%dma_start3A_75 : memref<128xi32, #tpu.memory_space<hbm>>) target(%arg10 : memref<128xi32, #tpu.memory_space<vmem>>) target_semaphore(%arg16 : memref<!tpu.dma_semaphore, #tpu.memory_space<semaphore_mem>>)
      %dma_wait3A_76 = tpu.memref_slice %arg3[%mul3A_62] : memref<160000xi32, #tpu.memory_space<hbm>> -> memref<128xi32, #tpu.memory_space<hbm>>
      %dma_wait3A_77 = tpu.memref_slice %arg3[%mul3A_62] : memref<160000xi32, #tpu.memory_space<hbm>> -> memref<128xi32, #tpu.memory_space<hbm>>
      tpu.wait_dma2 semaphore(%arg15 : memref<!tpu.dma_semaphore, #tpu.memory_space<semaphore_mem>>) src(%dma_wait3A_77 : memref<128xi32, #tpu.memory_space<hbm>>) dst(%arg7 : memref<128xi32, #tpu.memory_space<vmem>>)
      %dma_wait3A_78 = tpu.memref_slice %arg4[%mul3A_62] : memref<160000xi32, #tpu.memory_space<hbm>> -> memref<128xi32, #tpu.memory_space<hbm>>
      %dma_wait3A_79 = tpu.memref_slice %arg4[%mul3A_62] : memref<160000xi32, #tpu.memory_space<hbm>> -> memref<128xi32, #tpu.memory_space<hbm>>
      tpu.wait_dma2 semaphore(%arg15 : memref<!tpu.dma_semaphore, #tpu.memory_space<semaphore_mem>>) src(%dma_wait3A_79 : memref<128xi32, #tpu.memory_space<hbm>>) dst(%arg8 : memref<128xi32, #tpu.memory_space<vmem>>)
      %ge3A = arith.constant 1 : i32
      %ge3A_80 = arith.cmpi sge, %scan3A_51, %ge3A : i32
      %convert_element_type3A = arith.extui %ge3A_80 : i1 to i32
      %cond3A = arith.constant 0 : i32
      %cond3A_81 = arith.cmpi ne, %convert_element_type3A, %cond3A : i32
      scf.if %cond3A_81 {
        %sub3A = arith.constant 2 : i32
        %sub3A_155 = arith.subi %add3A_55, %sub3A : i32
        %mul3A_156 = arith.constant 32 : i32
        %mul3A_157 = arith.muli %sub3A_155, %mul3A_156 : i32
        %add3A_158 = arith.addi %add3A, %mul3A_157 : i32
        %min3A_159 = arith.constant 1249 : i32
        %min3A_160 = arith.minsi %add3A_158, %min3A_159 : i32
        %mul3A_161 = arith.constant 128 : i32
        %mul3A_162 = arith.muli %min3A_160, %mul3A_161 : i32
        %dma_wait3A_163 = arith.constant 0 : i32
        %dma_wait3A_164 = tpu.memref_slice %arg5[%mul3A_162, %dma_wait3A_163] : memref<160000x128xf32, #tpu.memory_space<hbm>> -> memref<128x128xf32, #tpu.memory_space<hbm>>
        %dma_wait3A_165 = arith.constant 0 : i32
        %dma_wait3A_166 = tpu.memref_slice %arg5[%mul3A_162, %dma_wait3A_165] : memref<160000x128xf32, #tpu.memory_space<hbm>> -> memref<128x128xf32, #tpu.memory_space<hbm>>
        tpu.wait_dma2 semaphore(%arg19 : memref<!tpu.dma_semaphore, #tpu.memory_space<semaphore_mem>>) src(%arg11 : memref<128x128xf32, #tpu.memory_space<vmem>>) dst(%dma_wait3A_166 : memref<128x128xf32, #tpu.memory_space<hbm>>)
        %dma_wait3A_167 = arith.constant 0 : i32
        %dma_wait3A_168 = tpu.memref_slice %arg6[%mul3A_162, %dma_wait3A_167] : memref<160000x128xf32, #tpu.memory_space<hbm>> -> memref<128x128xf32, #tpu.memory_space<hbm>>
        %dma_wait3A_169 = arith.constant 0 : i32
        %dma_wait3A_170 = tpu.memref_slice %arg6[%mul3A_162, %dma_wait3A_169] : memref<160000x128xf32, #tpu.memory_space<hbm>> -> memref<128x128xf32, #tpu.memory_space<hbm>>
        tpu.wait_dma2 semaphore(%arg19 : memref<!tpu.dma_semaphore, #tpu.memory_space<semaphore_mem>>) src(%arg12 : memref<128x128xf32, #tpu.memory_space<vmem>>) dst(%dma_wait3A_170 : memref<128x128xf32, #tpu.memory_space<hbm>>)
      } else {
      }
      %dma_start3A_82 = arith.constant 0 : i32
      %dma_start3A_83 = arith.constant 0 : i32
      %dma_start3A_84 = tpu.memref_slice %arg2[%dma_start3A_82, %dma_start3A_83] : memref<10000x128xf32, #tpu.memory_space<hbm>> -> memref<10000x128xf32, #tpu.memory_space<hbm>>
      tpu.enqueue_indirect_dma source(%dma_start3A_84 : memref<10000x128xf32, #tpu.memory_space<hbm>>) target(%arg11 : memref<128x128xf32, #tpu.memory_space<vmem>>) offsets(%arg7 : memref<128xi32, #tpu.memory_space<vmem>>) semaphore(%arg17 : memref<!tpu.dma_semaphore, #tpu.memory_space<semaphore_mem>>)
      %dma_start3A_85 = arith.constant 0 : i32
      %dma_start3A_86 = arith.constant 0 : i32
      %dma_start3A_87 = tpu.memref_slice %arg2[%dma_start3A_85, %dma_start3A_86] : memref<10000x128xf32, #tpu.memory_space<hbm>> -> memref<10000x128xf32, #tpu.memory_space<hbm>>
      tpu.enqueue_indirect_dma source(%dma_start3A_87 : memref<10000x128xf32, #tpu.memory_space<hbm>>) target(%arg12 : memref<128x128xf32, #tpu.memory_space<vmem>>) offsets(%arg8 : memref<128xi32, #tpu.memory_space<vmem>>) semaphore(%arg17 : memref<!tpu.dma_semaphore, #tpu.memory_space<semaphore_mem>>)
      %dma_wait3A_88 = arith.constant 0 : i32
      %dma_wait3A_89 = arith.constant 0 : i32
      %dma_wait3A_90 = tpu.memref_slice %arg2[%dma_wait3A_88, %dma_wait3A_89] : memref<10000x128xf32, #tpu.memory_space<hbm>> -> memref<10000x128xf32, #tpu.memory_space<hbm>>
      tpu.wait_indirect_dma semaphore(%arg17 : memref<!tpu.dma_semaphore, #tpu.memory_space<semaphore_mem>>) src(%dma_wait3A_90 : memref<10000x128xf32, #tpu.memory_space<hbm>>) dst(%arg11 : memref<128x128xf32, #tpu.memory_space<vmem>>)
      %dma_wait3A_91 = arith.constant 0 : i32
      %dma_wait3A_92 = arith.constant 0 : i32
      %dma_wait3A_93 = tpu.memref_slice %arg2[%dma_wait3A_91, %dma_wait3A_92] : memref<10000x128xf32, #tpu.memory_space<hbm>> -> memref<10000x128xf32, #tpu.memory_space<hbm>>
      tpu.wait_indirect_dma semaphore(%arg17 : memref<!tpu.dma_semaphore, #tpu.memory_space<semaphore_mem>>) src(%dma_wait3A_93 : memref<10000x128xf32, #tpu.memory_space<hbm>>) dst(%arg12 : memref<128x128xf32, #tpu.memory_space<vmem>>)
      %dma_start3A_94 = arith.constant 0 : i32
      %dma_start3A_95 = tpu.memref_slice %arg5[%mul3A_62, %dma_start3A_94] : memref<160000x128xf32, #tpu.memory_space<hbm>> -> memref<128x128xf32, #tpu.memory_space<hbm>>
      %dma_start3A_96 = arith.constant 0 : i32
      %dma_start3A_97 = tpu.memref_slice %arg5[%mul3A_62, %dma_start3A_96] : memref<160000x128xf32, #tpu.memory_space<hbm>> -> memref<128x128xf32, #tpu.memory_space<hbm>>
      tpu.enqueue_dma source(%arg11 : memref<128x128xf32, #tpu.memory_space<vmem>>) target(%dma_start3A_97 : memref<128x128xf32, #tpu.memory_space<hbm>>) target_semaphore(%arg19 : memref<!tpu.dma_semaphore, #tpu.memory_space<semaphore_mem>>)
      %dma_start3A_98 = arith.constant 0 : i32
      %dma_start3A_99 = tpu.memref_slice %arg6[%mul3A_62, %dma_start3A_98] : memref<160000x128xf32, #tpu.memory_space<hbm>> -> memref<128x128xf32, #tpu.memory_space<hbm>>
      %dma_start3A_100 = arith.constant 0 : i32
      %dma_start3A_101 = tpu.memref_slice %arg6[%mul3A_62, %dma_start3A_100] : memref<160000x128xf32, #tpu.memory_space<hbm>> -> memref<128x128xf32, #tpu.memory_space<hbm>>
      tpu.enqueue_dma source(%arg12 : memref<128x128xf32, #tpu.memory_space<vmem>>) target(%dma_start3A_101 : memref<128x128xf32, #tpu.memory_space<hbm>>) target_semaphore(%arg19 : memref<!tpu.dma_semaphore, #tpu.memory_space<semaphore_mem>>)
      %mul3A_102 = arith.constant 2 : i32
      %mul3A_103 = arith.muli %mul3A_102, %scan3A_51 : i32
      %add3A_104 = arith.constant 1 : i32
      %add3A_105 = arith.addi %mul3A_103, %add3A_104 : i32
      %mul3A_106 = arith.constant 32 : i32
      %mul3A_107 = arith.muli %add3A_105, %mul3A_106 : i32
      %add3A_108 = arith.addi %add3A, %mul3A_107 : i32
      %min3A_109 = arith.constant 1249 : i32
      %min3A_110 = arith.minsi %add3A_108, %min3A_109 : i32
      %mul3A_111 = arith.constant 128 : i32
      %mul3A_112 = arith.muli %min3A_110, %mul3A_111 : i32
      %add3A_113 = arith.constant 1 : i32
      %add3A_114 = arith.addi %add3A_105, %add3A_113 : i32
      %mul3A_115 = arith.constant 32 : i32
      %mul3A_116 = arith.muli %add3A_114, %mul3A_115 : i32
      %add3A_117 = arith.addi %add3A, %mul3A_116 : i32
      %min3A_118 = arith.constant 1249 : i32
      %min3A_119 = arith.minsi %add3A_117, %min3A_118 : i32
      %mul3A_120 = arith.constant 128 : i32
      %mul3A_121 = arith.muli %min3A_119, %mul3A_120 : i32
      %dma_start3A_122 = tpu.memref_slice %arg3[%mul3A_121] : memref<160000xi32, #tpu.memory_space<hbm>> -> memref<128xi32, #tpu.memory_space<hbm>>
      %dma_start3A_123 = tpu.memref_slice %arg3[%mul3A_121] : memref<160000xi32, #tpu.memory_space<hbm>> -> memref<128xi32, #tpu.memory_space<hbm>>
      tpu.enqueue_dma source(%dma_start3A_123 : memref<128xi32, #tpu.memory_space<hbm>>) target(%arg7 : memref<128xi32, #tpu.memory_space<vmem>>) target_semaphore(%arg15 : memref<!tpu.dma_semaphore, #tpu.memory_space<semaphore_mem>>)
      %dma_start3A_124 = tpu.memref_slice %arg4[%mul3A_121] : memref<160000xi32, #tpu.memory_space<hbm>> -> memref<128xi32, #tpu.memory_space<hbm>>
      %dma_start3A_125 = tpu.memref_slice %arg4[%mul3A_121] : memref<160000xi32, #tpu.memory_space<hbm>> -> memref<128xi32, #tpu.memory_space<hbm>>
      tpu.enqueue_dma source(%dma_start3A_125 : memref<128xi32, #tpu.memory_space<hbm>>) target(%arg8 : memref<128xi32, #tpu.memory_space<vmem>>) target_semaphore(%arg15 : memref<!tpu.dma_semaphore, #tpu.memory_space<semaphore_mem>>)
      %dma_wait3A_126 = tpu.memref_slice %arg3[%mul3A_112] : memref<160000xi32, #tpu.memory_space<hbm>> -> memref<128xi32, #tpu.memory_space<hbm>>
      %dma_wait3A_127 = tpu.memref_slice %arg3[%mul3A_112] : memref<160000xi32, #tpu.memory_space<hbm>> -> memref<128xi32, #tpu.memory_space<hbm>>
      tpu.wait_dma2 semaphore(%arg16 : memref<!tpu.dma_semaphore, #tpu.memory_space<semaphore_mem>>) src(%dma_wait3A_127 : memref<128xi32, #tpu.memory_space<hbm>>) dst(%arg9 : memref<128xi32, #tpu.memory_space<vmem>>)
      %dma_wait3A_128 = tpu.memref_slice %arg4[%mul3A_112] : memref<160000xi32, #tpu.memory_space<hbm>> -> memref<128xi32, #tpu.memory_space<hbm>>
      %dma_wait3A_129 = tpu.memref_slice %arg4[%mul3A_112] : memref<160000xi32, #tpu.memory_space<hbm>> -> memref<128xi32, #tpu.memory_space<hbm>>
      tpu.wait_dma2 semaphore(%arg16 : memref<!tpu.dma_semaphore, #tpu.memory_space<semaphore_mem>>) src(%dma_wait3A_129 : memref<128xi32, #tpu.memory_space<hbm>>) dst(%arg10 : memref<128xi32, #tpu.memory_space<vmem>>)
      %ge3A_130 = arith.constant 1 : i32
      %ge3A_131 = arith.cmpi sge, %scan3A_51, %ge3A_130 : i32
      %convert_element_type3A_132 = arith.extui %ge3A_131 : i1 to i32
      %cond3A_133 = arith.constant 0 : i32
      %cond3A_134 = arith.cmpi ne, %convert_element_type3A_132, %cond3A_133 : i32
      scf.if %cond3A_134 {
        %sub3A = arith.constant 2 : i32
        %sub3A_155 = arith.subi %add3A_105, %sub3A : i32
        %mul3A_156 = arith.constant 32 : i32
        %mul3A_157 = arith.muli %sub3A_155, %mul3A_156 : i32
        %add3A_158 = arith.addi %add3A, %mul3A_157 : i32
        %min3A_159 = arith.constant 1249 : i32
        %min3A_160 = arith.minsi %add3A_158, %min3A_159 : i32
        %mul3A_161 = arith.constant 128 : i32
        %mul3A_162 = arith.muli %min3A_160, %mul3A_161 : i32
        %dma_wait3A_163 = arith.constant 0 : i32
        %dma_wait3A_164 = tpu.memref_slice %arg5[%mul3A_162, %dma_wait3A_163] : memref<160000x128xf32, #tpu.memory_space<hbm>> -> memref<128x128xf32, #tpu.memory_space<hbm>>
        %dma_wait3A_165 = arith.constant 0 : i32
        %dma_wait3A_166 = tpu.memref_slice %arg5[%mul3A_162, %dma_wait3A_165] : memref<160000x128xf32, #tpu.memory_space<hbm>> -> memref<128x128xf32, #tpu.memory_space<hbm>>
        tpu.wait_dma2 semaphore(%arg20 : memref<!tpu.dma_semaphore, #tpu.memory_space<semaphore_mem>>) src(%arg13 : memref<128x128xf32, #tpu.memory_space<vmem>>) dst(%dma_wait3A_166 : memref<128x128xf32, #tpu.memory_space<hbm>>)
        %dma_wait3A_167 = arith.constant 0 : i32
        %dma_wait3A_168 = tpu.memref_slice %arg6[%mul3A_162, %dma_wait3A_167] : memref<160000x128xf32, #tpu.memory_space<hbm>> -> memref<128x128xf32, #tpu.memory_space<hbm>>
        %dma_wait3A_169 = arith.constant 0 : i32
        %dma_wait3A_170 = tpu.memref_slice %arg6[%mul3A_162, %dma_wait3A_169] : memref<160000x128xf32, #tpu.memory_space<hbm>> -> memref<128x128xf32, #tpu.memory_space<hbm>>
        tpu.wait_dma2 semaphore(%arg20 : memref<!tpu.dma_semaphore, #tpu.memory_space<semaphore_mem>>) src(%arg14 : memref<128x128xf32, #tpu.memory_space<vmem>>) dst(%dma_wait3A_170 : memref<128x128xf32, #tpu.memory_space<hbm>>)
      } else {
      }
      %dma_start3A_135 = arith.constant 0 : i32
      %dma_start3A_136 = arith.constant 0 : i32
      %dma_start3A_137 = tpu.memref_slice %arg2[%dma_start3A_135, %dma_start3A_136] : memref<10000x128xf32, #tpu.memory_space<hbm>> -> memref<10000x128xf32, #tpu.memory_space<hbm>>
      tpu.enqueue_indirect_dma source(%dma_start3A_137 : memref<10000x128xf32, #tpu.memory_space<hbm>>) target(%arg13 : memref<128x128xf32, #tpu.memory_space<vmem>>) offsets(%arg9 : memref<128xi32, #tpu.memory_space<vmem>>) semaphore(%arg18 : memref<!tpu.dma_semaphore, #tpu.memory_space<semaphore_mem>>)
      %dma_start3A_138 = arith.constant 0 : i32
      %dma_start3A_139 = arith.constant 0 : i32
      %dma_start3A_140 = tpu.memref_slice %arg2[%dma_start3A_138, %dma_start3A_139] : memref<10000x128xf32, #tpu.memory_space<hbm>> -> memref<10000x128xf32, #tpu.memory_space<hbm>>
      tpu.enqueue_indirect_dma source(%dma_start3A_140 : memref<10000x128xf32, #tpu.memory_space<hbm>>) target(%arg14 : memref<128x128xf32, #tpu.memory_space<vmem>>) offsets(%arg10 : memref<128xi32, #tpu.memory_space<vmem>>) semaphore(%arg18 : memref<!tpu.dma_semaphore, #tpu.memory_space<semaphore_mem>>)
      %dma_wait3A_141 = arith.constant 0 : i32
      %dma_wait3A_142 = arith.constant 0 : i32
      %dma_wait3A_143 = tpu.memref_slice %arg2[%dma_wait3A_141, %dma_wait3A_142] : memref<10000x128xf32, #tpu.memory_space<hbm>> -> memref<10000x128xf32, #tpu.memory_space<hbm>>
      tpu.wait_indirect_dma semaphore(%arg18 : memref<!tpu.dma_semaphore, #tpu.memory_space<semaphore_mem>>) src(%dma_wait3A_143 : memref<10000x128xf32, #tpu.memory_space<hbm>>) dst(%arg13 : memref<128x128xf32, #tpu.memory_space<vmem>>)
      %dma_wait3A_144 = arith.constant 0 : i32
      %dma_wait3A_145 = arith.constant 0 : i32
      %dma_wait3A_146 = tpu.memref_slice %arg2[%dma_wait3A_144, %dma_wait3A_145] : memref<10000x128xf32, #tpu.memory_space<hbm>> -> memref<10000x128xf32, #tpu.memory_space<hbm>>
      tpu.wait_indirect_dma semaphore(%arg18 : memref<!tpu.dma_semaphore, #tpu.memory_space<semaphore_mem>>) src(%dma_wait3A_146 : memref<10000x128xf32, #tpu.memory_space<hbm>>) dst(%arg14 : memref<128x128xf32, #tpu.memory_space<vmem>>)
      %dma_start3A_147 = arith.constant 0 : i32
      %dma_start3A_148 = tpu.memref_slice %arg5[%mul3A_112, %dma_start3A_147] : memref<160000x128xf32, #tpu.memory_space<hbm>> -> memref<128x128xf32, #tpu.memory_space<hbm>>
      %dma_start3A_149 = arith.constant 0 : i32
      %dma_start3A_150 = tpu.memref_slice %arg5[%mul3A_112, %dma_start3A_149] : memref<160000x128xf32, #tpu.memory_space<hbm>> -> memref<128x128xf32, #tpu.memory_space<hbm>>
      tpu.enqueue_dma source(%arg13 : memref<128x128xf32, #tpu.memory_space<vmem>>) target(%dma_start3A_150 : memref<128x128xf32, #tpu.memory_space<hbm>>) target_semaphore(%arg20 : memref<!tpu.dma_semaphore, #tpu.memory_space<semaphore_mem>>)
      %dma_start3A_151 = arith.constant 0 : i32
      %dma_start3A_152 = tpu.memref_slice %arg6[%mul3A_112, %dma_start3A_151] : memref<160000x128xf32, #tpu.memory_space<hbm>> -> memref<128x128xf32, #tpu.memory_space<hbm>>
      %dma_start3A_153 = arith.constant 0 : i32
      %dma_start3A_154 = tpu.memref_slice %arg6[%mul3A_112, %dma_start3A_153] : memref<160000x128xf32, #tpu.memory_space<hbm>> -> memref<128x128xf32, #tpu.memory_space<hbm>>
      tpu.enqueue_dma source(%arg14 : memref<128x128xf32, #tpu.memory_space<vmem>>) target(%dma_start3A_154 : memref<128x128xf32, #tpu.memory_space<hbm>>) target_semaphore(%arg20 : memref<!tpu.dma_semaphore, #tpu.memory_space<semaphore_mem>>)
    }
    %scan3A_13 = arith.constant 20 : i32
    %add3A_14 = arith.constant 1280 : i32
    %add3A_15 = arith.addi %add3A, %add3A_14 : i32
    %min3A_16 = arith.constant 1249 : i32
    %min3A_17 = arith.minsi %add3A_15, %min3A_16 : i32
    %mul3A_18 = arith.constant 128 : i32
    %mul3A_19 = arith.muli %min3A_17, %mul3A_18 : i32
    %dma_wait3A = tpu.memref_slice %arg3[%mul3A_19] : memref<160000xi32, #tpu.memory_space<hbm>> -> memref<128xi32, #tpu.memory_space<hbm>>
    %dma_wait3A_20 = tpu.memref_slice %arg3[%mul3A_19] : memref<160000xi32, #tpu.memory_space<hbm>> -> memref<128xi32, #tpu.memory_space<hbm>>
    tpu.wait_dma2 semaphore(%arg15 : memref<!tpu.dma_semaphore, #tpu.memory_space<semaphore_mem>>) src(%dma_wait3A_20 : memref<128xi32, #tpu.memory_space<hbm>>) dst(%arg7 : memref<128xi32, #tpu.memory_space<vmem>>)
    %dma_wait3A_21 = tpu.memref_slice %arg4[%mul3A_19] : memref<160000xi32, #tpu.memory_space<hbm>> -> memref<128xi32, #tpu.memory_space<hbm>>
    %dma_wait3A_22 = tpu.memref_slice %arg4[%mul3A_19] : memref<160000xi32, #tpu.memory_space<hbm>> -> memref<128xi32, #tpu.memory_space<hbm>>
    tpu.wait_dma2 semaphore(%arg15 : memref<!tpu.dma_semaphore, #tpu.memory_space<semaphore_mem>>) src(%dma_wait3A_22 : memref<128xi32, #tpu.memory_space<hbm>>) dst(%arg8 : memref<128xi32, #tpu.memory_space<vmem>>)
    %add3A_23 = arith.constant 1216 : i32
    %add3A_24 = arith.addi %add3A, %add3A_23 : i32
    %min3A_25 = arith.constant 1249 : i32
    %min3A_26 = arith.minsi %add3A_24, %min3A_25 : i32
    %mul3A_27 = arith.constant 128 : i32
    %mul3A_28 = arith.muli %min3A_26, %mul3A_27 : i32
    %dma_wait3A_29 = arith.constant 0 : i32
    %dma_wait3A_30 = tpu.memref_slice %arg5[%mul3A_28, %dma_wait3A_29] : memref<160000x128xf32, #tpu.memory_space<hbm>> -> memref<128x128xf32, #tpu.memory_space<hbm>>
    %dma_wait3A_31 = arith.constant 0 : i32
    %dma_wait3A_32 = tpu.memref_slice %arg5[%mul3A_28, %dma_wait3A_31] : memref<160000x128xf32, #tpu.memory_space<hbm>> -> memref<128x128xf32, #tpu.memory_space<hbm>>
    tpu.wait_dma2 semaphore(%arg19 : memref<!tpu.dma_semaphore, #tpu.memory_space<semaphore_mem>>) src(%arg11 : memref<128x128xf32, #tpu.memory_space<vmem>>) dst(%dma_wait3A_32 : memref<128x128xf32, #tpu.memory_space<hbm>>)
    %dma_wait3A_33 = arith.constant 0 : i32
    %dma_wait3A_34 = tpu.memref_slice %arg6[%mul3A_28, %dma_wait3A_33] : memref<160000x128xf32, #tpu.memory_space<hbm>> -> memref<128x128xf32, #tpu.memory_space<hbm>>
    %dma_wait3A_35 = arith.constant 0 : i32
    %dma_wait3A_36 = tpu.memref_slice %arg6[%mul3A_28, %dma_wait3A_35] : memref<160000x128xf32, #tpu.memory_space<hbm>> -> memref<128x128xf32, #tpu.memory_space<hbm>>
    tpu.wait_dma2 semaphore(%arg19 : memref<!tpu.dma_semaphore, #tpu.memory_space<semaphore_mem>>) src(%arg12 : memref<128x128xf32, #tpu.memory_space<vmem>>) dst(%dma_wait3A_36 : memref<128x128xf32, #tpu.memory_space<hbm>>)
    %add3A_37 = arith.constant 1248 : i32
    %add3A_38 = arith.addi %add3A, %add3A_37 : i32
    %min3A_39 = arith.constant 1249 : i32
    %min3A_40 = arith.minsi %add3A_38, %min3A_39 : i32
    %mul3A_41 = arith.constant 128 : i32
    %mul3A_42 = arith.muli %min3A_40, %mul3A_41 : i32
    %dma_wait3A_43 = arith.constant 0 : i32
    %dma_wait3A_44 = tpu.memref_slice %arg5[%mul3A_42, %dma_wait3A_43] : memref<160000x128xf32, #tpu.memory_space<hbm>> -> memref<128x128xf32, #tpu.memory_space<hbm>>
    %dma_wait3A_45 = arith.constant 0 : i32
    %dma_wait3A_46 = tpu.memref_slice %arg5[%mul3A_42, %dma_wait3A_45] : memref<160000x128xf32, #tpu.memory_space<hbm>> -> memref<128x128xf32, #tpu.memory_space<hbm>>
    tpu.wait_dma2 semaphore(%arg20 : memref<!tpu.dma_semaphore, #tpu.memory_space<semaphore_mem>>) src(%arg13 : memref<128x128xf32, #tpu.memory_space<vmem>>) dst(%dma_wait3A_46 : memref<128x128xf32, #tpu.memory_space<hbm>>)
    %dma_wait3A_47 = arith.constant 0 : i32
    %dma_wait3A_48 = tpu.memref_slice %arg6[%mul3A_42, %dma_wait3A_47] : memref<160000x128xf32, #tpu.memory_space<hbm>> -> memref<128x128xf32, #tpu.memory_space<hbm>>
    %dma_wait3A_49 = arith.constant 0 : i32
    %dma_wait3A_50 = tpu.memref_slice %arg6[%mul3A_42, %dma_wait3A_49] : memref<160000x128xf32, #tpu.memory_space<hbm>> -> memref<128x128xf32, #tpu.memory_space<hbm>>
    tpu.wait_dma2 semaphore(%arg20 : memref<!tpu.dma_semaphore, #tpu.memory_space<semaphore_mem>>) src(%arg14 : memref<128x128xf32, #tpu.memory_space<vmem>>) dst(%dma_wait3A_50 : memref<128x128xf32, #tpu.memory_space<hbm>>)
    return
  }
}

#map = affine_map<(d0, d1) -> (0, 0)>
#map1 = affine_map<(d0, d1) -> (0)>
module attributes {stable_mosaic.version = 14 : i64} {
  func.func @gather(%arg0: i32, %arg1: i32, %arg2: memref<10000x128xf32, #tpu.memory_space<hbm>>, %arg3: memref<160000xi32, #tpu.memory_space<hbm>>, %arg4: memref<160000xi32, #tpu.memory_space<hbm>>, %arg5: memref<160000x128xf32, #tpu.memory_space<hbm>>, %arg6: memref<160000x128xf32, #tpu.memory_space<hbm>>, %arg7: memref<128xi32, #tpu.memory_space<vmem>>, %arg8: memref<128xi32, #tpu.memory_space<vmem>>, %arg9: memref<128xi32, #tpu.memory_space<vmem>>, %arg10: memref<128xi32, #tpu.memory_space<vmem>>, %arg11: memref<128x128xf32, #tpu.memory_space<vmem>>, %arg12: memref<128x128xf32, #tpu.memory_space<vmem>>, %arg13: memref<128x128xf32, #tpu.memory_space<vmem>>, %arg14: memref<128x128xf32, #tpu.memory_space<vmem>>, %arg15: memref<!tpu.dma_semaphore, #tpu.memory_space<semaphore_mem>>, %arg16: memref<!tpu.dma_semaphore, #tpu.memory_space<semaphore_mem>>, %arg17: memref<!tpu.dma_semaphore, #tpu.memory_space<semaphore_mem>>, %arg18: memref<!tpu.dma_semaphore, #tpu.memory_space<semaphore_mem>>, %arg19: memref<!tpu.dma_semaphore, #tpu.memory_space<semaphore_mem>>, %arg20: memref<!tpu.dma_semaphore, #tpu.memory_space<semaphore_mem>>) attributes {dimension_semantics = [#tpu.dimension_semantics<core_parallel>, #tpu.dimension_semantics<subcore_parallel>], iteration_bounds = array<i64: 2, 16>, scalar_prefetch = 0 : i64, scratch_operands = 14 : i64, tpu.core_type = #tpu.core_type<sc_vector_subcore>, window_params = [{transform_indices = #map}, {transform_indices = #map1}, {transform_indices = #map1}, {transform_indices = #map}, {transform_indices = #map}]} {
    %mul3A = arith.constant 2 : i32
    %mul3A_0 = arith.muli %arg1, %mul3A : i32
    %add3A = arith.addi %mul3A_0, %arg0 : i32
    %add3A_1 = arith.constant 0 : i32
    %add3A_2 = arith.addi %add3A, %add3A_1 : i32
    %min3A = arith.constant 1249 : i32
    %min3A_3 = arith.minsi %add3A_2, %min3A : i32
    %mul3A_4 = arith.constant 128 : i32
    %mul3A_5 = arith.muli %min3A_3, %mul3A_4 : i32
    %dma_start3A = tpu.memref_slice %arg3[%mul3A_5] : memref<160000xi32, #tpu.memory_space<hbm>> -> memref<128xi32, #tpu.memory_space<hbm>>
    %dma_start3A_6 = tpu.memref_slice %arg3[%mul3A_5] : memref<160000xi32, #tpu.memory_space<hbm>> -> memref<128xi32, #tpu.memory_space<hbm>>
    tpu.enqueue_dma source(%dma_start3A_6 : memref<128xi32, #tpu.memory_space<hbm>>) target(%arg7 : memref<128xi32, #tpu.memory_space<vmem>>) target_semaphore(%arg15 : memref<!tpu.dma_semaphore, #tpu.memory_space<semaphore_mem>>)
    %dma_start3A_7 = tpu.memref_slice %arg4[%mul3A_5] : memref<160000xi32, #tpu.memory_space<hbm>> -> memref<128xi32, #tpu.memory_space<hbm>>
    %dma_start3A_8 = tpu.memref_slice %arg4[%mul3A_5] : memref<160000xi32, #tpu.memory_space<hbm>> -> memref<128xi32, #tpu.memory_space<hbm>>
    tpu.enqueue_dma source(%dma_start3A_8 : memref<128xi32, #tpu.memory_space<hbm>>) target(%arg8 : memref<128xi32, #tpu.memory_space<vmem>>) target_semaphore(%arg15 : memref<!tpu.dma_semaphore, #tpu.memory_space<semaphore_mem>>)
    %scan3A = arith.constant 0 : i32
    %scan3A_9 = arith.constant 0 : i32
    %scan3A_10 = arith.constant 20 : i32
    %scan3A_11 = arith.addi %scan3A_9, %scan3A_10 : i32
    %scan3A_12 = arith.constant 1 : i32
    scf.for %scan3A_51 = %scan3A_9 to %scan3A_11 step %scan3A_12  : i32 {
      %mul3A_52 = arith.constant 2 : i32
      %mul3A_53 = arith.muli %mul3A_52, %scan3A_51 : i32
      %add3A_54 = arith.constant 0 : i32
      %add3A_55 = arith.addi %mul3A_53, %add3A_54 : i32
      %mul3A_56 = arith.constant 32 : i32
      %mul3A_57 = arith.muli %add3A_55, %mul3A_56 : i32
      %add3A_58 = arith.addi %add3A, %mul3A_57 : i32
      %min3A_59 = arith.constant 1249 : i32
      %min3A_60 = arith.minsi %add3A_58, %min3A_59 : i32
      %mul3A_61 = arith.constant 128 : i32
      %mul3A_62 = arith.muli %min3A_60, %mul3A_61 : i32
      %add3A_63 = arith.constant 1 : i32
      %add3A_64 = arith.addi %add3A_55, %add3A_63 : i32
      %mul3A_65 = arith.constant 32 : i32
      %mul3A_66 = arith.muli %add3A_64, %mul3A_65 : i32
      %add3A_67 = arith.addi %add3A, %mul3A_66 : i32
      %min3A_68 = arith.constant 1249 : i32
      %min3A_69 = arith.minsi %add3A_67, %min3A_68 : i32
      %mul3A_70 = arith.constant 128 : i32
      %mul3A_71 = arith.muli %min3A_69, %mul3A_70 : i32
      %dma_start3A_72 = tpu.memref_slice %arg3[%mul3A_71] : memref<160000xi32, #tpu.memory_space<hbm>> -> memref<128xi32, #tpu.memory_space<hbm>>
      %dma_start3A_73 = tpu.memref_slice %arg3[%mul3A_71] : memref<160000xi32, #tpu.memory_space<hbm>> -> memref<128xi32, #tpu.memory_space<hbm>>
      tpu.enqueue_dma source(%dma_start3A_73 : memref<128xi32, #tpu.memory_space<hbm>>) target(%arg9 : memref<128xi32, #tpu.memory_space<vmem>>) target_semaphore(%arg16 : memref<!tpu.dma_semaphore, #tpu.memory_space<semaphore_mem>>)
      %dma_start3A_74 = tpu.memref_slice %arg4[%mul3A_71] : memref<160000xi32, #tpu.memory_space<hbm>> -> memref<128xi32, #tpu.memory_space<hbm>>
      %dma_start3A_75 = tpu.memref_slice %arg4[%mul3A_71] : memref<160000xi32, #tpu.memory_space<hbm>> -> memref<128xi32, #tpu.memory_space<hbm>>
      tpu.enqueue_dma source(%dma_start3A_75 : memref<128xi32, #tpu.memory_space<hbm>>) target(%arg10 : memref<128xi32, #tpu.memory_space<vmem>>) target_semaphore(%arg16 : memref<!tpu.dma_semaphore, #tpu.memory_space<semaphore_mem>>)
      %dma_wait3A_76 = tpu.memref_slice %arg3[%mul3A_62] : memref<160000xi32, #tpu.memory_space<hbm>> -> memref<128xi32, #tpu.memory_space<hbm>>
      %dma_wait3A_77 = tpu.memref_slice %arg3[%mul3A_62] : memref<160000xi32, #tpu.memory_space<hbm>> -> memref<128xi32, #tpu.memory_space<hbm>>
      tpu.wait_dma2 semaphore(%arg15 : memref<!tpu.dma_semaphore, #tpu.memory_space<semaphore_mem>>) src(%dma_wait3A_77 : memref<128xi32, #tpu.memory_space<hbm>>) dst(%arg7 : memref<128xi32, #tpu.memory_space<vmem>>)
      %dma_wait3A_78 = tpu.memref_slice %arg4[%mul3A_62] : memref<160000xi32, #tpu.memory_space<hbm>> -> memref<128xi32, #tpu.memory_space<hbm>>
      %dma_wait3A_79 = tpu.memref_slice %arg4[%mul3A_62] : memref<160000xi32, #tpu.memory_space<hbm>> -> memref<128xi32, #tpu.memory_space<hbm>>
      tpu.wait_dma2 semaphore(%arg15 : memref<!tpu.dma_semaphore, #tpu.memory_space<semaphore_mem>>) src(%dma_wait3A_79 : memref<128xi32, #tpu.memory_space<hbm>>) dst(%arg8 : memref<128xi32, #tpu.memory_space<vmem>>)
      %ge3A = arith.constant 1 : i32
      %ge3A_80 = arith.cmpi sge, %scan3A_51, %ge3A : i32
      %convert_element_type3A = arith.extui %ge3A_80 : i1 to i32
      %cond3A = arith.constant 0 : i32
      %cond3A_81 = arith.cmpi ne, %convert_element_type3A, %cond3A : i32
      scf.if %cond3A_81 {
        %sub3A = arith.constant 2 : i32
        %sub3A_155 = arith.subi %add3A_55, %sub3A : i32
        %mul3A_156 = arith.constant 32 : i32
        %mul3A_157 = arith.muli %sub3A_155, %mul3A_156 : i32
        %add3A_158 = arith.addi %add3A, %mul3A_157 : i32
        %min3A_159 = arith.constant 1249 : i32
        %min3A_160 = arith.minsi %add3A_158, %min3A_159 : i32
        %mul3A_161 = arith.constant 128 : i32
        %mul3A_162 = arith.muli %min3A_160, %mul3A_161 : i32
        %dma_wait3A_163 = arith.constant 0 : i32
        %dma_wait3A_164 = tpu.memref_slice %arg5[%mul3A_162, %dma_wait3A_163] : memref<160000x128xf32, #tpu.memory_space<hbm>> -> memref<128x128xf32, #tpu.memory_space<hbm>>
        %dma_wait3A_165 = arith.constant 0 : i32
        %dma_wait3A_166 = tpu.memref_slice %arg5[%mul3A_162, %dma_wait3A_165] : memref<160000x128xf32, #tpu.memory_space<hbm>> -> memref<128x128xf32, #tpu.memory_space<hbm>>
        tpu.wait_dma2 semaphore(%arg19 : memref<!tpu.dma_semaphore, #tpu.memory_space<semaphore_mem>>) src(%arg11 : memref<128x128xf32, #tpu.memory_space<vmem>>) dst(%dma_wait3A_166 : memref<128x128xf32, #tpu.memory_space<hbm>>)
        %dma_wait3A_167 = arith.constant 0 : i32
        %dma_wait3A_168 = tpu.memref_slice %arg6[%mul3A_162, %dma_wait3A_167] : memref<160000x128xf32, #tpu.memory_space<hbm>> -> memref<128x128xf32, #tpu.memory_space<hbm>>
        %dma_wait3A_169 = arith.constant 0 : i32
        %dma_wait3A_170 = tpu.memref_slice %arg6[%mul3A_162, %dma_wait3A_169] : memref<160000x128xf32, #tpu.memory_space<hbm>> -> memref<128x128xf32, #tpu.memory_space<hbm>>
        tpu.wait_dma2 semaphore(%arg19 : memref<!tpu.dma_semaphore, #tpu.memory_space<semaphore_mem>>) src(%arg12 : memref<128x128xf32, #tpu.memory_space<vmem>>) dst(%dma_wait3A_170 : memref<128x128xf32, #tpu.memory_space<hbm>>)
      } else {
      }
      %dma_start3A_82 = arith.constant 0 : i32
      %dma_start3A_83 = arith.constant 0 : i32
      %dma_start3A_84 = tpu.memref_slice %arg2[%dma_start3A_82, %dma_start3A_83] : memref<10000x128xf32, #tpu.memory_space<hbm>> -> memref<10000x128xf32, #tpu.memory_space<hbm>>
      tpu.enqueue_indirect_dma source(%dma_start3A_84 : memref<10000x128xf32, #tpu.memory_space<hbm>>) target(%arg11 : memref<128x128xf32, #tpu.memory_space<vmem>>) offsets(%arg7 : memref<128xi32, #tpu.memory_space<vmem>>) semaphore(%arg17 : memref<!tpu.dma_semaphore, #tpu.memory_space<semaphore_mem>>)
      %dma_start3A_85 = arith.constant 0 : i32
      %dma_start3A_86 = arith.constant 0 : i32
      %dma_start3A_87 = tpu.memref_slice %arg2[%dma_start3A_85, %dma_start3A_86] : memref<10000x128xf32, #tpu.memory_space<hbm>> -> memref<10000x128xf32, #tpu.memory_space<hbm>>
      tpu.enqueue_indirect_dma source(%dma_start3A_87 : memref<10000x128xf32, #tpu.memory_space<hbm>>) target(%arg12 : memref<128x128xf32, #tpu.memory_space<vmem>>) offsets(%arg8 : memref<128xi32, #tpu.memory_space<vmem>>) semaphore(%arg17 : memref<!tpu.dma_semaphore, #tpu.memory_space<semaphore_mem>>)
      %dma_wait3A_88 = arith.constant 0 : i32
      %dma_wait3A_89 = arith.constant 0 : i32
      %dma_wait3A_90 = tpu.memref_slice %arg2[%dma_wait3A_88, %dma_wait3A_89] : memref<10000x128xf32, #tpu.memory_space<hbm>> -> memref<10000x128xf32, #tpu.memory_space<hbm>>
      tpu.wait_indirect_dma semaphore(%arg17 : memref<!tpu.dma_semaphore, #tpu.memory_space<semaphore_mem>>) src(%dma_wait3A_90 : memref<10000x128xf32, #tpu.memory_space<hbm>>) dst(%arg11 : memref<128x128xf32, #tpu.memory_space<vmem>>)
      %dma_wait3A_91 = arith.constant 0 : i32
      %dma_wait3A_92 = arith.constant 0 : i32
      %dma_wait3A_93 = tpu.memref_slice %arg2[%dma_wait3A_91, %dma_wait3A_92] : memref<10000x128xf32, #tpu.memory_space<hbm>> -> memref<10000x128xf32, #tpu.memory_space<hbm>>
      tpu.wait_indirect_dma semaphore(%arg17 : memref<!tpu.dma_semaphore, #tpu.memory_space<semaphore_mem>>) src(%dma_wait3A_93 : memref<10000x128xf32, #tpu.memory_space<hbm>>) dst(%arg12 : memref<128x128xf32, #tpu.memory_space<vmem>>)
      %dma_start3A_94 = arith.constant 0 : i32
      %dma_start3A_95 = tpu.memref_slice %arg5[%mul3A_62, %dma_start3A_94] : memref<160000x128xf32, #tpu.memory_space<hbm>> -> memref<128x128xf32, #tpu.memory_space<hbm>>
      %dma_start3A_96 = arith.constant 0 : i32
      %dma_start3A_97 = tpu.memref_slice %arg5[%mul3A_62, %dma_start3A_96] : memref<160000x128xf32, #tpu.memory_space<hbm>> -> memref<128x128xf32, #tpu.memory_space<hbm>>
      tpu.enqueue_dma source(%arg11 : memref<128x128xf32, #tpu.memory_space<vmem>>) target(%dma_start3A_97 : memref<128x128xf32, #tpu.memory_space<hbm>>) target_semaphore(%arg19 : memref<!tpu.dma_semaphore, #tpu.memory_space<semaphore_mem>>)
      %dma_start3A_98 = arith.constant 0 : i32
      %dma_start3A_99 = tpu.memref_slice %arg6[%mul3A_62, %dma_start3A_98] : memref<160000x128xf32, #tpu.memory_space<hbm>> -> memref<128x128xf32, #tpu.memory_space<hbm>>
      %dma_start3A_100 = arith.constant 0 : i32
      %dma_start3A_101 = tpu.memref_slice %arg6[%mul3A_62, %dma_start3A_100] : memref<160000x128xf32, #tpu.memory_space<hbm>> -> memref<128x128xf32, #tpu.memory_space<hbm>>
      tpu.enqueue_dma source(%arg12 : memref<128x128xf32, #tpu.memory_space<vmem>>) target(%dma_start3A_101 : memref<128x128xf32, #tpu.memory_space<hbm>>) target_semaphore(%arg19 : memref<!tpu.dma_semaphore, #tpu.memory_space<semaphore_mem>>)
      %mul3A_102 = arith.constant 2 : i32
      %mul3A_103 = arith.muli %mul3A_102, %scan3A_51 : i32
      %add3A_104 = arith.constant 1 : i32
      %add3A_105 = arith.addi %mul3A_103, %add3A_104 : i32
      %mul3A_106 = arith.constant 32 : i32
      %mul3A_107 = arith.muli %add3A_105, %mul3A_106 : i32
      %add3A_108 = arith.addi %add3A, %mul3A_107 : i32
      %min3A_109 = arith.constant 1249 : i32
      %min3A_110 = arith.minsi %add3A_108, %min3A_109 : i32
      %mul3A_111 = arith.constant 128 : i32
      %mul3A_112 = arith.muli %min3A_110, %mul3A_111 : i32
      %add3A_113 = arith.constant 1 : i32
      %add3A_114 = arith.addi %add3A_105, %add3A_113 : i32
      %mul3A_115 = arith.constant 32 : i32
      %mul3A_116 = arith.muli %add3A_114, %mul3A_115 : i32
      %add3A_117 = arith.addi %add3A, %mul3A_116 : i32
      %min3A_118 = arith.constant 1249 : i32
      %min3A_119 = arith.minsi %add3A_117, %min3A_118 : i32
      %mul3A_120 = arith.constant 128 : i32
      %mul3A_121 = arith.muli %min3A_119, %mul3A_120 : i32
      %dma_start3A_122 = tpu.memref_slice %arg3[%mul3A_121] : memref<160000xi32, #tpu.memory_space<hbm>> -> memref<128xi32, #tpu.memory_space<hbm>>
      %dma_start3A_123 = tpu.memref_slice %arg3[%mul3A_121] : memref<160000xi32, #tpu.memory_space<hbm>> -> memref<128xi32, #tpu.memory_space<hbm>>
      tpu.enqueue_dma source(%dma_start3A_123 : memref<128xi32, #tpu.memory_space<hbm>>) target(%arg7 : memref<128xi32, #tpu.memory_space<vmem>>) target_semaphore(%arg15 : memref<!tpu.dma_semaphore, #tpu.memory_space<semaphore_mem>>)
      %dma_start3A_124 = tpu.memref_slice %arg4[%mul3A_121] : memref<160000xi32, #tpu.memory_space<hbm>> -> memref<128xi32, #tpu.memory_space<hbm>>
      %dma_start3A_125 = tpu.memref_slice %arg4[%mul3A_121] : memref<160000xi32, #tpu.memory_space<hbm>> -> memref<128xi32, #tpu.memory_space<hbm>>
      tpu.enqueue_dma source(%dma_start3A_125 : memref<128xi32, #tpu.memory_space<hbm>>) target(%arg8 : memref<128xi32, #tpu.memory_space<vmem>>) target_semaphore(%arg15 : memref<!tpu.dma_semaphore, #tpu.memory_space<semaphore_mem>>)
      %dma_wait3A_126 = tpu.memref_slice %arg3[%mul3A_112] : memref<160000xi32, #tpu.memory_space<hbm>> -> memref<128xi32, #tpu.memory_space<hbm>>
      %dma_wait3A_127 = tpu.memref_slice %arg3[%mul3A_112] : memref<160000xi32, #tpu.memory_space<hbm>> -> memref<128xi32, #tpu.memory_space<hbm>>
      tpu.wait_dma2 semaphore(%arg16 : memref<!tpu.dma_semaphore, #tpu.memory_space<semaphore_mem>>) src(%dma_wait3A_127 : memref<128xi32, #tpu.memory_space<hbm>>) dst(%arg9 : memref<128xi32, #tpu.memory_space<vmem>>)
      %dma_wait3A_128 = tpu.memref_slice %arg4[%mul3A_112] : memref<160000xi32, #tpu.memory_space<hbm>> -> memref<128xi32, #tpu.memory_space<hbm>>
      %dma_wait3A_129 = tpu.memref_slice %arg4[%mul3A_112] : memref<160000xi32, #tpu.memory_space<hbm>> -> memref<128xi32, #tpu.memory_space<hbm>>
      tpu.wait_dma2 semaphore(%arg16 : memref<!tpu.dma_semaphore, #tpu.memory_space<semaphore_mem>>) src(%dma_wait3A_129 : memref<128xi32, #tpu.memory_space<hbm>>) dst(%arg10 : memref<128xi32, #tpu.memory_space<vmem>>)
      %ge3A_130 = arith.constant 1 : i32
      %ge3A_131 = arith.cmpi sge, %scan3A_51, %ge3A_130 : i32
      %convert_element_type3A_132 = arith.extui %ge3A_131 : i1 to i32
      %cond3A_133 = arith.constant 0 : i32
      %cond3A_134 = arith.cmpi ne, %convert_element_type3A_132, %cond3A_133 : i32
      scf.if %cond3A_134 {
        %sub3A = arith.constant 2 : i32
        %sub3A_155 = arith.subi %add3A_105, %sub3A : i32
        %mul3A_156 = arith.constant 32 : i32
        %mul3A_157 = arith.muli %sub3A_155, %mul3A_156 : i32
        %add3A_158 = arith.addi %add3A, %mul3A_157 : i32
        %min3A_159 = arith.constant 1249 : i32
        %min3A_160 = arith.minsi %add3A_158, %min3A_159 : i32
        %mul3A_161 = arith.constant 128 : i32
        %mul3A_162 = arith.muli %min3A_160, %mul3A_161 : i32
        %dma_wait3A_163 = arith.constant 0 : i32
        %dma_wait3A_164 = tpu.memref_slice %arg5[%mul3A_162, %dma_wait3A_163] : memref<160000x128xf32, #tpu.memory_space<hbm>> -> memref<128x128xf32, #tpu.memory_space<hbm>>
        %dma_wait3A_165 = arith.constant 0 : i32
        %dma_wait3A_166 = tpu.memref_slice %arg5[%mul3A_162, %dma_wait3A_165] : memref<160000x128xf32, #tpu.memory_space<hbm>> -> memref<128x128xf32, #tpu.memory_space<hbm>>
        tpu.wait_dma2 semaphore(%arg20 : memref<!tpu.dma_semaphore, #tpu.memory_space<semaphore_mem>>) src(%arg13 : memref<128x128xf32, #tpu.memory_space<vmem>>) dst(%dma_wait3A_166 : memref<128x128xf32, #tpu.memory_space<hbm>>)
        %dma_wait3A_167 = arith.constant 0 : i32
        %dma_wait3A_168 = tpu.memref_slice %arg6[%mul3A_162, %dma_wait3A_167] : memref<160000x128xf32, #tpu.memory_space<hbm>> -> memref<128x128xf32, #tpu.memory_space<hbm>>
        %dma_wait3A_169 = arith.constant 0 : i32
        %dma_wait3A_170 = tpu.memref_slice %arg6[%mul3A_162, %dma_wait3A_169] : memref<160000x128xf32, #tpu.memory_space<hbm>> -> memref<128x128xf32, #tpu.memory_space<hbm>>
        tpu.wait_dma2 semaphore(%arg20 : memref<!tpu.dma_semaphore, #tpu.memory_space<semaphore_mem>>) src(%arg14 : memref<128x128xf32, #tpu.memory_space<vmem>>) dst(%dma_wait3A_170 : memref<128x128xf32, #tpu.memory_space<hbm>>)
      } else {
      }
      %dma_start3A_135 = arith.constant 0 : i32
      %dma_start3A_136 = arith.constant 0 : i32
      %dma_start3A_137 = tpu.memref_slice %arg2[%dma_start3A_135, %dma_start3A_136] : memref<10000x128xf32, #tpu.memory_space<hbm>> -> memref<10000x128xf32, #tpu.memory_space<hbm>>
      tpu.enqueue_indirect_dma source(%dma_start3A_137 : memref<10000x128xf32, #tpu.memory_space<hbm>>) target(%arg13 : memref<128x128xf32, #tpu.memory_space<vmem>>) offsets(%arg9 : memref<128xi32, #tpu.memory_space<vmem>>) semaphore(%arg18 : memref<!tpu.dma_semaphore, #tpu.memory_space<semaphore_mem>>)
      %dma_start3A_138 = arith.constant 0 : i32
      %dma_start3A_139 = arith.constant 0 : i32
      %dma_start3A_140 = tpu.memref_slice %arg2[%dma_start3A_138, %dma_start3A_139] : memref<10000x128xf32, #tpu.memory_space<hbm>> -> memref<10000x128xf32, #tpu.memory_space<hbm>>
      tpu.enqueue_indirect_dma source(%dma_start3A_140 : memref<10000x128xf32, #tpu.memory_space<hbm>>) target(%arg14 : memref<128x128xf32, #tpu.memory_space<vmem>>) offsets(%arg10 : memref<128xi32, #tpu.memory_space<vmem>>) semaphore(%arg18 : memref<!tpu.dma_semaphore, #tpu.memory_space<semaphore_mem>>)
      %dma_wait3A_141 = arith.constant 0 : i32
      %dma_wait3A_142 = arith.constant 0 : i32
      %dma_wait3A_143 = tpu.memref_slice %arg2[%dma_wait3A_141, %dma_wait3A_142] : memref<10000x128xf32, #tpu.memory_space<hbm>> -> memref<10000x128xf32, #tpu.memory_space<hbm>>
      tpu.wait_indirect_dma semaphore(%arg18 : memref<!tpu.dma_semaphore, #tpu.memory_space<semaphore_mem>>) src(%dma_wait3A_143 : memref<10000x128xf32, #tpu.memory_space<hbm>>) dst(%arg13 : memref<128x128xf32, #tpu.memory_space<vmem>>)
      %dma_wait3A_144 = arith.constant 0 : i32
      %dma_wait3A_145 = arith.constant 0 : i32
      %dma_wait3A_146 = tpu.memref_slice %arg2[%dma_wait3A_144, %dma_wait3A_145] : memref<10000x128xf32, #tpu.memory_space<hbm>> -> memref<10000x128xf32, #tpu.memory_space<hbm>>
      tpu.wait_indirect_dma semaphore(%arg18 : memref<!tpu.dma_semaphore, #tpu.memory_space<semaphore_mem>>) src(%dma_wait3A_146 : memref<10000x128xf32, #tpu.memory_space<hbm>>) dst(%arg14 : memref<128x128xf32, #tpu.memory_space<vmem>>)
      %dma_start3A_147 = arith.constant 0 : i32
      %dma_start3A_148 = tpu.memref_slice %arg5[%mul3A_112, %dma_start3A_147] : memref<160000x128xf32, #tpu.memory_space<hbm>> -> memref<128x128xf32, #tpu.memory_space<hbm>>
      %dma_start3A_149 = arith.constant 0 : i32
      %dma_start3A_150 = tpu.memref_slice %arg5[%mul3A_112, %dma_start3A_149] : memref<160000x128xf32, #tpu.memory_space<hbm>> -> memref<128x128xf32, #tpu.memory_space<hbm>>
      tpu.enqueue_dma source(%arg13 : memref<128x128xf32, #tpu.memory_space<vmem>>) target(%dma_start3A_150 : memref<128x128xf32, #tpu.memory_space<hbm>>) target_semaphore(%arg20 : memref<!tpu.dma_semaphore, #tpu.memory_space<semaphore_mem>>)
      %dma_start3A_151 = arith.constant 0 : i32
      %dma_start3A_152 = tpu.memref_slice %arg6[%mul3A_112, %dma_start3A_151] : memref<160000x128xf32, #tpu.memory_space<hbm>> -> memref<128x128xf32, #tpu.memory_space<hbm>>
      %dma_start3A_153 = arith.constant 0 : i32
      %dma_start3A_154 = tpu.memref_slice %arg6[%mul3A_112, %dma_start3A_153] : memref<160000x128xf32, #tpu.memory_space<hbm>> -> memref<128x128xf32, #tpu.memory_space<hbm>>
      tpu.enqueue_dma source(%arg14 : memref<128x128xf32, #tpu.memory_space<vmem>>) target(%dma_start3A_154 : memref<128x128xf32, #tpu.memory_space<hbm>>) target_semaphore(%arg20 : memref<!tpu.dma_semaphore, #tpu.memory_space<semaphore_mem>>)
    }
    %scan3A_13 = arith.constant 20 : i32
    %add3A_14 = arith.constant 1280 : i32
    %add3A_15 = arith.addi %add3A, %add3A_14 : i32
    %min3A_16 = arith.constant 1249 : i32
    %min3A_17 = arith.minsi %add3A_15, %min3A_16 : i32
    %mul3A_18 = arith.constant 128 : i32
    %mul3A_19 = arith.muli %min3A_17, %mul3A_18 : i32
    %dma_wait3A = tpu.memref_slice %arg3[%mul3A_19] : memref<160000xi32, #tpu.memory_space<hbm>> -> memref<128xi32, #tpu.memory_space<hbm>>
    %dma_wait3A_20 = tpu.memref_slice %arg3[%mul3A_19] : memref<160000xi32, #tpu.memory_space<hbm>> -> memref<128xi32, #tpu.memory_space<hbm>>
    tpu.wait_dma2 semaphore(%arg15 : memref<!tpu.dma_semaphore, #tpu.memory_space<semaphore_mem>>) src(%dma_wait3A_20 : memref<128xi32, #tpu.memory_space<hbm>>) dst(%arg7 : memref<128xi32, #tpu.memory_space<vmem>>)
    %dma_wait3A_21 = tpu.memref_slice %arg4[%mul3A_19] : memref<160000xi32, #tpu.memory_space<hbm>> -> memref<128xi32, #tpu.memory_space<hbm>>
    %dma_wait3A_22 = tpu.memref_slice %arg4[%mul3A_19] : memref<160000xi32, #tpu.memory_space<hbm>> -> memref<128xi32, #tpu.memory_space<hbm>>
    tpu.wait_dma2 semaphore(%arg15 : memref<!tpu.dma_semaphore, #tpu.memory_space<semaphore_mem>>) src(%dma_wait3A_22 : memref<128xi32, #tpu.memory_space<hbm>>) dst(%arg8 : memref<128xi32, #tpu.memory_space<vmem>>)
    %add3A_23 = arith.constant 1216 : i32
    %add3A_24 = arith.addi %add3A, %add3A_23 : i32
    %min3A_25 = arith.constant 1249 : i32
    %min3A_26 = arith.minsi %add3A_24, %min3A_25 : i32
    %mul3A_27 = arith.constant 128 : i32
    %mul3A_28 = arith.muli %min3A_26, %mul3A_27 : i32
    %dma_wait3A_29 = arith.constant 0 : i32
    %dma_wait3A_30 = tpu.memref_slice %arg5[%mul3A_28, %dma_wait3A_29] : memref<160000x128xf32, #tpu.memory_space<hbm>> -> memref<128x128xf32, #tpu.memory_space<hbm>>
    %dma_wait3A_31 = arith.constant 0 : i32
    %dma_wait3A_32 = tpu.memref_slice %arg5[%mul3A_28, %dma_wait3A_31] : memref<160000x128xf32, #tpu.memory_space<hbm>> -> memref<128x128xf32, #tpu.memory_space<hbm>>
    tpu.wait_dma2 semaphore(%arg19 : memref<!tpu.dma_semaphore, #tpu.memory_space<semaphore_mem>>) src(%arg11 : memref<128x128xf32, #tpu.memory_space<vmem>>) dst(%dma_wait3A_32 : memref<128x128xf32, #tpu.memory_space<hbm>>)
    %dma_wait3A_33 = arith.constant 0 : i32
    %dma_wait3A_34 = tpu.memref_slice %arg6[%mul3A_28, %dma_wait3A_33] : memref<160000x128xf32, #tpu.memory_space<hbm>> -> memref<128x128xf32, #tpu.memory_space<hbm>>
    %dma_wait3A_35 = arith.constant 0 : i32
    %dma_wait3A_36 = tpu.memref_slice %arg6[%mul3A_28, %dma_wait3A_35] : memref<160000x128xf32, #tpu.memory_space<hbm>> -> memref<128x128xf32, #tpu.memory_space<hbm>>
    tpu.wait_dma2 semaphore(%arg19 : memref<!tpu.dma_semaphore, #tpu.memory_space<semaphore_mem>>) src(%arg12 : memref<128x128xf32, #tpu.memory_space<vmem>>) dst(%dma_wait3A_36 : memref<128x128xf32, #tpu.memory_space<hbm>>)
    %add3A_37 = arith.constant 1248 : i32
    %add3A_38 = arith.addi %add3A, %add3A_37 : i32
    %min3A_39 = arith.constant 1249 : i32
    %min3A_40 = arith.minsi %add3A_38, %min3A_39 : i32
    %mul3A_41 = arith.constant 128 : i32
    %mul3A_42 = arith.muli %min3A_40, %mul3A_41 : i32
    %dma_wait3A_43 = arith.constant 0 : i32
    %dma_wait3A_44 = tpu.memref_slice %arg5[%mul3A_42, %dma_wait3A_43] : memref<160000x128xf32, #tpu.memory_space<hbm>> -> memref<128x128xf32, #tpu.memory_space<hbm>>
    %dma_wait3A_45 = arith.constant 0 : i32
    %dma_wait3A_46 = tpu.memref_slice %arg5[%mul3A_42, %dma_wait3A_45] : memref<160000x128xf32, #tpu.memory_space<hbm>> -> memref<128x128xf32, #tpu.memory_space<hbm>>
    tpu.wait_dma2 semaphore(%arg20 : memref<!tpu.dma_semaphore, #tpu.memory_space<semaphore_mem>>) src(%arg13 : memref<128x128xf32, #tpu.memory_space<vmem>>) dst(%dma_wait3A_46 : memref<128x128xf32, #tpu.memory_space<hbm>>)
    %dma_wait3A_47 = arith.constant 0 : i32
    %dma_wait3A_48 = tpu.memref_slice %arg6[%mul3A_42, %dma_wait3A_47] : memref<160000x128xf32, #tpu.memory_space<hbm>> -> memref<128x128xf32, #tpu.memory_space<hbm>>
    %dma_wait3A_49 = arith.constant 0 : i32
    %dma_wait3A_50 = tpu.memref_slice %arg6[%mul3A_42, %dma_wait3A_49] : memref<160000x128xf32, #tpu.memory_space<hbm>> -> memref<128x128xf32, #tpu.memory_space<hbm>>
    tpu.wait_dma2 semaphore(%arg20 : memref<!tpu.dma_semaphore, #tpu.memory_space<semaphore_mem>>) src(%arg14 : memref<128x128xf32, #tpu.memory_space<vmem>>) dst(%dma_wait3A_50 : memref<128x128xf32, #tpu.memory_space<hbm>>)
    return
  }
}

#map = affine_map<(d0, d1) -> (0, 0)>
#map1 = affine_map<(d0, d1) -> (0)>
module attributes {stable_mosaic.version = 14 : i64} {
  func.func @gather(%arg0: i32, %arg1: i32, %arg2: memref<10000x128xf32, #tpu.memory_space<hbm>>, %arg3: memref<160000xi32, #tpu.memory_space<hbm>>, %arg4: memref<160000xi32, #tpu.memory_space<hbm>>, %arg5: memref<160000x128xf32, #tpu.memory_space<hbm>>, %arg6: memref<160000x128xf32, #tpu.memory_space<hbm>>, %arg7: memref<128xi32, #tpu.memory_space<vmem>>, %arg8: memref<128xi32, #tpu.memory_space<vmem>>, %arg9: memref<128xi32, #tpu.memory_space<vmem>>, %arg10: memref<128xi32, #tpu.memory_space<vmem>>, %arg11: memref<128x128xf32, #tpu.memory_space<vmem>>, %arg12: memref<128x128xf32, #tpu.memory_space<vmem>>, %arg13: memref<128x128xf32, #tpu.memory_space<vmem>>, %arg14: memref<128x128xf32, #tpu.memory_space<vmem>>, %arg15: memref<!tpu.dma_semaphore, #tpu.memory_space<semaphore_mem>>, %arg16: memref<!tpu.dma_semaphore, #tpu.memory_space<semaphore_mem>>, %arg17: memref<!tpu.dma_semaphore, #tpu.memory_space<semaphore_mem>>, %arg18: memref<!tpu.dma_semaphore, #tpu.memory_space<semaphore_mem>>, %arg19: memref<!tpu.dma_semaphore, #tpu.memory_space<semaphore_mem>>, %arg20: memref<!tpu.dma_semaphore, #tpu.memory_space<semaphore_mem>>) attributes {dimension_semantics = [#tpu.dimension_semantics<core_parallel>, #tpu.dimension_semantics<subcore_parallel>], iteration_bounds = array<i64: 2, 16>, scalar_prefetch = 0 : i64, scratch_operands = 14 : i64, tpu.core_type = #tpu.core_type<sc_vector_subcore>, window_params = [{transform_indices = #map}, {transform_indices = #map1}, {transform_indices = #map1}, {transform_indices = #map}, {transform_indices = #map}]} {
    %mul3A = arith.constant 2 : i32
    %mul3A_0 = arith.muli %arg1, %mul3A : i32
    %add3A = arith.addi %mul3A_0, %arg0 : i32
    %add3A_1 = arith.constant 0 : i32
    %add3A_2 = arith.addi %add3A, %add3A_1 : i32
    %min3A = arith.constant 1249 : i32
    %min3A_3 = arith.minsi %add3A_2, %min3A : i32
    %mul3A_4 = arith.constant 128 : i32
    %mul3A_5 = arith.muli %min3A_3, %mul3A_4 : i32
    %dma_start3A = tpu.memref_slice %arg3[%mul3A_5] : memref<160000xi32, #tpu.memory_space<hbm>> -> memref<128xi32, #tpu.memory_space<hbm>>
    %dma_start3A_6 = tpu.memref_slice %arg3[%mul3A_5] : memref<160000xi32, #tpu.memory_space<hbm>> -> memref<128xi32, #tpu.memory_space<hbm>>
    tpu.enqueue_dma source(%dma_start3A_6 : memref<128xi32, #tpu.memory_space<hbm>>) target(%arg7 : memref<128xi32, #tpu.memory_space<vmem>>) target_semaphore(%arg15 : memref<!tpu.dma_semaphore, #tpu.memory_space<semaphore_mem>>)
    %dma_start3A_7 = tpu.memref_slice %arg4[%mul3A_5] : memref<160000xi32, #tpu.memory_space<hbm>> -> memref<128xi32, #tpu.memory_space<hbm>>
    %dma_start3A_8 = tpu.memref_slice %arg4[%mul3A_5] : memref<160000xi32, #tpu.memory_space<hbm>> -> memref<128xi32, #tpu.memory_space<hbm>>
    tpu.enqueue_dma source(%dma_start3A_8 : memref<128xi32, #tpu.memory_space<hbm>>) target(%arg8 : memref<128xi32, #tpu.memory_space<vmem>>) target_semaphore(%arg15 : memref<!tpu.dma_semaphore, #tpu.memory_space<semaphore_mem>>)
    %scan3A = arith.constant 0 : i32
    %scan3A_9 = arith.constant 0 : i32
    %scan3A_10 = arith.constant 20 : i32
    %scan3A_11 = arith.addi %scan3A_9, %scan3A_10 : i32
    %scan3A_12 = arith.constant 1 : i32
    scf.for %scan3A_51 = %scan3A_9 to %scan3A_11 step %scan3A_12  : i32 {
      %mul3A_52 = arith.constant 2 : i32
      %mul3A_53 = arith.muli %mul3A_52, %scan3A_51 : i32
      %add3A_54 = arith.constant 0 : i32
      %add3A_55 = arith.addi %mul3A_53, %add3A_54 : i32
      %mul3A_56 = arith.constant 32 : i32
      %mul3A_57 = arith.muli %add3A_55, %mul3A_56 : i32
      %add3A_58 = arith.addi %add3A, %mul3A_57 : i32
      %min3A_59 = arith.constant 1249 : i32
      %min3A_60 = arith.minsi %add3A_58, %min3A_59 : i32
      %mul3A_61 = arith.constant 128 : i32
      %mul3A_62 = arith.muli %min3A_60, %mul3A_61 : i32
      %add3A_63 = arith.constant 1 : i32
      %add3A_64 = arith.addi %add3A_55, %add3A_63 : i32
      %mul3A_65 = arith.constant 32 : i32
      %mul3A_66 = arith.muli %add3A_64, %mul3A_65 : i32
      %add3A_67 = arith.addi %add3A, %mul3A_66 : i32
      %min3A_68 = arith.constant 1249 : i32
      %min3A_69 = arith.minsi %add3A_67, %min3A_68 : i32
      %mul3A_70 = arith.constant 128 : i32
      %mul3A_71 = arith.muli %min3A_69, %mul3A_70 : i32
      %dma_start3A_72 = tpu.memref_slice %arg3[%mul3A_71] : memref<160000xi32, #tpu.memory_space<hbm>> -> memref<128xi32, #tpu.memory_space<hbm>>
      %dma_start3A_73 = tpu.memref_slice %arg3[%mul3A_71] : memref<160000xi32, #tpu.memory_space<hbm>> -> memref<128xi32, #tpu.memory_space<hbm>>
      tpu.enqueue_dma source(%dma_start3A_73 : memref<128xi32, #tpu.memory_space<hbm>>) target(%arg9 : memref<128xi32, #tpu.memory_space<vmem>>) target_semaphore(%arg16 : memref<!tpu.dma_semaphore, #tpu.memory_space<semaphore_mem>>)
      %dma_start3A_74 = tpu.memref_slice %arg4[%mul3A_71] : memref<160000xi32, #tpu.memory_space<hbm>> -> memref<128xi32, #tpu.memory_space<hbm>>
      %dma_start3A_75 = tpu.memref_slice %arg4[%mul3A_71] : memref<160000xi32, #tpu.memory_space<hbm>> -> memref<128xi32, #tpu.memory_space<hbm>>
      tpu.enqueue_dma source(%dma_start3A_75 : memref<128xi32, #tpu.memory_space<hbm>>) target(%arg10 : memref<128xi32, #tpu.memory_space<vmem>>) target_semaphore(%arg16 : memref<!tpu.dma_semaphore, #tpu.memory_space<semaphore_mem>>)
      %dma_wait3A_76 = tpu.memref_slice %arg3[%mul3A_62] : memref<160000xi32, #tpu.memory_space<hbm>> -> memref<128xi32, #tpu.memory_space<hbm>>
      %dma_wait3A_77 = tpu.memref_slice %arg3[%mul3A_62] : memref<160000xi32, #tpu.memory_space<hbm>> -> memref<128xi32, #tpu.memory_space<hbm>>
      tpu.wait_dma2 semaphore(%arg15 : memref<!tpu.dma_semaphore, #tpu.memory_space<semaphore_mem>>) src(%dma_wait3A_77 : memref<128xi32, #tpu.memory_space<hbm>>) dst(%arg7 : memref<128xi32, #tpu.memory_space<vmem>>)
      %dma_wait3A_78 = tpu.memref_slice %arg4[%mul3A_62] : memref<160000xi32, #tpu.memory_space<hbm>> -> memref<128xi32, #tpu.memory_space<hbm>>
      %dma_wait3A_79 = tpu.memref_slice %arg4[%mul3A_62] : memref<160000xi32, #tpu.memory_space<hbm>> -> memref<128xi32, #tpu.memory_space<hbm>>
      tpu.wait_dma2 semaphore(%arg15 : memref<!tpu.dma_semaphore, #tpu.memory_space<semaphore_mem>>) src(%dma_wait3A_79 : memref<128xi32, #tpu.memory_space<hbm>>) dst(%arg8 : memref<128xi32, #tpu.memory_space<vmem>>)
      %ge3A = arith.constant 1 : i32
      %ge3A_80 = arith.cmpi sge, %scan3A_51, %ge3A : i32
      %convert_element_type3A = arith.extui %ge3A_80 : i1 to i32
      %cond3A = arith.constant 0 : i32
      %cond3A_81 = arith.cmpi ne, %convert_element_type3A, %cond3A : i32
      scf.if %cond3A_81 {
        %sub3A = arith.constant 2 : i32
        %sub3A_155 = arith.subi %add3A_55, %sub3A : i32
        %mul3A_156 = arith.constant 32 : i32
        %mul3A_157 = arith.muli %sub3A_155, %mul3A_156 : i32
        %add3A_158 = arith.addi %add3A, %mul3A_157 : i32
        %min3A_159 = arith.constant 1249 : i32
        %min3A_160 = arith.minsi %add3A_158, %min3A_159 : i32
        %mul3A_161 = arith.constant 128 : i32
        %mul3A_162 = arith.muli %min3A_160, %mul3A_161 : i32
        %dma_wait3A_163 = arith.constant 0 : i32
        %dma_wait3A_164 = tpu.memref_slice %arg5[%mul3A_162, %dma_wait3A_163] : memref<160000x128xf32, #tpu.memory_space<hbm>> -> memref<128x128xf32, #tpu.memory_space<hbm>>
        %dma_wait3A_165 = arith.constant 0 : i32
        %dma_wait3A_166 = tpu.memref_slice %arg5[%mul3A_162, %dma_wait3A_165] : memref<160000x128xf32, #tpu.memory_space<hbm>> -> memref<128x128xf32, #tpu.memory_space<hbm>>
        tpu.wait_dma2 semaphore(%arg19 : memref<!tpu.dma_semaphore, #tpu.memory_space<semaphore_mem>>) src(%arg11 : memref<128x128xf32, #tpu.memory_space<vmem>>) dst(%dma_wait3A_166 : memref<128x128xf32, #tpu.memory_space<hbm>>)
        %dma_wait3A_167 = arith.constant 0 : i32
        %dma_wait3A_168 = tpu.memref_slice %arg6[%mul3A_162, %dma_wait3A_167] : memref<160000x128xf32, #tpu.memory_space<hbm>> -> memref<128x128xf32, #tpu.memory_space<hbm>>
        %dma_wait3A_169 = arith.constant 0 : i32
        %dma_wait3A_170 = tpu.memref_slice %arg6[%mul3A_162, %dma_wait3A_169] : memref<160000x128xf32, #tpu.memory_space<hbm>> -> memref<128x128xf32, #tpu.memory_space<hbm>>
        tpu.wait_dma2 semaphore(%arg19 : memref<!tpu.dma_semaphore, #tpu.memory_space<semaphore_mem>>) src(%arg12 : memref<128x128xf32, #tpu.memory_space<vmem>>) dst(%dma_wait3A_170 : memref<128x128xf32, #tpu.memory_space<hbm>>)
      } else {
      }
      %dma_start3A_82 = arith.constant 0 : i32
      %dma_start3A_83 = arith.constant 0 : i32
      %dma_start3A_84 = tpu.memref_slice %arg2[%dma_start3A_82, %dma_start3A_83] : memref<10000x128xf32, #tpu.memory_space<hbm>> -> memref<10000x128xf32, #tpu.memory_space<hbm>>
      tpu.enqueue_indirect_dma source(%dma_start3A_84 : memref<10000x128xf32, #tpu.memory_space<hbm>>) target(%arg11 : memref<128x128xf32, #tpu.memory_space<vmem>>) offsets(%arg7 : memref<128xi32, #tpu.memory_space<vmem>>) semaphore(%arg17 : memref<!tpu.dma_semaphore, #tpu.memory_space<semaphore_mem>>)
      %dma_start3A_85 = arith.constant 0 : i32
      %dma_start3A_86 = arith.constant 0 : i32
      %dma_start3A_87 = tpu.memref_slice %arg2[%dma_start3A_85, %dma_start3A_86] : memref<10000x128xf32, #tpu.memory_space<hbm>> -> memref<10000x128xf32, #tpu.memory_space<hbm>>
      tpu.enqueue_indirect_dma source(%dma_start3A_87 : memref<10000x128xf32, #tpu.memory_space<hbm>>) target(%arg12 : memref<128x128xf32, #tpu.memory_space<vmem>>) offsets(%arg8 : memref<128xi32, #tpu.memory_space<vmem>>) semaphore(%arg17 : memref<!tpu.dma_semaphore, #tpu.memory_space<semaphore_mem>>)
      %dma_wait3A_88 = arith.constant 0 : i32
      %dma_wait3A_89 = arith.constant 0 : i32
      %dma_wait3A_90 = tpu.memref_slice %arg2[%dma_wait3A_88, %dma_wait3A_89] : memref<10000x128xf32, #tpu.memory_space<hbm>> -> memref<10000x128xf32, #tpu.memory_space<hbm>>
      tpu.wait_indirect_dma semaphore(%arg17 : memref<!tpu.dma_semaphore, #tpu.memory_space<semaphore_mem>>) src(%dma_wait3A_90 : memref<10000x128xf32, #tpu.memory_space<hbm>>) dst(%arg11 : memref<128x128xf32, #tpu.memory_space<vmem>>)
      %dma_wait3A_91 = arith.constant 0 : i32
      %dma_wait3A_92 = arith.constant 0 : i32
      %dma_wait3A_93 = tpu.memref_slice %arg2[%dma_wait3A_91, %dma_wait3A_92] : memref<10000x128xf32, #tpu.memory_space<hbm>> -> memref<10000x128xf32, #tpu.memory_space<hbm>>
      tpu.wait_indirect_dma semaphore(%arg17 : memref<!tpu.dma_semaphore, #tpu.memory_space<semaphore_mem>>) src(%dma_wait3A_93 : memref<10000x128xf32, #tpu.memory_space<hbm>>) dst(%arg12 : memref<128x128xf32, #tpu.memory_space<vmem>>)
      %dma_start3A_94 = arith.constant 0 : i32
      %dma_start3A_95 = tpu.memref_slice %arg5[%mul3A_62, %dma_start3A_94] : memref<160000x128xf32, #tpu.memory_space<hbm>> -> memref<128x128xf32, #tpu.memory_space<hbm>>
      %dma_start3A_96 = arith.constant 0 : i32
      %dma_start3A_97 = tpu.memref_slice %arg5[%mul3A_62, %dma_start3A_96] : memref<160000x128xf32, #tpu.memory_space<hbm>> -> memref<128x128xf32, #tpu.memory_space<hbm>>
      tpu.enqueue_dma source(%arg11 : memref<128x128xf32, #tpu.memory_space<vmem>>) target(%dma_start3A_97 : memref<128x128xf32, #tpu.memory_space<hbm>>) target_semaphore(%arg19 : memref<!tpu.dma_semaphore, #tpu.memory_space<semaphore_mem>>)
      %dma_start3A_98 = arith.constant 0 : i32
      %dma_start3A_99 = tpu.memref_slice %arg6[%mul3A_62, %dma_start3A_98] : memref<160000x128xf32, #tpu.memory_space<hbm>> -> memref<128x128xf32, #tpu.memory_space<hbm>>
      %dma_start3A_100 = arith.constant 0 : i32
      %dma_start3A_101 = tpu.memref_slice %arg6[%mul3A_62, %dma_start3A_100] : memref<160000x128xf32, #tpu.memory_space<hbm>> -> memref<128x128xf32, #tpu.memory_space<hbm>>
      tpu.enqueue_dma source(%arg12 : memref<128x128xf32, #tpu.memory_space<vmem>>) target(%dma_start3A_101 : memref<128x128xf32, #tpu.memory_space<hbm>>) target_semaphore(%arg19 : memref<!tpu.dma_semaphore, #tpu.memory_space<semaphore_mem>>)
      %mul3A_102 = arith.constant 2 : i32
      %mul3A_103 = arith.muli %mul3A_102, %scan3A_51 : i32
      %add3A_104 = arith.constant 1 : i32
      %add3A_105 = arith.addi %mul3A_103, %add3A_104 : i32
      %mul3A_106 = arith.constant 32 : i32
      %mul3A_107 = arith.muli %add3A_105, %mul3A_106 : i32
      %add3A_108 = arith.addi %add3A, %mul3A_107 : i32
      %min3A_109 = arith.constant 1249 : i32
      %min3A_110 = arith.minsi %add3A_108, %min3A_109 : i32
      %mul3A_111 = arith.constant 128 : i32
      %mul3A_112 = arith.muli %min3A_110, %mul3A_111 : i32
      %add3A_113 = arith.constant 1 : i32
      %add3A_114 = arith.addi %add3A_105, %add3A_113 : i32
      %mul3A_115 = arith.constant 32 : i32
      %mul3A_116 = arith.muli %add3A_114, %mul3A_115 : i32
      %add3A_117 = arith.addi %add3A, %mul3A_116 : i32
      %min3A_118 = arith.constant 1249 : i32
      %min3A_119 = arith.minsi %add3A_117, %min3A_118 : i32
      %mul3A_120 = arith.constant 128 : i32
      %mul3A_121 = arith.muli %min3A_119, %mul3A_120 : i32
      %dma_start3A_122 = tpu.memref_slice %arg3[%mul3A_121] : memref<160000xi32, #tpu.memory_space<hbm>> -> memref<128xi32, #tpu.memory_space<hbm>>
      %dma_start3A_123 = tpu.memref_slice %arg3[%mul3A_121] : memref<160000xi32, #tpu.memory_space<hbm>> -> memref<128xi32, #tpu.memory_space<hbm>>
      tpu.enqueue_dma source(%dma_start3A_123 : memref<128xi32, #tpu.memory_space<hbm>>) target(%arg7 : memref<128xi32, #tpu.memory_space<vmem>>) target_semaphore(%arg15 : memref<!tpu.dma_semaphore, #tpu.memory_space<semaphore_mem>>)
      %dma_start3A_124 = tpu.memref_slice %arg4[%mul3A_121] : memref<160000xi32, #tpu.memory_space<hbm>> -> memref<128xi32, #tpu.memory_space<hbm>>
      %dma_start3A_125 = tpu.memref_slice %arg4[%mul3A_121] : memref<160000xi32, #tpu.memory_space<hbm>> -> memref<128xi32, #tpu.memory_space<hbm>>
      tpu.enqueue_dma source(%dma_start3A_125 : memref<128xi32, #tpu.memory_space<hbm>>) target(%arg8 : memref<128xi32, #tpu.memory_space<vmem>>) target_semaphore(%arg15 : memref<!tpu.dma_semaphore, #tpu.memory_space<semaphore_mem>>)
      %dma_wait3A_126 = tpu.memref_slice %arg3[%mul3A_112] : memref<160000xi32, #tpu.memory_space<hbm>> -> memref<128xi32, #tpu.memory_space<hbm>>
      %dma_wait3A_127 = tpu.memref_slice %arg3[%mul3A_112] : memref<160000xi32, #tpu.memory_space<hbm>> -> memref<128xi32, #tpu.memory_space<hbm>>
      tpu.wait_dma2 semaphore(%arg16 : memref<!tpu.dma_semaphore, #tpu.memory_space<semaphore_mem>>) src(%dma_wait3A_127 : memref<128xi32, #tpu.memory_space<hbm>>) dst(%arg9 : memref<128xi32, #tpu.memory_space<vmem>>)
      %dma_wait3A_128 = tpu.memref_slice %arg4[%mul3A_112] : memref<160000xi32, #tpu.memory_space<hbm>> -> memref<128xi32, #tpu.memory_space<hbm>>
      %dma_wait3A_129 = tpu.memref_slice %arg4[%mul3A_112] : memref<160000xi32, #tpu.memory_space<hbm>> -> memref<128xi32, #tpu.memory_space<hbm>>
      tpu.wait_dma2 semaphore(%arg16 : memref<!tpu.dma_semaphore, #tpu.memory_space<semaphore_mem>>) src(%dma_wait3A_129 : memref<128xi32, #tpu.memory_space<hbm>>) dst(%arg10 : memref<128xi32, #tpu.memory_space<vmem>>)
      %ge3A_130 = arith.constant 1 : i32
      %ge3A_131 = arith.cmpi sge, %scan3A_51, %ge3A_130 : i32
      %convert_element_type3A_132 = arith.extui %ge3A_131 : i1 to i32
      %cond3A_133 = arith.constant 0 : i32
      %cond3A_134 = arith.cmpi ne, %convert_element_type3A_132, %cond3A_133 : i32
      scf.if %cond3A_134 {
        %sub3A = arith.constant 2 : i32
        %sub3A_155 = arith.subi %add3A_105, %sub3A : i32
        %mul3A_156 = arith.constant 32 : i32
        %mul3A_157 = arith.muli %sub3A_155, %mul3A_156 : i32
        %add3A_158 = arith.addi %add3A, %mul3A_157 : i32
        %min3A_159 = arith.constant 1249 : i32
        %min3A_160 = arith.minsi %add3A_158, %min3A_159 : i32
        %mul3A_161 = arith.constant 128 : i32
        %mul3A_162 = arith.muli %min3A_160, %mul3A_161 : i32
        %dma_wait3A_163 = arith.constant 0 : i32
        %dma_wait3A_164 = tpu.memref_slice %arg5[%mul3A_162, %dma_wait3A_163] : memref<160000x128xf32, #tpu.memory_space<hbm>> -> memref<128x128xf32, #tpu.memory_space<hbm>>
        %dma_wait3A_165 = arith.constant 0 : i32
        %dma_wait3A_166 = tpu.memref_slice %arg5[%mul3A_162, %dma_wait3A_165] : memref<160000x128xf32, #tpu.memory_space<hbm>> -> memref<128x128xf32, #tpu.memory_space<hbm>>
        tpu.wait_dma2 semaphore(%arg20 : memref<!tpu.dma_semaphore, #tpu.memory_space<semaphore_mem>>) src(%arg13 : memref<128x128xf32, #tpu.memory_space<vmem>>) dst(%dma_wait3A_166 : memref<128x128xf32, #tpu.memory_space<hbm>>)
        %dma_wait3A_167 = arith.constant 0 : i32
        %dma_wait3A_168 = tpu.memref_slice %arg6[%mul3A_162, %dma_wait3A_167] : memref<160000x128xf32, #tpu.memory_space<hbm>> -> memref<128x128xf32, #tpu.memory_space<hbm>>
        %dma_wait3A_169 = arith.constant 0 : i32
        %dma_wait3A_170 = tpu.memref_slice %arg6[%mul3A_162, %dma_wait3A_169] : memref<160000x128xf32, #tpu.memory_space<hbm>> -> memref<128x128xf32, #tpu.memory_space<hbm>>
        tpu.wait_dma2 semaphore(%arg20 : memref<!tpu.dma_semaphore, #tpu.memory_space<semaphore_mem>>) src(%arg14 : memref<128x128xf32, #tpu.memory_space<vmem>>) dst(%dma_wait3A_170 : memref<128x128xf32, #tpu.memory_space<hbm>>)
      } else {
      }
      %dma_start3A_135 = arith.constant 0 : i32
      %dma_start3A_136 = arith.constant 0 : i32
      %dma_start3A_137 = tpu.memref_slice %arg2[%dma_start3A_135, %dma_start3A_136] : memref<10000x128xf32, #tpu.memory_space<hbm>> -> memref<10000x128xf32, #tpu.memory_space<hbm>>
      tpu.enqueue_indirect_dma source(%dma_start3A_137 : memref<10000x128xf32, #tpu.memory_space<hbm>>) target(%arg13 : memref<128x128xf32, #tpu.memory_space<vmem>>) offsets(%arg9 : memref<128xi32, #tpu.memory_space<vmem>>) semaphore(%arg18 : memref<!tpu.dma_semaphore, #tpu.memory_space<semaphore_mem>>)
      %dma_start3A_138 = arith.constant 0 : i32
      %dma_start3A_139 = arith.constant 0 : i32
      %dma_start3A_140 = tpu.memref_slice %arg2[%dma_start3A_138, %dma_start3A_139] : memref<10000x128xf32, #tpu.memory_space<hbm>> -> memref<10000x128xf32, #tpu.memory_space<hbm>>
      tpu.enqueue_indirect_dma source(%dma_start3A_140 : memref<10000x128xf32, #tpu.memory_space<hbm>>) target(%arg14 : memref<128x128xf32, #tpu.memory_space<vmem>>) offsets(%arg10 : memref<128xi32, #tpu.memory_space<vmem>>) semaphore(%arg18 : memref<!tpu.dma_semaphore, #tpu.memory_space<semaphore_mem>>)
      %dma_wait3A_141 = arith.constant 0 : i32
      %dma_wait3A_142 = arith.constant 0 : i32
      %dma_wait3A_143 = tpu.memref_slice %arg2[%dma_wait3A_141, %dma_wait3A_142] : memref<10000x128xf32, #tpu.memory_space<hbm>> -> memref<10000x128xf32, #tpu.memory_space<hbm>>
      tpu.wait_indirect_dma semaphore(%arg18 : memref<!tpu.dma_semaphore, #tpu.memory_space<semaphore_mem>>) src(%dma_wait3A_143 : memref<10000x128xf32, #tpu.memory_space<hbm>>) dst(%arg13 : memref<128x128xf32, #tpu.memory_space<vmem>>)
      %dma_wait3A_144 = arith.constant 0 : i32
      %dma_wait3A_145 = arith.constant 0 : i32
      %dma_wait3A_146 = tpu.memref_slice %arg2[%dma_wait3A_144, %dma_wait3A_145] : memref<10000x128xf32, #tpu.memory_space<hbm>> -> memref<10000x128xf32, #tpu.memory_space<hbm>>
      tpu.wait_indirect_dma semaphore(%arg18 : memref<!tpu.dma_semaphore, #tpu.memory_space<semaphore_mem>>) src(%dma_wait3A_146 : memref<10000x128xf32, #tpu.memory_space<hbm>>) dst(%arg14 : memref<128x128xf32, #tpu.memory_space<vmem>>)
      %dma_start3A_147 = arith.constant 0 : i32
      %dma_start3A_148 = tpu.memref_slice %arg5[%mul3A_112, %dma_start3A_147] : memref<160000x128xf32, #tpu.memory_space<hbm>> -> memref<128x128xf32, #tpu.memory_space<hbm>>
      %dma_start3A_149 = arith.constant 0 : i32
      %dma_start3A_150 = tpu.memref_slice %arg5[%mul3A_112, %dma_start3A_149] : memref<160000x128xf32, #tpu.memory_space<hbm>> -> memref<128x128xf32, #tpu.memory_space<hbm>>
      tpu.enqueue_dma source(%arg13 : memref<128x128xf32, #tpu.memory_space<vmem>>) target(%dma_start3A_150 : memref<128x128xf32, #tpu.memory_space<hbm>>) target_semaphore(%arg20 : memref<!tpu.dma_semaphore, #tpu.memory_space<semaphore_mem>>)
      %dma_start3A_151 = arith.constant 0 : i32
      %dma_start3A_152 = tpu.memref_slice %arg6[%mul3A_112, %dma_start3A_151] : memref<160000x128xf32, #tpu.memory_space<hbm>> -> memref<128x128xf32, #tpu.memory_space<hbm>>
      %dma_start3A_153 = arith.constant 0 : i32
      %dma_start3A_154 = tpu.memref_slice %arg6[%mul3A_112, %dma_start3A_153] : memref<160000x128xf32, #tpu.memory_space<hbm>> -> memref<128x128xf32, #tpu.memory_space<hbm>>
      tpu.enqueue_dma source(%arg14 : memref<128x128xf32, #tpu.memory_space<vmem>>) target(%dma_start3A_154 : memref<128x128xf32, #tpu.memory_space<hbm>>) target_semaphore(%arg20 : memref<!tpu.dma_semaphore, #tpu.memory_space<semaphore_mem>>)
    }
    %scan3A_13 = arith.constant 20 : i32
    %add3A_14 = arith.constant 1280 : i32
    %add3A_15 = arith.addi %add3A, %add3A_14 : i32
    %min3A_16 = arith.constant 1249 : i32
    %min3A_17 = arith.minsi %add3A_15, %min3A_16 : i32
    %mul3A_18 = arith.constant 128 : i32
    %mul3A_19 = arith.muli %min3A_17, %mul3A_18 : i32
    %dma_wait3A = tpu.memref_slice %arg3[%mul3A_19] : memref<160000xi32, #tpu.memory_space<hbm>> -> memref<128xi32, #tpu.memory_space<hbm>>
    %dma_wait3A_20 = tpu.memref_slice %arg3[%mul3A_19] : memref<160000xi32, #tpu.memory_space<hbm>> -> memref<128xi32, #tpu.memory_space<hbm>>
    tpu.wait_dma2 semaphore(%arg15 : memref<!tpu.dma_semaphore, #tpu.memory_space<semaphore_mem>>) src(%dma_wait3A_20 : memref<128xi32, #tpu.memory_space<hbm>>) dst(%arg7 : memref<128xi32, #tpu.memory_space<vmem>>)
    %dma_wait3A_21 = tpu.memref_slice %arg4[%mul3A_19] : memref<160000xi32, #tpu.memory_space<hbm>> -> memref<128xi32, #tpu.memory_space<hbm>>
    %dma_wait3A_22 = tpu.memref_slice %arg4[%mul3A_19] : memref<160000xi32, #tpu.memory_space<hbm>> -> memref<128xi32, #tpu.memory_space<hbm>>
    tpu.wait_dma2 semaphore(%arg15 : memref<!tpu.dma_semaphore, #tpu.memory_space<semaphore_mem>>) src(%dma_wait3A_22 : memref<128xi32, #tpu.memory_space<hbm>>) dst(%arg8 : memref<128xi32, #tpu.memory_space<vmem>>)
    %add3A_23 = arith.constant 1216 : i32
    %add3A_24 = arith.addi %add3A, %add3A_23 : i32
    %min3A_25 = arith.constant 1249 : i32
    %min3A_26 = arith.minsi %add3A_24, %min3A_25 : i32
    %mul3A_27 = arith.constant 128 : i32
    %mul3A_28 = arith.muli %min3A_26, %mul3A_27 : i32
    %dma_wait3A_29 = arith.constant 0 : i32
    %dma_wait3A_30 = tpu.memref_slice %arg5[%mul3A_28, %dma_wait3A_29] : memref<160000x128xf32, #tpu.memory_space<hbm>> -> memref<128x128xf32, #tpu.memory_space<hbm>>
    %dma_wait3A_31 = arith.constant 0 : i32
    %dma_wait3A_32 = tpu.memref_slice %arg5[%mul3A_28, %dma_wait3A_31] : memref<160000x128xf32, #tpu.memory_space<hbm>> -> memref<128x128xf32, #tpu.memory_space<hbm>>
    tpu.wait_dma2 semaphore(%arg19 : memref<!tpu.dma_semaphore, #tpu.memory_space<semaphore_mem>>) src(%arg11 : memref<128x128xf32, #tpu.memory_space<vmem>>) dst(%dma_wait3A_32 : memref<128x128xf32, #tpu.memory_space<hbm>>)
    %dma_wait3A_33 = arith.constant 0 : i32
    %dma_wait3A_34 = tpu.memref_slice %arg6[%mul3A_28, %dma_wait3A_33] : memref<160000x128xf32, #tpu.memory_space<hbm>> -> memref<128x128xf32, #tpu.memory_space<hbm>>
    %dma_wait3A_35 = arith.constant 0 : i32
    %dma_wait3A_36 = tpu.memref_slice %arg6[%mul3A_28, %dma_wait3A_35] : memref<160000x128xf32, #tpu.memory_space<hbm>> -> memref<128x128xf32, #tpu.memory_space<hbm>>
    tpu.wait_dma2 semaphore(%arg19 : memref<!tpu.dma_semaphore, #tpu.memory_space<semaphore_mem>>) src(%arg12 : memref<128x128xf32, #tpu.memory_space<vmem>>) dst(%dma_wait3A_36 : memref<128x128xf32, #tpu.memory_space<hbm>>)
    %add3A_37 = arith.constant 1248 : i32
    %add3A_38 = arith.addi %add3A, %add3A_37 : i32
    %min3A_39 = arith.constant 1249 : i32
    %min3A_40 = arith.minsi %add3A_38, %min3A_39 : i32
    %mul3A_41 = arith.constant 128 : i32
    %mul3A_42 = arith.muli %min3A_40, %mul3A_41 : i32
    %dma_wait3A_43 = arith.constant 0 : i32
    %dma_wait3A_44 = tpu.memref_slice %arg5[%mul3A_42, %dma_wait3A_43] : memref<160000x128xf32, #tpu.memory_space<hbm>> -> memref<128x128xf32, #tpu.memory_space<hbm>>
    %dma_wait3A_45 = arith.constant 0 : i32
    %dma_wait3A_46 = tpu.memref_slice %arg5[%mul3A_42, %dma_wait3A_45] : memref<160000x128xf32, #tpu.memory_space<hbm>> -> memref<128x128xf32, #tpu.memory_space<hbm>>
    tpu.wait_dma2 semaphore(%arg20 : memref<!tpu.dma_semaphore, #tpu.memory_space<semaphore_mem>>) src(%arg13 : memref<128x128xf32, #tpu.memory_space<vmem>>) dst(%dma_wait3A_46 : memref<128x128xf32, #tpu.memory_space<hbm>>)
    %dma_wait3A_47 = arith.constant 0 : i32
    %dma_wait3A_48 = tpu.memref_slice %arg6[%mul3A_42, %dma_wait3A_47] : memref<160000x128xf32, #tpu.memory_space<hbm>> -> memref<128x128xf32, #tpu.memory_space<hbm>>
    %dma_wait3A_49 = arith.constant 0 : i32
    %dma_wait3A_50 = tpu.memref_slice %arg6[%mul3A_42, %dma_wait3A_49] : memref<160000x128xf32, #tpu.memory_space<hbm>> -> memref<128x128xf32, #tpu.memory_space<hbm>>
    tpu.wait_dma2 semaphore(%arg20 : memref<!tpu.dma_semaphore, #tpu.memory_space<semaphore_mem>>) src(%arg14 : memref<128x128xf32, #tpu.memory_space<vmem>>) dst(%dma_wait3A_50 : memref<128x128xf32, #tpu.memory_space<hbm>>)
    return
  }
}

#map = affine_map<(d0, d1) -> (0, 0)>
#map1 = affine_map<(d0, d1) -> (0)>
#map2 = affine_map<(d0, d1) -> (0, 0, 0)>
module attributes {stable_mosaic.version = 14 : i64} {
  func.func @scatter(%arg0: i32, %arg1: i32, %arg2: memref<160000x128xf32, #tpu.memory_space<hbm>>, %arg3: memref<160000xi32, #tpu.memory_space<hbm>>, %arg4: memref<10008x128xf32, #tpu.memory_space<hbm>>, %arg5: memref<2x10000x128xf32, #tpu.memory_space<hbm>>, %arg6: memref<128xi32, #tpu.memory_space<vmem>>, %arg7: memref<128xi32, #tpu.memory_space<vmem>>, %arg8: memref<128x128xf32, #tpu.memory_space<vmem>>, %arg9: memref<128x128xf32, #tpu.memory_space<vmem>>, %arg10: memref<10008x128xf32, #tpu.memory_space<vmem_shared>>, %arg11: memref<!tpu.dma_semaphore, #tpu.memory_space<semaphore_mem>>, %arg12: memref<!tpu.dma_semaphore, #tpu.memory_space<semaphore_mem>>) attributes {dimension_semantics = [#tpu.dimension_semantics<core_parallel>, #tpu.dimension_semantics<subcore_parallel>], iteration_bounds = array<i64: 2, 16>, scalar_prefetch = 0 : i64, scratch_operands = 7 : i64, tpu.core_type = #tpu.core_type<sc_vector_subcore>, window_params = [{transform_indices = #map}, {transform_indices = #map1}, {transform_indices = #map}, {transform_indices = #map2}]} {
    %mul3A = arith.constant 2 : i32
    %mul3A_0 = arith.muli %arg1, %mul3A : i32
    %add3A = arith.addi %mul3A_0, %arg0 : i32
    %eq3A = arith.constant 0 : i32
    %eq3A_1 = arith.cmpi eq, %arg1, %eq3A : i32
    %convert_element_type3A = arith.extui %eq3A_1 : i1 to i32
    %cond3A = arith.constant 0 : i32
    %cond3A_2 = arith.cmpi ne, %convert_element_type3A, %cond3A : i32
    scf.if %cond3A_2 {
      "tpu.region"() ({
        %run_scoped3A = tpu.sem_alloc : memref<!tpu.dma_semaphore, #tpu.memory_space<semaphore_mem>>
        tpu.enqueue_dma source(%arg4 : memref<10008x128xf32, #tpu.memory_space<hbm>>) target(%arg10 : memref<10008x128xf32, #tpu.memory_space<vmem_shared>>) target_semaphore(%run_scoped3A : memref<!tpu.dma_semaphore, #tpu.memory_space<semaphore_mem>>)
        tpu.wait_dma2 semaphore(%run_scoped3A : memref<!tpu.dma_semaphore, #tpu.memory_space<semaphore_mem>>) src(%arg4 : memref<10008x128xf32, #tpu.memory_space<hbm>>) dst(%arg10 : memref<10008x128xf32, #tpu.memory_space<vmem_shared>>)
        tpu.yield
      }) : () -> ()
    } else {
    }
    %barrier3A = arith.constant 0 : index
    tpu.barrier barrier_id(%barrier3A)
    %add3A_3 = arith.constant 0 : i32
    %add3A_4 = arith.addi %add3A, %add3A_3 : i32
    %min3A = arith.constant 1249 : i32
    %min3A_5 = arith.minsi %add3A_4, %min3A : i32
    %mul3A_6 = arith.constant 128 : i32
    %mul3A_7 = arith.muli %min3A_5, %mul3A_6 : i32
    %dma_start3A = tpu.memref_slice %arg3[%mul3A_7] : memref<160000xi32, #tpu.memory_space<hbm>> -> memref<128xi32, #tpu.memory_space<hbm>>
    %dma_start3A_8 = tpu.memref_slice %arg3[%mul3A_7] : memref<160000xi32, #tpu.memory_space<hbm>> -> memref<128xi32, #tpu.memory_space<hbm>>
    tpu.enqueue_dma source(%dma_start3A_8 : memref<128xi32, #tpu.memory_space<hbm>>) target(%arg6 : memref<128xi32, #tpu.memory_space<vmem>>) target_semaphore(%arg11 : memref<!tpu.dma_semaphore, #tpu.memory_space<semaphore_mem>>)
    %dma_start3A_9 = arith.constant 0 : i32
    %dma_start3A_10 = tpu.memref_slice %arg2[%mul3A_7, %dma_start3A_9] : memref<160000x128xf32, #tpu.memory_space<hbm>> -> memref<128x128xf32, #tpu.memory_space<hbm>>
    %dma_start3A_11 = arith.constant 0 : i32
    %dma_start3A_12 = tpu.memref_slice %arg2[%mul3A_7, %dma_start3A_11] : memref<160000x128xf32, #tpu.memory_space<hbm>> -> memref<128x128xf32, #tpu.memory_space<hbm>>
    tpu.enqueue_dma source(%dma_start3A_12 : memref<128x128xf32, #tpu.memory_space<hbm>>) target(%arg8 : memref<128x128xf32, #tpu.memory_space<vmem>>) target_semaphore(%arg11 : memref<!tpu.dma_semaphore, #tpu.memory_space<semaphore_mem>>)
    %scan3A = arith.constant 0 : i32
    %scan3A_13 = arith.constant 0 : i32
    %scan3A_14 = arith.constant 20 : i32
    %scan3A_15 = arith.addi %scan3A_13, %scan3A_14 : i32
    %scan3A_16 = arith.constant 1 : i32
    scf.for %scan3A_35 = %scan3A_13 to %scan3A_15 step %scan3A_16  : i32 {
      %mul3A_36 = arith.constant 2 : i32
      %mul3A_37 = arith.muli %mul3A_36, %scan3A_35 : i32
      %add3A_38 = arith.constant 0 : i32
      %add3A_39 = arith.addi %mul3A_37, %add3A_38 : i32
      %mul3A_40 = arith.constant 32 : i32
      %mul3A_41 = arith.muli %add3A_39, %mul3A_40 : i32
      %add3A_42 = arith.addi %add3A, %mul3A_41 : i32
      %min3A_43 = arith.constant 1249 : i32
      %min3A_44 = arith.minsi %add3A_42, %min3A_43 : i32
      %mul3A_45 = arith.constant 128 : i32
      %mul3A_46 = arith.muli %min3A_44, %mul3A_45 : i32
      %add3A_47 = arith.constant 1 : i32
      %add3A_48 = arith.addi %add3A_39, %add3A_47 : i32
      %mul3A_49 = arith.constant 32 : i32
      %mul3A_50 = arith.muli %add3A_48, %mul3A_49 : i32
      %add3A_51 = arith.addi %add3A, %mul3A_50 : i32
      %min3A_52 = arith.constant 1249 : i32
      %min3A_53 = arith.minsi %add3A_51, %min3A_52 : i32
      %mul3A_54 = arith.constant 128 : i32
      %mul3A_55 = arith.muli %min3A_53, %mul3A_54 : i32
      %dma_wait3A_56 = tpu.memref_slice %arg3[%mul3A_46] : memref<160000xi32, #tpu.memory_space<hbm>> -> memref<128xi32, #tpu.memory_space<hbm>>
      %dma_wait3A_57 = tpu.memref_slice %arg3[%mul3A_46] : memref<160000xi32, #tpu.memory_space<hbm>> -> memref<128xi32, #tpu.memory_space<hbm>>
      tpu.wait_dma2 semaphore(%arg11 : memref<!tpu.dma_semaphore, #tpu.memory_space<semaphore_mem>>) src(%dma_wait3A_57 : memref<128xi32, #tpu.memory_space<hbm>>) dst(%arg6 : memref<128xi32, #tpu.memory_space<vmem>>)
      %dma_wait3A_58 = arith.constant 0 : i32
      %dma_wait3A_59 = tpu.memref_slice %arg2[%mul3A_46, %dma_wait3A_58] : memref<160000x128xf32, #tpu.memory_space<hbm>> -> memref<128x128xf32, #tpu.memory_space<hbm>>
      %dma_wait3A_60 = arith.constant 0 : i32
      %dma_wait3A_61 = tpu.memref_slice %arg2[%mul3A_46, %dma_wait3A_60] : memref<160000x128xf32, #tpu.memory_space<hbm>> -> memref<128x128xf32, #tpu.memory_space<hbm>>
      tpu.wait_dma2 semaphore(%arg11 : memref<!tpu.dma_semaphore, #tpu.memory_space<semaphore_mem>>) src(%dma_wait3A_61 : memref<128x128xf32, #tpu.memory_space<hbm>>) dst(%arg8 : memref<128x128xf32, #tpu.memory_space<vmem>>)
      %mul3A_62 = arith.constant 32 : i32
      %mul3A_63 = arith.muli %add3A_39, %mul3A_62 : i32
      %add3A_64 = arith.addi %add3A, %mul3A_63 : i32
      %ge3A = arith.constant 1250 : i32
      %ge3A_65 = arith.cmpi sge, %add3A_64, %ge3A : i32
      %convert_element_type3A_66 = arith.extui %ge3A_65 : i1 to i32
      %cond3A_67 = arith.constant 0 : i32
      %cond3A_68 = arith.cmpi ne, %convert_element_type3A_66, %cond3A_67 : i32
      scf.if %cond3A_68 {
        %broadcast_in_dim3A = arith.constant 10000 : i32
        %broadcast_in_dim3A_115 = vector.broadcast %broadcast_in_dim3A : i32 to vector<16xi32>
        %swap3A = arith.constant 0 : index
        %swap3A_116 = tpu.vector_load %arg6[%swap3A] {strides = array<i32>} : memref<128xi32, #tpu.memory_space<vmem>>, vector<16xi32>,
        %swap3A_117 = vector.shape_cast %swap3A_116 : vector<16xi32> to vector<16xi32>
        %swap3A_118 = vector.shape_cast %broadcast_in_dim3A_115 : vector<16xi32> to vector<16xi32>
        tpu.vector_store %arg6[%swap3A], %swap3A_118 {strides = array<i32>} : memref<128xi32, #tpu.memory_space<vmem>>, vector<16xi32>,
        %broadcast_in_dim3A_119 = arith.constant 10000 : i32
        %broadcast_in_dim3A_120 = vector.broadcast %broadcast_in_dim3A_119 : i32 to vector<16xi32>
        %swap3A_121 = arith.constant 16 : index
        %swap3A_122 = tpu.vector_load %arg6[%swap3A_121] {strides = array<i32>} : memref<128xi32, #tpu.memory_space<vmem>>, vector<16xi32>,
        %swap3A_123 = vector.shape_cast %swap3A_122 : vector<16xi32> to vector<16xi32>
        %swap3A_124 = vector.shape_cast %broadcast_in_dim3A_120 : vector<16xi32> to vector<16xi32>
        tpu.vector_store %arg6[%swap3A_121], %swap3A_124 {strides = array<i32>} : memref<128xi32, #tpu.memory_space<vmem>>, vector<16xi32>,
        %broadcast_in_dim3A_125 = arith.constant 10000 : i32
        %broadcast_in_dim3A_126 = vector.broadcast %broadcast_in_dim3A_125 : i32 to vector<16xi32>
        %swap3A_127 = arith.constant 32 : index
        %swap3A_128 = tpu.vector_load %arg6[%swap3A_127] {strides = array<i32>} : memref<128xi32, #tpu.memory_space<vmem>>, vector<16xi32>,
        %swap3A_129 = vector.shape_cast %swap3A_128 : vector<16xi32> to vector<16xi32>
        %swap3A_130 = vector.shape_cast %broadcast_in_dim3A_126 : vector<16xi32> to vector<16xi32>
        tpu.vector_store %arg6[%swap3A_127], %swap3A_130 {strides = array<i32>} : memref<128xi32, #tpu.memory_space<vmem>>, vector<16xi32>,
        %broadcast_in_dim3A_131 = arith.constant 10000 : i32
        %broadcast_in_dim3A_132 = vector.broadcast %broadcast_in_dim3A_131 : i32 to vector<16xi32>
        %swap3A_133 = arith.constant 48 : index
        %swap3A_134 = tpu.vector_load %arg6[%swap3A_133] {strides = array<i32>} : memref<128xi32, #tpu.memory_space<vmem>>, vector<16xi32>,
        %swap3A_135 = vector.shape_cast %swap3A_134 : vector<16xi32> to vector<16xi32>
        %swap3A_136 = vector.shape_cast %broadcast_in_dim3A_132 : vector<16xi32> to vector<16xi32>
        tpu.vector_store %arg6[%swap3A_133], %swap3A_136 {strides = array<i32>} : memref<128xi32, #tpu.memory_space<vmem>>, vector<16xi32>,
        %broadcast_in_dim3A_137 = arith.constant 10000 : i32
        %broadcast_in_dim3A_138 = vector.broadcast %broadcast_in_dim3A_137 : i32 to vector<16xi32>
        %swap3A_139 = arith.constant 64 : index
        %swap3A_140 = tpu.vector_load %arg6[%swap3A_139] {strides = array<i32>} : memref<128xi32, #tpu.memory_space<vmem>>, vector<16xi32>,
        %swap3A_141 = vector.shape_cast %swap3A_140 : vector<16xi32> to vector<16xi32>
        %swap3A_142 = vector.shape_cast %broadcast_in_dim3A_138 : vector<16xi32> to vector<16xi32>
        tpu.vector_store %arg6[%swap3A_139], %swap3A_142 {strides = array<i32>} : memref<128xi32, #tpu.memory_space<vmem>>, vector<16xi32>,
        %broadcast_in_dim3A_143 = arith.constant 10000 : i32
        %broadcast_in_dim3A_144 = vector.broadcast %broadcast_in_dim3A_143 : i32 to vector<16xi32>
        %swap3A_145 = arith.constant 80 : index
        %swap3A_146 = tpu.vector_load %arg6[%swap3A_145] {strides = array<i32>} : memref<128xi32, #tpu.memory_space<vmem>>, vector<16xi32>,
        %swap3A_147 = vector.shape_cast %swap3A_146 : vector<16xi32> to vector<16xi32>
        %swap3A_148 = vector.shape_cast %broadcast_in_dim3A_144 : vector<16xi32> to vector<16xi32>
        tpu.vector_store %arg6[%swap3A_145], %swap3A_148 {strides = array<i32>} : memref<128xi32, #tpu.memory_space<vmem>>, vector<16xi32>,
        %broadcast_in_dim3A_149 = arith.constant 10000 : i32
        %broadcast_in_dim3A_150 = vector.broadcast %broadcast_in_dim3A_149 : i32 to vector<16xi32>
        %swap3A_151 = arith.constant 96 : index
        %swap3A_152 = tpu.vector_load %arg6[%swap3A_151] {strides = array<i32>} : memref<128xi32, #tpu.memory_space<vmem>>, vector<16xi32>,
        %swap3A_153 = vector.shape_cast %swap3A_152 : vector<16xi32> to vector<16xi32>
        %swap3A_154 = vector.shape_cast %broadcast_in_dim3A_150 : vector<16xi32> to vector<16xi32>
        tpu.vector_store %arg6[%swap3A_151], %swap3A_154 {strides = array<i32>} : memref<128xi32, #tpu.memory_space<vmem>>, vector<16xi32>,
        %broadcast_in_dim3A_155 = arith.constant 10000 : i32
        %broadcast_in_dim3A_156 = vector.broadcast %broadcast_in_dim3A_155 : i32 to vector<16xi32>
        %swap3A_157 = arith.constant 112 : index
        %swap3A_158 = tpu.vector_load %arg6[%swap3A_157] {strides = array<i32>} : memref<128xi32, #tpu.memory_space<vmem>>, vector<16xi32>,
        %swap3A_159 = vector.shape_cast %swap3A_158 : vector<16xi32> to vector<16xi32>
        %swap3A_160 = vector.shape_cast %broadcast_in_dim3A_156 : vector<16xi32> to vector<16xi32>
        tpu.vector_store %arg6[%swap3A_157], %swap3A_160 {strides = array<i32>} : memref<128xi32, #tpu.memory_space<vmem>>, vector<16xi32>,
      } else {
      }
      %dma_start3A_69 = tpu.memref_slice %arg3[%mul3A_55] : memref<160000xi32, #tpu.memory_space<hbm>> -> memref<128xi32, #tpu.memory_space<hbm>>
      %dma_start3A_70 = tpu.memref_slice %arg3[%mul3A_55] : memref<160000xi32, #tpu.memory_space<hbm>> -> memref<128xi32, #tpu.memory_space<hbm>>
      tpu.enqueue_dma source(%dma_start3A_70 : memref<128xi32, #tpu.memory_space<hbm>>) target(%arg7 : memref<128xi32, #tpu.memory_space<vmem>>) target_semaphore(%arg12 : memref<!tpu.dma_semaphore, #tpu.memory_space<semaphore_mem>>)
      %dma_start3A_71 = arith.constant 0 : i32
      %dma_start3A_72 = tpu.memref_slice %arg2[%mul3A_55, %dma_start3A_71] : memref<160000x128xf32, #tpu.memory_space<hbm>> -> memref<128x128xf32, #tpu.memory_space<hbm>>
      %dma_start3A_73 = arith.constant 0 : i32
      %dma_start3A_74 = tpu.memref_slice %arg2[%mul3A_55, %dma_start3A_73] : memref<160000x128xf32, #tpu.memory_space<hbm>> -> memref<128x128xf32, #tpu.memory_space<hbm>>
      tpu.enqueue_dma source(%dma_start3A_74 : memref<128x128xf32, #tpu.memory_space<hbm>>) target(%arg9 : memref<128x128xf32, #tpu.memory_space<vmem>>) target_semaphore(%arg12 : memref<!tpu.dma_semaphore, #tpu.memory_space<semaphore_mem>>)
      "tpu.region"() ({
        %run_scoped3A = tpu.sem_alloc : memref<!tpu.dma_semaphore, #tpu.memory_space<semaphore_mem>>
        %dma_start3A_115 = arith.constant 0 : i32
        %dma_start3A_116 = arith.constant 0 : i32
        %dma_start3A_117 = tpu.memref_slice %arg10[%dma_start3A_115, %dma_start3A_116] : memref<10008x128xf32, #tpu.memory_space<vmem_shared>> -> memref<10008x128xf32, #tpu.memory_space<vmem_shared>>
        tpu.enqueue_indirect_dma source(%arg8 : memref<128x128xf32, #tpu.memory_space<vmem>>) target(%dma_start3A_117 : memref<10008x128xf32, #tpu.memory_space<vmem_shared>>) offsets(%arg6 : memref<128xi32, #tpu.memory_space<vmem>>) semaphore(%run_scoped3A : memref<!tpu.dma_semaphore, #tpu.memory_space<semaphore_mem>>) {add = true}
        %dma_wait3A_118 = arith.constant 0 : i32
        %dma_wait3A_119 = arith.constant 0 : i32
        %dma_wait3A_120 = tpu.memref_slice %arg10[%dma_wait3A_118, %dma_wait3A_119] : memref<10008x128xf32, #tpu.memory_space<vmem_shared>> -> memref<10008x128xf32, #tpu.memory_space<vmem_shared>>
        tpu.wait_indirect_dma semaphore(%run_scoped3A : memref<!tpu.dma_semaphore, #tpu.memory_space<semaphore_mem>>) src(%arg8 : memref<128x128xf32, #tpu.memory_space<vmem>>) dst(%dma_wait3A_120 : memref<10008x128xf32, #tpu.memory_space<vmem_shared>>)
        tpu.yield
      }) : () -> ()
      %mul3A_75 = arith.constant 2 : i32
      %mul3A_76 = arith.muli %mul3A_75, %scan3A_35 : i32
      %add3A_77 = arith.constant 1 : i32
      %add3A_78 = arith.addi %mul3A_76, %add3A_77 : i32
      %mul3A_79 = arith.constant 32 : i32
      %mul3A_80 = arith.muli %add3A_78, %mul3A_79 : i32
      %add3A_81 = arith.addi %add3A, %mul3A_80 : i32
      %min3A_82 = arith.constant 1249 : i32
      %min3A_83 = arith.minsi %add3A_81, %min3A_82 : i32
      %mul3A_84 = arith.constant 128 : i32
      %mul3A_85 = arith.muli %min3A_83, %mul3A_84 : i32
      %add3A_86 = arith.constant 1 : i32
      %add3A_87 = arith.addi %add3A_78, %add3A_86 : i32
      %mul3A_88 = arith.constant 32 : i32
      %mul3A_89 = arith.muli %add3A_87, %mul3A_88 : i32
      %add3A_90 = arith.addi %add3A, %mul3A_89 : i32
      %min3A_91 = arith.constant 1249 : i32
      %min3A_92 = arith.minsi %add3A_90, %min3A_91 : i32
      %mul3A_93 = arith.constant 128 : i32
      %mul3A_94 = arith.muli %min3A_92, %mul3A_93 : i32
      %dma_wait3A_95 = tpu.memref_slice %arg3[%mul3A_85] : memref<160000xi32, #tpu.memory_space<hbm>> -> memref<128xi32, #tpu.memory_space<hbm>>
      %dma_wait3A_96 = tpu.memref_slice %arg3[%mul3A_85] : memref<160000xi32, #tpu.memory_space<hbm>> -> memref<128xi32, #tpu.memory_space<hbm>>
      tpu.wait_dma2 semaphore(%arg12 : memref<!tpu.dma_semaphore, #tpu.memory_space<semaphore_mem>>) src(%dma_wait3A_96 : memref<128xi32, #tpu.memory_space<hbm>>) dst(%arg7 : memref<128xi32, #tpu.memory_space<vmem>>)
      %dma_wait3A_97 = arith.constant 0 : i32
      %dma_wait3A_98 = tpu.memref_slice %arg2[%mul3A_85, %dma_wait3A_97] : memref<160000x128xf32, #tpu.memory_space<hbm>> -> memref<128x128xf32, #tpu.memory_space<hbm>>
      %dma_wait3A_99 = arith.constant 0 : i32
      %dma_wait3A_100 = tpu.memref_slice %arg2[%mul3A_85, %dma_wait3A_99] : memref<160000x128xf32, #tpu.memory_space<hbm>> -> memref<128x128xf32, #tpu.memory_space<hbm>>
      tpu.wait_dma2 semaphore(%arg12 : memref<!tpu.dma_semaphore, #tpu.memory_space<semaphore_mem>>) src(%dma_wait3A_100 : memref<128x128xf32, #tpu.memory_space<hbm>>) dst(%arg9 : memref<128x128xf32, #tpu.memory_space<vmem>>)
      %mul3A_101 = arith.constant 32 : i32
      %mul3A_102 = arith.muli %add3A_78, %mul3A_101 : i32
      %add3A_103 = arith.addi %add3A, %mul3A_102 : i32
      %ge3A_104 = arith.constant 1250 : i32
      %ge3A_105 = arith.cmpi sge, %add3A_103, %ge3A_104 : i32
      %convert_element_type3A_106 = arith.extui %ge3A_105 : i1 to i32
      %cond3A_107 = arith.constant 0 : i32
      %cond3A_108 = arith.cmpi ne, %convert_element_type3A_106, %cond3A_107 : i32
      scf.if %cond3A_108 {
        %broadcast_in_dim3A = arith.constant 10000 : i32
        %broadcast_in_dim3A_115 = vector.broadcast %broadcast_in_dim3A : i32 to vector<16xi32>
        %swap3A = arith.constant 0 : index
        %swap3A_116 = tpu.vector_load %arg7[%swap3A] {strides = array<i32>} : memref<128xi32, #tpu.memory_space<vmem>>, vector<16xi32>,
        %swap3A_117 = vector.shape_cast %swap3A_116 : vector<16xi32> to vector<16xi32>
        %swap3A_118 = vector.shape_cast %broadcast_in_dim3A_115 : vector<16xi32> to vector<16xi32>
        tpu.vector_store %arg7[%swap3A], %swap3A_118 {strides = array<i32>} : memref<128xi32, #tpu.memory_space<vmem>>, vector<16xi32>,
        %broadcast_in_dim3A_119 = arith.constant 10000 : i32
        %broadcast_in_dim3A_120 = vector.broadcast %broadcast_in_dim3A_119 : i32 to vector<16xi32>
        %swap3A_121 = arith.constant 16 : index
        %swap3A_122 = tpu.vector_load %arg7[%swap3A_121] {strides = array<i32>} : memref<128xi32, #tpu.memory_space<vmem>>, vector<16xi32>,
        %swap3A_123 = vector.shape_cast %swap3A_122 : vector<16xi32> to vector<16xi32>
        %swap3A_124 = vector.shape_cast %broadcast_in_dim3A_120 : vector<16xi32> to vector<16xi32>
        tpu.vector_store %arg7[%swap3A_121], %swap3A_124 {strides = array<i32>} : memref<128xi32, #tpu.memory_space<vmem>>, vector<16xi32>,
        %broadcast_in_dim3A_125 = arith.constant 10000 : i32
        %broadcast_in_dim3A_126 = vector.broadcast %broadcast_in_dim3A_125 : i32 to vector<16xi32>
        %swap3A_127 = arith.constant 32 : index
        %swap3A_128 = tpu.vector_load %arg7[%swap3A_127] {strides = array<i32>} : memref<128xi32, #tpu.memory_space<vmem>>, vector<16xi32>,
        %swap3A_129 = vector.shape_cast %swap3A_128 : vector<16xi32> to vector<16xi32>
        %swap3A_130 = vector.shape_cast %broadcast_in_dim3A_126 : vector<16xi32> to vector<16xi32>
        tpu.vector_store %arg7[%swap3A_127], %swap3A_130 {strides = array<i32>} : memref<128xi32, #tpu.memory_space<vmem>>, vector<16xi32>,
        %broadcast_in_dim3A_131 = arith.constant 10000 : i32
        %broadcast_in_dim3A_132 = vector.broadcast %broadcast_in_dim3A_131 : i32 to vector<16xi32>
        %swap3A_133 = arith.constant 48 : index
        %swap3A_134 = tpu.vector_load %arg7[%swap3A_133] {strides = array<i32>} : memref<128xi32, #tpu.memory_space<vmem>>, vector<16xi32>,
        %swap3A_135 = vector.shape_cast %swap3A_134 : vector<16xi32> to vector<16xi32>
        %swap3A_136 = vector.shape_cast %broadcast_in_dim3A_132 : vector<16xi32> to vector<16xi32>
        tpu.vector_store %arg7[%swap3A_133], %swap3A_136 {strides = array<i32>} : memref<128xi32, #tpu.memory_space<vmem>>, vector<16xi32>,
        %broadcast_in_dim3A_137 = arith.constant 10000 : i32
        %broadcast_in_dim3A_138 = vector.broadcast %broadcast_in_dim3A_137 : i32 to vector<16xi32>
        %swap3A_139 = arith.constant 64 : index
        %swap3A_140 = tpu.vector_load %arg7[%swap3A_139] {strides = array<i32>} : memref<128xi32, #tpu.memory_space<vmem>>, vector<16xi32>,
        %swap3A_141 = vector.shape_cast %swap3A_140 : vector<16xi32> to vector<16xi32>
        %swap3A_142 = vector.shape_cast %broadcast_in_dim3A_138 : vector<16xi32> to vector<16xi32>
        tpu.vector_store %arg7[%swap3A_139], %swap3A_142 {strides = array<i32>} : memref<128xi32, #tpu.memory_space<vmem>>, vector<16xi32>,
        %broadcast_in_dim3A_143 = arith.constant 10000 : i32
        %broadcast_in_dim3A_144 = vector.broadcast %broadcast_in_dim3A_143 : i32 to vector<16xi32>
        %swap3A_145 = arith.constant 80 : index
        %swap3A_146 = tpu.vector_load %arg7[%swap3A_145] {strides = array<i32>} : memref<128xi32, #tpu.memory_space<vmem>>, vector<16xi32>,
        %swap3A_147 = vector.shape_cast %swap3A_146 : vector<16xi32> to vector<16xi32>
        %swap3A_148 = vector.shape_cast %broadcast_in_dim3A_144 : vector<16xi32> to vector<16xi32>
        tpu.vector_store %arg7[%swap3A_145], %swap3A_148 {strides = array<i32>} : memref<128xi32, #tpu.memory_space<vmem>>, vector<16xi32>,
        %broadcast_in_dim3A_149 = arith.constant 10000 : i32
        %broadcast_in_dim3A_150 = vector.broadcast %broadcast_in_dim3A_149 : i32 to vector<16xi32>
        %swap3A_151 = arith.constant 96 : index
        %swap3A_152 = tpu.vector_load %arg7[%swap3A_151] {strides = array<i32>} : memref<128xi32, #tpu.memory_space<vmem>>, vector<16xi32>,
        %swap3A_153 = vector.shape_cast %swap3A_152 : vector<16xi32> to vector<16xi32>
        %swap3A_154 = vector.shape_cast %broadcast_in_dim3A_150 : vector<16xi32> to vector<16xi32>
        tpu.vector_store %arg7[%swap3A_151], %swap3A_154 {strides = array<i32>} : memref<128xi32, #tpu.memory_space<vmem>>, vector<16xi32>,
        %broadcast_in_dim3A_155 = arith.constant 10000 : i32
        %broadcast_in_dim3A_156 = vector.broadcast %broadcast_in_dim3A_155 : i32 to vector<16xi32>
        %swap3A_157 = arith.constant 112 : index
        %swap3A_158 = tpu.vector_load %arg7[%swap3A_157] {strides = array<i32>} : memref<128xi32, #tpu.memory_space<vmem>>, vector<16xi32>,
        %swap3A_159 = vector.shape_cast %swap3A_158 : vector<16xi32> to vector<16xi32>
        %swap3A_160 = vector.shape_cast %broadcast_in_dim3A_156 : vector<16xi32> to vector<16xi32>
        tpu.vector_store %arg7[%swap3A_157], %swap3A_160 {strides = array<i32>} : memref<128xi32, #tpu.memory_space<vmem>>, vector<16xi32>,
      } else {
      }
      %dma_start3A_109 = tpu.memref_slice %arg3[%mul3A_94] : memref<160000xi32, #tpu.memory_space<hbm>> -> memref<128xi32, #tpu.memory_space<hbm>>
      %dma_start3A_110 = tpu.memref_slice %arg3[%mul3A_94] : memref<160000xi32, #tpu.memory_space<hbm>> -> memref<128xi32, #tpu.memory_space<hbm>>
      tpu.enqueue_dma source(%dma_start3A_110 : memref<128xi32, #tpu.memory_space<hbm>>) target(%arg6 : memref<128xi32, #tpu.memory_space<vmem>>) target_semaphore(%arg11 : memref<!tpu.dma_semaphore, #tpu.memory_space<semaphore_mem>>)
      %dma_start3A_111 = arith.constant 0 : i32
      %dma_start3A_112 = tpu.memref_slice %arg2[%mul3A_94, %dma_start3A_111] : memref<160000x128xf32, #tpu.memory_space<hbm>> -> memref<128x128xf32, #tpu.memory_space<hbm>>
      %dma_start3A_113 = arith.constant 0 : i32
      %dma_start3A_114 = tpu.memref_slice %arg2[%mul3A_94, %dma_start3A_113] : memref<160000x128xf32, #tpu.memory_space<hbm>> -> memref<128x128xf32, #tpu.memory_space<hbm>>
      tpu.enqueue_dma source(%dma_start3A_114 : memref<128x128xf32, #tpu.memory_space<hbm>>) target(%arg8 : memref<128x128xf32, #tpu.memory_space<vmem>>) target_semaphore(%arg11 : memref<!tpu.dma_semaphore, #tpu.memory_space<semaphore_mem>>)
      "tpu.region"() ({
        %run_scoped3A = tpu.sem_alloc : memref<!tpu.dma_semaphore, #tpu.memory_space<semaphore_mem>>
        %dma_start3A_115 = arith.constant 0 : i32
        %dma_start3A_116 = arith.constant 0 : i32
        %dma_start3A_117 = tpu.memref_slice %arg10[%dma_start3A_115, %dma_start3A_116] : memref<10008x128xf32, #tpu.memory_space<vmem_shared>> -> memref<10008x128xf32, #tpu.memory_space<vmem_shared>>
        tpu.enqueue_indirect_dma source(%arg9 : memref<128x128xf32, #tpu.memory_space<vmem>>) target(%dma_start3A_117 : memref<10008x128xf32, #tpu.memory_space<vmem_shared>>) offsets(%arg7 : memref<128xi32, #tpu.memory_space<vmem>>) semaphore(%run_scoped3A : memref<!tpu.dma_semaphore, #tpu.memory_space<semaphore_mem>>) {add = true}
        %dma_wait3A_118 = arith.constant 0 : i32
        %dma_wait3A_119 = arith.constant 0 : i32
        %dma_wait3A_120 = tpu.memref_slice %arg10[%dma_wait3A_118, %dma_wait3A_119] : memref<10008x128xf32, #tpu.memory_space<vmem_shared>> -> memref<10008x128xf32, #tpu.memory_space<vmem_shared>>
        tpu.wait_indirect_dma semaphore(%run_scoped3A : memref<!tpu.dma_semaphore, #tpu.memory_space<semaphore_mem>>) src(%arg9 : memref<128x128xf32, #tpu.memory_space<vmem>>) dst(%dma_wait3A_120 : memref<10008x128xf32, #tpu.memory_space<vmem_shared>>)
        tpu.yield
      }) : () -> ()
    }
    %scan3A_17 = arith.constant 20 : i32
    %add3A_18 = arith.constant 1280 : i32
    %add3A_19 = arith.addi %add3A, %add3A_18 : i32
    %min3A_20 = arith.constant 1249 : i32
    %min3A_21 = arith.minsi %add3A_19, %min3A_20 : i32
    %mul3A_22 = arith.constant 128 : i32
    %mul3A_23 = arith.muli %min3A_21, %mul3A_22 : i32
    %dma_wait3A = tpu.memref_slice %arg3[%mul3A_23] : memref<160000xi32, #tpu.memory_space<hbm>> -> memref<128xi32, #tpu.memory_space<hbm>>
    %dma_wait3A_24 = tpu.memref_slice %arg3[%mul3A_23] : memref<160000xi32, #tpu.memory_space<hbm>> -> memref<128xi32, #tpu.memory_space<hbm>>
    tpu.wait_dma2 semaphore(%arg11 : memref<!tpu.dma_semaphore, #tpu.memory_space<semaphore_mem>>) src(%dma_wait3A_24 : memref<128xi32, #tpu.memory_space<hbm>>) dst(%arg6 : memref<128xi32, #tpu.memory_space<vmem>>)
    %dma_wait3A_25 = arith.constant 0 : i32
    %dma_wait3A_26 = tpu.memref_slice %arg2[%mul3A_23, %dma_wait3A_25] : memref<160000x128xf32, #tpu.memory_space<hbm>> -> memref<128x128xf32, #tpu.memory_space<hbm>>
    %dma_wait3A_27 = arith.constant 0 : i32
    %dma_wait3A_28 = tpu.memref_slice %arg2[%mul3A_23, %dma_wait3A_27] : memref<160000x128xf32, #tpu.memory_space<hbm>> -> memref<128x128xf32, #tpu.memory_space<hbm>>
    tpu.wait_dma2 semaphore(%arg11 : memref<!tpu.dma_semaphore, #tpu.memory_space<semaphore_mem>>) src(%dma_wait3A_28 : memref<128x128xf32, #tpu.memory_space<hbm>>) dst(%arg8 : memref<128x128xf32, #tpu.memory_space<vmem>>)
    %barrier3A_29 = arith.constant 0 : index
    tpu.barrier barrier_id(%barrier3A_29)
    %eq3A_30 = arith.constant 0 : i32
    %eq3A_31 = arith.cmpi eq, %arg1, %eq3A_30 : i32
    %convert_element_type3A_32 = arith.extui %eq3A_31 : i1 to i32
    %cond3A_33 = arith.constant 0 : i32
    %cond3A_34 = arith.cmpi ne, %convert_element_type3A_32, %cond3A_33 : i32
    scf.if %cond3A_34 {
      "tpu.region"() ({
        %run_scoped3A = tpu.sem_alloc : memref<!tpu.dma_semaphore, #tpu.memory_space<semaphore_mem>>
        %dma_start3A_35 = arith.constant 0 : i32
        %dma_start3A_36 = arith.constant 0 : i32
        %dma_start3A_37 = tpu.memref_slice %arg5[%arg0, %dma_start3A_35, %dma_start3A_36] : memref<2x10000x128xf32, #tpu.memory_space<hbm>> -> memref<1x10000x128xf32, #tpu.memory_space<hbm>>
        %dma_start3A_38 = tpu.memref_squeeze %dma_start3A_37 : memref<1x10000x128xf32, #tpu.memory_space<hbm>> -> memref<10000x128xf32, #tpu.memory_space<hbm>>
        %dma_start3A_39 = arith.constant 0 : i32
        %dma_start3A_40 = arith.constant 0 : i32
        %dma_start3A_41 = tpu.memref_slice %arg10[%dma_start3A_39, %dma_start3A_40] : memref<10008x128xf32, #tpu.memory_space<vmem_shared>> -> memref<10000x128xf32, #tpu.memory_space<vmem_shared>>
        tpu.enqueue_dma source(%dma_start3A_41 : memref<10000x128xf32, #tpu.memory_space<vmem_shared>>) target(%dma_start3A_38 : memref<10000x128xf32, #tpu.memory_space<hbm>>) target_semaphore(%run_scoped3A : memref<!tpu.dma_semaphore, #tpu.memory_space<semaphore_mem>>)
        %dma_wait3A_42 = arith.constant 0 : i32
        %dma_wait3A_43 = arith.constant 0 : i32
        %dma_wait3A_44 = tpu.memref_slice %arg5[%arg0, %dma_wait3A_42, %dma_wait3A_43] : memref<2x10000x128xf32, #tpu.memory_space<hbm>> -> memref<1x10000x128xf32, #tpu.memory_space<hbm>>
        %dma_wait3A_45 = tpu.memref_squeeze %dma_wait3A_44 : memref<1x10000x128xf32, #tpu.memory_space<hbm>> -> memref<10000x128xf32, #tpu.memory_space<hbm>>
        %dma_wait3A_46 = arith.constant 0 : i32
        %dma_wait3A_47 = arith.constant 0 : i32
        %dma_wait3A_48 = tpu.memref_slice %arg10[%dma_wait3A_46, %dma_wait3A_47] : memref<10008x128xf32, #tpu.memory_space<vmem_shared>> -> memref<10000x128xf32, #tpu.memory_space<vmem_shared>>
        tpu.wait_dma2 semaphore(%run_scoped3A : memref<!tpu.dma_semaphore, #tpu.memory_space<semaphore_mem>>) src(%dma_wait3A_48 : memref<10000x128xf32, #tpu.memory_space<vmem_shared>>) dst(%dma_wait3A_45 : memref<10000x128xf32, #tpu.memory_space<hbm>>)
        tpu.yield
      }) : () -> ()
    } else {
    }
    return
  }
}

#map = affine_map<(d0, d1) -> (0, 0)>
#map1 = affine_map<(d0, d1) -> (0)>
#map2 = affine_map<(d0, d1) -> (0, 0, 0)>
module attributes {stable_mosaic.version = 14 : i64} {
  func.func @scatter(%arg0: i32, %arg1: i32, %arg2: memref<160000x128xf32, #tpu.memory_space<hbm>>, %arg3: memref<160000xi32, #tpu.memory_space<hbm>>, %arg4: memref<10008x128xf32, #tpu.memory_space<hbm>>, %arg5: memref<2x10000x128xf32, #tpu.memory_space<hbm>>, %arg6: memref<128xi32, #tpu.memory_space<vmem>>, %arg7: memref<128xi32, #tpu.memory_space<vmem>>, %arg8: memref<128x128xf32, #tpu.memory_space<vmem>>, %arg9: memref<128x128xf32, #tpu.memory_space<vmem>>, %arg10: memref<10008x128xf32, #tpu.memory_space<vmem_shared>>, %arg11: memref<!tpu.dma_semaphore, #tpu.memory_space<semaphore_mem>>, %arg12: memref<!tpu.dma_semaphore, #tpu.memory_space<semaphore_mem>>) attributes {dimension_semantics = [#tpu.dimension_semantics<core_parallel>, #tpu.dimension_semantics<subcore_parallel>], iteration_bounds = array<i64: 2, 16>, scalar_prefetch = 0 : i64, scratch_operands = 7 : i64, tpu.core_type = #tpu.core_type<sc_vector_subcore>, window_params = [{transform_indices = #map}, {transform_indices = #map1}, {transform_indices = #map}, {transform_indices = #map2}]} {
    %mul3A = arith.constant 2 : i32
    %mul3A_0 = arith.muli %arg1, %mul3A : i32
    %add3A = arith.addi %mul3A_0, %arg0 : i32
    %eq3A = arith.constant 0 : i32
    %eq3A_1 = arith.cmpi eq, %arg1, %eq3A : i32
    %convert_element_type3A = arith.extui %eq3A_1 : i1 to i32
    %cond3A = arith.constant 0 : i32
    %cond3A_2 = arith.cmpi ne, %convert_element_type3A, %cond3A : i32
    scf.if %cond3A_2 {
      "tpu.region"() ({
        %run_scoped3A = tpu.sem_alloc : memref<!tpu.dma_semaphore, #tpu.memory_space<semaphore_mem>>
        tpu.enqueue_dma source(%arg4 : memref<10008x128xf32, #tpu.memory_space<hbm>>) target(%arg10 : memref<10008x128xf32, #tpu.memory_space<vmem_shared>>) target_semaphore(%run_scoped3A : memref<!tpu.dma_semaphore, #tpu.memory_space<semaphore_mem>>)
        tpu.wait_dma2 semaphore(%run_scoped3A : memref<!tpu.dma_semaphore, #tpu.memory_space<semaphore_mem>>) src(%arg4 : memref<10008x128xf32, #tpu.memory_space<hbm>>) dst(%arg10 : memref<10008x128xf32, #tpu.memory_space<vmem_shared>>)
        tpu.yield
      }) : () -> ()
    } else {
    }
    %barrier3A = arith.constant 0 : index
    tpu.barrier barrier_id(%barrier3A)
    %add3A_3 = arith.constant 0 : i32
    %add3A_4 = arith.addi %add3A, %add3A_3 : i32
    %min3A = arith.constant 1249 : i32
    %min3A_5 = arith.minsi %add3A_4, %min3A : i32
    %mul3A_6 = arith.constant 128 : i32
    %mul3A_7 = arith.muli %min3A_5, %mul3A_6 : i32
    %dma_start3A = tpu.memref_slice %arg3[%mul3A_7] : memref<160000xi32, #tpu.memory_space<hbm>> -> memref<128xi32, #tpu.memory_space<hbm>>
    %dma_start3A_8 = tpu.memref_slice %arg3[%mul3A_7] : memref<160000xi32, #tpu.memory_space<hbm>> -> memref<128xi32, #tpu.memory_space<hbm>>
    tpu.enqueue_dma source(%dma_start3A_8 : memref<128xi32, #tpu.memory_space<hbm>>) target(%arg6 : memref<128xi32, #tpu.memory_space<vmem>>) target_semaphore(%arg11 : memref<!tpu.dma_semaphore, #tpu.memory_space<semaphore_mem>>)
    %dma_start3A_9 = arith.constant 0 : i32
    %dma_start3A_10 = tpu.memref_slice %arg2[%mul3A_7, %dma_start3A_9] : memref<160000x128xf32, #tpu.memory_space<hbm>> -> memref<128x128xf32, #tpu.memory_space<hbm>>
    %dma_start3A_11 = arith.constant 0 : i32
    %dma_start3A_12 = tpu.memref_slice %arg2[%mul3A_7, %dma_start3A_11] : memref<160000x128xf32, #tpu.memory_space<hbm>> -> memref<128x128xf32, #tpu.memory_space<hbm>>
    tpu.enqueue_dma source(%dma_start3A_12 : memref<128x128xf32, #tpu.memory_space<hbm>>) target(%arg8 : memref<128x128xf32, #tpu.memory_space<vmem>>) target_semaphore(%arg11 : memref<!tpu.dma_semaphore, #tpu.memory_space<semaphore_mem>>)
    %scan3A = arith.constant 0 : i32
    %scan3A_13 = arith.constant 0 : i32
    %scan3A_14 = arith.constant 20 : i32
    %scan3A_15 = arith.addi %scan3A_13, %scan3A_14 : i32
    %scan3A_16 = arith.constant 1 : i32
    scf.for %scan3A_35 = %scan3A_13 to %scan3A_15 step %scan3A_16  : i32 {
      %mul3A_36 = arith.constant 2 : i32
      %mul3A_37 = arith.muli %mul3A_36, %scan3A_35 : i32
      %add3A_38 = arith.constant 0 : i32
      %add3A_39 = arith.addi %mul3A_37, %add3A_38 : i32
      %mul3A_40 = arith.constant 32 : i32
      %mul3A_41 = arith.muli %add3A_39, %mul3A_40 : i32
      %add3A_42 = arith.addi %add3A, %mul3A_41 : i32
      %min3A_43 = arith.constant 1249 : i32
      %min3A_44 = arith.minsi %add3A_42, %min3A_43 : i32
      %mul3A_45 = arith.constant 128 : i32
      %mul3A_46 = arith.muli %min3A_44, %mul3A_45 : i32
      %add3A_47 = arith.constant 1 : i32
      %add3A_48 = arith.addi %add3A_39, %add3A_47 : i32
      %mul3A_49 = arith.constant 32 : i32
      %mul3A_50 = arith.muli %add3A_48, %mul3A_49 : i32
      %add3A_51 = arith.addi %add3A, %mul3A_50 : i32
      %min3A_52 = arith.constant 1249 : i32
      %min3A_53 = arith.minsi %add3A_51, %min3A_52 : i32
      %mul3A_54 = arith.constant 128 : i32
      %mul3A_55 = arith.muli %min3A_53, %mul3A_54 : i32
      %dma_wait3A_56 = tpu.memref_slice %arg3[%mul3A_46] : memref<160000xi32, #tpu.memory_space<hbm>> -> memref<128xi32, #tpu.memory_space<hbm>>
      %dma_wait3A_57 = tpu.memref_slice %arg3[%mul3A_46] : memref<160000xi32, #tpu.memory_space<hbm>> -> memref<128xi32, #tpu.memory_space<hbm>>
      tpu.wait_dma2 semaphore(%arg11 : memref<!tpu.dma_semaphore, #tpu.memory_space<semaphore_mem>>) src(%dma_wait3A_57 : memref<128xi32, #tpu.memory_space<hbm>>) dst(%arg6 : memref<128xi32, #tpu.memory_space<vmem>>)
      %dma_wait3A_58 = arith.constant 0 : i32
      %dma_wait3A_59 = tpu.memref_slice %arg2[%mul3A_46, %dma_wait3A_58] : memref<160000x128xf32, #tpu.memory_space<hbm>> -> memref<128x128xf32, #tpu.memory_space<hbm>>
      %dma_wait3A_60 = arith.constant 0 : i32
      %dma_wait3A_61 = tpu.memref_slice %arg2[%mul3A_46, %dma_wait3A_60] : memref<160000x128xf32, #tpu.memory_space<hbm>> -> memref<128x128xf32, #tpu.memory_space<hbm>>
      tpu.wait_dma2 semaphore(%arg11 : memref<!tpu.dma_semaphore, #tpu.memory_space<semaphore_mem>>) src(%dma_wait3A_61 : memref<128x128xf32, #tpu.memory_space<hbm>>) dst(%arg8 : memref<128x128xf32, #tpu.memory_space<vmem>>)
      %mul3A_62 = arith.constant 32 : i32
      %mul3A_63 = arith.muli %add3A_39, %mul3A_62 : i32
      %add3A_64 = arith.addi %add3A, %mul3A_63 : i32
      %ge3A = arith.constant 1250 : i32
      %ge3A_65 = arith.cmpi sge, %add3A_64, %ge3A : i32
      %convert_element_type3A_66 = arith.extui %ge3A_65 : i1 to i32
      %cond3A_67 = arith.constant 0 : i32
      %cond3A_68 = arith.cmpi ne, %convert_element_type3A_66, %cond3A_67 : i32
      scf.if %cond3A_68 {
        %broadcast_in_dim3A = arith.constant 10000 : i32
        %broadcast_in_dim3A_115 = vector.broadcast %broadcast_in_dim3A : i32 to vector<16xi32>
        %swap3A = arith.constant 0 : index
        %swap3A_116 = tpu.vector_load %arg6[%swap3A] {strides = array<i32>} : memref<128xi32, #tpu.memory_space<vmem>>, vector<16xi32>,
        %swap3A_117 = vector.shape_cast %swap3A_116 : vector<16xi32> to vector<16xi32>
        %swap3A_118 = vector.shape_cast %broadcast_in_dim3A_115 : vector<16xi32> to vector<16xi32>
        tpu.vector_store %arg6[%swap3A], %swap3A_118 {strides = array<i32>} : memref<128xi32, #tpu.memory_space<vmem>>, vector<16xi32>,
        %broadcast_in_dim3A_119 = arith.constant 10000 : i32
        %broadcast_in_dim3A_120 = vector.broadcast %broadcast_in_dim3A_119 : i32 to vector<16xi32>
        %swap3A_121 = arith.constant 16 : index
        %swap3A_122 = tpu.vector_load %arg6[%swap3A_121] {strides = array<i32>} : memref<128xi32, #tpu.memory_space<vmem>>, vector<16xi32>,
        %swap3A_123 = vector.shape_cast %swap3A_122 : vector<16xi32> to vector<16xi32>
        %swap3A_124 = vector.shape_cast %broadcast_in_dim3A_120 : vector<16xi32> to vector<16xi32>
        tpu.vector_store %arg6[%swap3A_121], %swap3A_124 {strides = array<i32>} : memref<128xi32, #tpu.memory_space<vmem>>, vector<16xi32>,
        %broadcast_in_dim3A_125 = arith.constant 10000 : i32
        %broadcast_in_dim3A_126 = vector.broadcast %broadcast_in_dim3A_125 : i32 to vector<16xi32>
        %swap3A_127 = arith.constant 32 : index
        %swap3A_128 = tpu.vector_load %arg6[%swap3A_127] {strides = array<i32>} : memref<128xi32, #tpu.memory_space<vmem>>, vector<16xi32>,
        %swap3A_129 = vector.shape_cast %swap3A_128 : vector<16xi32> to vector<16xi32>
        %swap3A_130 = vector.shape_cast %broadcast_in_dim3A_126 : vector<16xi32> to vector<16xi32>
        tpu.vector_store %arg6[%swap3A_127], %swap3A_130 {strides = array<i32>} : memref<128xi32, #tpu.memory_space<vmem>>, vector<16xi32>,
        %broadcast_in_dim3A_131 = arith.constant 10000 : i32
        %broadcast_in_dim3A_132 = vector.broadcast %broadcast_in_dim3A_131 : i32 to vector<16xi32>
        %swap3A_133 = arith.constant 48 : index
        %swap3A_134 = tpu.vector_load %arg6[%swap3A_133] {strides = array<i32>} : memref<128xi32, #tpu.memory_space<vmem>>, vector<16xi32>,
        %swap3A_135 = vector.shape_cast %swap3A_134 : vector<16xi32> to vector<16xi32>
        %swap3A_136 = vector.shape_cast %broadcast_in_dim3A_132 : vector<16xi32> to vector<16xi32>
        tpu.vector_store %arg6[%swap3A_133], %swap3A_136 {strides = array<i32>} : memref<128xi32, #tpu.memory_space<vmem>>, vector<16xi32>,
        %broadcast_in_dim3A_137 = arith.constant 10000 : i32
        %broadcast_in_dim3A_138 = vector.broadcast %broadcast_in_dim3A_137 : i32 to vector<16xi32>
        %swap3A_139 = arith.constant 64 : index
        %swap3A_140 = tpu.vector_load %arg6[%swap3A_139] {strides = array<i32>} : memref<128xi32, #tpu.memory_space<vmem>>, vector<16xi32>,
        %swap3A_141 = vector.shape_cast %swap3A_140 : vector<16xi32> to vector<16xi32>
        %swap3A_142 = vector.shape_cast %broadcast_in_dim3A_138 : vector<16xi32> to vector<16xi32>
        tpu.vector_store %arg6[%swap3A_139], %swap3A_142 {strides = array<i32>} : memref<128xi32, #tpu.memory_space<vmem>>, vector<16xi32>,
        %broadcast_in_dim3A_143 = arith.constant 10000 : i32
        %broadcast_in_dim3A_144 = vector.broadcast %broadcast_in_dim3A_143 : i32 to vector<16xi32>
        %swap3A_145 = arith.constant 80 : index
        %swap3A_146 = tpu.vector_load %arg6[%swap3A_145] {strides = array<i32>} : memref<128xi32, #tpu.memory_space<vmem>>, vector<16xi32>,
        %swap3A_147 = vector.shape_cast %swap3A_146 : vector<16xi32> to vector<16xi32>
        %swap3A_148 = vector.shape_cast %broadcast_in_dim3A_144 : vector<16xi32> to vector<16xi32>
        tpu.vector_store %arg6[%swap3A_145], %swap3A_148 {strides = array<i32>} : memref<128xi32, #tpu.memory_space<vmem>>, vector<16xi32>,
        %broadcast_in_dim3A_149 = arith.constant 10000 : i32
        %broadcast_in_dim3A_150 = vector.broadcast %broadcast_in_dim3A_149 : i32 to vector<16xi32>
        %swap3A_151 = arith.constant 96 : index
        %swap3A_152 = tpu.vector_load %arg6[%swap3A_151] {strides = array<i32>} : memref<128xi32, #tpu.memory_space<vmem>>, vector<16xi32>,
        %swap3A_153 = vector.shape_cast %swap3A_152 : vector<16xi32> to vector<16xi32>
        %swap3A_154 = vector.shape_cast %broadcast_in_dim3A_150 : vector<16xi32> to vector<16xi32>
        tpu.vector_store %arg6[%swap3A_151], %swap3A_154 {strides = array<i32>} : memref<128xi32, #tpu.memory_space<vmem>>, vector<16xi32>,
        %broadcast_in_dim3A_155 = arith.constant 10000 : i32
        %broadcast_in_dim3A_156 = vector.broadcast %broadcast_in_dim3A_155 : i32 to vector<16xi32>
        %swap3A_157 = arith.constant 112 : index
        %swap3A_158 = tpu.vector_load %arg6[%swap3A_157] {strides = array<i32>} : memref<128xi32, #tpu.memory_space<vmem>>, vector<16xi32>,
        %swap3A_159 = vector.shape_cast %swap3A_158 : vector<16xi32> to vector<16xi32>
        %swap3A_160 = vector.shape_cast %broadcast_in_dim3A_156 : vector<16xi32> to vector<16xi32>
        tpu.vector_store %arg6[%swap3A_157], %swap3A_160 {strides = array<i32>} : memref<128xi32, #tpu.memory_space<vmem>>, vector<16xi32>,
      } else {
      }
      %dma_start3A_69 = tpu.memref_slice %arg3[%mul3A_55] : memref<160000xi32, #tpu.memory_space<hbm>> -> memref<128xi32, #tpu.memory_space<hbm>>
      %dma_start3A_70 = tpu.memref_slice %arg3[%mul3A_55] : memref<160000xi32, #tpu.memory_space<hbm>> -> memref<128xi32, #tpu.memory_space<hbm>>
      tpu.enqueue_dma source(%dma_start3A_70 : memref<128xi32, #tpu.memory_space<hbm>>) target(%arg7 : memref<128xi32, #tpu.memory_space<vmem>>) target_semaphore(%arg12 : memref<!tpu.dma_semaphore, #tpu.memory_space<semaphore_mem>>)
      %dma_start3A_71 = arith.constant 0 : i32
      %dma_start3A_72 = tpu.memref_slice %arg2[%mul3A_55, %dma_start3A_71] : memref<160000x128xf32, #tpu.memory_space<hbm>> -> memref<128x128xf32, #tpu.memory_space<hbm>>
      %dma_start3A_73 = arith.constant 0 : i32
      %dma_start3A_74 = tpu.memref_slice %arg2[%mul3A_55, %dma_start3A_73] : memref<160000x128xf32, #tpu.memory_space<hbm>> -> memref<128x128xf32, #tpu.memory_space<hbm>>
      tpu.enqueue_dma source(%dma_start3A_74 : memref<128x128xf32, #tpu.memory_space<hbm>>) target(%arg9 : memref<128x128xf32, #tpu.memory_space<vmem>>) target_semaphore(%arg12 : memref<!tpu.dma_semaphore, #tpu.memory_space<semaphore_mem>>)
      "tpu.region"() ({
        %run_scoped3A = tpu.sem_alloc : memref<!tpu.dma_semaphore, #tpu.memory_space<semaphore_mem>>
        %dma_start3A_115 = arith.constant 0 : i32
        %dma_start3A_116 = arith.constant 0 : i32
        %dma_start3A_117 = tpu.memref_slice %arg10[%dma_start3A_115, %dma_start3A_116] : memref<10008x128xf32, #tpu.memory_space<vmem_shared>> -> memref<10008x128xf32, #tpu.memory_space<vmem_shared>>
        tpu.enqueue_indirect_dma source(%arg8 : memref<128x128xf32, #tpu.memory_space<vmem>>) target(%dma_start3A_117 : memref<10008x128xf32, #tpu.memory_space<vmem_shared>>) offsets(%arg6 : memref<128xi32, #tpu.memory_space<vmem>>) semaphore(%run_scoped3A : memref<!tpu.dma_semaphore, #tpu.memory_space<semaphore_mem>>) {add = true}
        %dma_wait3A_118 = arith.constant 0 : i32
        %dma_wait3A_119 = arith.constant 0 : i32
        %dma_wait3A_120 = tpu.memref_slice %arg10[%dma_wait3A_118, %dma_wait3A_119] : memref<10008x128xf32, #tpu.memory_space<vmem_shared>> -> memref<10008x128xf32, #tpu.memory_space<vmem_shared>>
        tpu.wait_indirect_dma semaphore(%run_scoped3A : memref<!tpu.dma_semaphore, #tpu.memory_space<semaphore_mem>>) src(%arg8 : memref<128x128xf32, #tpu.memory_space<vmem>>) dst(%dma_wait3A_120 : memref<10008x128xf32, #tpu.memory_space<vmem_shared>>)
        tpu.yield
      }) : () -> ()
      %mul3A_75 = arith.constant 2 : i32
      %mul3A_76 = arith.muli %mul3A_75, %scan3A_35 : i32
      %add3A_77 = arith.constant 1 : i32
      %add3A_78 = arith.addi %mul3A_76, %add3A_77 : i32
      %mul3A_79 = arith.constant 32 : i32
      %mul3A_80 = arith.muli %add3A_78, %mul3A_79 : i32
      %add3A_81 = arith.addi %add3A, %mul3A_80 : i32
      %min3A_82 = arith.constant 1249 : i32
      %min3A_83 = arith.minsi %add3A_81, %min3A_82 : i32
      %mul3A_84 = arith.constant 128 : i32
      %mul3A_85 = arith.muli %min3A_83, %mul3A_84 : i32
      %add3A_86 = arith.constant 1 : i32
      %add3A_87 = arith.addi %add3A_78, %add3A_86 : i32
      %mul3A_88 = arith.constant 32 : i32
      %mul3A_89 = arith.muli %add3A_87, %mul3A_88 : i32
      %add3A_90 = arith.addi %add3A, %mul3A_89 : i32
      %min3A_91 = arith.constant 1249 : i32
      %min3A_92 = arith.minsi %add3A_90, %min3A_91 : i32
      %mul3A_93 = arith.constant 128 : i32
      %mul3A_94 = arith.muli %min3A_92, %mul3A_93 : i32
      %dma_wait3A_95 = tpu.memref_slice %arg3[%mul3A_85] : memref<160000xi32, #tpu.memory_space<hbm>> -> memref<128xi32, #tpu.memory_space<hbm>>
      %dma_wait3A_96 = tpu.memref_slice %arg3[%mul3A_85] : memref<160000xi32, #tpu.memory_space<hbm>> -> memref<128xi32, #tpu.memory_space<hbm>>
      tpu.wait_dma2 semaphore(%arg12 : memref<!tpu.dma_semaphore, #tpu.memory_space<semaphore_mem>>) src(%dma_wait3A_96 : memref<128xi32, #tpu.memory_space<hbm>>) dst(%arg7 : memref<128xi32, #tpu.memory_space<vmem>>)
      %dma_wait3A_97 = arith.constant 0 : i32
      %dma_wait3A_98 = tpu.memref_slice %arg2[%mul3A_85, %dma_wait3A_97] : memref<160000x128xf32, #tpu.memory_space<hbm>> -> memref<128x128xf32, #tpu.memory_space<hbm>>
      %dma_wait3A_99 = arith.constant 0 : i32
      %dma_wait3A_100 = tpu.memref_slice %arg2[%mul3A_85, %dma_wait3A_99] : memref<160000x128xf32, #tpu.memory_space<hbm>> -> memref<128x128xf32, #tpu.memory_space<hbm>>
      tpu.wait_dma2 semaphore(%arg12 : memref<!tpu.dma_semaphore, #tpu.memory_space<semaphore_mem>>) src(%dma_wait3A_100 : memref<128x128xf32, #tpu.memory_space<hbm>>) dst(%arg9 : memref<128x128xf32, #tpu.memory_space<vmem>>)
      %mul3A_101 = arith.constant 32 : i32
      %mul3A_102 = arith.muli %add3A_78, %mul3A_101 : i32
      %add3A_103 = arith.addi %add3A, %mul3A_102 : i32
      %ge3A_104 = arith.constant 1250 : i32
      %ge3A_105 = arith.cmpi sge, %add3A_103, %ge3A_104 : i32
      %convert_element_type3A_106 = arith.extui %ge3A_105 : i1 to i32
      %cond3A_107 = arith.constant 0 : i32
      %cond3A_108 = arith.cmpi ne, %convert_element_type3A_106, %cond3A_107 : i32
      scf.if %cond3A_108 {
        %broadcast_in_dim3A = arith.constant 10000 : i32
        %broadcast_in_dim3A_115 = vector.broadcast %broadcast_in_dim3A : i32 to vector<16xi32>
        %swap3A = arith.constant 0 : index
        %swap3A_116 = tpu.vector_load %arg7[%swap3A] {strides = array<i32>} : memref<128xi32, #tpu.memory_space<vmem>>, vector<16xi32>,
        %swap3A_117 = vector.shape_cast %swap3A_116 : vector<16xi32> to vector<16xi32>
        %swap3A_118 = vector.shape_cast %broadcast_in_dim3A_115 : vector<16xi32> to vector<16xi32>
        tpu.vector_store %arg7[%swap3A], %swap3A_118 {strides = array<i32>} : memref<128xi32, #tpu.memory_space<vmem>>, vector<16xi32>,
        %broadcast_in_dim3A_119 = arith.constant 10000 : i32
        %broadcast_in_dim3A_120 = vector.broadcast %broadcast_in_dim3A_119 : i32 to vector<16xi32>
        %swap3A_121 = arith.constant 16 : index
        %swap3A_122 = tpu.vector_load %arg7[%swap3A_121] {strides = array<i32>} : memref<128xi32, #tpu.memory_space<vmem>>, vector<16xi32>,
        %swap3A_123 = vector.shape_cast %swap3A_122 : vector<16xi32> to vector<16xi32>
        %swap3A_124 = vector.shape_cast %broadcast_in_dim3A_120 : vector<16xi32> to vector<16xi32>
        tpu.vector_store %arg7[%swap3A_121], %swap3A_124 {strides = array<i32>} : memref<128xi32, #tpu.memory_space<vmem>>, vector<16xi32>,
        %broadcast_in_dim3A_125 = arith.constant 10000 : i32
        %broadcast_in_dim3A_126 = vector.broadcast %broadcast_in_dim3A_125 : i32 to vector<16xi32>
        %swap3A_127 = arith.constant 32 : index
        %swap3A_128 = tpu.vector_load %arg7[%swap3A_127] {strides = array<i32>} : memref<128xi32, #tpu.memory_space<vmem>>, vector<16xi32>,
        %swap3A_129 = vector.shape_cast %swap3A_128 : vector<16xi32> to vector<16xi32>
        %swap3A_130 = vector.shape_cast %broadcast_in_dim3A_126 : vector<16xi32> to vector<16xi32>
        tpu.vector_store %arg7[%swap3A_127], %swap3A_130 {strides = array<i32>} : memref<128xi32, #tpu.memory_space<vmem>>, vector<16xi32>,
        %broadcast_in_dim3A_131 = arith.constant 10000 : i32
        %broadcast_in_dim3A_132 = vector.broadcast %broadcast_in_dim3A_131 : i32 to vector<16xi32>
        %swap3A_133 = arith.constant 48 : index
        %swap3A_134 = tpu.vector_load %arg7[%swap3A_133] {strides = array<i32>} : memref<128xi32, #tpu.memory_space<vmem>>, vector<16xi32>,
        %swap3A_135 = vector.shape_cast %swap3A_134 : vector<16xi32> to vector<16xi32>
        %swap3A_136 = vector.shape_cast %broadcast_in_dim3A_132 : vector<16xi32> to vector<16xi32>
        tpu.vector_store %arg7[%swap3A_133], %swap3A_136 {strides = array<i32>} : memref<128xi32, #tpu.memory_space<vmem>>, vector<16xi32>,
        %broadcast_in_dim3A_137 = arith.constant 10000 : i32
        %broadcast_in_dim3A_138 = vector.broadcast %broadcast_in_dim3A_137 : i32 to vector<16xi32>
        %swap3A_139 = arith.constant 64 : index
        %swap3A_140 = tpu.vector_load %arg7[%swap3A_139] {strides = array<i32>} : memref<128xi32, #tpu.memory_space<vmem>>, vector<16xi32>,
        %swap3A_141 = vector.shape_cast %swap3A_140 : vector<16xi32> to vector<16xi32>
        %swap3A_142 = vector.shape_cast %broadcast_in_dim3A_138 : vector<16xi32> to vector<16xi32>
        tpu.vector_store %arg7[%swap3A_139], %swap3A_142 {strides = array<i32>} : memref<128xi32, #tpu.memory_space<vmem>>, vector<16xi32>,
        %broadcast_in_dim3A_143 = arith.constant 10000 : i32
        %broadcast_in_dim3A_144 = vector.broadcast %broadcast_in_dim3A_143 : i32 to vector<16xi32>
        %swap3A_145 = arith.constant 80 : index
        %swap3A_146 = tpu.vector_load %arg7[%swap3A_145] {strides = array<i32>} : memref<128xi32, #tpu.memory_space<vmem>>, vector<16xi32>,
        %swap3A_147 = vector.shape_cast %swap3A_146 : vector<16xi32> to vector<16xi32>
        %swap3A_148 = vector.shape_cast %broadcast_in_dim3A_144 : vector<16xi32> to vector<16xi32>
        tpu.vector_store %arg7[%swap3A_145], %swap3A_148 {strides = array<i32>} : memref<128xi32, #tpu.memory_space<vmem>>, vector<16xi32>,
        %broadcast_in_dim3A_149 = arith.constant 10000 : i32
        %broadcast_in_dim3A_150 = vector.broadcast %broadcast_in_dim3A_149 : i32 to vector<16xi32>
        %swap3A_151 = arith.constant 96 : index
        %swap3A_152 = tpu.vector_load %arg7[%swap3A_151] {strides = array<i32>} : memref<128xi32, #tpu.memory_space<vmem>>, vector<16xi32>,
        %swap3A_153 = vector.shape_cast %swap3A_152 : vector<16xi32> to vector<16xi32>
        %swap3A_154 = vector.shape_cast %broadcast_in_dim3A_150 : vector<16xi32> to vector<16xi32>
        tpu.vector_store %arg7[%swap3A_151], %swap3A_154 {strides = array<i32>} : memref<128xi32, #tpu.memory_space<vmem>>, vector<16xi32>,
        %broadcast_in_dim3A_155 = arith.constant 10000 : i32
        %broadcast_in_dim3A_156 = vector.broadcast %broadcast_in_dim3A_155 : i32 to vector<16xi32>
        %swap3A_157 = arith.constant 112 : index
        %swap3A_158 = tpu.vector_load %arg7[%swap3A_157] {strides = array<i32>} : memref<128xi32, #tpu.memory_space<vmem>>, vector<16xi32>,
        %swap3A_159 = vector.shape_cast %swap3A_158 : vector<16xi32> to vector<16xi32>
        %swap3A_160 = vector.shape_cast %broadcast_in_dim3A_156 : vector<16xi32> to vector<16xi32>
        tpu.vector_store %arg7[%swap3A_157], %swap3A_160 {strides = array<i32>} : memref<128xi32, #tpu.memory_space<vmem>>, vector<16xi32>,
      } else {
      }
      %dma_start3A_109 = tpu.memref_slice %arg3[%mul3A_94] : memref<160000xi32, #tpu.memory_space<hbm>> -> memref<128xi32, #tpu.memory_space<hbm>>
      %dma_start3A_110 = tpu.memref_slice %arg3[%mul3A_94] : memref<160000xi32, #tpu.memory_space<hbm>> -> memref<128xi32, #tpu.memory_space<hbm>>
      tpu.enqueue_dma source(%dma_start3A_110 : memref<128xi32, #tpu.memory_space<hbm>>) target(%arg6 : memref<128xi32, #tpu.memory_space<vmem>>) target_semaphore(%arg11 : memref<!tpu.dma_semaphore, #tpu.memory_space<semaphore_mem>>)
      %dma_start3A_111 = arith.constant 0 : i32
      %dma_start3A_112 = tpu.memref_slice %arg2[%mul3A_94, %dma_start3A_111] : memref<160000x128xf32, #tpu.memory_space<hbm>> -> memref<128x128xf32, #tpu.memory_space<hbm>>
      %dma_start3A_113 = arith.constant 0 : i32
      %dma_start3A_114 = tpu.memref_slice %arg2[%mul3A_94, %dma_start3A_113] : memref<160000x128xf32, #tpu.memory_space<hbm>> -> memref<128x128xf32, #tpu.memory_space<hbm>>
      tpu.enqueue_dma source(%dma_start3A_114 : memref<128x128xf32, #tpu.memory_space<hbm>>) target(%arg8 : memref<128x128xf32, #tpu.memory_space<vmem>>) target_semaphore(%arg11 : memref<!tpu.dma_semaphore, #tpu.memory_space<semaphore_mem>>)
      "tpu.region"() ({
        %run_scoped3A = tpu.sem_alloc : memref<!tpu.dma_semaphore, #tpu.memory_space<semaphore_mem>>
        %dma_start3A_115 = arith.constant 0 : i32
        %dma_start3A_116 = arith.constant 0 : i32
        %dma_start3A_117 = tpu.memref_slice %arg10[%dma_start3A_115, %dma_start3A_116] : memref<10008x128xf32, #tpu.memory_space<vmem_shared>> -> memref<10008x128xf32, #tpu.memory_space<vmem_shared>>
        tpu.enqueue_indirect_dma source(%arg9 : memref<128x128xf32, #tpu.memory_space<vmem>>) target(%dma_start3A_117 : memref<10008x128xf32, #tpu.memory_space<vmem_shared>>) offsets(%arg7 : memref<128xi32, #tpu.memory_space<vmem>>) semaphore(%run_scoped3A : memref<!tpu.dma_semaphore, #tpu.memory_space<semaphore_mem>>) {add = true}
        %dma_wait3A_118 = arith.constant 0 : i32
        %dma_wait3A_119 = arith.constant 0 : i32
        %dma_wait3A_120 = tpu.memref_slice %arg10[%dma_wait3A_118, %dma_wait3A_119] : memref<10008x128xf32, #tpu.memory_space<vmem_shared>> -> memref<10008x128xf32, #tpu.memory_space<vmem_shared>>
        tpu.wait_indirect_dma semaphore(%run_scoped3A : memref<!tpu.dma_semaphore, #tpu.memory_space<semaphore_mem>>) src(%arg9 : memref<128x128xf32, #tpu.memory_space<vmem>>) dst(%dma_wait3A_120 : memref<10008x128xf32, #tpu.memory_space<vmem_shared>>)
        tpu.yield
      }) : () -> ()
    }
    %scan3A_17 = arith.constant 20 : i32
    %add3A_18 = arith.constant 1280 : i32
    %add3A_19 = arith.addi %add3A, %add3A_18 : i32
    %min3A_20 = arith.constant 1249 : i32
    %min3A_21 = arith.minsi %add3A_19, %min3A_20 : i32
    %mul3A_22 = arith.constant 128 : i32
    %mul3A_23 = arith.muli %min3A_21, %mul3A_22 : i32
    %dma_wait3A = tpu.memref_slice %arg3[%mul3A_23] : memref<160000xi32, #tpu.memory_space<hbm>> -> memref<128xi32, #tpu.memory_space<hbm>>
    %dma_wait3A_24 = tpu.memref_slice %arg3[%mul3A_23] : memref<160000xi32, #tpu.memory_space<hbm>> -> memref<128xi32, #tpu.memory_space<hbm>>
    tpu.wait_dma2 semaphore(%arg11 : memref<!tpu.dma_semaphore, #tpu.memory_space<semaphore_mem>>) src(%dma_wait3A_24 : memref<128xi32, #tpu.memory_space<hbm>>) dst(%arg6 : memref<128xi32, #tpu.memory_space<vmem>>)
    %dma_wait3A_25 = arith.constant 0 : i32
    %dma_wait3A_26 = tpu.memref_slice %arg2[%mul3A_23, %dma_wait3A_25] : memref<160000x128xf32, #tpu.memory_space<hbm>> -> memref<128x128xf32, #tpu.memory_space<hbm>>
    %dma_wait3A_27 = arith.constant 0 : i32
    %dma_wait3A_28 = tpu.memref_slice %arg2[%mul3A_23, %dma_wait3A_27] : memref<160000x128xf32, #tpu.memory_space<hbm>> -> memref<128x128xf32, #tpu.memory_space<hbm>>
    tpu.wait_dma2 semaphore(%arg11 : memref<!tpu.dma_semaphore, #tpu.memory_space<semaphore_mem>>) src(%dma_wait3A_28 : memref<128x128xf32, #tpu.memory_space<hbm>>) dst(%arg8 : memref<128x128xf32, #tpu.memory_space<vmem>>)
    %barrier3A_29 = arith.constant 0 : index
    tpu.barrier barrier_id(%barrier3A_29)
    %eq3A_30 = arith.constant 0 : i32
    %eq3A_31 = arith.cmpi eq, %arg1, %eq3A_30 : i32
    %convert_element_type3A_32 = arith.extui %eq3A_31 : i1 to i32
    %cond3A_33 = arith.constant 0 : i32
    %cond3A_34 = arith.cmpi ne, %convert_element_type3A_32, %cond3A_33 : i32
    scf.if %cond3A_34 {
      "tpu.region"() ({
        %run_scoped3A = tpu.sem_alloc : memref<!tpu.dma_semaphore, #tpu.memory_space<semaphore_mem>>
        %dma_start3A_35 = arith.constant 0 : i32
        %dma_start3A_36 = arith.constant 0 : i32
        %dma_start3A_37 = tpu.memref_slice %arg5[%arg0, %dma_start3A_35, %dma_start3A_36] : memref<2x10000x128xf32, #tpu.memory_space<hbm>> -> memref<1x10000x128xf32, #tpu.memory_space<hbm>>
        %dma_start3A_38 = tpu.memref_squeeze %dma_start3A_37 : memref<1x10000x128xf32, #tpu.memory_space<hbm>> -> memref<10000x128xf32, #tpu.memory_space<hbm>>
        %dma_start3A_39 = arith.constant 0 : i32
        %dma_start3A_40 = arith.constant 0 : i32
        %dma_start3A_41 = tpu.memref_slice %arg10[%dma_start3A_39, %dma_start3A_40] : memref<10008x128xf32, #tpu.memory_space<vmem_shared>> -> memref<10000x128xf32, #tpu.memory_space<vmem_shared>>
        tpu.enqueue_dma source(%dma_start3A_41 : memref<10000x128xf32, #tpu.memory_space<vmem_shared>>) target(%dma_start3A_38 : memref<10000x128xf32, #tpu.memory_space<hbm>>) target_semaphore(%run_scoped3A : memref<!tpu.dma_semaphore, #tpu.memory_space<semaphore_mem>>)
        %dma_wait3A_42 = arith.constant 0 : i32
        %dma_wait3A_43 = arith.constant 0 : i32
        %dma_wait3A_44 = tpu.memref_slice %arg5[%arg0, %dma_wait3A_42, %dma_wait3A_43] : memref<2x10000x128xf32, #tpu.memory_space<hbm>> -> memref<1x10000x128xf32, #tpu.memory_space<hbm>>
        %dma_wait3A_45 = tpu.memref_squeeze %dma_wait3A_44 : memref<1x10000x128xf32, #tpu.memory_space<hbm>> -> memref<10000x128xf32, #tpu.memory_space<hbm>>
        %dma_wait3A_46 = arith.constant 0 : i32
        %dma_wait3A_47 = arith.constant 0 : i32
        %dma_wait3A_48 = tpu.memref_slice %arg10[%dma_wait3A_46, %dma_wait3A_47] : memref<10008x128xf32, #tpu.memory_space<vmem_shared>> -> memref<10000x128xf32, #tpu.memory_space<vmem_shared>>
        tpu.wait_dma2 semaphore(%run_scoped3A : memref<!tpu.dma_semaphore, #tpu.memory_space<semaphore_mem>>) src(%dma_wait3A_48 : memref<10000x128xf32, #tpu.memory_space<vmem_shared>>) dst(%dma_wait3A_45 : memref<10000x128xf32, #tpu.memory_space<hbm>>)
        tpu.yield
      }) : () -> ()
    } else {
    }
    return
  }
}

module attributes {stable_mosaic.version = 14 : i64} {
  func.func @_prologue_body(%arg0: memref<10000x38xf32, #tpu.memory_space<vmem>>, %arg1: memref<38x128xf32, #tpu.memory_space<vmem>>, %arg2: memref<1x128xf32, #tpu.memory_space<vmem>>, %arg3: memref<10000x128xf32, #tpu.memory_space<vmem>>) attributes {dimension_semantics = [], scalar_prefetch = 0 : i64, scratch_operands = 0 : i64, tpu.core_type = #tpu.core_type<tc>} {
    %get3A = arith.constant 0 : index
    %get3A_0 = arith.constant 0 : index
    %get3A_1 = vector.load %arg0[%get3A, %get3A_0] : memref<10000x38xf32, #tpu.memory_space<vmem>>, vector<10000x38xf32>
    %get3A_2 = arith.constant 0 : index
    %get3A_3 = arith.constant 0 : index
    %get3A_4 = vector.load %arg1[%get3A_2, %get3A_3] : memref<38x128xf32, #tpu.memory_space<vmem>>, vector<38x128xf32>
    %convert_element_type3A = arith.truncf %get3A_1 : vector<10000x38xf32> to vector<10000x38xbf16>
    %convert_element_type3A_5 = arith.truncf %get3A_4 : vector<38x128xf32> to vector<38x128xbf16>
    %dot_general3A = arith.constant dense<0.000000e+00> : vector<10000x128xf32>
    %dot_general3A_6 = tpu.matmul %convert_element_type3A, %convert_element_type3A_5, %dot_general3A {dimension_numbers = #tpu.dot_dimension_numbers<[1], [0], [0], [1], [0, 0, 1, 1], [], []>, transpose_lhs_hint = false} : vector<10000x38xbf16>, vector<38x128xbf16>, vector<10000x128xf32> -> vector<10000x128xf32>
    %get3A_7 = arith.constant 0 : index
    %get3A_8 = arith.constant 0 : index
    %get3A_9 = vector.load %arg2[%get3A_7, %get3A_8] : memref<1x128xf32, #tpu.memory_space<vmem>>, vector<1x128xf32>
    %add3A = vector.broadcast %get3A_9 : vector<1x128xf32> to vector<10000x128xf32>
    %add3A_10 = arith.addf %dot_general3A_6, %add3A : vector<10000x128xf32>
    %max3A = arith.constant 0.000000e+00 : f32
    %max3A_11 = vector.broadcast %max3A : f32 to vector<10000x128xf32>
    %max3A_12 = arith.maximumf %add3A_10, %max3A_11 : vector<10000x128xf32>
    %swap3A = arith.constant 0 : index
    %swap3A_13 = arith.constant 0 : index
    %swap3A_14 = vector.load %arg3[%swap3A, %swap3A_13] : memref<10000x128xf32, #tpu.memory_space<vmem>>, vector<10000x128xf32>
    tpu.vector_store %arg3[%swap3A, %swap3A_13], %max3A_12 {strides = array<i32>} : memref<10000x128xf32, #tpu.memory_space<vmem>>, vector<10000x128xf32>,
    return
  }
}

module attributes {stable_mosaic.version = 14 : i64} {
  func.func @_edge_body(%arg0: i32, %arg1: memref<3200x128xf32, #tpu.memory_space<vmem>>, %arg2: memref<3200x128xf32, #tpu.memory_space<vmem>>, %arg3: memref<3200x8xf32, #tpu.memory_space<vmem>>, %arg4: memref<8x128xf32, #tpu.memory_space<vmem>>, %arg5: memref<1x128xf32, #tpu.memory_space<vmem>>, %arg6: memref<128x256xf32, #tpu.memory_space<vmem>>, %arg7: memref<128x256xf32, #tpu.memory_space<vmem>>, %arg8: memref<128x256xf32, #tpu.memory_space<vmem>>, %arg9: memref<1x256xf32, #tpu.memory_space<vmem>>, %arg10: memref<128x8xf32, #tpu.memory_space<vmem>>, %arg11: memref<8x1xf32, #tpu.memory_space<vmem>>, %arg12: memref<3200x128xf32, #tpu.memory_space<vmem>>, %arg13: memref<8x3200xf32, #tpu.memory_space<vmem>>) attributes {dimension_semantics = [#tpu.dimension_semantics<arbitrary>], iteration_bounds = array<i64: 50>, scalar_prefetch = 0 : i64, scratch_operands = 0 : i64, tpu.core_type = #tpu.core_type<tc>, window_params = [{transform_indices = @transform_0, window_bounds = array<i64: 3200, 128>}, {transform_indices = @transform_1, window_bounds = array<i64: 3200, 128>}, {transform_indices = @transform_2, window_bounds = array<i64: 3200, 8>}, {pipeline_mode = #tpu.pipeline_mode<synchronous>, transform_indices = @transform_3, window_bounds = array<i64: 8, 128>}, {pipeline_mode = #tpu.pipeline_mode<synchronous>, transform_indices = @transform_4, window_bounds = array<i64: 1, 128>}, {pipeline_mode = #tpu.pipeline_mode<synchronous>, transform_indices = @transform_5, window_bounds = array<i64: 128, 256>}, {pipeline_mode = #tpu.pipeline_mode<synchronous>, transform_indices = @transform_6, window_bounds = array<i64: 128, 256>}, {pipeline_mode = #tpu.pipeline_mode<synchronous>, transform_indices = @transform_7, window_bounds = array<i64: 128, 256>}, {pipeline_mode = #tpu.pipeline_mode<synchronous>, transform_indices = @transform_8, window_bounds = array<i64: 1, 256>}, {pipeline_mode = #tpu.pipeline_mode<synchronous>, transform_indices = @transform_9, window_bounds = array<i64: 128, 8>}, {pipeline_mode = #tpu.pipeline_mode<synchronous>, transform_indices = @transform_10, window_bounds = array<i64: 8, 1>}, {transform_indices = @transform_11, window_bounds = array<i64: 3200, 128>}, {transform_indices = @transform_12, window_bounds = array<i64: 8, 3200>}]} {
    %get3A = arith.constant 0 : index
    %get3A_0 = arith.constant 0 : index
    %get3A_1 = vector.load %arg3[%get3A, %get3A_0] : memref<3200x8xf32, #tpu.memory_space<vmem>>, vector<3200x8xf32>
    %get3A_2 = arith.constant 0 : index
    %get3A_3 = arith.constant 0 : index
    %get3A_4 = vector.load %arg4[%get3A_2, %get3A_3] : memref<8x128xf32, #tpu.memory_space<vmem>>, vector<8x128xf32>
    %convert_element_type3A = arith.truncf %get3A_1 : vector<3200x8xf32> to vector<3200x8xbf16>
    %convert_element_type3A_5 = arith.truncf %get3A_4 : vector<8x128xf32> to vector<8x128xbf16>
    %dot_general3A = arith.constant dense<0.000000e+00> : vector<3200x128xf32>
    %dot_general3A_6 = tpu.matmul %convert_element_type3A, %convert_element_type3A_5, %dot_general3A {dimension_numbers = #tpu.dot_dimension_numbers<[1], [0], [0], [1], [0, 0, 1, 1], [], []>, transpose_lhs_hint = false} : vector<3200x8xbf16>, vector<8x128xbf16>, vector<3200x128xf32> -> vector<3200x128xf32>
    %get3A_7 = arith.constant 0 : index
    %get3A_8 = arith.constant 0 : index
    %get3A_9 = vector.load %arg5[%get3A_7, %get3A_8] : memref<1x128xf32, #tpu.memory_space<vmem>>, vector<1x128xf32>
    %add3A = vector.broadcast %get3A_9 : vector<1x128xf32> to vector<3200x128xf32>
    %add3A_10 = arith.addf %dot_general3A_6, %add3A : vector<3200x128xf32>
    %max3A = arith.constant 0.000000e+00 : f32
    %max3A_11 = vector.broadcast %max3A : f32 to vector<3200x128xf32>
    %max3A_12 = arith.maximumf %add3A_10, %max3A_11 : vector<3200x128xf32>
    %get3A_13 = arith.constant 0 : index
    %get3A_14 = arith.constant 0 : index
    %get3A_15 = vector.load %arg1[%get3A_13, %get3A_14] : memref<3200x128xf32, #tpu.memory_space<vmem>>, vector<3200x128xf32>
    %get3A_16 = arith.constant 0 : index
    %get3A_17 = arith.constant 0 : index
    %get3A_18 = vector.load %arg6[%get3A_16, %get3A_17] : memref<128x256xf32, #tpu.memory_space<vmem>>, vector<128x256xf32>
    %convert_element_type3A_19 = arith.truncf %get3A_15 : vector<3200x128xf32> to vector<3200x128xbf16>
    %convert_element_type3A_20 = arith.truncf %get3A_18 : vector<128x256xf32> to vector<128x256xbf16>
    %dot_general3A_21 = arith.constant dense<0.000000e+00> : vector<3200x256xf32>
    %dot_general3A_22 = tpu.matmul %convert_element_type3A_19, %convert_element_type3A_20, %dot_general3A_21 {dimension_numbers = #tpu.dot_dimension_numbers<[1], [0], [0], [1], [0, 0, 1, 1], [], []>, transpose_lhs_hint = false} : vector<3200x128xbf16>, vector<128x256xbf16>, vector<3200x256xf32> -> vector<3200x256xf32>
    %get3A_23 = arith.constant 0 : index
    %get3A_24 = arith.constant 0 : index
    %get3A_25 = vector.load %arg2[%get3A_23, %get3A_24] : memref<3200x128xf32, #tpu.memory_space<vmem>>, vector<3200x128xf32>
    %get3A_26 = arith.constant 0 : index
    %get3A_27 = arith.constant 0 : index
    %get3A_28 = vector.load %arg7[%get3A_26, %get3A_27] : memref<128x256xf32, #tpu.memory_space<vmem>>, vector<128x256xf32>
    %convert_element_type3A_29 = arith.truncf %get3A_25 : vector<3200x128xf32> to vector<3200x128xbf16>
    %convert_element_type3A_30 = arith.truncf %get3A_28 : vector<128x256xf32> to vector<128x256xbf16>
    %dot_general3A_31 = arith.constant dense<0.000000e+00> : vector<3200x256xf32>
    %dot_general3A_32 = tpu.matmul %convert_element_type3A_29, %convert_element_type3A_30, %dot_general3A_31 {dimension_numbers = #tpu.dot_dimension_numbers<[1], [0], [0], [1], [0, 0, 1, 1], [], []>, transpose_lhs_hint = false} : vector<3200x128xbf16>, vector<128x256xbf16>, vector<3200x256xf32> -> vector<3200x256xf32>
    %add3A_33 = arith.addf %dot_general3A_22, %dot_general3A_32 : vector<3200x256xf32>
    %get3A_34 = arith.constant 0 : index
    %get3A_35 = arith.constant 0 : index
    %get3A_36 = vector.load %arg8[%get3A_34, %get3A_35] : memref<128x256xf32, #tpu.memory_space<vmem>>, vector<128x256xf32>
    %convert_element_type3A_37 = arith.truncf %max3A_12 : vector<3200x128xf32> to vector<3200x128xbf16>
    %convert_element_type3A_38 = arith.truncf %get3A_36 : vector<128x256xf32> to vector<128x256xbf16>
    %dot_general3A_39 = arith.constant dense<0.000000e+00> : vector<3200x256xf32>
    %dot_general3A_40 = tpu.matmul %convert_element_type3A_37, %convert_element_type3A_38, %dot_general3A_39 {dimension_numbers = #tpu.dot_dimension_numbers<[1], [0], [0], [1], [0, 0, 1, 1], [], []>, transpose_lhs_hint = false} : vector<3200x128xbf16>, vector<128x256xbf16>, vector<3200x256xf32> -> vector<3200x256xf32>
    %add3A_41 = arith.addf %add3A_33, %dot_general3A_40 : vector<3200x256xf32>
    %get3A_42 = arith.constant 0 : index
    %get3A_43 = arith.constant 0 : index
    %get3A_44 = vector.load %arg9[%get3A_42, %get3A_43] : memref<1x256xf32, #tpu.memory_space<vmem>>, vector<1x256xf32>
    %add3A_45 = vector.broadcast %get3A_44 : vector<1x256xf32> to vector<3200x256xf32>
    %add3A_46 = arith.addf %add3A_41, %add3A_45 : vector<3200x256xf32>
    %slice3A = vector.extract_strided_slice %add3A_46 {offsets = [0, 0], sizes = [3200, 128], strides = [1, 1]} : vector<3200x256xf32> to vector<3200x128xf32>
    %gt3A = arith.constant 0.000000e+00 : f32
    %gt3A_47 = vector.broadcast %gt3A : f32 to vector<3200x128xf32>
    %gt3A_48 = arith.cmpf ogt, %slice3A, %gt3A_47 : vector<3200x128xf32>
    %mul3A = arith.constant 2.000000e-01 : f32
    %mul3A_49 = vector.broadcast %mul3A : f32 to vector<3200x128xf32>
    %mul3A_50 = arith.mulf %mul3A_49, %slice3A : vector<3200x128xf32>
    %select_n3A = arith.select %gt3A_48, %slice3A, %mul3A_50 : vector<3200x128xi1>, vector<3200x128xf32>
    %slice3A_51 = vector.extract_strided_slice %add3A_46 {offsets = [0, 128], sizes = [3200, 128], strides = [1, 1]} : vector<3200x256xf32> to vector<3200x128xf32>
    %max3A_52 = arith.constant 0.000000e+00 : f32
    %max3A_53 = vector.broadcast %max3A_52 : f32 to vector<3200x128xf32>
    %max3A_54 = arith.maximumf %slice3A_51, %max3A_53 : vector<3200x128xf32>
    %swap3A = arith.constant 0 : index
    %swap3A_55 = arith.constant 0 : index
    %swap3A_56 = vector.load %arg12[%swap3A, %swap3A_55] : memref<3200x128xf32, #tpu.memory_space<vmem>>, vector<3200x128xf32>
    tpu.vector_store %arg12[%swap3A, %swap3A_55], %max3A_54 {strides = array<i32>} : memref<3200x128xf32, #tpu.memory_space<vmem>>, vector<3200x128xf32>,
    %get3A_57 = arith.constant 0 : index
    %get3A_58 = arith.constant 0 : index
    %get3A_59 = vector.load %arg10[%get3A_57, %get3A_58] : memref<128x8xf32, #tpu.memory_space<vmem>>, vector<128x8xf32>
    %convert_element_type3A_60 = arith.truncf %get3A_59 : vector<128x8xf32> to vector<128x8xbf16>
    %convert_element_type3A_61 = arith.truncf %select_n3A : vector<3200x128xf32> to vector<3200x128xbf16>
    %dot_general3A_62 = arith.constant dense<0.000000e+00> : vector<8x3200xf32>
    %dot_general3A_63 = tpu.matmul %convert_element_type3A_60, %convert_element_type3A_61, %dot_general3A_62 {dimension_numbers = #tpu.dot_dimension_numbers<[0], [1], [1], [0], [0, 1, 1, 0], [], []>, transpose_lhs_hint = false} : vector<128x8xbf16>, vector<3200x128xbf16>, vector<8x3200xf32> -> vector<8x3200xf32>
    %get3A_64 = arith.constant 0 : index
    %get3A_65 = arith.constant 0 : index
    %get3A_66 = vector.load %arg11[%get3A_64, %get3A_65] : memref<8x1xf32, #tpu.memory_space<vmem>>, vector<8x1xf32>
    %add3A_67 = vector.broadcast %get3A_66 : vector<8x1xf32> to vector<8x3200xf32>
    %add3A_68 = arith.addf %dot_general3A_63, %add3A_67 : vector<8x3200xf32>
    %swap3A_69 = arith.constant 0 : index
    %swap3A_70 = arith.constant 0 : index
    %swap3A_71 = vector.load %arg13[%swap3A_69, %swap3A_70] : memref<8x3200xf32, #tpu.memory_space<vmem>>, vector<8x3200xf32>
    tpu.vector_store %arg13[%swap3A_69, %swap3A_70], %add3A_68 {strides = array<i32>} : memref<8x3200xf32, #tpu.memory_space<vmem>>, vector<8x3200xf32>,
    return
  }
  func.func @transform_0(%arg0: i32) -> (i32, i32) {
    %c0_i32 = arith.constant 0 : i32
    %c0_i32_0 = arith.constant 0 : i32
    return %arg0, %c0_i32 : i32, i32
  }
  func.func @transform_1(%arg0: i32) -> (i32, i32) {
    %c0_i32 = arith.constant 0 : i32
    %c0_i32_0 = arith.constant 0 : i32
    return %arg0, %c0_i32 : i32, i32
  }
  func.func @transform_2(%arg0: i32) -> (i32, i32) {
    %c0_i32 = arith.constant 0 : i32
    %c0_i32_0 = arith.constant 0 : i32
    return %arg0, %c0_i32 : i32, i32
  }
  func.func @transform_3(%arg0: i32) -> (i32, i32) {
    %c0_i32 = arith.constant 0 : i32
    %c0_i32_0 = arith.constant 0 : i32
    %c0_i32_1 = arith.constant 0 : i32
    return %c0_i32, %c0_i32_0 : i32, i32
  }
  func.func @transform_4(%arg0: i32) -> (i32, i32) {
    %c0_i32 = arith.constant 0 : i32
    %c0_i32_0 = arith.constant 0 : i32
    %c0_i32_1 = arith.constant 0 : i32
    return %c0_i32, %c0_i32_0 : i32, i32
  }
  func.func @transform_5(%arg0: i32) -> (i32, i32) {
    %c0_i32 = arith.constant 0 : i32
    %c0_i32_0 = arith.constant 0 : i32
    %c0_i32_1 = arith.constant 0 : i32
    return %c0_i32, %c0_i32_0 : i32, i32
  }
  func.func @transform_6(%arg0: i32) -> (i32, i32) {
    %c0_i32 = arith.constant 0 : i32
    %c0_i32_0 = arith.constant 0 : i32
    %c0_i32_1 = arith.constant 0 : i32
    return %c0_i32, %c0_i32_0 : i32, i32
  }
  func.func @transform_7(%arg0: i32) -> (i32, i32) {
    %c0_i32 = arith.constant 0 : i32
    %c0_i32_0 = arith.constant 0 : i32
    %c0_i32_1 = arith.constant 0 : i32
    return %c0_i32, %c0_i32_0 : i32, i32
  }
  func.func @transform_8(%arg0: i32) -> (i32, i32) {
    %c0_i32 = arith.constant 0 : i32
    %c0_i32_0 = arith.constant 0 : i32
    %c0_i32_1 = arith.constant 0 : i32
    return %c0_i32, %c0_i32_0 : i32, i32
  }
  func.func @transform_9(%arg0: i32) -> (i32, i32) {
    %c0_i32 = arith.constant 0 : i32
    %c0_i32_0 = arith.constant 0 : i32
    %c0_i32_1 = arith.constant 0 : i32
    return %c0_i32, %c0_i32_0 : i32, i32
  }
  func.func @transform_10(%arg0: i32) -> (i32, i32) {
    %c0_i32 = arith.constant 0 : i32
    %c0_i32_0 = arith.constant 0 : i32
    %c0_i32_1 = arith.constant 0 : i32
    return %c0_i32, %c0_i32_0 : i32, i32
  }
  func.func @transform_11(%arg0: i32) -> (i32, i32) {
    %c0_i32 = arith.constant 0 : i32
    %c0_i32_0 = arith.constant 0 : i32
    return %arg0, %c0_i32 : i32, i32
  }
  func.func @transform_12(%arg0: i32) -> (i32, i32) {
    %c0_i32 = arith.constant 0 : i32
    %c0_i32_0 = arith.constant 0 : i32
    return %c0_i32, %arg0 : i32, i32
  }
}

module attributes {stable_mosaic.version = 14 : i64} {
  func.func @body(%arg0: memref<8x160000xf32, #tpu.memory_space<vmem>>, %arg1: memref<8x160000xf32, #tpu.memory_space<vmem>>, %arg2: memref<1x320000xf32, #tpu.memory_space<vmem>>) attributes {dimension_semantics = [], scalar_prefetch = 0 : i64, scratch_operands = 0 : i64, tpu.core_type = #tpu.core_type<tc>} {
    %get3A = arith.constant 0 : index
    %get3A_0 = arith.constant 0 : index
    %get3A_1 = vector.load %arg0[%get3A, %get3A_0] : memref<8x160000xf32, #tpu.memory_space<vmem>>, vector<8x160000xf32>
    %get3A_2 = arith.constant 0 : index
    %get3A_3 = arith.constant 0 : index
    %get3A_4 = vector.load %arg1[%get3A_2, %get3A_3] : memref<8x160000xf32, #tpu.memory_space<vmem>>, vector<8x160000xf32>
    %reduce_max3A = arith.constant dense<0xFF800000> : vector<8xf32>
    %reduce_max3A_5 = vector.multi_reduction <maximumf>, %get3A_1, %reduce_max3A [1] : vector<8x160000xf32> to vector<8xf32>
    %broadcast_in_dim3A = vector.shape_cast %reduce_max3A_5 : vector<8xf32> to vector<8x1xf32>
    %reduce_max3A_6 = arith.constant dense<0xFF800000> : vector<8xf32>
    %reduce_max3A_7 = vector.multi_reduction <maximumf>, %get3A_4, %reduce_max3A_6 [1] : vector<8x160000xf32> to vector<8xf32>
    %broadcast_in_dim3A_8 = vector.shape_cast %reduce_max3A_7 : vector<8xf32> to vector<8x1xf32>
    %max3A = arith.maximumf %broadcast_in_dim3A, %broadcast_in_dim3A_8 : vector<8x1xf32>
    %sub3A = vector.broadcast %max3A : vector<8x1xf32> to vector<8x160000xf32>
    %sub3A_9 = arith.subf %get3A_1, %sub3A : vector<8x160000xf32>
    %exp3A = math.exp %sub3A_9 : vector<8x160000xf32>
    %sub3A_10 = vector.broadcast %max3A : vector<8x1xf32> to vector<8x160000xf32>
    %sub3A_11 = arith.subf %get3A_4, %sub3A_10 : vector<8x160000xf32>
    %exp3A_12 = math.exp %sub3A_11 : vector<8x160000xf32>
    %reduce_sum3A = arith.constant dense<0.000000e+00> : vector<8xf32>
    %reduce_sum3A_13 = vector.multi_reduction <add>, %exp3A, %reduce_sum3A [1] : vector<8x160000xf32> to vector<8xf32>
    %broadcast_in_dim3A_14 = vector.shape_cast %reduce_sum3A_13 : vector<8xf32> to vector<8x1xf32>
    %reduce_sum3A_15 = arith.constant dense<0.000000e+00> : vector<8xf32>
    %reduce_sum3A_16 = vector.multi_reduction <add>, %exp3A_12, %reduce_sum3A_15 [1] : vector<8x160000xf32> to vector<8xf32>
    %broadcast_in_dim3A_17 = vector.shape_cast %reduce_sum3A_16 : vector<8xf32> to vector<8x1xf32>
    %add3A = arith.addf %broadcast_in_dim3A_14, %broadcast_in_dim3A_17 : vector<8x1xf32>
    %slice3A = vector.extract_strided_slice %exp3A {offsets = [0, 0], sizes = [4, 160000], strides = [1, 1]} : vector<8x160000xf32> to vector<4x160000xf32>
    %slice3A_18 = vector.extract_strided_slice %add3A {offsets = [0, 0], sizes = [4, 1], strides = [1, 1]} : vector<8x1xf32> to vector<4x1xf32>
    %div3A = vector.broadcast %slice3A_18 : vector<4x1xf32> to vector<4x160000xf32>
    %div3A_19 = arith.divf %slice3A, %div3A : vector<4x160000xf32>
    %reduce_sum3A_20 = arith.constant dense<0.000000e+00> : vector<160000xf32>
    %reduce_sum3A_21 = vector.multi_reduction <add>, %div3A_19, %reduce_sum3A_20 [0] : vector<4x160000xf32> to vector<160000xf32>
    %broadcast_in_dim3A_22 = vector.shape_cast %reduce_sum3A_21 : vector<160000xf32> to vector<1x160000xf32>
    %slice3A_23 = vector.extract_strided_slice %exp3A_12 {offsets = [0, 0], sizes = [4, 160000], strides = [1, 1]} : vector<8x160000xf32> to vector<4x160000xf32>
    %slice3A_24 = vector.extract_strided_slice %add3A {offsets = [0, 0], sizes = [4, 1], strides = [1, 1]} : vector<8x1xf32> to vector<4x1xf32>
    %div3A_25 = vector.broadcast %slice3A_24 : vector<4x1xf32> to vector<4x160000xf32>
    %div3A_26 = arith.divf %slice3A_23, %div3A_25 : vector<4x160000xf32>
    %reduce_sum3A_27 = arith.constant dense<0.000000e+00> : vector<160000xf32>
    %reduce_sum3A_28 = vector.multi_reduction <add>, %div3A_26, %reduce_sum3A_27 [0] : vector<4x160000xf32> to vector<160000xf32>
    %broadcast_in_dim3A_29 = vector.shape_cast %reduce_sum3A_28 : vector<160000xf32> to vector<1x160000xf32>
    %concatenate3A = tpu.concatenate %broadcast_in_dim3A_22, %broadcast_in_dim3A_29 in 1 : vector<1x160000xf32>, vector<1x160000xf32> -> vector<1x320000xf32>
    %mul3A = arith.constant 2.500000e-01 : f32
    %mul3A_30 = vector.broadcast %mul3A : f32 to vector<1x320000xf32>
    %mul3A_31 = arith.mulf %concatenate3A, %mul3A_30 : vector<1x320000xf32>
    %swap3A = arith.constant 0 : index
    %swap3A_32 = arith.constant 0 : index
    %swap3A_33 = vector.load %arg2[%swap3A, %swap3A_32] : memref<1x320000xf32, #tpu.memory_space<vmem>>, vector<1x320000xf32>
    tpu.vector_store %arg2[%swap3A, %swap3A_32], %mul3A_31 {strides = array<i32>} : memref<1x320000xf32, #tpu.memory_space<vmem>>, vector<1x320000xf32>,
    return
  }
}

module attributes {stable_mosaic.version = 14 : i64} {
  func.func @_scale_body(%arg0: i32, %arg1: memref<3200x128xf32, #tpu.memory_space<vmem>>, %arg2: memref<3200x1xf32, #tpu.memory_space<vmem>>, %arg3: memref<128x128xf32, #tpu.memory_space<vmem>>, %arg4: memref<1x128xf32, #tpu.memory_space<vmem>>, %arg5: memref<3200x128xf32, #tpu.memory_space<vmem>>) attributes {dimension_semantics = [#tpu.dimension_semantics<arbitrary>], iteration_bounds = array<i64: 50>, scalar_prefetch = 0 : i64, scratch_operands = 0 : i64, tpu.core_type = #tpu.core_type<tc>, window_params = [{transform_indices = @transform_0, window_bounds = array<i64: 3200, 128>}, {transform_indices = @transform_1, window_bounds = array<i64: 3200, 1>}, {pipeline_mode = #tpu.pipeline_mode<synchronous>, transform_indices = @transform_2, window_bounds = array<i64: 128, 128>}, {pipeline_mode = #tpu.pipeline_mode<synchronous>, transform_indices = @transform_3, window_bounds = array<i64: 1, 128>}, {transform_indices = @transform_4, window_bounds = array<i64: 3200, 128>}]} {
    %get3A = arith.constant 0 : index
    %get3A_0 = arith.constant 0 : index
    %get3A_1 = vector.load %arg2[%get3A, %get3A_0] : memref<3200x1xf32, #tpu.memory_space<vmem>>, vector<3200x1xf32>
    %get3A_2 = arith.constant 0 : index
    %get3A_3 = arith.constant 0 : index
    %get3A_4 = vector.load %arg1[%get3A_2, %get3A_3] : memref<3200x128xf32, #tpu.memory_space<vmem>>, vector<3200x128xf32>
    %get3A_5 = arith.constant 0 : index
    %get3A_6 = arith.constant 0 : index
    %get3A_7 = vector.load %arg3[%get3A_5, %get3A_6] : memref<128x128xf32, #tpu.memory_space<vmem>>, vector<128x128xf32>
    %convert_element_type3A = arith.truncf %get3A_4 : vector<3200x128xf32> to vector<3200x128xbf16>
    %convert_element_type3A_8 = arith.truncf %get3A_7 : vector<128x128xf32> to vector<128x128xbf16>
    %dot_general3A = arith.constant dense<0.000000e+00> : vector<3200x128xf32>
    %dot_general3A_9 = tpu.matmul %convert_element_type3A, %convert_element_type3A_8, %dot_general3A {dimension_numbers = #tpu.dot_dimension_numbers<[1], [0], [0], [1], [0, 0, 1, 1], [], []>, transpose_lhs_hint = false} : vector<3200x128xbf16>, vector<128x128xbf16>, vector<3200x128xf32> -> vector<3200x128xf32>
    %get3A_10 = arith.constant 0 : index
    %get3A_11 = arith.constant 0 : index
    %get3A_12 = vector.load %arg4[%get3A_10, %get3A_11] : memref<1x128xf32, #tpu.memory_space<vmem>>, vector<1x128xf32>
    %add3A = vector.broadcast %get3A_12 : vector<1x128xf32> to vector<3200x128xf32>
    %add3A_13 = arith.addf %dot_general3A_9, %add3A : vector<3200x128xf32>
    %mul3A = vector.broadcast %get3A_1 : vector<3200x1xf32> to vector<3200x128xf32>
    %mul3A_14 = arith.mulf %add3A_13, %mul3A : vector<3200x128xf32>
    %swap3A = arith.constant 0 : index
    %swap3A_15 = arith.constant 0 : index
    %swap3A_16 = vector.load %arg5[%swap3A, %swap3A_15] : memref<3200x128xf32, #tpu.memory_space<vmem>>, vector<3200x128xf32>
    tpu.vector_store %arg5[%swap3A, %swap3A_15], %mul3A_14 {strides = array<i32>} : memref<3200x128xf32, #tpu.memory_space<vmem>>, vector<3200x128xf32>,
    return
  }
  func.func @transform_0(%arg0: i32) -> (i32, i32) {
    %c0_i32 = arith.constant 0 : i32
    %c0_i32_0 = arith.constant 0 : i32
    return %arg0, %c0_i32 : i32, i32
  }
  func.func @transform_1(%arg0: i32) -> (i32, i32) {
    %c0_i32 = arith.constant 0 : i32
    %c0_i32_0 = arith.constant 0 : i32
    return %arg0, %c0_i32 : i32, i32
  }
  func.func @transform_2(%arg0: i32) -> (i32, i32) {
    %c0_i32 = arith.constant 0 : i32
    %c0_i32_0 = arith.constant 0 : i32
    %c0_i32_1 = arith.constant 0 : i32
    return %c0_i32, %c0_i32_0 : i32, i32
  }
  func.func @transform_3(%arg0: i32) -> (i32, i32) {
    %c0_i32 = arith.constant 0 : i32
    %c0_i32_0 = arith.constant 0 : i32
    %c0_i32_1 = arith.constant 0 : i32
    return %c0_i32, %c0_i32_0 : i32, i32
  }
  func.func @transform_4(%arg0: i32) -> (i32, i32) {
    %c0_i32 = arith.constant 0 : i32
    %c0_i32_0 = arith.constant 0 : i32
    return %arg0, %c0_i32 : i32, i32
  }
}

module attributes {stable_mosaic.version = 14 : i64} {
  func.func @body(%arg0: memref<2x10000x128xf32, #tpu.memory_space<vmem>>, %arg1: memref<2x10000x128xf32, #tpu.memory_space<vmem>>, %arg2: memref<10000x128xf32, #tpu.memory_space<vmem>>, %arg3: memref<128x128xf32, #tpu.memory_space<vmem>>, %arg4: memref<128x128xf32, #tpu.memory_space<vmem>>, %arg5: memref<1x128xf32, #tpu.memory_space<vmem>>, %arg6: memref<128x128xf32, #tpu.memory_space<vmem>>, %arg7: memref<1x128xf32, #tpu.memory_space<vmem>>, %arg8: memref<1x128xf32, #tpu.memory_space<vmem>>, %arg9: memref<1x128xf32, #tpu.memory_space<vmem>>, %arg10: memref<1x128xf32, #tpu.memory_space<vmem>>, %arg11: memref<1x128xf32, #tpu.memory_space<vmem>>, %arg12: memref<1x128xf32, #tpu.memory_space<vmem>>, %arg13: memref<10000x128xf32, #tpu.memory_space<vmem>>) attributes {dimension_semantics = [], scalar_prefetch = 0 : i64, scratch_operands = 0 : i64, tpu.core_type = #tpu.core_type<tc>} {
    %get3A = arith.constant 0 : index
    %get3A_0 = arith.constant 0 : index
    %get3A_1 = arith.constant 0 : index
    %get3A_2 = vector.load %arg0[%get3A, %get3A_0, %get3A_1] : memref<2x10000x128xf32, #tpu.memory_space<vmem>>, vector<1x10000x128xf32>
    %get3A_3 = vector.shape_cast %get3A_2 : vector<1x10000x128xf32> to vector<10000x128xf32>
    %get3A_4 = arith.constant 1 : index
    %get3A_5 = arith.constant 0 : index
    %get3A_6 = arith.constant 0 : index
    %get3A_7 = vector.load %arg0[%get3A_4, %get3A_5, %get3A_6] : memref<2x10000x128xf32, #tpu.memory_space<vmem>>, vector<1x10000x128xf32>
    %get3A_8 = vector.shape_cast %get3A_7 : vector<1x10000x128xf32> to vector<10000x128xf32>
    %add3A = arith.addf %get3A_3, %get3A_8 : vector<10000x128xf32>
    %get3A_9 = arith.constant 0 : index
    %get3A_10 = arith.constant 0 : index
    %get3A_11 = arith.constant 0 : index
    %get3A_12 = vector.load %arg1[%get3A_9, %get3A_10, %get3A_11] : memref<2x10000x128xf32, #tpu.memory_space<vmem>>, vector<1x10000x128xf32>
    %get3A_13 = vector.shape_cast %get3A_12 : vector<1x10000x128xf32> to vector<10000x128xf32>
    %add3A_14 = arith.addf %add3A, %get3A_13 : vector<10000x128xf32>
    %get3A_15 = arith.constant 1 : index
    %get3A_16 = arith.constant 0 : index
    %get3A_17 = arith.constant 0 : index
    %get3A_18 = vector.load %arg1[%get3A_15, %get3A_16, %get3A_17] : memref<2x10000x128xf32, #tpu.memory_space<vmem>>, vector<1x10000x128xf32>
    %get3A_19 = vector.shape_cast %get3A_18 : vector<1x10000x128xf32> to vector<10000x128xf32>
    %add3A_20 = arith.addf %add3A_14, %get3A_19 : vector<10000x128xf32>
    %get3A_21 = arith.constant 0 : index
    %get3A_22 = arith.constant 0 : index
    %get3A_23 = vector.load %arg2[%get3A_21, %get3A_22] : memref<10000x128xf32, #tpu.memory_space<vmem>>, vector<10000x128xf32>
    %get3A_24 = arith.constant 0 : index
    %get3A_25 = arith.constant 0 : index
    %get3A_26 = vector.load %arg3[%get3A_24, %get3A_25] : memref<128x128xf32, #tpu.memory_space<vmem>>, vector<128x128xf32>
    %convert_element_type3A = arith.truncf %get3A_23 : vector<10000x128xf32> to vector<10000x128xbf16>
    %convert_element_type3A_27 = arith.truncf %get3A_26 : vector<128x128xf32> to vector<128x128xbf16>
    %dot_general3A = arith.constant dense<0.000000e+00> : vector<10000x128xf32>
    %dot_general3A_28 = tpu.matmul %convert_element_type3A, %convert_element_type3A_27, %dot_general3A {dimension_numbers = #tpu.dot_dimension_numbers<[1], [0], [0], [1], [0, 0, 1, 1], [], []>, transpose_lhs_hint = false} : vector<10000x128xbf16>, vector<128x128xbf16>, vector<10000x128xf32> -> vector<10000x128xf32>
    %get3A_29 = arith.constant 0 : index
    %get3A_30 = arith.constant 0 : index
    %get3A_31 = vector.load %arg4[%get3A_29, %get3A_30] : memref<128x128xf32, #tpu.memory_space<vmem>>, vector<128x128xf32>
    %convert_element_type3A_32 = arith.truncf %add3A_20 : vector<10000x128xf32> to vector<10000x128xbf16>
    %convert_element_type3A_33 = arith.truncf %get3A_31 : vector<128x128xf32> to vector<128x128xbf16>
    %dot_general3A_34 = arith.constant dense<0.000000e+00> : vector<10000x128xf32>
    %dot_general3A_35 = tpu.matmul %convert_element_type3A_32, %convert_element_type3A_33, %dot_general3A_34 {dimension_numbers = #tpu.dot_dimension_numbers<[1], [0], [0], [1], [0, 0, 1, 1], [], []>, transpose_lhs_hint = false} : vector<10000x128xbf16>, vector<128x128xbf16>, vector<10000x128xf32> -> vector<10000x128xf32>
    %add3A_36 = arith.addf %dot_general3A_28, %dot_general3A_35 : vector<10000x128xf32>
    %get3A_37 = arith.constant 0 : index
    %get3A_38 = arith.constant 0 : index
    %get3A_39 = vector.load %arg5[%get3A_37, %get3A_38] : memref<1x128xf32, #tpu.memory_space<vmem>>, vector<1x128xf32>
    %add3A_40 = vector.broadcast %get3A_39 : vector<1x128xf32> to vector<10000x128xf32>
    %add3A_41 = arith.addf %add3A_36, %add3A_40 : vector<10000x128xf32>
    %max3A = arith.constant 0.000000e+00 : f32
    %max3A_42 = vector.broadcast %max3A : f32 to vector<10000x128xf32>
    %max3A_43 = arith.maximumf %add3A_41, %max3A_42 : vector<10000x128xf32>
    %get3A_44 = arith.constant 0 : index
    %get3A_45 = arith.constant 0 : index
    %get3A_46 = vector.load %arg6[%get3A_44, %get3A_45] : memref<128x128xf32, #tpu.memory_space<vmem>>, vector<128x128xf32>
    %convert_element_type3A_47 = arith.truncf %max3A_43 : vector<10000x128xf32> to vector<10000x128xbf16>
    %convert_element_type3A_48 = arith.truncf %get3A_46 : vector<128x128xf32> to vector<128x128xbf16>
    %dot_general3A_49 = arith.constant dense<0.000000e+00> : vector<10000x128xf32>
    %dot_general3A_50 = tpu.matmul %convert_element_type3A_47, %convert_element_type3A_48, %dot_general3A_49 {dimension_numbers = #tpu.dot_dimension_numbers<[1], [0], [0], [1], [0, 0, 1, 1], [], []>, transpose_lhs_hint = false} : vector<10000x128xbf16>, vector<128x128xbf16>, vector<10000x128xf32> -> vector<10000x128xf32>
    %get3A_51 = arith.constant 0 : index
    %get3A_52 = arith.constant 0 : index
    %get3A_53 = vector.load %arg7[%get3A_51, %get3A_52] : memref<1x128xf32, #tpu.memory_space<vmem>>, vector<1x128xf32>
    %add3A_54 = vector.broadcast %get3A_53 : vector<1x128xf32> to vector<10000x128xf32>
    %add3A_55 = arith.addf %dot_general3A_50, %add3A_54 : vector<10000x128xf32>
    %reduce_sum3A = arith.constant dense<0.000000e+00> : vector<128xf32>
    %reduce_sum3A_56 = vector.multi_reduction <add>, %add3A_55, %reduce_sum3A [0] : vector<10000x128xf32> to vector<128xf32>
    %broadcast_in_dim3A = vector.shape_cast %reduce_sum3A_56 : vector<128xf32> to vector<1x128xf32>
    %div3A = arith.constant 1.000000e+04 : f32
    %div3A_57 = vector.broadcast %div3A : f32 to vector<1x128xf32>
    %div3A_58 = arith.divf %broadcast_in_dim3A, %div3A_57 : vector<1x128xf32>
    %get3A_59 = arith.constant 0 : index
    %get3A_60 = arith.constant 0 : index
    %get3A_61 = vector.load %arg10[%get3A_59, %get3A_60] : memref<1x128xf32, #tpu.memory_space<vmem>>, vector<1x128xf32>
    %mul3A = arith.mulf %get3A_61, %div3A_58 : vector<1x128xf32>
    %sub3A = vector.broadcast %mul3A : vector<1x128xf32> to vector<10000x128xf32>
    %sub3A_62 = arith.subf %add3A_55, %sub3A : vector<10000x128xf32>
    %mul3A_63 = arith.mulf %sub3A_62, %sub3A_62 : vector<10000x128xf32>
    %reduce_sum3A_64 = arith.constant dense<0.000000e+00> : vector<128xf32>
    %reduce_sum3A_65 = vector.multi_reduction <add>, %mul3A_63, %reduce_sum3A_64 [0] : vector<10000x128xf32> to vector<128xf32>
    %broadcast_in_dim3A_66 = vector.shape_cast %reduce_sum3A_65 : vector<128xf32> to vector<1x128xf32>
    %div3A_67 = arith.constant 1.000000e+04 : f32
    %div3A_68 = vector.broadcast %div3A_67 : f32 to vector<1x128xf32>
    %div3A_69 = arith.divf %broadcast_in_dim3A_66, %div3A_68 : vector<1x128xf32>
    %get3A_70 = arith.constant 0 : index
    %get3A_71 = arith.constant 0 : index
    %get3A_72 = vector.load %arg8[%get3A_70, %get3A_71] : memref<1x128xf32, #tpu.memory_space<vmem>>, vector<1x128xf32>
    %mul3A_73 = vector.broadcast %get3A_72 : vector<1x128xf32> to vector<10000x128xf32>
    %mul3A_74 = arith.mulf %mul3A_73, %sub3A_62 : vector<10000x128xf32>
    %add3A_75 = arith.constant 9.99999974E-6 : f32
    %add3A_76 = vector.broadcast %add3A_75 : f32 to vector<1x128xf32>
    %add3A_77 = arith.addf %div3A_69, %add3A_76 : vector<1x128xf32>
    %sqrt3A = math.sqrt %add3A_77 : vector<1x128xf32>
    %div3A_78 = vector.broadcast %sqrt3A : vector<1x128xf32> to vector<10000x128xf32>
    %div3A_79 = arith.divf %mul3A_74, %div3A_78 : vector<10000x128xf32>
    %get3A_80 = arith.constant 0 : index
    %get3A_81 = arith.constant 0 : index
    %get3A_82 = vector.load %arg9[%get3A_80, %get3A_81] : memref<1x128xf32, #tpu.memory_space<vmem>>, vector<1x128xf32>
    %add3A_83 = vector.broadcast %get3A_82 : vector<1x128xf32> to vector<10000x128xf32>
    %add3A_84 = arith.addf %div3A_79, %add3A_83 : vector<10000x128xf32>
    %add3A_85 = arith.addf %add3A_84, %get3A_23 : vector<10000x128xf32>
    %reduce_sum3A_86 = arith.constant dense<0.000000e+00> : vector<10000xf32>
    %reduce_sum3A_87 = vector.multi_reduction <add>, %add3A_85, %reduce_sum3A_86 [1] : vector<10000x128xf32> to vector<10000xf32>
    %broadcast_in_dim3A_88 = vector.shape_cast %reduce_sum3A_87 : vector<10000xf32> to vector<10000x1xf32>
    %div3A_89 = arith.constant 1.280000e+02 : f32
    %div3A_90 = vector.broadcast %div3A_89 : f32 to vector<10000x1xf32>
    %div3A_91 = arith.divf %broadcast_in_dim3A_88, %div3A_90 : vector<10000x1xf32>
    %sub3A_92 = vector.broadcast %div3A_91 : vector<10000x1xf32> to vector<10000x128xf32>
    %sub3A_93 = arith.subf %add3A_85, %sub3A_92 : vector<10000x128xf32>
    %mul3A_94 = arith.mulf %sub3A_93, %sub3A_93 : vector<10000x128xf32>
    %reduce_sum3A_95 = arith.constant dense<0.000000e+00> : vector<10000xf32>
    %reduce_sum3A_96 = vector.multi_reduction <add>, %mul3A_94, %reduce_sum3A_95 [1] : vector<10000x128xf32> to vector<10000xf32>
    %broadcast_in_dim3A_97 = vector.shape_cast %reduce_sum3A_96 : vector<10000xf32> to vector<10000x1xf32>
    %div3A_98 = arith.constant 1.280000e+02 : f32
    %div3A_99 = vector.broadcast %div3A_98 : f32 to vector<10000x1xf32>
    %div3A_100 = arith.divf %broadcast_in_dim3A_97, %div3A_99 : vector<10000x1xf32>
    %get3A_101 = arith.constant 0 : index
    %get3A_102 = arith.constant 0 : index
    %get3A_103 = vector.load %arg11[%get3A_101, %get3A_102] : memref<1x128xf32, #tpu.memory_space<vmem>>, vector<1x128xf32>
    %mul3A_104 = vector.broadcast %get3A_103 : vector<1x128xf32> to vector<10000x128xf32>
    %mul3A_105 = arith.mulf %mul3A_104, %sub3A_93 : vector<10000x128xf32>
    %add3A_106 = arith.constant 9.99999974E-6 : f32
    %add3A_107 = vector.broadcast %add3A_106 : f32 to vector<10000x1xf32>
    %add3A_108 = arith.addf %div3A_100, %add3A_107 : vector<10000x1xf32>
    %sqrt3A_109 = math.sqrt %add3A_108 : vector<10000x1xf32>
    %div3A_110 = vector.broadcast %sqrt3A_109 : vector<10000x1xf32> to vector<10000x128xf32>
    %div3A_111 = arith.divf %mul3A_105, %div3A_110 : vector<10000x128xf32>
    %get3A_112 = arith.constant 0 : index
    %get3A_113 = arith.constant 0 : index
    %get3A_114 = vector.load %arg12[%get3A_112, %get3A_113] : memref<1x128xf32, #tpu.memory_space<vmem>>, vector<1x128xf32>
    %add3A_115 = vector.broadcast %get3A_114 : vector<1x128xf32> to vector<10000x128xf32>
    %add3A_116 = arith.addf %div3A_111, %add3A_115 : vector<10000x128xf32>
    %swap3A = arith.constant 0 : index
    %swap3A_117 = arith.constant 0 : index
    %swap3A_118 = vector.load %arg13[%swap3A, %swap3A_117] : memref<10000x128xf32, #tpu.memory_space<vmem>>, vector<10000x128xf32>
    tpu.vector_store %arg13[%swap3A, %swap3A_117], %add3A_116 {strides = array<i32>} : memref<10000x128xf32, #tpu.memory_space<vmem>>, vector<10000x128xf32>,
    return
  }
}

module attributes {stable_mosaic.version = 14 : i64} {
  func.func @_pool_body(%arg0: memref<10000x128xf32, #tpu.memory_space<vmem>>, %arg1: memref<10000x1xi32, #tpu.memory_space<vmem>>, %arg2: memref<1152x128xf32, #tpu.memory_space<vmem>>, %arg3: memref<3x128xf32, #tpu.memory_space<vmem>>, %arg4: memref<384x64xf32, #tpu.memory_space<vmem>>, %arg5: memref<3x64xf32, #tpu.memory_space<vmem>>, %arg6: memref<192x128xf32, #tpu.memory_space<vmem>>, %arg7: memref<3x128xf32, #tpu.memory_space<vmem>>, %arg8: memref<64x4xf32, #tpu.memory_space<vmem>>, %arg9: memref<64x128xf32, #tpu.memory_space<vmem>>) attributes {dimension_semantics = [], scalar_prefetch = 0 : i64, scratch_operands = 1 : i64, tpu.core_type = #tpu.core_type<tc>} {
    %get3A = arith.constant 0 : index
    %get3A_0 = arith.constant 0 : index
    %get3A_1 = vector.load %arg0[%get3A, %get3A_0] : memref<10000x128xf32, #tpu.memory_space<vmem>>, vector<10000x128xf32>
    %get3A_2 = arith.constant 0 : index
    %get3A_3 = arith.constant 0 : index
    %get3A_4 = vector.load %arg1[%get3A_2, %get3A_3] : memref<10000x1xi32, #tpu.memory_space<vmem>>, vector<10000x1xi32>
    %iota3A = tpu.iota {dimensions = array<i32: 1>} : vector<10000x64xi32>
    %eq3A = vector.broadcast %get3A_4 : vector<10000x1xi32> to vector<10000x64xi32>
    %eq3A_5 = arith.cmpi eq, %eq3A, %iota3A : vector<10000x64xi32>
    %convert_element_type3A = arith.extui %eq3A_5 : vector<10000x64xi1> to vector<10000x64xi32>
    %convert_element_type3A_6 = arith.sitofp %convert_element_type3A : vector<10000x64xi32> to vector<10000x64xf32>
    %broadcast_in_dim3A = arith.constant 1.000000e+00 : f32
    %broadcast_in_dim3A_7 = vector.broadcast %broadcast_in_dim3A : f32 to vector<10000x1xf32>
    %dot_general3A = arith.constant dense<0.000000e+00> : vector<64x1xf32>
    %dot_general3A_8 = tpu.matmul %convert_element_type3A_6, %broadcast_in_dim3A_7, %dot_general3A {dimension_numbers = #tpu.dot_dimension_numbers<[0], [0], [1], [1], [0, 1, 1, 1], [], []>, precision = #tpu.contract_precision<fp32>, transpose_lhs_hint = false} : vector<10000x64xf32>, vector<10000x1xf32>, vector<64x1xf32> -> vector<64x1xf32>
    %dot_general3A_9 = arith.constant dense<0.000000e+00> : vector<64x128xf32>
    %dot_general3A_10 = tpu.matmul %convert_element_type3A_6, %get3A_1, %dot_general3A_9 {dimension_numbers = #tpu.dot_dimension_numbers<[0], [0], [1], [1], [0, 1, 1, 1], [], []>, precision = #tpu.contract_precision<fp32>, transpose_lhs_hint = false} : vector<10000x64xf32>, vector<10000x128xf32>, vector<64x128xf32> -> vector<64x128xf32>
    %max3A = arith.constant 1.000000e+00 : f32
    %max3A_11 = vector.broadcast %max3A : f32 to vector<64x1xf32>
    %max3A_12 = arith.maximumf %dot_general3A_8, %max3A_11 : vector<64x1xf32>
    %div3A = vector.broadcast %max3A_12 : vector<64x1xf32> to vector<64x128xf32>
    %div3A_13 = arith.divf %dot_general3A_10, %div3A : vector<64x128xf32>
    %scan3A = arith.constant 0 : i32
    %scan3A_14 = arith.constant 64 : i32
    %scan3A_15 = arith.addi %scan3A, %scan3A_14 : i32
    %scan3A_16 = arith.constant 1 : i32
    scf.for %scan3A_181 = %scan3A to %scan3A_15 step %scan3A_16  : i32 {
      %eq3A_182 = vector.broadcast %scan3A_181 : i32 to vector<10000x1xi32>
      %eq3A_183 = arith.cmpi eq, %get3A_4, %eq3A_182 : vector<10000x1xi32>
      %jit3A_184 = arith.constant 0xFF800000 : f32
      %broadcast_in_dim3A_185 = vector.shape_cast %eq3A_183 : vector<10000x1xi1> to vector<10000x1xi1>
      %broadcast_in_dim3A_186 = vector.broadcast %broadcast_in_dim3A_185 : vector<10000x1xi1> to vector<10000x128xi1>
      %broadcast_in_dim3A_187 = vector.broadcast %jit3A_184 : f32 to vector<10000x128xf32>
      %select_n3A_188 = arith.select %broadcast_in_dim3A_186, %get3A_1, %broadcast_in_dim3A_187 : vector<10000x128xi1>, vector<10000x128xf32>
      %reduce_max3A = arith.constant dense<0xFF800000> : vector<128xf32>
      %reduce_max3A_189 = vector.multi_reduction <maximumf>, %select_n3A_188, %reduce_max3A [0] : vector<10000x128xf32> to vector<128xf32>
      %broadcast_in_dim3A_190 = vector.shape_cast %reduce_max3A_189 : vector<128xf32> to vector<1x128xf32>
      %swap3A_191 = arith.index_cast %scan3A_181 : i32 to index
      %swap3A_192 = arith.constant 0 : index
      %swap3A_193 = vector.load %arg9[%swap3A_191, %swap3A_192] : memref<64x128xf32, #tpu.memory_space<vmem>>, vector<1x128xf32>
      tpu.vector_store %arg9[%swap3A_191, %swap3A_192], %broadcast_in_dim3A_190 {strides = array<i32>} : memref<64x128xf32, #tpu.memory_space<vmem>>, vector<1x128xf32>,
    }
    %scan3A_17 = arith.constant 64 : i32
    %get3A_18 = arith.constant 0 : index
    %get3A_19 = arith.constant 0 : index
    %get3A_20 = vector.load %arg9[%get3A_18, %get3A_19] : memref<64x128xf32, #tpu.memory_space<vmem>>, vector<64x128xf32>
    %is_finite3A = tpu.weird %get3A_20 : vector<64x128xf32> -> vector<64x128xi1>
    %is_finite3A_21 = arith.constant dense<true> : vector<64x128xi1>
    %is_finite3A_22 = arith.xori %is_finite3A, %is_finite3A_21 : vector<64x128xi1>
    %jit3A = arith.constant 0.000000e+00 : f32
    %broadcast_in_dim3A_23 = vector.broadcast %jit3A : f32 to vector<64x128xf32>
    %select_n3A = arith.select %is_finite3A_22, %get3A_20, %broadcast_in_dim3A_23 : vector<64x128xi1>, vector<64x128xf32>
    %concatenate3A = tpu.concatenate %div3A_13, %select_n3A, %dot_general3A_10 in 1 : vector<64x128xf32>, vector<64x128xf32>, vector<64x128xf32> -> vector<64x384xf32>
    %get3A_24 = arith.constant 0 : index
    %get3A_25 = arith.constant 0 : index
    %get3A_26 = vector.load %arg2[%get3A_24, %get3A_25] : memref<1152x128xf32, #tpu.memory_space<vmem>>, vector<384x128xf32>
    %convert_element_type3A_27 = arith.truncf %concatenate3A : vector<64x384xf32> to vector<64x384xbf16>
    %convert_element_type3A_28 = arith.truncf %get3A_26 : vector<384x128xf32> to vector<384x128xbf16>
    %dot_general3A_29 = arith.constant dense<0.000000e+00> : vector<64x128xf32>
    %dot_general3A_30 = tpu.matmul %convert_element_type3A_27, %convert_element_type3A_28, %dot_general3A_29 {dimension_numbers = #tpu.dot_dimension_numbers<[1], [0], [0], [1], [0, 0, 1, 1], [], []>, transpose_lhs_hint = false} : vector<64x384xbf16>, vector<384x128xbf16>, vector<64x128xf32> -> vector<64x128xf32>
    %get3A_31 = arith.constant 0 : index
    %get3A_32 = arith.constant 0 : index
    %get3A_33 = vector.load %arg3[%get3A_31, %get3A_32] : memref<3x128xf32, #tpu.memory_space<vmem>>, vector<1x128xf32>
    %add3A = vector.broadcast %get3A_33 : vector<1x128xf32> to vector<64x128xf32>
    %add3A_34 = arith.addf %dot_general3A_30, %add3A : vector<64x128xf32>
    %max3A_35 = arith.constant 0.000000e+00 : f32
    %max3A_36 = vector.broadcast %max3A_35 : f32 to vector<64x128xf32>
    %max3A_37 = arith.maximumf %add3A_34, %max3A_36 : vector<64x128xf32>
    %get3A_38 = arith.constant 0 : index
    %get3A_39 = arith.constant 0 : index
    %get3A_40 = vector.load %arg4[%get3A_38, %get3A_39] : memref<384x64xf32, #tpu.memory_space<vmem>>, vector<128x64xf32>
    %convert_element_type3A_41 = arith.truncf %max3A_37 : vector<64x128xf32> to vector<64x128xbf16>
    %convert_element_type3A_42 = arith.truncf %get3A_40 : vector<128x64xf32> to vector<128x64xbf16>
    %dot_general3A_43 = arith.constant dense<0.000000e+00> : vector<64x64xf32>
    %dot_general3A_44 = tpu.matmul %convert_element_type3A_41, %convert_element_type3A_42, %dot_general3A_43 {dimension_numbers = #tpu.dot_dimension_numbers<[1], [0], [0], [1], [0, 0, 1, 1], [], []>, transpose_lhs_hint = false} : vector<64x128xbf16>, vector<128x64xbf16>, vector<64x64xf32> -> vector<64x64xf32>
    %get3A_45 = arith.constant 0 : index
    %get3A_46 = arith.constant 0 : index
    %get3A_47 = vector.load %arg5[%get3A_45, %get3A_46] : memref<3x64xf32, #tpu.memory_space<vmem>>, vector<1x64xf32>
    %add3A_48 = vector.broadcast %get3A_47 : vector<1x64xf32> to vector<64x64xf32>
    %add3A_49 = arith.addf %dot_general3A_44, %add3A_48 : vector<64x64xf32>
    %max3A_50 = arith.constant 0.000000e+00 : f32
    %max3A_51 = vector.broadcast %max3A_50 : f32 to vector<64x64xf32>
    %max3A_52 = arith.maximumf %add3A_49, %max3A_51 : vector<64x64xf32>
    %get3A_53 = arith.constant 0 : index
    %get3A_54 = arith.constant 0 : index
    %get3A_55 = vector.load %arg6[%get3A_53, %get3A_54] : memref<192x128xf32, #tpu.memory_space<vmem>>, vector<64x128xf32>
    %convert_element_type3A_56 = arith.truncf %max3A_52 : vector<64x64xf32> to vector<64x64xbf16>
    %convert_element_type3A_57 = arith.truncf %get3A_55 : vector<64x128xf32> to vector<64x128xbf16>
    %dot_general3A_58 = arith.constant dense<0.000000e+00> : vector<64x128xf32>
    %dot_general3A_59 = tpu.matmul %convert_element_type3A_56, %convert_element_type3A_57, %dot_general3A_58 {dimension_numbers = #tpu.dot_dimension_numbers<[1], [0], [0], [1], [0, 0, 1, 1], [], []>, transpose_lhs_hint = false} : vector<64x64xbf16>, vector<64x128xbf16>, vector<64x128xf32> -> vector<64x128xf32>
    %get3A_60 = arith.constant 0 : index
    %get3A_61 = arith.constant 0 : index
    %get3A_62 = vector.load %arg7[%get3A_60, %get3A_61] : memref<3x128xf32, #tpu.memory_space<vmem>>, vector<1x128xf32>
    %add3A_63 = vector.broadcast %get3A_62 : vector<1x128xf32> to vector<64x128xf32>
    %add3A_64 = arith.addf %dot_general3A_59, %add3A_63 : vector<64x128xf32>
    %slice3A = vector.extract_strided_slice %add3A_64 {offsets = [0, 0], sizes = [64, 1], strides = [1, 1]} : vector<64x128xf32> to vector<64x1xf32>
    %logistic3A = arith.negf %slice3A : vector<64x1xf32>
    %logistic3A_65 = math.exp %logistic3A : vector<64x1xf32>
    %logistic3A_66 = arith.constant 1.000000e+00 : f32
    %logistic3A_67 = vector.broadcast %logistic3A_66 : f32 to vector<64x1xf32>
    %logistic3A_68 = arith.addf %logistic3A_67, %logistic3A_65 : vector<64x1xf32>
    %logistic3A_69 = arith.divf %logistic3A_67, %logistic3A_68 : vector<64x1xf32>
    %get3A_70 = arith.constant 384 : index
    %get3A_71 = arith.constant 0 : index
    %get3A_72 = vector.load %arg2[%get3A_70, %get3A_71] : memref<1152x128xf32, #tpu.memory_space<vmem>>, vector<384x128xf32>
    %convert_element_type3A_73 = arith.truncf %concatenate3A : vector<64x384xf32> to vector<64x384xbf16>
    %convert_element_type3A_74 = arith.truncf %get3A_72 : vector<384x128xf32> to vector<384x128xbf16>
    %dot_general3A_75 = arith.constant dense<0.000000e+00> : vector<64x128xf32>
    %dot_general3A_76 = tpu.matmul %convert_element_type3A_73, %convert_element_type3A_74, %dot_general3A_75 {dimension_numbers = #tpu.dot_dimension_numbers<[1], [0], [0], [1], [0, 0, 1, 1], [], []>, transpose_lhs_hint = false} : vector<64x384xbf16>, vector<384x128xbf16>, vector<64x128xf32> -> vector<64x128xf32>
    %get3A_77 = arith.constant 1 : index
    %get3A_78 = arith.constant 0 : index
    %get3A_79 = vector.load %arg3[%get3A_77, %get3A_78] : memref<3x128xf32, #tpu.memory_space<vmem>>, vector<1x128xf32>
    %add3A_80 = vector.broadcast %get3A_79 : vector<1x128xf32> to vector<64x128xf32>
    %add3A_81 = arith.addf %dot_general3A_76, %add3A_80 : vector<64x128xf32>
    %max3A_82 = arith.constant 0.000000e+00 : f32
    %max3A_83 = vector.broadcast %max3A_82 : f32 to vector<64x128xf32>
    %max3A_84 = arith.maximumf %add3A_81, %max3A_83 : vector<64x128xf32>
    %get3A_85 = arith.constant 128 : index
    %get3A_86 = arith.constant 0 : index
    %get3A_87 = vector.load %arg4[%get3A_85, %get3A_86] : memref<384x64xf32, #tpu.memory_space<vmem>>, vector<128x64xf32>
    %convert_element_type3A_88 = arith.truncf %max3A_84 : vector<64x128xf32> to vector<64x128xbf16>
    %convert_element_type3A_89 = arith.truncf %get3A_87 : vector<128x64xf32> to vector<128x64xbf16>
    %dot_general3A_90 = arith.constant dense<0.000000e+00> : vector<64x64xf32>
    %dot_general3A_91 = tpu.matmul %convert_element_type3A_88, %convert_element_type3A_89, %dot_general3A_90 {dimension_numbers = #tpu.dot_dimension_numbers<[1], [0], [0], [1], [0, 0, 1, 1], [], []>, transpose_lhs_hint = false} : vector<64x128xbf16>, vector<128x64xbf16>, vector<64x64xf32> -> vector<64x64xf32>
    %get3A_92 = arith.constant 1 : index
    %get3A_93 = arith.constant 0 : index
    %get3A_94 = vector.load %arg5[%get3A_92, %get3A_93] : memref<3x64xf32, #tpu.memory_space<vmem>>, vector<1x64xf32>
    %add3A_95 = vector.broadcast %get3A_94 : vector<1x64xf32> to vector<64x64xf32>
    %add3A_96 = arith.addf %dot_general3A_91, %add3A_95 : vector<64x64xf32>
    %max3A_97 = arith.constant 0.000000e+00 : f32
    %max3A_98 = vector.broadcast %max3A_97 : f32 to vector<64x64xf32>
    %max3A_99 = arith.maximumf %add3A_96, %max3A_98 : vector<64x64xf32>
    %get3A_100 = arith.constant 64 : index
    %get3A_101 = arith.constant 0 : index
    %get3A_102 = vector.load %arg6[%get3A_100, %get3A_101] : memref<192x128xf32, #tpu.memory_space<vmem>>, vector<64x128xf32>
    %convert_element_type3A_103 = arith.truncf %max3A_99 : vector<64x64xf32> to vector<64x64xbf16>
    %convert_element_type3A_104 = arith.truncf %get3A_102 : vector<64x128xf32> to vector<64x128xbf16>
    %dot_general3A_105 = arith.constant dense<0.000000e+00> : vector<64x128xf32>
    %dot_general3A_106 = tpu.matmul %convert_element_type3A_103, %convert_element_type3A_104, %dot_general3A_105 {dimension_numbers = #tpu.dot_dimension_numbers<[1], [0], [0], [1], [0, 0, 1, 1], [], []>, transpose_lhs_hint = false} : vector<64x64xbf16>, vector<64x128xbf16>, vector<64x128xf32> -> vector<64x128xf32>
    %get3A_107 = arith.constant 1 : index
    %get3A_108 = arith.constant 0 : index
    %get3A_109 = vector.load %arg7[%get3A_107, %get3A_108] : memref<3x128xf32, #tpu.memory_space<vmem>>, vector<1x128xf32>
    %add3A_110 = vector.broadcast %get3A_109 : vector<1x128xf32> to vector<64x128xf32>
    %add3A_111 = arith.addf %dot_general3A_106, %add3A_110 : vector<64x128xf32>
    %slice3A_112 = vector.extract_strided_slice %add3A_111 {offsets = [0, 0], sizes = [64, 1], strides = [1, 1]} : vector<64x128xf32> to vector<64x1xf32>
    %logistic3A_113 = arith.negf %slice3A_112 : vector<64x1xf32>
    %logistic3A_114 = math.exp %logistic3A_113 : vector<64x1xf32>
    %logistic3A_115 = arith.constant 1.000000e+00 : f32
    %logistic3A_116 = vector.broadcast %logistic3A_115 : f32 to vector<64x1xf32>
    %logistic3A_117 = arith.addf %logistic3A_116, %logistic3A_114 : vector<64x1xf32>
    %logistic3A_118 = arith.divf %logistic3A_116, %logistic3A_117 : vector<64x1xf32>
    %get3A_119 = arith.constant 768 : index
    %get3A_120 = arith.constant 0 : index
    %get3A_121 = vector.load %arg2[%get3A_119, %get3A_120] : memref<1152x128xf32, #tpu.memory_space<vmem>>, vector<384x128xf32>
    %convert_element_type3A_122 = arith.truncf %concatenate3A : vector<64x384xf32> to vector<64x384xbf16>
    %convert_element_type3A_123 = arith.truncf %get3A_121 : vector<384x128xf32> to vector<384x128xbf16>
    %dot_general3A_124 = arith.constant dense<0.000000e+00> : vector<64x128xf32>
    %dot_general3A_125 = tpu.matmul %convert_element_type3A_122, %convert_element_type3A_123, %dot_general3A_124 {dimension_numbers = #tpu.dot_dimension_numbers<[1], [0], [0], [1], [0, 0, 1, 1], [], []>, transpose_lhs_hint = false} : vector<64x384xbf16>, vector<384x128xbf16>, vector<64x128xf32> -> vector<64x128xf32>
    %get3A_126 = arith.constant 2 : index
    %get3A_127 = arith.constant 0 : index
    %get3A_128 = vector.load %arg3[%get3A_126, %get3A_127] : memref<3x128xf32, #tpu.memory_space<vmem>>, vector<1x128xf32>
    %add3A_129 = vector.broadcast %get3A_128 : vector<1x128xf32> to vector<64x128xf32>
    %add3A_130 = arith.addf %dot_general3A_125, %add3A_129 : vector<64x128xf32>
    %max3A_131 = arith.constant 0.000000e+00 : f32
    %max3A_132 = vector.broadcast %max3A_131 : f32 to vector<64x128xf32>
    %max3A_133 = arith.maximumf %add3A_130, %max3A_132 : vector<64x128xf32>
    %get3A_134 = arith.constant 256 : index
    %get3A_135 = arith.constant 0 : index
    %get3A_136 = vector.load %arg4[%get3A_134, %get3A_135] : memref<384x64xf32, #tpu.memory_space<vmem>>, vector<128x64xf32>
    %convert_element_type3A_137 = arith.truncf %max3A_133 : vector<64x128xf32> to vector<64x128xbf16>
    %convert_element_type3A_138 = arith.truncf %get3A_136 : vector<128x64xf32> to vector<128x64xbf16>
    %dot_general3A_139 = arith.constant dense<0.000000e+00> : vector<64x64xf32>
    %dot_general3A_140 = tpu.matmul %convert_element_type3A_137, %convert_element_type3A_138, %dot_general3A_139 {dimension_numbers = #tpu.dot_dimension_numbers<[1], [0], [0], [1], [0, 0, 1, 1], [], []>, transpose_lhs_hint = false} : vector<64x128xbf16>, vector<128x64xbf16>, vector<64x64xf32> -> vector<64x64xf32>
    %get3A_141 = arith.constant 2 : index
    %get3A_142 = arith.constant 0 : index
    %get3A_143 = vector.load %arg5[%get3A_141, %get3A_142] : memref<3x64xf32, #tpu.memory_space<vmem>>, vector<1x64xf32>
    %add3A_144 = vector.broadcast %get3A_143 : vector<1x64xf32> to vector<64x64xf32>
    %add3A_145 = arith.addf %dot_general3A_140, %add3A_144 : vector<64x64xf32>
    %max3A_146 = arith.constant 0.000000e+00 : f32
    %max3A_147 = vector.broadcast %max3A_146 : f32 to vector<64x64xf32>
    %max3A_148 = arith.maximumf %add3A_145, %max3A_147 : vector<64x64xf32>
    %get3A_149 = arith.constant 128 : index
    %get3A_150 = arith.constant 0 : index
    %get3A_151 = vector.load %arg6[%get3A_149, %get3A_150] : memref<192x128xf32, #tpu.memory_space<vmem>>, vector<64x128xf32>
    %convert_element_type3A_152 = arith.truncf %max3A_148 : vector<64x64xf32> to vector<64x64xbf16>
    %convert_element_type3A_153 = arith.truncf %get3A_151 : vector<64x128xf32> to vector<64x128xbf16>
    %dot_general3A_154 = arith.constant dense<0.000000e+00> : vector<64x128xf32>
    %dot_general3A_155 = tpu.matmul %convert_element_type3A_152, %convert_element_type3A_153, %dot_general3A_154 {dimension_numbers = #tpu.dot_dimension_numbers<[1], [0], [0], [1], [0, 0, 1, 1], [], []>, transpose_lhs_hint = false} : vector<64x64xbf16>, vector<64x128xbf16>, vector<64x128xf32> -> vector<64x128xf32>
    %get3A_156 = arith.constant 2 : index
    %get3A_157 = arith.constant 0 : index
    %get3A_158 = vector.load %arg7[%get3A_156, %get3A_157] : memref<3x128xf32, #tpu.memory_space<vmem>>, vector<1x128xf32>
    %add3A_159 = vector.broadcast %get3A_158 : vector<1x128xf32> to vector<64x128xf32>
    %add3A_160 = arith.addf %dot_general3A_155, %add3A_159 : vector<64x128xf32>
    %slice3A_161 = vector.extract_strided_slice %add3A_160 {offsets = [0, 0], sizes = [64, 1], strides = [1, 1]} : vector<64x128xf32> to vector<64x1xf32>
    %logistic3A_162 = arith.negf %slice3A_161 : vector<64x1xf32>
    %logistic3A_163 = math.exp %logistic3A_162 : vector<64x1xf32>
    %logistic3A_164 = arith.constant 1.000000e+00 : f32
    %logistic3A_165 = vector.broadcast %logistic3A_164 : f32 to vector<64x1xf32>
    %logistic3A_166 = arith.addf %logistic3A_165, %logistic3A_163 : vector<64x1xf32>
    %logistic3A_167 = arith.divf %logistic3A_165, %logistic3A_166 : vector<64x1xf32>
    %mul3A = arith.constant 4.500000e-01 : f32
    %mul3A_168 = vector.broadcast %mul3A : f32 to vector<64x1xf32>
    %mul3A_169 = arith.mulf %mul3A_168, %logistic3A_69 : vector<64x1xf32>
    %mul3A_170 = arith.constant 3.500000e-01 : f32
    %mul3A_171 = vector.broadcast %mul3A_170 : f32 to vector<64x1xf32>
    %mul3A_172 = arith.mulf %mul3A_171, %logistic3A_118 : vector<64x1xf32>
    %add3A_173 = arith.addf %mul3A_169, %mul3A_172 : vector<64x1xf32>
    %mul3A_174 = arith.constant 2.000000e-01 : f32
    %mul3A_175 = vector.broadcast %mul3A_174 : f32 to vector<64x1xf32>
    %mul3A_176 = arith.mulf %mul3A_175, %logistic3A_167 : vector<64x1xf32>
    %add3A_177 = arith.addf %add3A_173, %mul3A_176 : vector<64x1xf32>
    %concatenate3A_178 = tpu.concatenate %logistic3A_69, %logistic3A_118, %logistic3A_167, %add3A_177 in 1 : vector<64x1xf32>, vector<64x1xf32>, vector<64x1xf32>, vector<64x1xf32> -> vector<64x4xf32>
    %swap3A = arith.constant 0 : index
    %swap3A_179 = arith.constant 0 : index
    %swap3A_180 = vector.load %arg8[%swap3A, %swap3A_179] : memref<64x4xf32, #tpu.memory_space<vmem>>, vector<64x4xf32>
    tpu.vector_store %arg8[%swap3A, %swap3A_179], %concatenate3A_178 {strides = array<i32>} : memref<64x4xf32, #tpu.memory_space<vmem>>, vector<64x4xf32>,
    return
  }
}

</mosaic_0001>

<sc_bundles>
// kernel: kernel.24.cloned.1.call-start
scs
__scs_entry_jumppad:
0x0: {  	(pc) =	sbr.rel $0x88, $3  }
0x1: {  	(tag) =	ssettag $0x0;
	lr =	simm.s32 $0x1  }
0x2: {  	[smem:$0x3F65] =	sst lr;
	_ =	strace $0xD0000000  }
0x3: {  	_ = 	snop  }
0x4: {  	_ = 	snop  }
0x5: {  	_ = 	snop  }
0x6: {  	_ = 	snop  }
0x7: {  	_ = 	snop  }
__scs_overlays_trampoline_lowered:
0x8: {  	[smem:$0x3F74] =	sst s0  }
0x9: {  	[smem:$0x3F75] =	sst s1  }
0xa: {  	[smem:$0x3F76] =	sst s2  }
0xb: {  	[smem:$0x3F77] =	sst s3  }
0xc: {  	[smem:$0x3F78] =	sst s4  }
0xd: {  	[smem:$0x3F79] =	sst s5  }
0xe: {  	[smem:$0x3F7A] =	sst s6  }
0xf: {  	[smem:$0x3F7B] =	sst s7  }
0x10: {  	[smem:$0x3F7C] =	sst s8  }
0x11: {  	[smem:$0x3F7D] =	sst s9;
	s0 =	simm.s32 @!p0 $0x0  }
0x12: {  	s1 =	sld [smem:$0x3F63];
	s0 =	simm.s32 @p0 $0x1  }
0x13: {  	[smem:$0x3F7E] =	sst s0;
	s0 =	simm.s32 @!p1 $0x0  }
0x14: {  	s2 =	sld [smem:$0x3F62];
	s0 =	simm.s32 @p1 $0x1  }
0x15: {  	[smem:$0x3F7F] =	sst s0;
	s0 =	simm.s32 @!p2 $0x0  }
0x16: {  	s3 =	sld [smem:$0x3FDB];
	s0 =	simm.s32 @p2 $0x1  }
0x17: {  	s4 =	simm.s32 $0x1BF5;
	[smem:$0x3F81] =	sst s0  }
0x18: {  	s0 =	sld [smem:$0x3F64];
	_ =	swait.ge [sflag:s4], $0x0  }
0x19: {  	s7 =	sld [smem:$0x3F65]  }
0x1a: {  	s8 =	sadd.s32 $0xFFFFE003, lr  }
0x1b: {  	s9 =	sadd.s32 $0xFFFFFEF7, lr;
	s5 =	simm.s32 $0xFFFFFFFF;
	p2 =	slt.u32 s8, $0xFFFFF086  }
0x1c: {  	p1 =	slt.u32 s9, $0xF7A;
	s5 =	simm.s32 @!p2 $0x0  }
0x1d: {  	s5 =	simm.s32 @p1 $0x1;
	p0 =	seq.s32 s7, s2  }
0x1e: {  	s7 =	smul.u32 @!p0 $0xF7A, s2;
	p2 =	seq.s32 @!p0 s5, $0x0  }
0x1f: {  	s9 =	smul.u32 $0xF7A, s1;
	s8 =	simm.s32 @!p0 $0x1BF5;
	p2 =	por !p2, p0  }
0x20: {  	[sflag:s8] =	ssyncset.s32 @!p0 $0xFFFFF086;
	s6 =	sadd.s32 @!p0 s3, s7;
	s7 =	simm.s32 @!p0 $0x108  }
0x21: {  	s3 =	sadd.s32 s3, s9;
	s6 =	sadd.s32 @!p0 $0x88, s6;
	s7 =	simm.s32 @p2 $0x1082  }
0x22: {  	[simem:s7], [sflag:s8] =	dma.local @!p0 [hbm:s6], $0xF7A  }
0x23: {  	s9 =	sor.u32 $0xD0000000, s2;
	s6 =	simm.s32 $0x108;
	_ =	swait.ge @!p0 [sflag:s8], $0x0  }
0x24: {  	s3 =	sadd.s32 $0x88, s3;
	s6 =	simm.s32 @!p1 $0x1082;
	[sflag:s4] =	ssyncset.s32 $0xFFFFF086  }
0x25: {  	[simem:s6], [sflag:s4] =	dma.local [hbm:s3], $0xF7A  }
0x26: {  	[smem:$0x3F65] =	sst s1;
	(tag) =	ssettag s2;
	_ =	strace s9  }
0x27: {  	s1 =	sld [smem:$0x3F75]  }
0x28: {  	s2 =	sld [smem:$0x3F76]  }
0x29: {  	s4 =	sld [smem:$0x3F78]  }
0x2a: {  	p0 =	seq.s32 s5, $0x0;
	s5 =	sld [smem:$0x3F79]  }
0x2b: {  	s6 =	sld [smem:$0x3F7A]  }
0x2c: {  	s7 =	sld [smem:$0x3F7B]  }
0x2d: {  	s3 =	simm.s32 $0x108;
	s8 =	sld [smem:$0x3F7C]  }
0x2e: {  	s3 =	simm.s32 @!p0 $0x1082;
	s9 =	sld [smem:$0x3F7D]  }
0x2f: {  	lr =	sadd.s32 s0, s3;
	s0 =	sld [smem:$0x3F74]  }
0x30: {  	s3 =	sld [smem:$0x3F77]  }
0x31: {  	[smem:$0x3F80] =	sst s10  }
0x32: {  	s10 =	sld [smem:$0x3F7E];
	_ =	sdelay $0x3  }
0x33: {  	p0 =	seq.s32 s10, $0x1;
	s10 =	sld [smem:$0x3F80];
	_ =	sdelay $0x3  }
0x34: {  	[smem:$0x3F80] =	sst s10  }
0x35: {  	s10 =	sld [smem:$0x3F7F];
	_ =	sdelay $0x3  }
0x36: {  	p1 =	seq.s32 s10, $0x1;
	s10 =	sld [smem:$0x3F80];
	_ =	sdelay $0x3  }
0x37: {  	[smem:$0x3F80] =	sst s10  }
0x38: {  	s10 =	sld [smem:$0x3F81]  }
0x39: {  	_ = 	snop;
	(pc) =	sbr.ind lr, $3  }
0x3a: {  	_ = 	snop  }
0x3b: {  	_ = 	snop  }
0x3c: {  	p2 =	seq.s32 s10, $0x1;
	s10 =	sld [smem:$0x3F80]  }
0x3d: {  	_ =	shalt  }
0x3e: {  	_ =	shalt  }
0x3f: {  	_ =	shalt  }
0x40: {  	_ =	shalt  }
0x41: {  	_ =	shalt  }
0x42: {  	_ =	shalt  }
0x43: {  	_ =	shalt  }
0x44: {  	_ =	shalt  }
0x45: {  	_ =	shalt  }
0x46: {  	_ =	shalt  }
0x47: {  	_ =	shalt  }
0x48: {  	_ =	shalt  }
0x49: {  	_ =	shalt  }
0x4a: {  	_ =	shalt  }
0x4b: {  	_ =	shalt  }
0x4c: {  	_ =	shalt  }
0x4d: {  	_ =	shalt  }
0x4e: {  	_ =	shalt  }
0x4f: {  	_ =	shalt  }
0x50: {  	_ =	shalt  }
0x51: {  	_ =	shalt  }
0x52: {  	_ =	shalt  }
0x53: {  	_ =	shalt  }
0x54: {  	_ =	shalt  }
0x55: {  	_ =	shalt  }
0x56: {  	_ =	shalt  }
0x57: {  	_ =	shalt  }
0x58: {  	_ =	shalt  }
0x59: {  	_ =	shalt  }
0x5a: {  	_ =	shalt  }
0x5b: {  	_ =	shalt  }
0x5c: {  	_ =	shalt  }
0x5d: {  	_ =	shalt  }
0x5e: {  	_ =	shalt  }
0x5f: {  	_ =	shalt  }
0x60: {  	_ =	shalt  }
0x61: {  	_ =	shalt  }
0x62: {  	_ =	shalt  }
0x63: {  	_ =	shalt  }
0x64: {  	_ =	shalt  }
0x65: {  	_ =	shalt  }
0x66: {  	_ =	shalt  }
0x67: {  	_ =	shalt  }
0x68: {  	_ =	shalt  }
0x69: {  	_ =	shalt  }
0x6a: {  	_ =	shalt  }
0x6b: {  	_ =	shalt  }
0x6c: {  	_ =	shalt  }
0x6d: {  	_ =	shalt  }
0x6e: {  	_ =	shalt  }
0x6f: {  	_ =	shalt  }
0x70: {  	_ =	shalt  }
0x71: {  	_ =	shalt  }
0x72: {  	_ =	shalt  }
0x73: {  	_ =	shalt  }
0x74: {  	_ =	shalt  }
0x75: {  	_ =	shalt  }
0x76: {  	_ =	shalt  }
0x77: {  	_ =	shalt  }
0x78: {  	_ =	shalt  }
0x79: {  	_ =	shalt  }
0x7a: {  	_ =	shalt  }
0x7b: {  	_ =	shalt  }
0x7c: {  	_ =	shalt  }
0x7d: {  	_ =	shalt  }
0x7e: {  	_ =	shalt  }
0x7f: {  	_ =	shalt  }
0x80: {  	_ =	shalt  }
0x81: {  	_ =	shalt  }
0x82: {  	_ =	shalt  }
0x83: {  	_ =	shalt  }
0x84: {  	_ =	shalt  }
0x85: {  	_ =	shalt  }
0x86: {  	_ =	shalt  }
0x87: {  	_ =	shalt  }
.Lfunc_end0:
.L_simem_size_0:
called_computation_lowered:
.L_overlay_start_0:
0x88: {  	s2 =	sld [smem:$0x3FD9]  }
0x89: {  	s3 =	sld [smem:$0x3FFE];
	_ =	sdelay $0x1  }
0x8a: {  	s1 =	srdreg.scid  }
0x8b: {  	s0 =	sand.u32 $0x1, s1  }
0x8c: {  	s16 =	sshll.u32 s0, $0xA;
	s2 =	sadd.s32 s3, s2  }
0x8d: {  	s2 =	sadd.s32 s2, s16  }
0x8e: {  	[smem:$0x3F8C] =	sst s2  }
0x8f: {  	_ = 	snop  }
0x90: {  	(tm) =	ssettm $0x1  }
0x91: {  	s17 =	sld [smem:$0x3FFB];
	_ =	sdelay $0x3  }
0x92: {  	_ =	strace s17  }
0x93: {  	s2 =	sld [smem:$0x3FFC];
	_ =	sdelay $0x3  }
0x94: {  	_ =	strace s2  }
0x95: {  	s2 =	sld [smem:$0x3FFD];
	_ =	sdelay $0x3  }
0x96: {  	_ =	strace s2  }
0x97: {  	_ =	strace $0x8FFFFFFF  }
0x98: {  	s18 =	sld [smem:$0x3FDB];
	_ =	sdelay $0x1  }
0x99: {  	s19 =	simm.s32 $_scs_section_size  }
0x9a: {  	s4 =	simm.s32 $_size__tile_overlayer_lowered;
	s5 =	simm.s32 $_tile_overlayer_lowered  }
0x9b: {  	s22 =	simm.s32 $0x1BFF;
	s21 =	sshll.u32 s5, $0x1;
	s2 =	sadd.s32 s19, s18  }
0x9c: {  	s6 =	simm.s32 $0x0;
	s20 =	sshll.u32 s4, $0x1;
	s4 =	sadd.s32 s21, s2  }
0x9d: {  	[timem:s6], [sflag:s22] =	dma.local [hbm:s4], s20  }
0x9e: {  	_ =	swait.ge [sflag:s22], s20  }
0x9f: {  	s3 =	ssub.s32 $0x0, s20;
	[sflag:s22] =	ssyncset.done $0x0  }
0xa0: {  	[sflag:s22] =	ssyncadd.s32 s3;
	_ =	sdelay $0x1  }
0xa1: {  	s23 =	simm.s32 $0x1B8B  }
0xa2: {  	_ =	swait.ge [sflag:s23], $0x1  }
0xa3: {  	[sflag:s23] =	ssyncset.done $0x0  }
0xa4: {  	s25 =	simm.s32 $0x1B8E;
	s24 =	sld [smem:$0x3FFE];
	[sflag:s23] =	ssyncadd.s32 $0xFFFFFFFF  }
0xa5: {  	s26 =	simm.s32 $execute0_lowered;
	[smem:$0x3FD2] =	sst s25  }
0xa6: {  	s4 =	sshll.u32 s26, $0x1;
	_ =	strace $0x80000046;
	[dreg:$0x1] =	wrdreg $0xFFFFFFFF  }
0xa7: {  	s28 =	simm.s32 $_size_execute0_lowered;
	s2 =	sadd.s32 s2, s4;
	[dreg:$0x0] =	wrdreg $0x0  }
0xa8: {  	s4 =	sshll.u32 s28, $0x1;
	[dreg:$0x2] =	wrdreg s2  }
0xa9: {  	[dreg:$0x3] =	wrdreg s4  }
0xaa: {  	[dreg:$0x4] =	wrdreg $0xC0  }
0xab: {  	_ =	task [dreg:s6], $0x5FFFF  }
0xac: {  	[dreg:$0x1] =	wrdreg $0xFFFFFFFF  }
0xad: {  	[dreg:$0x0] =	wrdreg $0x60  }
0xae: {  	[dreg:$0x2] =	wrdreg s24  }
0xaf: {  	[dreg:$0x3] =	wrdreg $0x9  }
0xb0: {  	_ =	task.clear_ibuf [dreg:s6], $0x4FFFF;
	_ =	strace $0x90000046  }
0xb1: {  	s29 =	simm.s32 $0x9;
	_ =	strace $0x80000048  }
0xb2: {  	_ =	swait.ge [sflag:s29], $0x1  }
0xb3: {  	[sflag:s29] =	ssyncadd.s32 $0xFFFFFFFF  }
0xb4: {  	_ =	strace $0x90000048  }
0xb5: {  	_ =	sfence  }
0xb6: {  	s30 =	sld [smem:$0x0];
	_ =	sdelay $0x2  }
0xb7: {  	s31 =	sshll.u32 s1, $0xD;
	s1 =	sshrl.u32 s1, $0x2  }
0xb8: {  	s3 =	sand.u32 $0x4000, s31;
	s1 =	sadd.s32 s1, s30  }
0xb9: {  	s0 =	sor.u32 s3, s0;
	s1 =	sshll.u32 s1, $0x11  }
0xba: {  	s0 =	sor.u32 s1, s0  }
0xbb: {  	s0 =	sadd.s32 $0x8F2B, s0  }
0xbc: {  	[sflag:s0] =	ssyncadd.remote.s32 $0x1  }
0xbd: {  	_ =	sfence.sel $0xFFFF  }
0xbe: {  	[dreg:$0x0] =	wrdreg $0xFFFFFFFF;
	(pc) =	sbr.abs _section_cstart, $3  }
0xbf: {  	[dreg:$0x1] =	wrdreg $0xFFFFFFFF  }
0xc0: {  	_ =	task.clear_ibuf [dreg:s6], $0x2FFFF;
	_ =	strace $0x9FFFFFFF  }
0xc1: {  	(tm) =	ssettm $0x7FFFFFFF  }
tec
execute0_lowered:
.L_overlay_start_1:
0x0: {  	(tag) =	ssettag $0x1  }
0x1: {  	s0 =	rddreg [dreg:$0x0]  }
0x2: {  	s1 =	simm.s32 $0x0;
	s2 =	srdreg.scid;
	s11 =	stileid.u32  }
0x3: {  	s14 =	simm.s32 $0x80;
	s15 =	simm.s32 $0x100;
	s16 =	simm.s32 $0x180  }
0x4: {  	s17 =	simm.s32 $0x1;
	s18 =	simm.s32 $0x200;
	s19 =	simm.s32 $0x4200  }
0x5: {  	s20 =	simm.s32 $0x3;
	s21 =	simm.s32 $0x2;
	s22 =	simm.s32 $0x8200  }
0x6: {  	s23 =	simm.s32 $0xC200;
	s28 =	simm.s32 $0x0;
	[smem:$0x7FF] =	sst s1  }
0x7: {  	s3 =	sadd.s32 $0x15800, s0;
	s4 =	sadd.s32 $0x10800, s0;
	s5 =	sadd.s32 $0xB800, s0  }
0x8: {  	s2 =	sand.u32 $0x1, s2;
	s7 =	sshll.u32 s11, $0x1;
	s6 =	sadd.s32 $0x3CA00, s0  }
0x9: {  	s8 =	sadd.s32 $0x2ADA00, s0;
	s26 =	sshll.u32 s11, $0xC;
	s9 =	ssub.s32 $0x2, s2  }
0xa: {  	s7 =	sor.u32 s2, s7;
	s29 =	sadd.s32 s26, s8;
	s2 =	sshll.u32 s2, $0xB  }
0xb: {  	_ =	strace $0x80000047;
	s10 =	sshll.u32 s7, $0x4;
	s30 =	sadd.s32 s2, s29  }
0xc: {  	s24 =	sshrl.u32 s9, $0x1;
	s25 =	sadd.s32 s4, s10;
	[dreg:$0x5] =	wrdreg s30  }
0xd: {  	s0 =	ssub.s32 s9, s24;
	s10 =	sadd.s32 s5, s10;
	[dreg:$0x2] =	wrdreg s25  }
0xe: {  	s31 =	sadd.s32 s26, s6;
	[dreg:$0x3] =	wrdreg s10;
	s0 =	smax.u32 s0, $0x1  }
0xf: {  	s26 =	simm.s32 $0x6;
	[dreg:$0x4] =	wrdreg s0;
	s0 =	sadd.s32 s2, s31  }
0x10: {  	s24 =	simm.s32 $0x4;
	s25 =	simm.s32 $0x5;
	[dreg:$0x6] =	wrdreg s0  }
.LBB2_1:
0x11: {  	s0 =	rddreg [dreg:$0x2];
	s11 =	sadd.s32 $0x0, s7  }
0x12: {  	[tilespmem:s1], [sflag:$0x1] =	stream.linear.gather [hbm4b:s0+s1], $0x80, $0x38;
	[tilespmem:$0x10200] =	vst v63  }
0x13: {  	s2 =	sadd.s32 $0x20, s11  }
0x14: {  	s10 =	rddreg [dreg:$0x3];
	p0 =	slt.s32 s2, $0x4E1  }
0x15: {  	[tilespmem:s14], [sflag:$0x1] =	stream.linear.gather [hbm4b:s10+s1], $0x80, $0x38;
	[tilespmem:$0x10200] =	vst v63  }
0x16: {  	s2 =	simm.s32 @!p0 $0x4E1  }
0x17: {  	s9 =	sshll.u32 s2, $0x4  }
0x18: {  	s10 =	sadd.s32 s4, s9  }
0x19: {  	[tilespmem:s15], [sflag:$0x2] =	stream.linear.gather [hbm4b:s10+s1], $0x80, $0x38;
	[tilespmem:$0x10200] =	vst v63  }
0x1a: {  	s9 =	sadd.s32 s5, s9  }
0x1b: {  	[tilespmem:s16], [sflag:$0x2] =	stream.linear.gather [hbm4b:s9+s1], $0x80, $0x38;
	[tilespmem:$0x10200] =	vst v63  }
0x1c: {  	_ =	swait.ge [sflag:s17], $0x80  }
0x1d: {  	[sflag:s17] =	ssyncset.done $0x0  }
0x1e: {  	[sflag:s17] =	ssyncadd.s32 $0xFFFFFF80  }
0x1f: {  	_ =	swait.ge [sflag:s17], $0x80  }
0x20: {  	p0 =	por $0x1, $0x1;
	[sflag:s17] =	ssyncset.done $0x0  }
0x21: {  	s9 =	simm.s32 @!p0 $0x5;
	[sflag:s17] =	ssyncadd.s32 $0xFFFFFF80  }
0x22: {  	_ =	swait.ge @!p0 [sflag:s9], $0x4000  }
0x23: {  	[sflag:s9] =	ssyncset.done @!p0 $0x0  }
0x24: {  	[sflag:s9] =	ssyncadd.s32 @!p0 $0xFFFFC000  }
0x25: {  	_ =	swait.ge @!p0 [sflag:s9], $0x4000  }
0x26: {  	[sflag:s9] =	ssyncset.done @!p0 $0x0  }
0x27: {  	[sflag:s9] =	ssyncadd.s32 @!p0 $0xFFFFC000  }
0x28: {  	[tilespmem:s18], [sflag:$0x3] =	stream.indirect.gather [hbm4b:s3+s14], $0x80, s1, s14, $0xb8;
	[tilespmem:$0x10200] =	vst v63  }
0x29: {  	_ = 	snop  }
0x2a: {  	[tilespmem:s19], [sflag:$0x3] =	stream.indirect.gather [hbm4b:s3+s14], $0x80, s14, s14, $0xb8;
	[tilespmem:$0x10200] =	vst v63  }
0x2b: {  	_ =	swait.ge [sflag:s20], $0x4000  }
0x2c: {  	[sflag:s20] =	ssyncset.done $0x0  }
0x2d: {  	[sflag:s20] =	ssyncadd.s32 $0xFFFFC000  }
0x2e: {  	s0 =	sadd.s32 $0x40, s11;
	_ =	swait.ge [sflag:s20], $0x4000  }
0x2f: {  	p1 =	slt.s32 s0, $0x4E1;
	[sflag:s20] =	ssyncset.done $0x0  }
0x30: {  	s0 =	simm.s32 @!p1 $0x4E1;
	s11 =	rddreg [dreg:$0x6];
	[sflag:s20] =	ssyncadd.s32 $0xFFFFC000  }
0x31: {  	[hbm4b:s11+s1] =	stream.linear.scatter [tilespmem:s18], [sflag:$0x5], $0x4000, $0x38;
	[tilespmem:$0x10200] =	vst v63  }
0x32: {  	s0 =	sshll.u32 s0, $0x4;
	s10 =	rddreg [dreg:$0x5]  }
0x33: {  	[hbm4b:s10+s1] =	stream.linear.scatter [tilespmem:s19], [sflag:$0x5], $0x4000, $0x38;
	[tilespmem:$0x10200] =	vst v63  }
0x34: {  	s12 =	sadd.s32 s4, s0  }
0x35: {  	[tilespmem:s1], [sflag:$0x1] =	stream.linear.gather [hbm4b:s12+s1], $0x80, $0x38;
	[tilespmem:$0x10200] =	vst v63  }
0x36: {  	s0 =	sadd.s32 s5, s0  }
0x37: {  	[tilespmem:s14], [sflag:$0x1] =	stream.linear.gather [hbm4b:s0+s1], $0x80, $0x38;
	[tilespmem:$0x10200] =	vst v63  }
0x38: {  	_ =	swait.ge [sflag:s21], $0x80  }
0x39: {  	[sflag:s21] =	ssyncset.done $0x0  }
0x3a: {  	[sflag:s21] =	ssyncadd.s32 $0xFFFFFF80  }
0x3b: {  	_ =	swait.ge [sflag:s21], $0x80  }
0x3c: {  	[sflag:s21] =	ssyncset.done $0x0  }
0x3d: {  	s0 =	simm.s32 @!p0 $0x6;
	[sflag:s21] =	ssyncadd.s32 $0xFFFFFF80  }
0x3e: {  	_ =	swait.ge @!p0 [sflag:s0], $0x4000  }
0x3f: {  	[sflag:s0] =	ssyncset.done @!p0 $0x0  }
0x40: {  	[sflag:s0] =	ssyncadd.s32 @!p0 $0xFFFFC000  }
0x41: {  	_ =	swait.ge @!p0 [sflag:s0], $0x4000  }
0x42: {  	[sflag:s0] =	ssyncset.done @!p0 $0x0  }
0x43: {  	[sflag:s0] =	ssyncadd.s32 @!p0 $0xFFFFC000  }
0x44: {  	[tilespmem:s22], [sflag:$0x4] =	stream.indirect.gather [hbm4b:s3+s14], $0x80, s15, s14, $0xb8;
	[tilespmem:$0x10200] =	vst v63  }
0x45: {  	s31 =	simm.s32 $0x40;
	s13 =	sadd.s32 $0x40, s7  }
0x46: {  	[tilespmem:s23], [sflag:$0x4] =	stream.indirect.gather [hbm4b:s3+s14], $0x80, s16, s14, $0xb8;
	[tilespmem:$0x10200] =	vst v63  }
0x47: {  	s9 =	sadd.s32 $0x40, s13;
	s29 =	sadd.s32 $0x20000, s11;
	_ =	swait.ge [sflag:s24], $0x4000  }
0x48: {  	s30 =	sadd.s32 $0x20000, s10;
	s10 =	sadd.s32 $0x20, s13;
	[sflag:s24] =	ssyncset.done $0x0  }
0x49: {  	p2 =	slt.s32 s10, $0x4E1;
	s0 =	sshll.u32 s2, $0xB;
	[sflag:s24] =	ssyncadd.s32 $0xFFFFC000  }
0x4a: {  	s2 =	simm.s32 $0x80;
	p0 =	slt.s32 s9, $0x4E1;
	_ =	swait.ge [sflag:s24], $0x4000  }
.LBB2_2:
0x4b: {  	s10 =	simm.s32 @!p2 $0x4E1  }
0x4c: {  	[sflag:s24] =	ssyncset.done $0x0;
	s11 =	sadd.s32 s6, s0;
	s12 =	smov.u32 s2  }
0x4d: {  	s13 =	sshll.u32 s10, $0x4;
	s10 =	sshll.u32 s10, $0xB;
	[sflag:s24] =	ssyncadd.s32 $0xFFFFC000  }
0x4e: {  	[hbm4b:s11+s1] =	stream.linear.scatter [tilespmem:s22], [sflag:$0x6], $0x4000, $0x38;
	[tilespmem:$0x10200] =	vst v63  }
0x4f: {  	s2 =	sadd.s32 $0x40, s2;
	s11 =	sadd.s32 s8, s0;
	s0 =	smov.u32 s10  }
0x50: {  	[hbm4b:s11+s1] =	stream.linear.scatter [tilespmem:s23], [sflag:$0x6], $0x4000, $0x38;
	[tilespmem:$0x10200] =	vst v63  }
0x51: {  	p1 =	sne.s32 s2, $0x500;
	s10 =	sadd.s32 s4, s13  }
0x52: {  	[tilespmem:s15], [sflag:$0x2] =	stream.linear.gather [hbm4b:s10+s1], $0x80, $0x38;
	[tilespmem:$0x10200] =	vst v63  }
0x53: {  	s10 =	sadd.s32 s5, s13  }
0x54: {  	[tilespmem:s16], [sflag:$0x2] =	stream.linear.gather [hbm4b:s10+s1], $0x80, $0x38;
	[tilespmem:$0x10200] =	vst v63  }
0x55: {  	_ =	swait.ge [sflag:s17], $0x80  }
0x56: {  	[sflag:s17] =	ssyncset.done $0x0  }
0x57: {  	[sflag:s17] =	ssyncadd.s32 $0xFFFFFF80  }
0x58: {  	_ =	swait.ge [sflag:s17], $0x80  }
0x59: {  	p2 =	seq.s32 s31, $0x0;
	s31 =	smov.u32 s12;
	[sflag:s17] =	ssyncset.done $0x0  }
0x5a: {  	s10 =	simm.s32 @!p2 $0x5;
	[sflag:s17] =	ssyncadd.s32 $0xFFFFFF80  }
0x5b: {  	_ =	swait.ge @!p2 [sflag:s10], $0x4000  }
0x5c: {  	[sflag:s10] =	ssyncset.done @!p2 $0x0  }
0x5d: {  	[sflag:s10] =	ssyncadd.s32 @!p2 $0xFFFFC000  }
0x5e: {  	_ =	swait.ge @!p2 [sflag:s10], $0x4000  }
0x5f: {  	[sflag:s10] =	ssyncset.done @!p2 $0x0  }
0x60: {  	[sflag:s10] =	ssyncadd.s32 @!p2 $0xFFFFC000  }
0x61: {  	[tilespmem:s18], [sflag:$0x3] =	stream.indirect.gather [hbm4b:s3+s14], $0x80, s1, s14, $0xb8;
	[tilespmem:$0x10200] =	vst v63  }
0x62: {  	_ = 	snop  }
0x63: {  	[tilespmem:s19], [sflag:$0x3] =	stream.indirect.gather [hbm4b:s3+s14], $0x80, s14, s14, $0xb8;
	[tilespmem:$0x10200] =	vst v63  }
0x64: {  	_ =	swait.ge [sflag:s20], $0x4000  }
0x65: {  	[sflag:s20] =	ssyncset.done $0x0  }
0x66: {  	[sflag:s20] =	ssyncadd.s32 $0xFFFFC000  }
0x67: {  	_ =	swait.ge [sflag:s20], $0x4000  }
0x68: {  	[sflag:s20] =	ssyncset.done $0x0  }
0x69: {  	[sflag:s20] =	ssyncadd.s32 $0xFFFFC000  }
0x6a: {  	[hbm4b:s29+s1] =	stream.linear.scatter [tilespmem:s18], [sflag:$0x5], $0x4000, $0x38;
	[tilespmem:$0x10200] =	vst v63  }
0x6b: {  	s9 =	simm.s32 @!p0 $0x4E1  }
0x6c: {  	[hbm4b:s30+s1] =	stream.linear.scatter [tilespmem:s19], [sflag:$0x5], $0x4000, $0x38;
	[tilespmem:$0x10200] =	vst v63  }
0x6d: {  	s9 =	sshll.u32 s9, $0x4  }
0x6e: {  	s10 =	sadd.s32 s4, s9  }
0x6f: {  	[tilespmem:s1], [sflag:$0x1] =	stream.linear.gather [hbm4b:s10+s1], $0x80, $0x38;
	[tilespmem:$0x10200] =	vst v63  }
0x70: {  	s9 =	sadd.s32 s5, s9  }
0x71: {  	[tilespmem:s14], [sflag:$0x1] =	stream.linear.gather [hbm4b:s9+s1], $0x80, $0x38;
	[tilespmem:$0x10200] =	vst v63  }
0x72: {  	_ =	swait.ge [sflag:s21], $0x80  }
0x73: {  	[sflag:s21] =	ssyncset.done $0x0  }
0x74: {  	[sflag:s21] =	ssyncadd.s32 $0xFFFFFF80  }
0x75: {  	_ =	swait.ge [sflag:s21], $0x80  }
0x76: {  	[sflag:s21] =	ssyncset.done $0x0  }
0x77: {  	s9 =	simm.s32 @!p2 $0x6;
	[sflag:s21] =	ssyncadd.s32 $0xFFFFFF80  }
0x78: {  	_ =	swait.ge @!p2 [sflag:s9], $0x4000  }
0x79: {  	[sflag:s9] =	ssyncset.done @!p2 $0x0  }
0x7a: {  	[sflag:s9] =	ssyncadd.s32 @!p2 $0xFFFFC000  }
0x7b: {  	_ =	swait.ge @!p2 [sflag:s9], $0x4000  }
0x7c: {  	[sflag:s9] =	ssyncset.done @!p2 $0x0  }
0x7d: {  	[sflag:s9] =	ssyncadd.s32 @!p2 $0xFFFFC000  }
0x7e: {  	[tilespmem:s22], [sflag:$0x4] =	stream.indirect.gather [hbm4b:s3+s14], $0x80, s15, s14, $0xb8;
	[tilespmem:$0x10200] =	vst v63  }
0x7f: {  	_ = 	snop  }
0x80: {  	[tilespmem:s23], [sflag:$0x4] =	stream.indirect.gather [hbm4b:s3+s14], $0x80, s16, s14, $0xb8;
	[tilespmem:$0x10200] =	vst v63  }
.Ltmp0:
0x81: {  	_ = 	snop;
	(pc) =	sbr.rel @p1 .LBB2_2-.Ltmp0, $4  }
0x82: {  	s29 =	sadd.s32 $0x20000, s29;
	_ =	swait.ge [sflag:s24], $0x4000  }
0x83: {  	s30 =	sadd.s32 $0x20000, s30;
	s9 =	sadd.s32 s31, s7;
	[sflag:s24] =	ssyncset.done $0x0  }
0x84: {  	s10 =	sadd.s32 $0x20, s9;
	s9 =	sadd.s32 $0x40, s9;
	[sflag:s24] =	ssyncadd.s32 $0xFFFFC000  }
0x85: {  	p2 =	slt.s32 s10, $0x4E1;
	p0 =	slt.s32 s9, $0x4E1;
	_ =	swait.ge [sflag:s24], $0x4000  }
0x86: {  	[sflag:s24] =	ssyncset.done $0x0  }
0x87: {  	s10 =	simm.s32 @!p2 $0x4E1;
	s2 =	sadd.s32 s6, s0;
	[sflag:s24] =	ssyncadd.s32 $0xFFFFC000  }
0x88: {  	[hbm4b:s2+s1] =	stream.linear.scatter [tilespmem:s22], [sflag:$0x6], $0x4000, $0x38;
	[tilespmem:$0x10200] =	vst v63  }
0x89: {  	s12 =	sadd.s32 s8, s0;
	s11 =	sshll.u32 s10, $0x4  }
0x8a: {  	[hbm4b:s12+s1] =	stream.linear.scatter [tilespmem:s23], [sflag:$0x6], $0x4000, $0x38;
	[tilespmem:$0x10200] =	vst v63  }
0x8b: {  	s13 =	sadd.s32 s4, s11  }
0x8c: {  	[tilespmem:s15], [sflag:$0x2] =	stream.linear.gather [hbm4b:s13+s1], $0x80, $0x38;
	[tilespmem:$0x10200] =	vst v63  }
0x8d: {  	s11 =	sadd.s32 s5, s11  }
0x8e: {  	[tilespmem:s16], [sflag:$0x2] =	stream.linear.gather [hbm4b:s11+s1], $0x80, $0x38;
	[tilespmem:$0x10200] =	vst v63  }
0x8f: {  	_ =	swait.ge [sflag:s17], $0x80  }
0x90: {  	[sflag:s17] =	ssyncset.done $0x0  }
0x91: {  	[sflag:s17] =	ssyncadd.s32 $0xFFFFFF80  }
0x92: {  	_ =	swait.ge [sflag:s17], $0x80  }
0x93: {  	p1 =	seq.s32 s31, $0x0;
	[sflag:s17] =	ssyncset.done $0x0  }
0x94: {  	s0 =	simm.s32 @!p1 $0x5;
	[sflag:s17] =	ssyncadd.s32 $0xFFFFFF80  }
0x95: {  	_ =	swait.ge @!p1 [sflag:s0], $0x4000  }
0x96: {  	[sflag:s0] =	ssyncset.done @!p1 $0x0  }
0x97: {  	[sflag:s0] =	ssyncadd.s32 @!p1 $0xFFFFC000  }
0x98: {  	_ =	swait.ge @!p1 [sflag:s0], $0x4000  }
0x99: {  	[sflag:s0] =	ssyncset.done @!p1 $0x0  }
0x9a: {  	[sflag:s0] =	ssyncadd.s32 @!p1 $0xFFFFC000  }
0x9b: {  	[tilespmem:s18], [sflag:$0x3] =	stream.indirect.gather [hbm4b:s3+s14], $0x80, s1, s14, $0xb8;
	[tilespmem:$0x10200] =	vst v63  }
0x9c: {  	_ = 	snop  }
0x9d: {  	[tilespmem:s19], [sflag:$0x3] =	stream.indirect.gather [hbm4b:s3+s14], $0x80, s14, s14, $0xb8;
	[tilespmem:$0x10200] =	vst v63  }
0x9e: {  	_ =	swait.ge [sflag:s20], $0x4000  }
0x9f: {  	[sflag:s20] =	ssyncset.done $0x0  }
0xa0: {  	[sflag:s20] =	ssyncadd.s32 $0xFFFFC000  }
0xa1: {  	_ =	swait.ge [sflag:s20], $0x4000  }
0xa2: {  	[sflag:s20] =	ssyncset.done $0x0  }
0xa3: {  	s9 =	simm.s32 @!p0 $0x4E1;
	[sflag:s20] =	ssyncadd.s32 $0xFFFFC000  }
0xa4: {  	[hbm4b:s29+s1] =	stream.linear.scatter [tilespmem:s18], [sflag:$0x5], $0x4000, $0x38;
	[tilespmem:$0x10200] =	vst v63  }
0xa5: {  	s12 =	sshll.u32 s9, $0x4  }
0xa6: {  	[hbm4b:s30+s1] =	stream.linear.scatter [tilespmem:s19], [sflag:$0x5], $0x4000, $0x38;
	[tilespmem:$0x10200] =	vst v63  }
0xa7: {  	s13 =	sadd.s32 s4, s12  }
0xa8: {  	[tilespmem:s1], [sflag:$0x1] =	stream.linear.gather [hbm4b:s13+s1], $0x80, $0x38;
	[tilespmem:$0x10200] =	vst v63  }
0xa9: {  	s0 =	sadd.s32 s5, s12  }
0xaa: {  	[tilespmem:s14], [sflag:$0x1] =	stream.linear.gather [hbm4b:s0+s1], $0x80, $0x38;
	[tilespmem:$0x10200] =	vst v63  }
0xab: {  	_ =	swait.ge [sflag:s21], $0x80  }
0xac: {  	[sflag:s21] =	ssyncset.done $0x0  }
0xad: {  	[sflag:s21] =	ssyncadd.s32 $0xFFFFFF80  }
0xae: {  	_ =	swait.ge [sflag:s21], $0x80  }
0xaf: {  	[sflag:s21] =	ssyncset.done $0x0  }
0xb0: {  	s0 =	simm.s32 @!p1 $0x6;
	[sflag:s21] =	ssyncadd.s32 $0xFFFFFF80  }
0xb1: {  	_ =	swait.ge @!p1 [sflag:s0], $0x4000  }
0xb2: {  	[sflag:s0] =	ssyncset.done @!p1 $0x0  }
0xb3: {  	[sflag:s0] =	ssyncadd.s32 @!p1 $0xFFFFC000  }
0xb4: {  	_ =	swait.ge @!p1 [sflag:s0], $0x4000  }
0xb5: {  	[sflag:s0] =	ssyncset.done @!p1 $0x0  }
0xb6: {  	[sflag:s0] =	ssyncadd.s32 @!p1 $0xFFFFC000  }
0xb7: {  	[tilespmem:s22], [sflag:$0x4] =	stream.indirect.gather [hbm4b:s3+s14], $0x80, s15, s14, $0xb8;
	[tilespmem:$0x10200] =	vst v63  }
0xb8: {  	_ = 	snop  }
0xb9: {  	[tilespmem:s23], [sflag:$0x4] =	stream.indirect.gather [hbm4b:s3+s14], $0x80, s16, s14, $0xb8;
	[tilespmem:$0x10200] =	vst v63  }
0xba: {  	_ =	swait.ge [sflag:s24], $0x4000  }
0xbb: {  	[sflag:s24] =	ssyncset.done $0x0  }
0xbc: {  	[sflag:s24] =	ssyncadd.s32 $0xFFFFC000  }
0xbd: {  	_ =	swait.ge [sflag:s24], $0x4000  }
0xbe: {  	s29 =	sshll.u32 s10, $0xB;
	[sflag:s24] =	ssyncset.done $0x0  }
0xbf: {  	s30 =	sadd.s32 s6, s29;
	[sflag:s24] =	ssyncadd.s32 $0xFFFFC000  }
0xc0: {  	[hbm4b:s30+s1] =	stream.linear.scatter [tilespmem:s22], [sflag:$0x6], $0x4000, $0x38;
	[tilespmem:$0x10200] =	vst v63  }
0xc1: {  	s0 =	sadd.s32 s8, s29  }
0xc2: {  	[hbm4b:s0+s1] =	stream.linear.scatter [tilespmem:s23], [sflag:$0x6], $0x4000, $0x38;
	[tilespmem:$0x10200] =	vst v63  }
0xc3: {  	_ =	swait.ge [sflag:s17], $0x80  }
0xc4: {  	[sflag:s17] =	ssyncset.done $0x0  }
0xc5: {  	[sflag:s17] =	ssyncadd.s32 $0xFFFFFF80  }
0xc6: {  	_ =	swait.ge [sflag:s17], $0x80  }
0xc7: {  	[sflag:s17] =	ssyncset.done $0x0  }
0xc8: {  	[sflag:s17] =	ssyncadd.s32 $0xFFFFFF80  }
0xc9: {  	_ =	swait.ge [sflag:s25], $0x4000  }
0xca: {  	[sflag:s25] =	ssyncset.done $0x0  }
0xcb: {  	[sflag:s25] =	ssyncadd.s32 $0xFFFFC000  }
0xcc: {  	_ =	swait.ge [sflag:s25], $0x4000  }
0xcd: {  	[sflag:s25] =	ssyncset.done $0x0  }
0xce: {  	[sflag:s25] =	ssyncadd.s32 $0xFFFFC000  }
0xcf: {  	_ =	swait.ge [sflag:s26], $0x4000  }
0xd0: {  	[sflag:s26] =	ssyncset.done $0x0  }
0xd1: {  	[sflag:s26] =	ssyncadd.s32 $0xFFFFC000  }
0xd2: {  	_ =	swait.ge [sflag:s26], $0x4000  }
0xd3: {  	s28 =	sadd.s32 $0x1, s28;
	s31 =	rddreg [dreg:$0x4]  }
0xd4: {  	p0 =	sne.s32 s28, s31  }
.Ltmp1:
0xd5: {  	_ = 	snop;
	(pc) =	sbr.rel @p0 .LBB2_1-.Ltmp1, $3  }
0xd6: {  	_ =	sdelay $0x1  }
0xd7: {  	[sflag:s26] =	ssyncset.done $0x0  }
0xd8: {  	[sflag:s26] =	ssyncadd.s32 $0xFFFFC000  }
0xd9: {  	_ =	sfence.sel $0x180000  }
0xda: {  	[bflag:$0x0] =	sbarrier.arrive $0xFFFF  }
0xdb: {  	_ =	strace $0x90000047  }
0xdc: {  	s0 =	stileid.u32;
	[bflag:$0x2] =	sbarrier.arrive $0xFFFF  }
0xdd: {  	p0 =	sne.s32 s0, $0x0;
	s0 =	rddreg [dreg:$0x1]  }
0xde: {  	s0 =	sadd.s32 @!p0 $0x100000, s0  }
0xdf: {  	[sflag:s0] =	ssyncadd.tile.s32 @!p0 $0x1;
	_ =	shalt  }
.Lfunc_end2:
_tile_overlayer_lowered:
.L_overlay_start_2:
0xe0: {  	(tag) =	ssettag $0x2  }
0xe1: {  	s0 =	rddreg [dreg:$0x0];
	s2 =	stileid.u32  }
0xe2: {  	s1 =	rddreg [dreg:$0x1];
	p0 =	sne.s32 s2, $0x0  }
0xe3: {  	s3 =	rddreg [dreg:$0x2];
	[bflag:$0x3] =	sbarrier.arrive $0xFFFF;
	s2 =	simm.s32 @!p0 $0x1C07  }
0xe4: {  	[timem:s3], [sflag:s2] =	dma.local @!p0 [hbm:s0], s1  }
0xe5: {  	s0 =	simm.s32 @!p0 $0x7  }
0xe6: {  	_ =	swait.ge @!p0 [sflag:s0], s1  }
0xe7: {  	s1 =	ssub.s32 @!p0 $0x0, s1;
	[sflag:s0] =	ssyncset.done @!p0 $0x0  }
0xe8: {  	[sflag:s0] =	ssyncadd.s32 @!p0 s1  }
0xe9: {  	[bflag:$0x3] =	sbarrier.arrive $0xFFFF  }
0xea: {  	_ =	shalt  }

// kernel: kernel.27.cloned.1.call-start
scs
__scs_entry_jumppad:
0x0: {  	(pc) =	sbr.rel $0x88, $3  }
0x1: {  	(tag) =	ssettag $0x0;
	lr =	simm.s32 $0x1  }
0x2: {  	[smem:$0x3F65] =	sst lr;
	_ =	strace $0xD0000000  }
0x3: {  	_ = 	snop  }
0x4: {  	_ = 	snop  }
0x5: {  	_ = 	snop  }
0x6: {  	_ = 	snop  }
0x7: {  	_ = 	snop  }
__scs_overlays_trampoline_lowered:
0x8: {  	[smem:$0x3F74] =	sst s0  }
0x9: {  	[smem:$0x3F75] =	sst s1  }
0xa: {  	[smem:$0x3F76] =	sst s2  }
0xb: {  	[smem:$0x3F77] =	sst s3  }
0xc: {  	[smem:$0x3F78] =	sst s4  }
0xd: {  	[smem:$0x3F79] =	sst s5  }
0xe: {  	[smem:$0x3F7A] =	sst s6  }
0xf: {  	[smem:$0x3F7B] =	sst s7  }
0x10: {  	[smem:$0x3F7C] =	sst s8  }
0x11: {  	[smem:$0x3F7D] =	sst s9;
	s0 =	simm.s32 @!p0 $0x0  }
0x12: {  	s1 =	sld [smem:$0x3F63];
	s0 =	simm.s32 @p0 $0x1  }
0x13: {  	[smem:$0x3F7E] =	sst s0;
	s0 =	simm.s32 @!p1 $0x0  }
0x14: {  	s2 =	sld [smem:$0x3F62];
	s0 =	simm.s32 @p1 $0x1  }
0x15: {  	[smem:$0x3F7F] =	sst s0;
	s0 =	simm.s32 @!p2 $0x0  }
0x16: {  	s3 =	sld [smem:$0x3FDB];
	s0 =	simm.s32 @p2 $0x1  }
0x17: {  	s4 =	simm.s32 $0x1BF5;
	[smem:$0x3F81] =	sst s0  }
0x18: {  	s0 =	sld [smem:$0x3F64];
	_ =	swait.ge [sflag:s4], $0x0  }
0x19: {  	s7 =	sld [smem:$0x3F65]  }
0x1a: {  	s8 =	sadd.s32 $0xFFFFE003, lr  }
0x1b: {  	s9 =	sadd.s32 $0xFFFFFEF7, lr;
	s5 =	simm.s32 $0xFFFFFFFF;
	p2 =	slt.u32 s8, $0xFFFFF086  }
0x1c: {  	p1 =	slt.u32 s9, $0xF7A;
	s5 =	simm.s32 @!p2 $0x0  }
0x1d: {  	s5 =	simm.s32 @p1 $0x1;
	p0 =	seq.s32 s7, s2  }
0x1e: {  	s7 =	smul.u32 @!p0 $0xF7A, s2;
	p2 =	seq.s32 @!p0 s5, $0x0  }
0x1f: {  	s9 =	smul.u32 $0xF7A, s1;
	s8 =	simm.s32 @!p0 $0x1BF5;
	p2 =	por !p2, p0  }
0x20: {  	[sflag:s8] =	ssyncset.s32 @!p0 $0xFFFFF086;
	s6 =	sadd.s32 @!p0 s3, s7;
	s7 =	simm.s32 @!p0 $0x108  }
0x21: {  	s3 =	sadd.s32 s3, s9;
	s6 =	sadd.s32 @!p0 $0x88, s6;
	s7 =	simm.s32 @p2 $0x1082  }
0x22: {  	[simem:s7], [sflag:s8] =	dma.local @!p0 [hbm:s6], $0xF7A  }
0x23: {  	s9 =	sor.u32 $0xD0000000, s2;
	s6 =	simm.s32 $0x108;
	_ =	swait.ge @!p0 [sflag:s8], $0x0  }
0x24: {  	s3 =	sadd.s32 $0x88, s3;
	s6 =	simm.s32 @!p1 $0x1082;
	[sflag:s4] =	ssyncset.s32 $0xFFFFF086  }
0x25: {  	[simem:s6], [sflag:s4] =	dma.local [hbm:s3], $0xF7A  }
0x26: {  	[smem:$0x3F65] =	sst s1;
	(tag) =	ssettag s2;
	_ =	strace s9  }
0x27: {  	s1 =	sld [smem:$0x3F75]  }
0x28: {  	s2 =	sld [smem:$0x3F76]  }
0x29: {  	s4 =	sld [smem:$0x3F78]  }
0x2a: {  	p0 =	seq.s32 s5, $0x0;
	s5 =	sld [smem:$0x3F79]  }
0x2b: {  	s6 =	sld [smem:$0x3F7A]  }
0x2c: {  	s7 =	sld [smem:$0x3F7B]  }
0x2d: {  	s3 =	simm.s32 $0x108;
	s8 =	sld [smem:$0x3F7C]  }
0x2e: {  	s3 =	simm.s32 @!p0 $0x1082;
	s9 =	sld [smem:$0x3F7D]  }
0x2f: {  	lr =	sadd.s32 s0, s3;
	s0 =	sld [smem:$0x3F74]  }
0x30: {  	s3 =	sld [smem:$0x3F77]  }
0x31: {  	[smem:$0x3F80] =	sst s10  }
0x32: {  	s10 =	sld [smem:$0x3F7E];
	_ =	sdelay $0x3  }
0x33: {  	p0 =	seq.s32 s10, $0x1;
	s10 =	sld [smem:$0x3F80];
	_ =	sdelay $0x3  }
0x34: {  	[smem:$0x3F80] =	sst s10  }
0x35: {  	s10 =	sld [smem:$0x3F7F];
	_ =	sdelay $0x3  }
0x36: {  	p1 =	seq.s32 s10, $0x1;
	s10 =	sld [smem:$0x3F80];
	_ =	sdelay $0x3  }
0x37: {  	[smem:$0x3F80] =	sst s10  }
0x38: {  	s10 =	sld [smem:$0x3F81]  }
0x39: {  	_ = 	snop;
	(pc) =	sbr.ind lr, $3  }
0x3a: {  	_ = 	snop  }
0x3b: {  	_ = 	snop  }
0x3c: {  	p2 =	seq.s32 s10, $0x1;
	s10 =	sld [smem:$0x3F80]  }
0x3d: {  	_ =	shalt  }
0x3e: {  	_ =	shalt  }
0x3f: {  	_ =	shalt  }
0x40: {  	_ =	shalt  }
0x41: {  	_ =	shalt  }
0x42: {  	_ =	shalt  }
0x43: {  	_ =	shalt  }
0x44: {  	_ =	shalt  }
0x45: {  	_ =	shalt  }
0x46: {  	_ =	shalt  }
0x47: {  	_ =	shalt  }
0x48: {  	_ =	shalt  }
0x49: {  	_ =	shalt  }
0x4a: {  	_ =	shalt  }
0x4b: {  	_ =	shalt  }
0x4c: {  	_ =	shalt  }
0x4d: {  	_ =	shalt  }
0x4e: {  	_ =	shalt  }
0x4f: {  	_ =	shalt  }
0x50: {  	_ =	shalt  }
0x51: {  	_ =	shalt  }
0x52: {  	_ =	shalt  }
0x53: {  	_ =	shalt  }
0x54: {  	_ =	shalt  }
0x55: {  	_ =	shalt  }
0x56: {  	_ =	shalt  }
0x57: {  	_ =	shalt  }
0x58: {  	_ =	shalt  }
0x59: {  	_ =	shalt  }
0x5a: {  	_ =	shalt  }
0x5b: {  	_ =	shalt  }
0x5c: {  	_ =	shalt  }
0x5d: {  	_ =	shalt  }
0x5e: {  	_ =	shalt  }
0x5f: {  	_ =	shalt  }
0x60: {  	_ =	shalt  }
0x61: {  	_ =	shalt  }
0x62: {  	_ =	shalt  }
0x63: {  	_ =	shalt  }
0x64: {  	_ =	shalt  }
0x65: {  	_ =	shalt  }
0x66: {  	_ =	shalt  }
0x67: {  	_ =	shalt  }
0x68: {  	_ =	shalt  }
0x69: {  	_ =	shalt  }
0x6a: {  	_ =	shalt  }
0x6b: {  	_ =	shalt  }
0x6c: {  	_ =	shalt  }
0x6d: {  	_ =	shalt  }
0x6e: {  	_ =	shalt  }
0x6f: {  	_ =	shalt  }
0x70: {  	_ =	shalt  }
0x71: {  	_ =	shalt  }
0x72: {  	_ =	shalt  }
0x73: {  	_ =	shalt  }
0x74: {  	_ =	shalt  }
0x75: {  	_ =	shalt  }
0x76: {  	_ =	shalt  }
0x77: {  	_ =	shalt  }
0x78: {  	_ =	shalt  }
0x79: {  	_ =	shalt  }
0x7a: {  	_ =	shalt  }
0x7b: {  	_ =	shalt  }
0x7c: {  	_ =	shalt  }
0x7d: {  	_ =	shalt  }
0x7e: {  	_ =	shalt  }
0x7f: {  	_ =	shalt  }
0x80: {  	_ =	shalt  }
0x81: {  	_ =	shalt  }
0x82: {  	_ =	shalt  }
0x83: {  	_ =	shalt  }
0x84: {  	_ =	shalt  }
0x85: {  	_ =	shalt  }
0x86: {  	_ =	shalt  }
0x87: {  	_ =	shalt  }
.Lfunc_end0:
.L_simem_size_0:
called_computation.1_lowered:
.L_overlay_start_0:
0x88: {  	s2 =	sld [smem:$0x3FD9]  }
0x89: {  	s3 =	sld [smem:$0x3FFE];
	_ =	sdelay $0x1  }
0x8a: {  	s1 =	srdreg.scid  }
0x8b: {  	s0 =	sand.u32 $0x1, s1  }
0x8c: {  	s17 =	sshll.u32 s0, $0xA;
	s2 =	sadd.s32 s3, s2  }
0x8d: {  	s2 =	sadd.s32 s2, s17  }
0x8e: {  	[smem:$0x3F8C] =	sst s2  }
0x8f: {  	_ = 	snop  }
0x90: {  	(tm) =	ssettm $0x1  }
0x91: {  	s18 =	sld [smem:$0x3FFB];
	_ =	sdelay $0x3  }
0x92: {  	_ =	strace s18  }
0x93: {  	s2 =	sld [smem:$0x3FFC];
	_ =	sdelay $0x3  }
0x94: {  	_ =	strace s2  }
0x95: {  	s2 =	sld [smem:$0x3FFD];
	_ =	sdelay $0x3  }
0x96: {  	_ =	strace s2  }
0x97: {  	_ =	strace $0x8FFFFFFF  }
0x98: {  	s19 =	sld [smem:$0x3FDB];
	_ =	sdelay $0x1  }
0x99: {  	s20 =	simm.s32 $_scs_section_size  }
0x9a: {  	s4 =	simm.s32 $_size__tile_overlayer_lowered;
	s5 =	simm.s32 $_tile_overlayer_lowered  }
0x9b: {  	s6 =	simm.s32 $0x1BFF;
	s21 =	sshll.u32 s5, $0x1;
	s3 =	sadd.s32 s20, s19  }
0x9c: {  	s22 =	simm.s32 $0x0;
	s4 =	sshll.u32 s4, $0x1;
	s5 =	sadd.s32 s21, s3  }
0x9d: {  	[timem:s22], [sflag:s6] =	dma.local [hbm:s5], s4  }
0x9e: {  	_ =	swait.ge [sflag:s6], s4  }
0x9f: {  	s4 =	ssub.s32 $0x0, s4;
	[sflag:s6] =	ssyncset.done $0x0  }
0xa0: {  	[sflag:s6] =	ssyncadd.s32 s4;
	_ =	sdelay $0x1  }
0xa1: {  	s23 =	simm.s32 $0x1B8B  }
0xa2: {  	_ =	swait.ge [sflag:s23], $0x1  }
0xa3: {  	[sflag:s23] =	ssyncset.done $0x0  }
0xa4: {  	[sflag:s23] =	ssyncadd.s32 $0xFFFFFFFF  }
0xa5: {  	s4 =	sld [smem:$0x0]  }
0xa6: {  	s5 =	sand.u32 $0xFFFFFFFE, s1  }
0xa7: {  	p0 =	sne.s32 s1, s5  }
0xa8: {  	s5 =	sshll.u32 @p0 s5, $0xE  }
0xa9: {  	s5 =	sadd.s32 @p0 $0x11B8D, s5;
	s6 =	sshll.u32 @p0 s4, $0x11  }
0xaa: {  	s5 =	sor.u32 @p0 s6, s5  }
0xab: {  	[sflag:s5] =	ssyncadd.remote.s32 @p0 $0x1;
	_ =	sdelay $0x1  }
0xac: {  	s5 =	simm.s32 @p0 $0x1B8D  }
0xad: {  	_ =	swait.eq @p0 [sflag:s5], $0x1  }
0xae: {  	[sflag:s5] =	ssyncadd.s32 @p0 $0xFFFFFFFF  }
0xaf: {  	s6 =	sshll.u32 @!p0 s1, $0xE  }
0xb0: {  	s6 =	sor.u32 @!p0 $0x4000, s6;
	s5 =	simm.s32 @!p0 $0x1B8D  }
0xb1: {  	s4 =	sshll.u32 @!p0 s4, $0x11;
	s6 =	sadd.s32 @!p0 $0x11B8D, s6;
	_ =	swait.eq @!p0 [sflag:s5], $0x1  }
0xb2: {  	s4 =	sor.u32 @!p0 s4, s6;
	[sflag:s5] =	ssyncadd.s32 @!p0 $0xFFFFFFFF  }
0xb3: {  	s25 =	simm.s32 $0x1B8E;
	s24 =	sld [smem:$0x3FFE];
	[sflag:s4] =	ssyncadd.remote.s32 @!p0 $0x1  }
0xb4: {  	s26 =	simm.s32 $execute0_lowered;
	[smem:$0x3FD2] =	sst s25  }
0xb5: {  	s5 =	sshll.u32 s26, $0x1;
	_ =	strace $0x80000049;
	[dreg:$0x1] =	wrdreg $0xFFFFFFFF  }
0xb6: {  	s28 =	simm.s32 $_size_execute0_lowered;
	s3 =	sadd.s32 s3, s5;
	[dreg:$0x0] =	wrdreg $0x0  }
0xb7: {  	s5 =	sshll.u32 s28, $0x1;
	[dreg:$0x2] =	wrdreg s3  }
0xb8: {  	[dreg:$0x3] =	wrdreg s5  }
0xb9: {  	[dreg:$0x4] =	wrdreg $0xC0  }
0xba: {  	_ =	task [dreg:s22], $0x5FFFF  }
0xbb: {  	[dreg:$0x1] =	wrdreg $0xFFFFFFFF  }
0xbc: {  	[dreg:$0x0] =	wrdreg $0x60  }
0xbd: {  	[dreg:$0x2] =	wrdreg s24  }
0xbe: {  	[dreg:$0x3] =	wrdreg $0xA  }
0xbf: {  	_ =	task.clear_ibuf [dreg:s22], $0x4FFFF;
	_ =	strace $0x90000049  }
0xc0: {  	s29 =	simm.s32 $0xA;
	_ =	strace $0x8000004B  }
0xc1: {  	_ =	swait.ge [sflag:s29], $0x1  }
0xc2: {  	[sflag:s29] =	ssyncadd.s32 $0xFFFFFFFF  }
0xc3: {  	_ =	strace $0x9000004B  }
0xc4: {  	_ =	sfence  }
0xc5: {  	s30 =	sld [smem:$0x0];
	_ =	sdelay $0x2  }
0xc6: {  	s31 =	sshll.u32 s1, $0xD;
	s1 =	sshrl.u32 s1, $0x2  }
0xc7: {  	s4 =	sand.u32 $0x4000, s31;
	s1 =	sadd.s32 s1, s30  }
0xc8: {  	s0 =	sor.u32 s4, s0;
	s1 =	sshll.u32 s1, $0x11  }
0xc9: {  	s0 =	sor.u32 s1, s0  }
0xca: {  	s0 =	sadd.s32 $0x8F2B, s0  }
0xcb: {  	[sflag:s0] =	ssyncadd.remote.s32 $0x1  }
0xcc: {  	_ =	sfence.sel $0xFFFF  }
0xcd: {  	[dreg:$0x0] =	wrdreg $0xFFFFFFFF;
	(pc) =	sbr.abs _section_cstart, $3  }
0xce: {  	[dreg:$0x1] =	wrdreg $0xFFFFFFFF  }
0xcf: {  	_ =	task.clear_ibuf [dreg:s22], $0x2FFFF;
	_ =	strace $0x9FFFFFFF  }
0xd0: {  	(tm) =	ssettm $0x7FFFFFFF  }
0xd1: {  	_ =	shalt  }
tec
execute0_lowered:
.L_overlay_start_1:
0x0: {  	(tag) =	ssettag $0x1  }
0x1: {  	s0 =	rddreg [dreg:$0x0]  }
0x2: {  	s1 =	simm.s32 $0x0;
	s2 =	srdreg.scid;
	s11 =	stileid.u32  }
0x3: {  	s14 =	simm.s32 $0x80;
	s15 =	simm.s32 $0x100;
	s16 =	simm.s32 $0x180  }
0x4: {  	s17 =	simm.s32 $0x1;
	s18 =	simm.s32 $0x200;
	s19 =	simm.s32 $0x4200  }
0x5: {  	s20 =	simm.s32 $0x3;
	s21 =	simm.s32 $0x2;
	s22 =	simm.s32 $0x8200  }
0x6: {  	s23 =	simm.s32 $0xC200;
	[smem:$0x7FF] =	sst s1;
	s3 =	sadd.s32 $0x15800, s0  }
0x7: {  	s28 =	simm.s32 $0x0;
	s4 =	sadd.s32 $0x51EA00, s0;
	s5 =	sadd.s32 $0x523A00, s0  }
0x8: {  	s2 =	sand.u32 $0x1, s2;
	s7 =	sshll.u32 s11, $0x1;
	s6 =	sadd.s32 $0x528A00, s0  }
0x9: {  	s8 =	sadd.s32 $0x799A00, s0;
	s26 =	sshll.u32 s11, $0xC;
	s9 =	ssub.s32 $0x2, s2  }
0xa: {  	s7 =	sor.u32 s2, s7;
	s29 =	sadd.s32 s26, s8;
	s2 =	sshll.u32 s2, $0xB  }
0xb: {  	_ =	strace $0x8000004A;
	s10 =	sshll.u32 s7, $0x4;
	s30 =	sadd.s32 s2, s29  }
0xc: {  	s24 =	sshrl.u32 s9, $0x1;
	s25 =	sadd.s32 s4, s10;
	[dreg:$0x5] =	wrdreg s30  }
0xd: {  	s0 =	ssub.s32 s9, s24;
	s10 =	sadd.s32 s5, s10;
	[dreg:$0x2] =	wrdreg s25  }
0xe: {  	s31 =	sadd.s32 s26, s6;
	[dreg:$0x3] =	wrdreg s10;
	s0 =	smax.u32 s0, $0x1  }
0xf: {  	s26 =	simm.s32 $0x6;
	[dreg:$0x4] =	wrdreg s0;
	s0 =	sadd.s32 s2, s31  }
0x10: {  	s24 =	simm.s32 $0x4;
	s25 =	simm.s32 $0x5;
	[dreg:$0x6] =	wrdreg s0  }
.LBB2_1:
0x11: {  	s0 =	rddreg [dreg:$0x2];
	s11 =	sadd.s32 $0x0, s7  }
0x12: {  	[tilespmem:s1], [sflag:$0x1] =	stream.linear.gather [hbm4b:s0+s1], $0x80, $0x38;
	[tilespmem:$0x10200] =	vst v63  }
0x13: {  	s2 =	sadd.s32 $0x20, s11  }
0x14: {  	s10 =	rddreg [dreg:$0x3];
	p0 =	slt.s32 s2, $0x4E1  }
0x15: {  	[tilespmem:s14], [sflag:$0x1] =	stream.linear.gather [hbm4b:s10+s1], $0x80, $0x38;
	[tilespmem:$0x10200] =	vst v63  }
0x16: {  	s2 =	simm.s32 @!p0 $0x4E1  }
0x17: {  	s9 =	sshll.u32 s2, $0x4  }
0x18: {  	s10 =	sadd.s32 s4, s9  }
0x19: {  	[tilespmem:s15], [sflag:$0x2] =	stream.linear.gather [hbm4b:s10+s1], $0x80, $0x38;
	[tilespmem:$0x10200] =	vst v63  }
0x1a: {  	s9 =	sadd.s32 s5, s9  }
0x1b: {  	[tilespmem:s16], [sflag:$0x2] =	stream.linear.gather [hbm4b:s9+s1], $0x80, $0x38;
	[tilespmem:$0x10200] =	vst v63  }
0x1c: {  	_ =	swait.ge [sflag:s17], $0x80  }
0x1d: {  	[sflag:s17] =	ssyncset.done $0x0  }
0x1e: {  	[sflag:s17] =	ssyncadd.s32 $0xFFFFFF80  }
0x1f: {  	_ =	swait.ge [sflag:s17], $0x80  }
0x20: {  	p0 =	por $0x1, $0x1;
	[sflag:s17] =	ssyncset.done $0x0  }
0x21: {  	s9 =	simm.s32 @!p0 $0x5;
	[sflag:s17] =	ssyncadd.s32 $0xFFFFFF80  }
0x22: {  	_ =	swait.ge @!p0 [sflag:s9], $0x4000  }
0x23: {  	[sflag:s9] =	ssyncset.done @!p0 $0x0  }
0x24: {  	[sflag:s9] =	ssyncadd.s32 @!p0 $0xFFFFC000  }
0x25: {  	_ =	swait.ge @!p0 [sflag:s9], $0x4000  }
0x26: {  	[sflag:s9] =	ssyncset.done @!p0 $0x0  }
0x27: {  	[sflag:s9] =	ssyncadd.s32 @!p0 $0xFFFFC000  }
0x28: {  	[tilespmem:s18], [sflag:$0x3] =	stream.indirect.gather [hbm4b:s3+s14], $0x80, s1, s14, $0xb8;
	[tilespmem:$0x10200] =	vst v63  }
0x29: {  	_ = 	snop  }
0x2a: {  	[tilespmem:s19], [sflag:$0x3] =	stream.indirect.gather [hbm4b:s3+s14], $0x80, s14, s14, $0xb8;
	[tilespmem:$0x10200] =	vst v63  }
0x2b: {  	_ =	swait.ge [sflag:s20], $0x4000  }
0x2c: {  	[sflag:s20] =	ssyncset.done $0x0  }
0x2d: {  	[sflag:s20] =	ssyncadd.s32 $0xFFFFC000  }
0x2e: {  	s0 =	sadd.s32 $0x40, s11;
	_ =	swait.ge [sflag:s20], $0x4000  }
0x2f: {  	p1 =	slt.s32 s0, $0x4E1;
	[sflag:s20] =	ssyncset.done $0x0  }
0x30: {  	s0 =	simm.s32 @!p1 $0x4E1;
	s11 =	rddreg [dreg:$0x6];
	[sflag:s20] =	ssyncadd.s32 $0xFFFFC000  }
0x31: {  	[hbm4b:s11+s1] =	stream.linear.scatter [tilespmem:s18], [sflag:$0x5], $0x4000, $0x38;
	[tilespmem:$0x10200] =	vst v63  }
0x32: {  	s0 =	sshll.u32 s0, $0x4;
	s10 =	rddreg [dreg:$0x5]  }
0x33: {  	[hbm4b:s10+s1] =	stream.linear.scatter [tilespmem:s19], [sflag:$0x5], $0x4000, $0x38;
	[tilespmem:$0x10200] =	vst v63  }
0x34: {  	s12 =	sadd.s32 s4, s0  }
0x35: {  	[tilespmem:s1], [sflag:$0x1] =	stream.linear.gather [hbm4b:s12+s1], $0x80, $0x38;
	[tilespmem:$0x10200] =	vst v63  }
0x36: {  	s0 =	sadd.s32 s5, s0  }
0x37: {  	[tilespmem:s14], [sflag:$0x1] =	stream.linear.gather [hbm4b:s0+s1], $0x80, $0x38;
	[tilespmem:$0x10200] =	vst v63  }
0x38: {  	_ =	swait.ge [sflag:s21], $0x80  }
0x39: {  	[sflag:s21] =	ssyncset.done $0x0  }
0x3a: {  	[sflag:s21] =	ssyncadd.s32 $0xFFFFFF80  }
0x3b: {  	_ =	swait.ge [sflag:s21], $0x80  }
0x3c: {  	[sflag:s21] =	ssyncset.done $0x0  }
0x3d: {  	s0 =	simm.s32 @!p0 $0x6;
	[sflag:s21] =	ssyncadd.s32 $0xFFFFFF80  }
0x3e: {  	_ =	swait.ge @!p0 [sflag:s0], $0x4000  }
0x3f: {  	[sflag:s0] =	ssyncset.done @!p0 $0x0  }
0x40: {  	[sflag:s0] =	ssyncadd.s32 @!p0 $0xFFFFC000  }
0x41: {  	_ =	swait.ge @!p0 [sflag:s0], $0x4000  }
0x42: {  	[sflag:s0] =	ssyncset.done @!p0 $0x0  }
0x43: {  	[sflag:s0] =	ssyncadd.s32 @!p0 $0xFFFFC000  }
0x44: {  	[tilespmem:s22], [sflag:$0x4] =	stream.indirect.gather [hbm4b:s3+s14], $0x80, s15, s14, $0xb8;
	[tilespmem:$0x10200] =	vst v63  }
0x45: {  	s31 =	simm.s32 $0x40;
	s13 =	sadd.s32 $0x40, s7  }
0x46: {  	[tilespmem:s23], [sflag:$0x4] =	stream.indirect.gather [hbm4b:s3+s14], $0x80, s16, s14, $0xb8;
	[tilespmem:$0x10200] =	vst v63  }
0x47: {  	s9 =	sadd.s32 $0x40, s13;
	s29 =	sadd.s32 $0x20000, s11;
	_ =	swait.ge [sflag:s24], $0x4000  }
0x48: {  	s30 =	sadd.s32 $0x20000, s10;
	s10 =	sadd.s32 $0x20, s13;
	[sflag:s24] =	ssyncset.done $0x0  }
0x49: {  	p2 =	slt.s32 s10, $0x4E1;
	s0 =	sshll.u32 s2, $0xB;
	[sflag:s24] =	ssyncadd.s32 $0xFFFFC000  }
0x4a: {  	s2 =	simm.s32 $0x80;
	p0 =	slt.s32 s9, $0x4E1;
	_ =	swait.ge [sflag:s24], $0x4000  }
.LBB2_2:
0x4b: {  	s10 =	simm.s32 @!p2 $0x4E1  }
0x4c: {  	[sflag:s24] =	ssyncset.done $0x0;
	s11 =	sadd.s32 s6, s0;
	s12 =	smov.u32 s2  }
0x4d: {  	s13 =	sshll.u32 s10, $0x4;
	s10 =	sshll.u32 s10, $0xB;
	[sflag:s24] =	ssyncadd.s32 $0xFFFFC000  }
0x4e: {  	[hbm4b:s11+s1] =	stream.linear.scatter [tilespmem:s22], [sflag:$0x6], $0x4000, $0x38;
	[tilespmem:$0x10200] =	vst v63  }
0x4f: {  	s2 =	sadd.s32 $0x40, s2;
	s11 =	sadd.s32 s8, s0;
	s0 =	smov.u32 s10  }
0x50: {  	[hbm4b:s11+s1] =	stream.linear.scatter [tilespmem:s23], [sflag:$0x6], $0x4000, $0x38;
	[tilespmem:$0x10200] =	vst v63  }
0x51: {  	p1 =	sne.s32 s2, $0x500;
	s10 =	sadd.s32 s4, s13  }
0x52: {  	[tilespmem:s15], [sflag:$0x2] =	stream.linear.gather [hbm4b:s10+s1], $0x80, $0x38;
	[tilespmem:$0x10200] =	vst v63  }
0x53: {  	s10 =	sadd.s32 s5, s13  }
0x54: {  	[tilespmem:s16], [sflag:$0x2] =	stream.linear.gather [hbm4b:s10+s1], $0x80, $0x38;
	[tilespmem:$0x10200] =	vst v63  }
0x55: {  	_ =	swait.ge [sflag:s17], $0x80  }
0x56: {  	[sflag:s17] =	ssyncset.done $0x0  }
0x57: {  	[sflag:s17] =	ssyncadd.s32 $0xFFFFFF80  }
0x58: {  	_ =	swait.ge [sflag:s17], $0x80  }
0x59: {  	p2 =	seq.s32 s31, $0x0;
	s31 =	smov.u32 s12;
	[sflag:s17] =	ssyncset.done $0x0  }
0x5a: {  	s10 =	simm.s32 @!p2 $0x5;
	[sflag:s17] =	ssyncadd.s32 $0xFFFFFF80  }
0x5b: {  	_ =	swait.ge @!p2 [sflag:s10], $0x4000  }
0x5c: {  	[sflag:s10] =	ssyncset.done @!p2 $0x0  }
0x5d: {  	[sflag:s10] =	ssyncadd.s32 @!p2 $0xFFFFC000  }
0x5e: {  	_ =	swait.ge @!p2 [sflag:s10], $0x4000  }
0x5f: {  	[sflag:s10] =	ssyncset.done @!p2 $0x0  }
0x60: {  	[sflag:s10] =	ssyncadd.s32 @!p2 $0xFFFFC000  }
0x61: {  	[tilespmem:s18], [sflag:$0x3] =	stream.indirect.gather [hbm4b:s3+s14], $0x80, s1, s14, $0xb8;
	[tilespmem:$0x10200] =	vst v63  }
0x62: {  	_ = 	snop  }
0x63: {  	[tilespmem:s19], [sflag:$0x3] =	stream.indirect.gather [hbm4b:s3+s14], $0x80, s14, s14, $0xb8;
	[tilespmem:$0x10200] =	vst v63  }
0x64: {  	_ =	swait.ge [sflag:s20], $0x4000  }
0x65: {  	[sflag:s20] =	ssyncset.done $0x0  }
0x66: {  	[sflag:s20] =	ssyncadd.s32 $0xFFFFC000  }
0x67: {  	_ =	swait.ge [sflag:s20], $0x4000  }
0x68: {  	[sflag:s20] =	ssyncset.done $0x0  }
0x69: {  	[sflag:s20] =	ssyncadd.s32 $0xFFFFC000  }
0x6a: {  	[hbm4b:s29+s1] =	stream.linear.scatter [tilespmem:s18], [sflag:$0x5], $0x4000, $0x38;
	[tilespmem:$0x10200] =	vst v63  }
0x6b: {  	s9 =	simm.s32 @!p0 $0x4E1  }
0x6c: {  	[hbm4b:s30+s1] =	stream.linear.scatter [tilespmem:s19], [sflag:$0x5], $0x4000, $0x38;
	[tilespmem:$0x10200] =	vst v63  }
0x6d: {  	s9 =	sshll.u32 s9, $0x4  }
0x6e: {  	s10 =	sadd.s32 s4, s9  }
0x6f: {  	[tilespmem:s1], [sflag:$0x1] =	stream.linear.gather [hbm4b:s10+s1], $0x80, $0x38;
	[tilespmem:$0x10200] =	vst v63  }
0x70: {  	s9 =	sadd.s32 s5, s9  }
0x71: {  	[tilespmem:s14], [sflag:$0x1] =	stream.linear.gather [hbm4b:s9+s1], $0x80, $0x38;
	[tilespmem:$0x10200] =	vst v63  }
0x72: {  	_ =	swait.ge [sflag:s21], $0x80  }
0x73: {  	[sflag:s21] =	ssyncset.done $0x0  }
0x74: {  	[sflag:s21] =	ssyncadd.s32 $0xFFFFFF80  }
0x75: {  	_ =	swait.ge [sflag:s21], $0x80  }
0x76: {  	[sflag:s21] =	ssyncset.done $0x0  }
0x77: {  	s9 =	simm.s32 @!p2 $0x6;
	[sflag:s21] =	ssyncadd.s32 $0xFFFFFF80  }
0x78: {  	_ =	swait.ge @!p2 [sflag:s9], $0x4000  }
0x79: {  	[sflag:s9] =	ssyncset.done @!p2 $0x0  }
0x7a: {  	[sflag:s9] =	ssyncadd.s32 @!p2 $0xFFFFC000  }
0x7b: {  	_ =	swait.ge @!p2 [sflag:s9], $0x4000  }
0x7c: {  	[sflag:s9] =	ssyncset.done @!p2 $0x0  }
0x7d: {  	[sflag:s9] =	ssyncadd.s32 @!p2 $0xFFFFC000  }
0x7e: {  	[tilespmem:s22], [sflag:$0x4] =	stream.indirect.gather [hbm4b:s3+s14], $0x80, s15, s14, $0xb8;
	[tilespmem:$0x10200] =	vst v63  }
0x7f: {  	_ = 	snop  }
0x80: {  	[tilespmem:s23], [sflag:$0x4] =	stream.indirect.gather [hbm4b:s3+s14], $0x80, s16, s14, $0xb8;
	[tilespmem:$0x10200] =	vst v63  }
.Ltmp0:
0x81: {  	_ = 	snop;
	(pc) =	sbr.rel @p1 .LBB2_2-.Ltmp0, $4  }
0x82: {  	s29 =	sadd.s32 $0x20000, s29;
	_ =	swait.ge [sflag:s24], $0x4000  }
0x83: {  	s30 =	sadd.s32 $0x20000, s30;
	s9 =	sadd.s32 s31, s7;
	[sflag:s24] =	ssyncset.done $0x0  }
0x84: {  	s10 =	sadd.s32 $0x20, s9;
	s9 =	sadd.s32 $0x40, s9;
	[sflag:s24] =	ssyncadd.s32 $0xFFFFC000  }
0x85: {  	p2 =	slt.s32 s10, $0x4E1;
	p0 =	slt.s32 s9, $0x4E1;
	_ =	swait.ge [sflag:s24], $0x4000  }
0x86: {  	[sflag:s24] =	ssyncset.done $0x0  }
0x87: {  	s10 =	simm.s32 @!p2 $0x4E1;
	s2 =	sadd.s32 s6, s0;
	[sflag:s24] =	ssyncadd.s32 $0xFFFFC000  }
0x88: {  	[hbm4b:s2+s1] =	stream.linear.scatter [tilespmem:s22], [sflag:$0x6], $0x4000, $0x38;
	[tilespmem:$0x10200] =	vst v63  }
0x89: {  	s12 =	sadd.s32 s8, s0;
	s11 =	sshll.u32 s10, $0x4  }
0x8a: {  	[hbm4b:s12+s1] =	stream.linear.scatter [tilespmem:s23], [sflag:$0x6], $0x4000, $0x38;
	[tilespmem:$0x10200] =	vst v63  }
0x8b: {  	s13 =	sadd.s32 s4, s11  }
0x8c: {  	[tilespmem:s15], [sflag:$0x2] =	stream.linear.gather [hbm4b:s13+s1], $0x80, $0x38;
	[tilespmem:$0x10200] =	vst v63  }
0x8d: {  	s11 =	sadd.s32 s5, s11  }
0x8e: {  	[tilespmem:s16], [sflag:$0x2] =	stream.linear.gather [hbm4b:s11+s1], $0x80, $0x38;
	[tilespmem:$0x10200] =	vst v63  }
0x8f: {  	_ =	swait.ge [sflag:s17], $0x80  }
0x90: {  	[sflag:s17] =	ssyncset.done $0x0  }
0x91: {  	[sflag:s17] =	ssyncadd.s32 $0xFFFFFF80  }
0x92: {  	_ =	swait.ge [sflag:s17], $0x80  }
0x93: {  	p1 =	seq.s32 s31, $0x0;
	[sflag:s17] =	ssyncset.done $0x0  }
0x94: {  	s0 =	simm.s32 @!p1 $0x5;
	[sflag:s17] =	ssyncadd.s32 $0xFFFFFF80  }
0x95: {  	_ =	swait.ge @!p1 [sflag:s0], $0x4000  }
0x96: {  	[sflag:s0] =	ssyncset.done @!p1 $0x0  }
0x97: {  	[sflag:s0] =	ssyncadd.s32 @!p1 $0xFFFFC000  }
0x98: {  	_ =	swait.ge @!p1 [sflag:s0], $0x4000  }
0x99: {  	[sflag:s0] =	ssyncset.done @!p1 $0x0  }
0x9a: {  	[sflag:s0] =	ssyncadd.s32 @!p1 $0xFFFFC000  }
0x9b: {  	[tilespmem:s18], [sflag:$0x3] =	stream.indirect.gather [hbm4b:s3+s14], $0x80, s1, s14, $0xb8;
	[tilespmem:$0x10200] =	vst v63  }
0x9c: {  	_ = 	snop  }
0x9d: {  	[tilespmem:s19], [sflag:$0x3] =	stream.indirect.gather [hbm4b:s3+s14], $0x80, s14, s14, $0xb8;
	[tilespmem:$0x10200] =	vst v63  }
0x9e: {  	_ =	swait.ge [sflag:s20], $0x4000  }
0x9f: {  	[sflag:s20] =	ssyncset.done $0x0  }
0xa0: {  	[sflag:s20] =	ssyncadd.s32 $0xFFFFC000  }
0xa1: {  	_ =	swait.ge [sflag:s20], $0x4000  }
0xa2: {  	[sflag:s20] =	ssyncset.done $0x0  }
0xa3: {  	s9 =	simm.s32 @!p0 $0x4E1;
	[sflag:s20] =	ssyncadd.s32 $0xFFFFC000  }
0xa4: {  	[hbm4b:s29+s1] =	stream.linear.scatter [tilespmem:s18], [sflag:$0x5], $0x4000, $0x38;
	[tilespmem:$0x10200] =	vst v63  }
0xa5: {  	s12 =	sshll.u32 s9, $0x4  }
0xa6: {  	[hbm4b:s30+s1] =	stream.linear.scatter [tilespmem:s19], [sflag:$0x5], $0x4000, $0x38;
	[tilespmem:$0x10200] =	vst v63  }
0xa7: {  	s13 =	sadd.s32 s4, s12  }
0xa8: {  	[tilespmem:s1], [sflag:$0x1] =	stream.linear.gather [hbm4b:s13+s1], $0x80, $0x38;
	[tilespmem:$0x10200] =	vst v63  }
0xa9: {  	s0 =	sadd.s32 s5, s12  }
0xaa: {  	[tilespmem:s14], [sflag:$0x1] =	stream.linear.gather [hbm4b:s0+s1], $0x80, $0x38;
	[tilespmem:$0x10200] =	vst v63  }
0xab: {  	_ =	swait.ge [sflag:s21], $0x80  }
0xac: {  	[sflag:s21] =	ssyncset.done $0x0  }
0xad: {  	[sflag:s21] =	ssyncadd.s32 $0xFFFFFF80  }
0xae: {  	_ =	swait.ge [sflag:s21], $0x80  }
0xaf: {  	[sflag:s21] =	ssyncset.done $0x0  }
0xb0: {  	s0 =	simm.s32 @!p1 $0x6;
	[sflag:s21] =	ssyncadd.s32 $0xFFFFFF80  }
0xb1: {  	_ =	swait.ge @!p1 [sflag:s0], $0x4000  }
0xb2: {  	[sflag:s0] =	ssyncset.done @!p1 $0x0  }
0xb3: {  	[sflag:s0] =	ssyncadd.s32 @!p1 $0xFFFFC000  }
0xb4: {  	_ =	swait.ge @!p1 [sflag:s0], $0x4000  }
0xb5: {  	[sflag:s0] =	ssyncset.done @!p1 $0x0  }
0xb6: {  	[sflag:s0] =	ssyncadd.s32 @!p1 $0xFFFFC000  }
0xb7: {  	[tilespmem:s22], [sflag:$0x4] =	stream.indirect.gather [hbm4b:s3+s14], $0x80, s15, s14, $0xb8;
	[tilespmem:$0x10200] =	vst v63  }
0xb8: {  	_ = 	snop  }
0xb9: {  	[tilespmem:s23], [sflag:$0x4] =	stream.indirect.gather [hbm4b:s3+s14], $0x80, s16, s14, $0xb8;
	[tilespmem:$0x10200] =	vst v63  }
0xba: {  	_ =	swait.ge [sflag:s24], $0x4000  }
0xbb: {  	[sflag:s24] =	ssyncset.done $0x0  }
0xbc: {  	[sflag:s24] =	ssyncadd.s32 $0xFFFFC000  }
0xbd: {  	_ =	swait.ge [sflag:s24], $0x4000  }
0xbe: {  	s29 =	sshll.u32 s10, $0xB;
	[sflag:s24] =	ssyncset.done $0x0  }
0xbf: {  	s30 =	sadd.s32 s6, s29;
	[sflag:s24] =	ssyncadd.s32 $0xFFFFC000  }
0xc0: {  	[hbm4b:s30+s1] =	stream.linear.scatter [tilespmem:s22], [sflag:$0x6], $0x4000, $0x38;
	[tilespmem:$0x10200] =	vst v63  }
0xc1: {  	s0 =	sadd.s32 s8, s29  }
0xc2: {  	[hbm4b:s0+s1] =	stream.linear.scatter [tilespmem:s23], [sflag:$0x6], $0x4000, $0x38;
	[tilespmem:$0x10200] =	vst v63  }
0xc3: {  	_ =	swait.ge [sflag:s17], $0x80  }
0xc4: {  	[sflag:s17] =	ssyncset.done $0x0  }
0xc5: {  	[sflag:s17] =	ssyncadd.s32 $0xFFFFFF80  }
0xc6: {  	_ =	swait.ge [sflag:s17], $0x80  }
0xc7: {  	[sflag:s17] =	ssyncset.done $0x0  }
0xc8: {  	[sflag:s17] =	ssyncadd.s32 $0xFFFFFF80  }
0xc9: {  	_ =	swait.ge [sflag:s25], $0x4000  }
0xca: {  	[sflag:s25] =	ssyncset.done $0x0  }
0xcb: {  	[sflag:s25] =	ssyncadd.s32 $0xFFFFC000  }
0xcc: {  	_ =	swait.ge [sflag:s25], $0x4000  }
0xcd: {  	[sflag:s25] =	ssyncset.done $0x0  }
0xce: {  	[sflag:s25] =	ssyncadd.s32 $0xFFFFC000  }
0xcf: {  	_ =	swait.ge [sflag:s26], $0x4000  }
0xd0: {  	[sflag:s26] =	ssyncset.done $0x0  }
0xd1: {  	[sflag:s26] =	ssyncadd.s32 $0xFFFFC000  }
0xd2: {  	_ =	swait.ge [sflag:s26], $0x4000  }
0xd3: {  	s28 =	sadd.s32 $0x1, s28;
	s31 =	rddreg [dreg:$0x4]  }
0xd4: {  	p0 =	sne.s32 s28, s31  }
.Ltmp1:
0xd5: {  	_ = 	snop;
	(pc) =	sbr.rel @p0 .LBB2_1-.Ltmp1, $3  }
0xd6: {  	_ =	sdelay $0x1  }
0xd7: {  	[sflag:s26] =	ssyncset.done $0x0  }
0xd8: {  	[sflag:s26] =	ssyncadd.s32 $0xFFFFC000  }
0xd9: {  	_ =	sfence.sel $0x180000  }
0xda: {  	[bflag:$0x0] =	sbarrier.arrive $0xFFFF  }
0xdb: {  	_ =	strace $0x9000004A  }
0xdc: {  	s0 =	stileid.u32;
	[bflag:$0x2] =	sbarrier.arrive $0xFFFF  }
0xdd: {  	p0 =	sne.s32 s0, $0x0;
	s0 =	rddreg [dreg:$0x1]  }
0xde: {  	s0 =	sadd.s32 @!p0 $0x100000, s0  }
0xdf: {  	[sflag:s0] =	ssyncadd.tile.s32 @!p0 $0x1;
	_ =	shalt  }
.Lfunc_end2:
_tile_overlayer_lowered:
.L_overlay_start_2:
0xe0: {  	(tag) =	ssettag $0x2  }
0xe1: {  	s0 =	rddreg [dreg:$0x0];
	s2 =	stileid.u32  }
0xe2: {  	s1 =	rddreg [dreg:$0x1];
	p0 =	sne.s32 s2, $0x0  }
0xe3: {  	s3 =	rddreg [dreg:$0x2];
	[bflag:$0x3] =	sbarrier.arrive $0xFFFF;
	s2 =	simm.s32 @!p0 $0x1C07  }
0xe4: {  	[timem:s3], [sflag:s2] =	dma.local @!p0 [hbm:s0], s1  }
0xe5: {  	s0 =	simm.s32 @!p0 $0x7  }
0xe6: {  	_ =	swait.ge @!p0 [sflag:s0], s1  }
0xe7: {  	s1 =	ssub.s32 @!p0 $0x0, s1;
	[sflag:s0] =	ssyncset.done @!p0 $0x0  }
0xe8: {  	[sflag:s0] =	ssyncadd.s32 @!p0 s1  }
0xe9: {  	[bflag:$0x3] =	sbarrier.arrive $0xFFFF  }
0xea: {  	_ =	shalt  }

// kernel: kernel.30.cloned.1.call-start
scs
__scs_entry_jumppad:
0x0: {  	(pc) =	sbr.rel $0x88, $3  }
0x1: {  	(tag) =	ssettag $0x0;
	lr =	simm.s32 $0x1  }
0x2: {  	[smem:$0x3F65] =	sst lr;
	_ =	strace $0xD0000000  }
0x3: {  	_ = 	snop  }
0x4: {  	_ = 	snop  }
0x5: {  	_ = 	snop  }
0x6: {  	_ = 	snop  }
0x7: {  	_ = 	snop  }
__scs_overlays_trampoline_lowered:
0x8: {  	[smem:$0x3F74] =	sst s0  }
0x9: {  	[smem:$0x3F75] =	sst s1  }
0xa: {  	[smem:$0x3F76] =	sst s2  }
0xb: {  	[smem:$0x3F77] =	sst s3  }
0xc: {  	[smem:$0x3F78] =	sst s4  }
0xd: {  	[smem:$0x3F79] =	sst s5  }
0xe: {  	[smem:$0x3F7A] =	sst s6  }
0xf: {  	[smem:$0x3F7B] =	sst s7  }
0x10: {  	[smem:$0x3F7C] =	sst s8  }
0x11: {  	[smem:$0x3F7D] =	sst s9;
	s0 =	simm.s32 @!p0 $0x0  }
0x12: {  	s1 =	sld [smem:$0x3F63];
	s0 =	simm.s32 @p0 $0x1  }
0x13: {  	[smem:$0x3F7E] =	sst s0;
	s0 =	simm.s32 @!p1 $0x0  }
0x14: {  	s2 =	sld [smem:$0x3F62];
	s0 =	simm.s32 @p1 $0x1  }
0x15: {  	[smem:$0x3F7F] =	sst s0;
	s0 =	simm.s32 @!p2 $0x0  }
0x16: {  	s3 =	sld [smem:$0x3FDB];
	s0 =	simm.s32 @p2 $0x1  }
0x17: {  	s4 =	simm.s32 $0x1BF5;
	[smem:$0x3F81] =	sst s0  }
0x18: {  	s0 =	sld [smem:$0x3F64];
	_ =	swait.ge [sflag:s4], $0x0  }
0x19: {  	s7 =	sld [smem:$0x3F65]  }
0x1a: {  	s8 =	sadd.s32 $0xFFFFE003, lr  }
0x1b: {  	s9 =	sadd.s32 $0xFFFFFEF7, lr;
	s5 =	simm.s32 $0xFFFFFFFF;
	p2 =	slt.u32 s8, $0xFFFFF086  }
0x1c: {  	p1 =	slt.u32 s9, $0xF7A;
	s5 =	simm.s32 @!p2 $0x0  }
0x1d: {  	s5 =	simm.s32 @p1 $0x1;
	p0 =	seq.s32 s7, s2  }
0x1e: {  	s7 =	smul.u32 @!p0 $0xF7A, s2;
	p2 =	seq.s32 @!p0 s5, $0x0  }
0x1f: {  	s9 =	smul.u32 $0xF7A, s1;
	s8 =	simm.s32 @!p0 $0x1BF5;
	p2 =	por !p2, p0  }
0x20: {  	[sflag:s8] =	ssyncset.s32 @!p0 $0xFFFFF086;
	s6 =	sadd.s32 @!p0 s3, s7;
	s7 =	simm.s32 @!p0 $0x108  }
0x21: {  	s3 =	sadd.s32 s3, s9;
	s6 =	sadd.s32 @!p0 $0x88, s6;
	s7 =	simm.s32 @p2 $0x1082  }
0x22: {  	[simem:s7], [sflag:s8] =	dma.local @!p0 [hbm:s6], $0xF7A  }
0x23: {  	s9 =	sor.u32 $0xD0000000, s2;
	s6 =	simm.s32 $0x108;
	_ =	swait.ge @!p0 [sflag:s8], $0x0  }
0x24: {  	s3 =	sadd.s32 $0x88, s3;
	s6 =	simm.s32 @!p1 $0x1082;
	[sflag:s4] =	ssyncset.s32 $0xFFFFF086  }
0x25: {  	[simem:s6], [sflag:s4] =	dma.local [hbm:s3], $0xF7A  }
0x26: {  	[smem:$0x3F65] =	sst s1;
	(tag) =	ssettag s2;
	_ =	strace s9  }
0x27: {  	s1 =	sld [smem:$0x3F75]  }
0x28: {  	s2 =	sld [smem:$0x3F76]  }
0x29: {  	s4 =	sld [smem:$0x3F78]  }
0x2a: {  	p0 =	seq.s32 s5, $0x0;
	s5 =	sld [smem:$0x3F79]  }
0x2b: {  	s6 =	sld [smem:$0x3F7A]  }
0x2c: {  	s7 =	sld [smem:$0x3F7B]  }
0x2d: {  	s3 =	simm.s32 $0x108;
	s8 =	sld [smem:$0x3F7C]  }
0x2e: {  	s3 =	simm.s32 @!p0 $0x1082;
	s9 =	sld [smem:$0x3F7D]  }
0x2f: {  	lr =	sadd.s32 s0, s3;
	s0 =	sld [smem:$0x3F74]  }
0x30: {  	s3 =	sld [smem:$0x3F77]  }
0x31: {  	[smem:$0x3F80] =	sst s10  }
0x32: {  	s10 =	sld [smem:$0x3F7E];
	_ =	sdelay $0x3  }
0x33: {  	p0 =	seq.s32 s10, $0x1;
	s10 =	sld [smem:$0x3F80];
	_ =	sdelay $0x3  }
0x34: {  	[smem:$0x3F80] =	sst s10  }
0x35: {  	s10 =	sld [smem:$0x3F7F];
	_ =	sdelay $0x3  }
0x36: {  	p1 =	seq.s32 s10, $0x1;
	s10 =	sld [smem:$0x3F80];
	_ =	sdelay $0x3  }
0x37: {  	[smem:$0x3F80] =	sst s10  }
0x38: {  	s10 =	sld [smem:$0x3F81]  }
0x39: {  	_ = 	snop;
	(pc) =	sbr.ind lr, $3  }
0x3a: {  	_ = 	snop  }
0x3b: {  	_ = 	snop  }
0x3c: {  	p2 =	seq.s32 s10, $0x1;
	s10 =	sld [smem:$0x3F80]  }
0x3d: {  	_ =	shalt  }
0x3e: {  	_ =	shalt  }
0x3f: {  	_ =	shalt  }
0x40: {  	_ =	shalt  }
0x41: {  	_ =	shalt  }
0x42: {  	_ =	shalt  }
0x43: {  	_ =	shalt  }
0x44: {  	_ =	shalt  }
0x45: {  	_ =	shalt  }
0x46: {  	_ =	shalt  }
0x47: {  	_ =	shalt  }
0x48: {  	_ =	shalt  }
0x49: {  	_ =	shalt  }
0x4a: {  	_ =	shalt  }
0x4b: {  	_ =	shalt  }
0x4c: {  	_ =	shalt  }
0x4d: {  	_ =	shalt  }
0x4e: {  	_ =	shalt  }
0x4f: {  	_ =	shalt  }
0x50: {  	_ =	shalt  }
0x51: {  	_ =	shalt  }
0x52: {  	_ =	shalt  }
0x53: {  	_ =	shalt  }
0x54: {  	_ =	shalt  }
0x55: {  	_ =	shalt  }
0x56: {  	_ =	shalt  }
0x57: {  	_ =	shalt  }
0x58: {  	_ =	shalt  }
0x59: {  	_ =	shalt  }
0x5a: {  	_ =	shalt  }
0x5b: {  	_ =	shalt  }
0x5c: {  	_ =	shalt  }
0x5d: {  	_ =	shalt  }
0x5e: {  	_ =	shalt  }
0x5f: {  	_ =	shalt  }
0x60: {  	_ =	shalt  }
0x61: {  	_ =	shalt  }
0x62: {  	_ =	shalt  }
0x63: {  	_ =	shalt  }
0x64: {  	_ =	shalt  }
0x65: {  	_ =	shalt  }
0x66: {  	_ =	shalt  }
0x67: {  	_ =	shalt  }
0x68: {  	_ =	shalt  }
0x69: {  	_ =	shalt  }
0x6a: {  	_ =	shalt  }
0x6b: {  	_ =	shalt  }
0x6c: {  	_ =	shalt  }
0x6d: {  	_ =	shalt  }
0x6e: {  	_ =	shalt  }
0x6f: {  	_ =	shalt  }
0x70: {  	_ =	shalt  }
0x71: {  	_ =	shalt  }
0x72: {  	_ =	shalt  }
0x73: {  	_ =	shalt  }
0x74: {  	_ =	shalt  }
0x75: {  	_ =	shalt  }
0x76: {  	_ =	shalt  }
0x77: {  	_ =	shalt  }
0x78: {  	_ =	shalt  }
0x79: {  	_ =	shalt  }
0x7a: {  	_ =	shalt  }
0x7b: {  	_ =	shalt  }
0x7c: {  	_ =	shalt  }
0x7d: {  	_ =	shalt  }
0x7e: {  	_ =	shalt  }
0x7f: {  	_ =	shalt  }
0x80: {  	_ =	shalt  }
0x81: {  	_ =	shalt  }
0x82: {  	_ =	shalt  }
0x83: {  	_ =	shalt  }
0x84: {  	_ =	shalt  }
0x85: {  	_ =	shalt  }
0x86: {  	_ =	shalt  }
0x87: {  	_ =	shalt  }
.Lfunc_end0:
.L_simem_size_0:
called_computation.2_lowered:
.L_overlay_start_0:
0x88: {  	s2 =	sld [smem:$0x3FD9]  }
0x89: {  	s3 =	sld [smem:$0x3FFE];
	_ =	sdelay $0x1  }
0x8a: {  	s1 =	srdreg.scid  }
0x8b: {  	s0 =	sand.u32 $0x1, s1  }
0x8c: {  	s16 =	sshll.u32 s0, $0xA;
	s2 =	sadd.s32 s3, s2  }
0x8d: {  	s2 =	sadd.s32 s2, s16  }
0x8e: {  	[smem:$0x3F8C] =	sst s2  }
0x8f: {  	_ = 	snop  }
0x90: {  	(tm) =	ssettm $0x1  }
0x91: {  	s17 =	sld [smem:$0x3FFB];
	_ =	sdelay $0x3  }
0x92: {  	_ =	strace s17  }
0x93: {  	s2 =	sld [smem:$0x3FFC];
	_ =	sdelay $0x3  }
0x94: {  	_ =	strace s2  }
0x95: {  	s2 =	sld [smem:$0x3FFD];
	_ =	sdelay $0x3  }
0x96: {  	_ =	strace s2  }
0x97: {  	_ =	strace $0x8FFFFFFF  }
0x98: {  	s18 =	sld [smem:$0x3FDB];
	_ =	sdelay $0x1  }
0x99: {  	s19 =	simm.s32 $_scs_section_size  }
0x9a: {  	s4 =	simm.s32 $_size__tile_overlayer_lowered;
	s5 =	simm.s32 $_tile_overlayer_lowered  }
0x9b: {  	s22 =	simm.s32 $0x1BFF;
	s21 =	sshll.u32 s5, $0x1;
	s2 =	sadd.s32 s19, s18  }
0x9c: {  	s6 =	simm.s32 $0x0;
	s20 =	sshll.u32 s4, $0x1;
	s4 =	sadd.s32 s21, s2  }
0x9d: {  	[timem:s6], [sflag:s22] =	dma.local [hbm:s4], s20  }
0x9e: {  	_ =	swait.ge [sflag:s22], s20  }
0x9f: {  	s3 =	ssub.s32 $0x0, s20;
	[sflag:s22] =	ssyncset.done $0x0  }
0xa0: {  	[sflag:s22] =	ssyncadd.s32 s3;
	_ =	sdelay $0x1  }
0xa1: {  	s23 =	simm.s32 $0x1B8B  }
0xa2: {  	_ =	swait.ge [sflag:s23], $0x1  }
0xa3: {  	[sflag:s23] =	ssyncset.done $0x0  }
0xa4: {  	s25 =	simm.s32 $0x1B8E;
	s24 =	sld [smem:$0x3FFE];
	[sflag:s23] =	ssyncadd.s32 $0xFFFFFFFF  }
0xa5: {  	s26 =	simm.s32 $execute0_lowered;
	[smem:$0x3FD2] =	sst s25  }
0xa6: {  	s4 =	sshll.u32 s26, $0x1;
	_ =	strace $0x8000004C;
	[dreg:$0x1] =	wrdreg $0xFFFFFFFF  }
0xa7: {  	s28 =	simm.s32 $_size_execute0_lowered;
	s2 =	sadd.s32 s2, s4;
	[dreg:$0x0] =	wrdreg $0x0  }
0xa8: {  	s4 =	sshll.u32 s28, $0x1;
	[dreg:$0x2] =	wrdreg s2  }
0xa9: {  	[dreg:$0x3] =	wrdreg s4  }
0xaa: {  	[dreg:$0x4] =	wrdreg $0xC0  }
0xab: {  	_ =	task [dreg:s6], $0x5FFFF  }
0xac: {  	[dreg:$0x1] =	wrdreg $0xFFFFFFFF  }
0xad: {  	[dreg:$0x0] =	wrdreg $0x60  }
0xae: {  	[dreg:$0x2] =	wrdreg s24  }
0xaf: {  	[dreg:$0x3] =	wrdreg $0x81000  }
0xb0: {  	[dreg:$0x4] =	wrdreg $0x9  }
0xb1: {  	_ =	task.clear_ibuf [dreg:s6], $0x5FFFF;
	_ =	strace $0x9000004C  }
0xb2: {  	s29 =	simm.s32 $0x9;
	_ =	strace $0x8000004E  }
0xb3: {  	_ =	swait.ge [sflag:s29], $0x1  }
0xb4: {  	[sflag:s29] =	ssyncadd.s32 $0xFFFFFFFF  }
0xb5: {  	_ =	strace $0x9000004E  }
0xb6: {  	_ =	sfence  }
0xb7: {  	s30 =	sld [smem:$0x0];
	_ =	sdelay $0x2  }
0xb8: {  	s31 =	sshll.u32 s1, $0xD;
	s1 =	sshrl.u32 s1, $0x2  }
0xb9: {  	s3 =	sand.u32 $0x4000, s31;
	s1 =	sadd.s32 s1, s30  }
0xba: {  	s0 =	sor.u32 s3, s0;
	s1 =	sshll.u32 s1, $0x11  }
0xbb: {  	s0 =	sor.u32 s1, s0  }
0xbc: {  	s0 =	sadd.s32 $0x8F2B, s0  }
0xbd: {  	[sflag:s0] =	ssyncadd.remote.s32 $0x1  }
0xbe: {  	_ =	sfence.sel $0xFFFF  }
0xbf: {  	[dreg:$0x0] =	wrdreg $0xFFFFFFFF;
	(pc) =	sbr.abs _section_cstart, $3  }
0xc0: {  	[dreg:$0x1] =	wrdreg $0xFFFFFFFF  }
0xc1: {  	_ =	task.clear_ibuf [dreg:s6], $0x2FFFF;
	_ =	strace $0x9FFFFFFF  }
0xc2: {  	(tm) =	ssettm $0x7FFFFFFF  }
0xc3: {  	_ =	shalt  }
tec
execute0_lowered:
.L_overlay_start_1:
0x0: {  	(tag) =	ssettag $0x1  }
0x1: {  	s6 =	rddreg [dreg:$0x0]  }
0x2: {  	s1 =	rddreg [dreg:$0x1]  }
0x3: {  	s0 =	rddreg [dreg:$0x2];
	s2 =	simm.s32 $0x0;
	s3 =	srdreg.scid  }
0x4: {  	s11 =	stileid.u32;
	s15 =	simm.s32 $0x80;
	s16 =	simm.s32 $0x4100  }
0x5: {  	s17 =	simm.s32 $0x3;
	s18 =	simm.s32 $0x2;
	s19 =	simm.s32 $0x0  }
0x6: {  	[smem:$0x7FF] =	sst s2;
	s7 =	sand.u32 $0x1, s3;
	s3 =	sadd.s32 $0x528A00, s6  }
0x7: {  	s4 =	sadd.s32 $0x10800, s6;
	s5 =	sadd.s32 $0x46800, s6;
	s8 =	smul.u32 $0x27100, s7  }
0x8: {  	s9 =	sshll.u32 s11, $0x1;
	p0 =	sne.s32 s11, $0x0;
	s30 =	ssub.s32 $0x2, s7  }
0x9: {  	_ =	strace $0x8000004D;
	s31 =	sshrl.u32 s30, $0x1;
	s10 =	sadd.s32 s8, s6  }
0xa: {  	s6 =	sor.u32 s7, s9;
	s14 =	ssub.s32 s30, s31;
	s9 =	ssub.s32 $0x4E1, s9  }
0xb: {  	s12 =	sshll.u32 s6, $0x4;
	s13 =	sshll.u32 s6, $0xB;
	s10 =	sadd.s32 $0x6DA00, s10  }
0xc: {  	s11 =	smax.u32 s14, $0x1;
	s14 =	simm.s32 $0x1;
	s7 =	sadd.s32 s4, s12  }
0xd: {  	s8 =	sadd.s32 s3, s13;
	s12 =	sshrl.u32 @!p0 s1, $0x3;
	s13 =	simm.s32 $0x100  }
.LBB2_1:
0xe: {  	s20 =	simm.s32 @!p0 $0x1C03  }
0xf: {  	[spmem:s12], [sflag:s20] =	dma.local @!p0 [hbm:s5], $0x27180  }
0x10: {  	s20 =	simm.s32 @!p0 $0x3  }
0x11: {  	_ =	swait.ge @!p0 [sflag:s20], $0x27180  }
0x12: {  	[sflag:s20] =	ssyncset.done @!p0 $0x0  }
0x13: {  	[sflag:s20] =	ssyncadd.s32 @!p0 $0xFFFD8E80  }
0x14: {  	[bflag:$0x0] =	sbarrier.arrive $0xFFFF  }
0x15: {  	[tilespmem:s2], [sflag:$0x1] =	stream.linear.gather [hbm4b:s7+s2], $0x80, $0x38;
	[tilespmem:$0x1B9C0] =	vst v63  }
0x16: {  	_ = 	snop  }
0x17: {  	[tilespmem:s13], [sflag:$0x1] =	stream.linear.gather [hbm4b:s8+s2], $0x4000, $0x38;
	[tilespmem:$0x1B9C0] =	vst v63  }
0x18: {  	_ =	swait.ge [sflag:s14], $0x80  }
0x19: {  	[sflag:s14] =	ssyncset.done $0x0  }
0x1a: {  	[sflag:s14] =	ssyncadd.s32 $0xFFFFFF80  }
0x1b: {  	_ =	swait.ge [sflag:s14], $0x4000  }
0x1c: {  	p1 =	sge.u32 s9, $0x0;
	[sflag:s14] =	ssyncset.done $0x0  }
0x1d: {  	v0 =	vimm.s32 @!p1 $0x2710;
	[sflag:s14] =	ssyncadd.s32 $0xFFFFC000  }
0x1e: {  	[tilespmem:$0x70] =	vst @!p1 v0  }
0x1f: {  	[tilespmem:$0x60] =	vst @!p1 v0  }
0x20: {  	s31 =	sadd.s32 $0x0, s6;
	[tilespmem:$0x50] =	vst @!p1 v0  }
0x21: {  	s21 =	sadd.s32 $0x20, s31;
	[tilespmem:$0x40] =	vst @!p1 v0  }
0x22: {  	p2 =	slt.s32 s21, $0x4E1;
	s22 =	smov.u32 s21;
	[tilespmem:$0x30] =	vst @!p1 v0  }
0x23: {  	s22 =	simm.s32 @!p2 $0x4E1;
	[tilespmem:$0x20] =	vst @!p1 v0  }
0x24: {  	s23 =	sshll.u32 s22, $0x4;
	[tilespmem:$0x0] =	vst @!p1 v0  }
0x25: {  	s22 =	sshll.u32 s22, $0xB;
	s23 =	sadd.s32 s4, s23;
	[tilespmem:$0x10] =	vst @!p1 v0  }
0x26: {  	[tilespmem:s15], [sflag:$0x2] =	stream.linear.gather [hbm4b:s23+s2], $0x80, $0x38;
	[tilespmem:$0x1B9C0] =	vst v63  }
0x27: {  	s22 =	sadd.s32 s3, s22  }
0x28: {  	[tilespmem:s16], [sflag:$0x2] =	stream.linear.gather [hbm4b:s22+s2], $0x4000, $0x38;
	[tilespmem:$0x1B9C0] =	vst v63  }
0x29: {  	_ = 	snop  }
0x2a: {  	[spmem:s1] =	stream.indirect.scatter.add.f32 [tilespmem:s13], [sflag:$0x3], $0x80, s2, s15, $0xb8;
	[tilespmem:$0x1B9C0] =	vst v63  }
0x2b: {  	_ =	swait.ge [sflag:s17], $0x4000  }
0x2c: {  	[sflag:s17] =	ssyncset.done $0x0  }
0x2d: {  	[sflag:s17] =	ssyncadd.s32 $0xFFFFC000  }
0x2e: {  	_ =	swait.ge [sflag:s18], $0x80  }
0x2f: {  	[sflag:s18] =	ssyncset.done $0x0  }
0x30: {  	[sflag:s18] =	ssyncadd.s32 $0xFFFFFF80  }
0x31: {  	s23 =	sadd.s32 $0x40, s31;
	_ =	swait.ge [sflag:s18], $0x4000  }
0x32: {  	p2 =	slt.u32 s21, $0x4E2;
	p1 =	slt.s32 s23, $0x4E1;
	[sflag:s18] =	ssyncset.done $0x0  }
0x33: {  	v0 =	vimm.s32 @!p2 $0x2710;
	s23 =	simm.s32 @!p1 $0x4E1;
	[sflag:s18] =	ssyncadd.s32 $0xFFFFC000  }
0x34: {  	s20 =	simm.s32 $0x40;
	s22 =	sshll.u32 s23, $0x4;
	s21 =	sshll.u32 s23, $0xB;
	[tilespmem:$0x80] =	vst @!p2 v0  }
.LBB2_2:
0x35: {  	[tilespmem:$0xF0] =	vst @!p2 v0;
	s23 =	smov.u32 s20;
	s20 =	sadd.s32 $0x40, s20  }
0x36: {  	p1 =	sne.s32 s20, $0x500;
	[tilespmem:$0xE0] =	vst @!p2 v0  }
0x37: {  	[tilespmem:$0xC0] =	vst @!p2 v0  }
0x38: {  	[tilespmem:$0x90] =	vst @!p2 v0  }
0x39: {  	[tilespmem:$0xD0] =	vst @!p2 v0  }
0x3a: {  	s22 =	sadd.s32 s4, s22;
	[tilespmem:$0xA0] =	vst @!p2 v0  }
0x3b: {  	s21 =	sadd.s32 s3, s21;
	[tilespmem:$0xB0] =	vst @!p2 v0  }
0x3c: {  	[tilespmem:s2], [sflag:$0x1] =	stream.linear.gather [hbm4b:s22+s2], $0x80, $0x38;
	[tilespmem:$0x1B9C0] =	vst v63  }
0x3d: {  	_ = 	snop  }
0x3e: {  	[tilespmem:s13], [sflag:$0x1] =	stream.linear.gather [hbm4b:s21+s2], $0x4000, $0x38;
	[tilespmem:$0x1B9C0] =	vst v63  }
0x3f: {  	_ = 	snop  }
0x40: {  	[spmem:s1] =	stream.indirect.scatter.add.f32 [tilespmem:s16], [sflag:$0x3], $0x80, s15, s15, $0xb8;
	[tilespmem:$0x1B9C0] =	vst v63  }
0x41: {  	_ =	swait.ge [sflag:s17], $0x4000  }
0x42: {  	[sflag:s17] =	ssyncset.done $0x0  }
0x43: {  	[sflag:s17] =	ssyncadd.s32 $0xFFFFC000  }
0x44: {  	_ =	swait.ge [sflag:s14], $0x80  }
0x45: {  	[sflag:s14] =	ssyncset.done $0x0  }
0x46: {  	[sflag:s14] =	ssyncadd.s32 $0xFFFFFF80  }
0x47: {  	_ =	swait.ge [sflag:s14], $0x4000  }
0x48: {  	p2 =	sle.u32 s23, s9;
	[sflag:s14] =	ssyncset.done $0x0  }
0x49: {  	v0 =	vimm.s32 @!p2 $0x2710;
	[sflag:s14] =	ssyncadd.s32 $0xFFFFC000  }
0x4a: {  	[tilespmem:$0x70] =	vst @!p2 v0  }
0x4b: {  	[tilespmem:$0x60] =	vst @!p2 v0  }
0x4c: {  	s21 =	sadd.s32 s23, s6;
	[tilespmem:$0x50] =	vst @!p2 v0  }
0x4d: {  	s23 =	sadd.s32 $0x20, s21;
	s21 =	sadd.s32 $0x40, s21;
	[tilespmem:$0x40] =	vst @!p2 v0  }
0x4e: {  	p3 =	slt.s32 s23, $0x4E1;
	p4 =	slt.s32 s21, $0x4E1;
	s22 =	smov.u32 s23;
	[tilespmem:$0x30] =	vst @!p2 v0  }
0x4f: {  	s22 =	simm.s32 @!p3 $0x4E1;
	s21 =	simm.s32 @!p4 $0x4E1;
	[tilespmem:$0x20] =	vst @!p2 v0  }
0x50: {  	s24 =	sshll.u32 s22, $0x4;
	s25 =	sshll.u32 s22, $0xB;
	s22 =	sshll.u32 s21, $0x4;
	[tilespmem:$0x0] =	vst @!p2 v0  }
0x51: {  	s21 =	sshll.u32 s21, $0xB;
	s24 =	sadd.s32 s4, s24;
	[tilespmem:$0x10] =	vst @!p2 v0  }
0x52: {  	[tilespmem:s15], [sflag:$0x2] =	stream.linear.gather [hbm4b:s24+s2], $0x80, $0x38;
	[tilespmem:$0x1B9C0] =	vst v63  }
0x53: {  	s24 =	sadd.s32 s3, s25  }
0x54: {  	[tilespmem:s16], [sflag:$0x2] =	stream.linear.gather [hbm4b:s24+s2], $0x4000, $0x38;
	[tilespmem:$0x1B9C0] =	vst v63  }
0x55: {  	_ = 	snop  }
0x56: {  	[spmem:s1] =	stream.indirect.scatter.add.f32 [tilespmem:s13], [sflag:$0x3], $0x80, s2, s15, $0xb8;
	[tilespmem:$0x1B9C0] =	vst v63  }
0x57: {  	_ =	swait.ge [sflag:s17], $0x4000  }
0x58: {  	[sflag:s17] =	ssyncset.done $0x0  }
0x59: {  	[sflag:s17] =	ssyncadd.s32 $0xFFFFC000  }
0x5a: {  	_ =	swait.ge [sflag:s18], $0x80  }
0x5b: {  	[sflag:s18] =	ssyncset.done $0x0  }
.Ltmp0:
0x5c: {  	[sflag:s18] =	ssyncadd.s32 $0xFFFFFF80;
	(pc) =	sbr.rel @p1 .LBB2_2-.Ltmp0, $4  }
0x5d: {  	_ =	swait.ge [sflag:s18], $0x4000  }
0x5e: {  	p2 =	slt.u32 s23, $0x4E2;
	[sflag:s18] =	ssyncset.done $0x0  }
0x5f: {  	v0 =	vimm.s32 @!p2 $0x2710;
	[sflag:s18] =	ssyncadd.s32 $0xFFFFC000  }
0x60: {  	[tilespmem:$0x80] =	vst @!p2 v0  }
0x61: {  	[tilespmem:$0xF0] =	vst @!p2 v0  }
0x62: {  	[tilespmem:$0xE0] =	vst @!p2 v0  }
0x63: {  	[tilespmem:$0xC0] =	vst @!p2 v0  }
0x64: {  	[tilespmem:$0x90] =	vst @!p2 v0  }
0x65: {  	[tilespmem:$0xD0] =	vst @!p2 v0  }
0x66: {  	[tilespmem:$0xA0] =	vst @!p2 v0  }
0x67: {  	s20 =	sadd.s32 s4, s22;
	[tilespmem:$0xB0] =	vst @!p2 v0  }
0x68: {  	[tilespmem:s2], [sflag:$0x1] =	stream.linear.gather [hbm4b:s20+s2], $0x80, $0x38;
	[tilespmem:$0x1B9C0] =	vst v63  }
0x69: {  	s31 =	sadd.s32 s3, s21  }
0x6a: {  	[tilespmem:s13], [sflag:$0x1] =	stream.linear.gather [hbm4b:s31+s2], $0x4000, $0x38;
	[tilespmem:$0x1B9C0] =	vst v63  }
0x6b: {  	_ = 	snop  }
0x6c: {  	[spmem:s1] =	stream.indirect.scatter.add.f32 [tilespmem:s16], [sflag:$0x3], $0x80, s15, s15, $0xb8;
	[tilespmem:$0x1B9C0] =	vst v63  }
0x6d: {  	_ =	swait.ge [sflag:s17], $0x4000  }
0x6e: {  	[sflag:s17] =	ssyncset.done $0x0  }
0x6f: {  	[sflag:s17] =	ssyncadd.s32 $0xFFFFC000  }
0x70: {  	_ =	swait.ge [sflag:s14], $0x80  }
0x71: {  	[sflag:s14] =	ssyncset.done $0x0  }
0x72: {  	[sflag:s14] =	ssyncadd.s32 $0xFFFFFF80  }
0x73: {  	_ =	swait.ge [sflag:s14], $0x4000  }
0x74: {  	[sflag:s14] =	ssyncset.done $0x0  }
0x75: {  	s19 =	sadd.s32 $0x1, s19;
	[sflag:s14] =	ssyncadd.s32 $0xFFFFC000  }
0x76: {  	s20 =	simm.s32 @!p0 $0x1C03;
	p1 =	sne.s32 s19, s11;
	[bflag:$0x0] =	sbarrier.arrive $0xFFFF  }
0x77: {  	[hbm:s10], [sflag:s20] =	dma.local @!p0 [spmem:s12], $0x27100  }
.Ltmp1:
0x78: {  	_ = 	snop;
	(pc) =	sbr.rel @p1 .LBB2_1-.Ltmp1, $4  }
0x79: {  	s20 =	simm.s32 @!p0 $0x3  }
0x7a: {  	_ =	swait.ge @!p0 [sflag:s20], $0x27100  }
0x7b: {  	[sflag:s20] =	ssyncset.done @!p0 $0x0  }
0x7c: {  	[sflag:s20] =	ssyncadd.s32 @!p0 $0xFFFD8F00  }
0x7d: {  	_ =	sfence.sel $0x180000  }
0x7e: {  	[bflag:$0x0] =	sbarrier.arrive $0xFFFF  }
0x7f: {  	_ =	strace $0x9000004D  }
0x80: {  	s0 =	sadd.s32 @!p0 $0x100000, s0;
	[bflag:$0x2] =	sbarrier.arrive $0xFFFF  }
0x81: {  	[sflag:s0] =	ssyncadd.tile.s32 @!p0 $0x1;
	_ =	shalt  }
.Lfunc_end2:
_tile_overlayer_lowered:
.L_overlay_start_2:
0x82: {  	(tag) =	ssettag $0x2  }
0x83: {  	s0 =	rddreg [dreg:$0x0];
	s2 =	stileid.u32  }
0x84: {  	s1 =	rddreg [dreg:$0x1];
	p0 =	sne.s32 s2, $0x0  }
0x85: {  	s3 =	rddreg [dreg:$0x2];
	[bflag:$0x3] =	sbarrier.arrive $0xFFFF;
	s2 =	simm.s32 @!p0 $0x1C03  }
0x86: {  	[timem:s3], [sflag:s2] =	dma.local @!p0 [hbm:s0], s1  }
0x87: {  	s0 =	simm.s32 @!p0 $0x3  }
0x88: {  	_ =	swait.ge @!p0 [sflag:s0], s1  }
0x89: {  	s1 =	ssub.s32 @!p0 $0x0, s1;
	[sflag:s0] =	ssyncset.done @!p0 $0x0  }
0x8a: {  	[sflag:s0] =	ssyncadd.s32 @!p0 s1  }
0x8b: {  	[bflag:$0x3] =	sbarrier.arrive $0xFFFF  }
0x8c: {  	_ =	shalt  }

// kernel: kernel.33.cloned.1.call-start
scs
__scs_entry_jumppad:
0x0: {  	(pc) =	sbr.rel $0x88, $3  }
0x1: {  	(tag) =	ssettag $0x0;
	lr =	simm.s32 $0x1  }
0x2: {  	[smem:$0x3F65] =	sst lr;
	_ =	strace $0xD0000000  }
0x3: {  	_ = 	snop  }
0x4: {  	_ = 	snop  }
0x5: {  	_ = 	snop  }
0x6: {  	_ = 	snop  }
0x7: {  	_ = 	snop  }
__scs_overlays_trampoline_lowered:
0x8: {  	[smem:$0x3F74] =	sst s0  }
0x9: {  	[smem:$0x3F75] =	sst s1  }
0xa: {  	[smem:$0x3F76] =	sst s2  }
0xb: {  	[smem:$0x3F77] =	sst s3  }
0xc: {  	[smem:$0x3F78] =	sst s4  }
0xd: {  	[smem:$0x3F79] =	sst s5  }
0xe: {  	[smem:$0x3F7A] =	sst s6  }
0xf: {  	[smem:$0x3F7B] =	sst s7  }
0x10: {  	[smem:$0x3F7C] =	sst s8  }
0x11: {  	[smem:$0x3F7D] =	sst s9;
	s0 =	simm.s32 @!p0 $0x0  }
0x12: {  	s1 =	sld [smem:$0x3F63];
	s0 =	simm.s32 @p0 $0x1  }
0x13: {  	[smem:$0x3F7E] =	sst s0;
	s0 =	simm.s32 @!p1 $0x0  }
0x14: {  	s2 =	sld [smem:$0x3F62];
	s0 =	simm.s32 @p1 $0x1  }
0x15: {  	[smem:$0x3F7F] =	sst s0;
	s0 =	simm.s32 @!p2 $0x0  }
0x16: {  	s3 =	sld [smem:$0x3FDB];
	s0 =	simm.s32 @p2 $0x1  }
0x17: {  	s4 =	simm.s32 $0x1BF5;
	[smem:$0x3F81] =	sst s0  }
0x18: {  	s0 =	sld [smem:$0x3F64];
	_ =	swait.ge [sflag:s4], $0x0  }
0x19: {  	s7 =	sld [smem:$0x3F65]  }
0x1a: {  	s8 =	sadd.s32 $0xFFFFE003, lr  }
0x1b: {  	s9 =	sadd.s32 $0xFFFFFEF7, lr;
	s5 =	simm.s32 $0xFFFFFFFF;
	p2 =	slt.u32 s8, $0xFFFFF086  }
0x1c: {  	p1 =	slt.u32 s9, $0xF7A;
	s5 =	simm.s32 @!p2 $0x0  }
0x1d: {  	s5 =	simm.s32 @p1 $0x1;
	p0 =	seq.s32 s7, s2  }
0x1e: {  	s7 =	smul.u32 @!p0 $0xF7A, s2;
	p2 =	seq.s32 @!p0 s5, $0x0  }
0x1f: {  	s9 =	smul.u32 $0xF7A, s1;
	s8 =	simm.s32 @!p0 $0x1BF5;
	p2 =	por !p2, p0  }
0x20: {  	[sflag:s8] =	ssyncset.s32 @!p0 $0xFFFFF086;
	s6 =	sadd.s32 @!p0 s3, s7;
	s7 =	simm.s32 @!p0 $0x108  }
0x21: {  	s3 =	sadd.s32 s3, s9;
	s6 =	sadd.s32 @!p0 $0x88, s6;
	s7 =	simm.s32 @p2 $0x1082  }
0x22: {  	[simem:s7], [sflag:s8] =	dma.local @!p0 [hbm:s6], $0xF7A  }
0x23: {  	s9 =	sor.u32 $0xD0000000, s2;
	s6 =	simm.s32 $0x108;
	_ =	swait.ge @!p0 [sflag:s8], $0x0  }
0x24: {  	s3 =	sadd.s32 $0x88, s3;
	s6 =	simm.s32 @!p1 $0x1082;
	[sflag:s4] =	ssyncset.s32 $0xFFFFF086  }
0x25: {  	[simem:s6], [sflag:s4] =	dma.local [hbm:s3], $0xF7A  }
0x26: {  	[smem:$0x3F65] =	sst s1;
	(tag) =	ssettag s2;
	_ =	strace s9  }
0x27: {  	s1 =	sld [smem:$0x3F75]  }
0x28: {  	s2 =	sld [smem:$0x3F76]  }
0x29: {  	s4 =	sld [smem:$0x3F78]  }
0x2a: {  	p0 =	seq.s32 s5, $0x0;
	s5 =	sld [smem:$0x3F79]  }
0x2b: {  	s6 =	sld [smem:$0x3F7A]  }
0x2c: {  	s7 =	sld [smem:$0x3F7B]  }
0x2d: {  	s3 =	simm.s32 $0x108;
	s8 =	sld [smem:$0x3F7C]  }
0x2e: {  	s3 =	simm.s32 @!p0 $0x1082;
	s9 =	sld [smem:$0x3F7D]  }
0x2f: {  	lr =	sadd.s32 s0, s3;
	s0 =	sld [smem:$0x3F74]  }
0x30: {  	s3 =	sld [smem:$0x3F77]  }
0x31: {  	[smem:$0x3F80] =	sst s10  }
0x32: {  	s10 =	sld [smem:$0x3F7E];
	_ =	sdelay $0x3  }
0x33: {  	p0 =	seq.s32 s10, $0x1;
	s10 =	sld [smem:$0x3F80];
	_ =	sdelay $0x3  }
0x34: {  	[smem:$0x3F80] =	sst s10  }
0x35: {  	s10 =	sld [smem:$0x3F7F];
	_ =	sdelay $0x3  }
0x36: {  	p1 =	seq.s32 s10, $0x1;
	s10 =	sld [smem:$0x3F80];
	_ =	sdelay $0x3  }
0x37: {  	[smem:$0x3F80] =	sst s10  }
0x38: {  	s10 =	sld [smem:$0x3F81]  }
0x39: {  	_ = 	snop;
	(pc) =	sbr.ind lr, $3  }
0x3a: {  	_ = 	snop  }
0x3b: {  	_ = 	snop  }
0x3c: {  	p2 =	seq.s32 s10, $0x1;
	s10 =	sld [smem:$0x3F80]  }
0x3d: {  	_ =	shalt  }
0x3e: {  	_ =	shalt  }
0x3f: {  	_ =	shalt  }
0x40: {  	_ =	shalt  }
0x41: {  	_ =	shalt  }
0x42: {  	_ =	shalt  }
0x43: {  	_ =	shalt  }
0x44: {  	_ =	shalt  }
0x45: {  	_ =	shalt  }
0x46: {  	_ =	shalt  }
0x47: {  	_ =	shalt  }
0x48: {  	_ =	shalt  }
0x49: {  	_ =	shalt  }
0x4a: {  	_ =	shalt  }
0x4b: {  	_ =	shalt  }
0x4c: {  	_ =	shalt  }
0x4d: {  	_ =	shalt  }
0x4e: {  	_ =	shalt  }
0x4f: {  	_ =	shalt  }
0x50: {  	_ =	shalt  }
0x51: {  	_ =	shalt  }
0x52: {  	_ =	shalt  }
0x53: {  	_ =	shalt  }
0x54: {  	_ =	shalt  }
0x55: {  	_ =	shalt  }
0x56: {  	_ =	shalt  }
0x57: {  	_ =	shalt  }
0x58: {  	_ =	shalt  }
0x59: {  	_ =	shalt  }
0x5a: {  	_ =	shalt  }
0x5b: {  	_ =	shalt  }
0x5c: {  	_ =	shalt  }
0x5d: {  	_ =	shalt  }
0x5e: {  	_ =	shalt  }
0x5f: {  	_ =	shalt  }
0x60: {  	_ =	shalt  }
0x61: {  	_ =	shalt  }
0x62: {  	_ =	shalt  }
0x63: {  	_ =	shalt  }
0x64: {  	_ =	shalt  }
0x65: {  	_ =	shalt  }
0x66: {  	_ =	shalt  }
0x67: {  	_ =	shalt  }
0x68: {  	_ =	shalt  }
0x69: {  	_ =	shalt  }
0x6a: {  	_ =	shalt  }
0x6b: {  	_ =	shalt  }
0x6c: {  	_ =	shalt  }
0x6d: {  	_ =	shalt  }
0x6e: {  	_ =	shalt  }
0x6f: {  	_ =	shalt  }
0x70: {  	_ =	shalt  }
0x71: {  	_ =	shalt  }
0x72: {  	_ =	shalt  }
0x73: {  	_ =	shalt  }
0x74: {  	_ =	shalt  }
0x75: {  	_ =	shalt  }
0x76: {  	_ =	shalt  }
0x77: {  	_ =	shalt  }
0x78: {  	_ =	shalt  }
0x79: {  	_ =	shalt  }
0x7a: {  	_ =	shalt  }
0x7b: {  	_ =	shalt  }
0x7c: {  	_ =	shalt  }
0x7d: {  	_ =	shalt  }
0x7e: {  	_ =	shalt  }
0x7f: {  	_ =	shalt  }
0x80: {  	_ =	shalt  }
0x81: {  	_ =	shalt  }
0x82: {  	_ =	shalt  }
0x83: {  	_ =	shalt  }
0x84: {  	_ =	shalt  }
0x85: {  	_ =	shalt  }
0x86: {  	_ =	shalt  }
0x87: {  	_ =	shalt  }
.Lfunc_end0:
.L_simem_size_0:
called_computation.3_lowered:
.L_overlay_start_0:
0x88: {  	s2 =	sld [smem:$0x3FD9]  }
0x89: {  	s3 =	sld [smem:$0x3FFE];
	_ =	sdelay $0x1  }
0x8a: {  	s1 =	srdreg.scid  }
0x8b: {  	s0 =	sand.u32 $0x1, s1  }
0x8c: {  	s17 =	sshll.u32 s0, $0xA;
	s2 =	sadd.s32 s3, s2  }
0x8d: {  	s2 =	sadd.s32 s2, s17  }
0x8e: {  	[smem:$0x3F8C] =	sst s2  }
0x8f: {  	_ = 	snop  }
0x90: {  	(tm) =	ssettm $0x1  }
0x91: {  	s18 =	sld [smem:$0x3FFB];
	_ =	sdelay $0x3  }
0x92: {  	_ =	strace s18  }
0x93: {  	s2 =	sld [smem:$0x3FFC];
	_ =	sdelay $0x3  }
0x94: {  	_ =	strace s2  }
0x95: {  	s2 =	sld [smem:$0x3FFD];
	_ =	sdelay $0x3  }
0x96: {  	_ =	strace s2  }
0x97: {  	_ =	strace $0x8FFFFFFF  }
0x98: {  	s19 =	sld [smem:$0x3FDB];
	_ =	sdelay $0x1  }
0x99: {  	s20 =	simm.s32 $_scs_section_size  }
0x9a: {  	s4 =	simm.s32 $_size__tile_overlayer_lowered;
	s5 =	simm.s32 $_tile_overlayer_lowered  }
0x9b: {  	s6 =	simm.s32 $0x1BFF;
	s21 =	sshll.u32 s5, $0x1;
	s3 =	sadd.s32 s20, s19  }
0x9c: {  	s22 =	simm.s32 $0x0;
	s4 =	sshll.u32 s4, $0x1;
	s5 =	sadd.s32 s21, s3  }
0x9d: {  	[timem:s22], [sflag:s6] =	dma.local [hbm:s5], s4  }
0x9e: {  	_ =	swait.ge [sflag:s6], s4  }
0x9f: {  	s4 =	ssub.s32 $0x0, s4;
	[sflag:s6] =	ssyncset.done $0x0  }
0xa0: {  	[sflag:s6] =	ssyncadd.s32 s4;
	_ =	sdelay $0x1  }
0xa1: {  	s23 =	simm.s32 $0x1B8B  }
0xa2: {  	_ =	swait.ge [sflag:s23], $0x1  }
0xa3: {  	[sflag:s23] =	ssyncset.done $0x0  }
0xa4: {  	[sflag:s23] =	ssyncadd.s32 $0xFFFFFFFF  }
0xa5: {  	s4 =	sld [smem:$0x0]  }
0xa6: {  	s5 =	sand.u32 $0xFFFFFFFE, s1  }
0xa7: {  	p0 =	sne.s32 s1, s5  }
0xa8: {  	s5 =	sshll.u32 @p0 s5, $0xE  }
0xa9: {  	s5 =	sadd.s32 @p0 $0x11B8D, s5;
	s6 =	sshll.u32 @p0 s4, $0x11  }
0xaa: {  	s5 =	sor.u32 @p0 s6, s5  }
0xab: {  	[sflag:s5] =	ssyncadd.remote.s32 @p0 $0x1;
	_ =	sdelay $0x1  }
0xac: {  	s5 =	simm.s32 @p0 $0x1B8D  }
0xad: {  	_ =	swait.eq @p0 [sflag:s5], $0x1  }
0xae: {  	[sflag:s5] =	ssyncadd.s32 @p0 $0xFFFFFFFF  }
0xaf: {  	s6 =	sshll.u32 @!p0 s1, $0xE  }
0xb0: {  	s6 =	sor.u32 @!p0 $0x4000, s6;
	s5 =	simm.s32 @!p0 $0x1B8D  }
0xb1: {  	s4 =	sshll.u32 @!p0 s4, $0x11;
	s6 =	sadd.s32 @!p0 $0x11B8D, s6;
	_ =	swait.eq @!p0 [sflag:s5], $0x1  }
0xb2: {  	s4 =	sor.u32 @!p0 s4, s6;
	[sflag:s5] =	ssyncadd.s32 @!p0 $0xFFFFFFFF  }
0xb3: {  	s25 =	simm.s32 $0x1B8E;
	s24 =	sld [smem:$0x3FFE];
	[sflag:s4] =	ssyncadd.remote.s32 @!p0 $0x1  }
0xb4: {  	s26 =	simm.s32 $execute0_lowered;
	[smem:$0x3FD2] =	sst s25  }
0xb5: {  	s5 =	sshll.u32 s26, $0x1;
	_ =	strace $0x8000004F;
	[dreg:$0x1] =	wrdreg $0xFFFFFFFF  }
0xb6: {  	s28 =	simm.s32 $_size_execute0_lowered;
	s3 =	sadd.s32 s3, s5;
	[dreg:$0x0] =	wrdreg $0x0  }
0xb7: {  	s5 =	sshll.u32 s28, $0x1;
	[dreg:$0x2] =	wrdreg s3  }
0xb8: {  	[dreg:$0x3] =	wrdreg s5  }
0xb9: {  	[dreg:$0x4] =	wrdreg $0xC0  }
0xba: {  	_ =	task [dreg:s22], $0x5FFFF  }
0xbb: {  	[dreg:$0x1] =	wrdreg $0xFFFFFFFF  }
0xbc: {  	[dreg:$0x0] =	wrdreg $0x60  }
0xbd: {  	[dreg:$0x2] =	wrdreg s24  }
0xbe: {  	[dreg:$0x3] =	wrdreg $0x81000  }
0xbf: {  	[dreg:$0x4] =	wrdreg $0xA  }
0xc0: {  	_ =	task.clear_ibuf [dreg:s22], $0x5FFFF;
	_ =	strace $0x9000004F  }
0xc1: {  	s29 =	simm.s32 $0xA;
	_ =	strace $0x80000051  }
0xc2: {  	_ =	swait.ge [sflag:s29], $0x1  }
0xc3: {  	[sflag:s29] =	ssyncadd.s32 $0xFFFFFFFF  }
0xc4: {  	_ =	strace $0x90000051  }
0xc5: {  	_ =	sfence  }
0xc6: {  	s30 =	sld [smem:$0x0];
	_ =	sdelay $0x2  }
0xc7: {  	s31 =	sshll.u32 s1, $0xD;
	s1 =	sshrl.u32 s1, $0x2  }
0xc8: {  	s4 =	sand.u32 $0x4000, s31;
	s1 =	sadd.s32 s1, s30  }
0xc9: {  	s0 =	sor.u32 s4, s0;
	s1 =	sshll.u32 s1, $0x11  }
0xca: {  	s0 =	sor.u32 s1, s0  }
0xcb: {  	s0 =	sadd.s32 $0x8F2B, s0  }
0xcc: {  	[sflag:s0] =	ssyncadd.remote.s32 $0x1  }
0xcd: {  	_ =	sfence.sel $0xFFFF  }
0xce: {  	[dreg:$0x0] =	wrdreg $0xFFFFFFFF;
	(pc) =	sbr.abs _section_cstart, $3  }
0xcf: {  	[dreg:$0x1] =	wrdreg $0xFFFFFFFF  }
0xd0: {  	_ =	task.clear_ibuf [dreg:s22], $0x2FFFF;
	_ =	strace $0x9FFFFFFF  }
0xd1: {  	(tm) =	ssettm $0x7FFFFFFF  }
tec
execute0_lowered:
.L_overlay_start_1:
0x0: {  	(tag) =	ssettag $0x1  }
0x1: {  	s6 =	rddreg [dreg:$0x0]  }
0x2: {  	s1 =	rddreg [dreg:$0x1]  }
0x3: {  	s0 =	rddreg [dreg:$0x2];
	s2 =	simm.s32 $0x0;
	s3 =	srdreg.scid  }
0x4: {  	s11 =	stileid.u32;
	s15 =	simm.s32 $0x80;
	s16 =	simm.s32 $0x4100  }
0x5: {  	s17 =	simm.s32 $0x3;
	s18 =	simm.s32 $0x2;
	s19 =	simm.s32 $0x0  }
0x6: {  	[smem:$0x7FF] =	sst s2;
	s7 =	sand.u32 $0x1, s3;
	s3 =	sadd.s32 $0x799A00, s6  }
0x7: {  	s4 =	sadd.s32 $0x51EA00, s6;
	s5 =	sadd.s32 $0x46800, s6;
	s8 =	smul.u32 $0x27100, s7  }
0x8: {  	s9 =	sshll.u32 s11, $0x1;
	p0 =	sne.s32 s11, $0x0;
	s30 =	ssub.s32 $0x2, s7  }
0x9: {  	_ =	strace $0x80000050;
	s31 =	sshrl.u32 s30, $0x1;
	s10 =	sadd.s32 s8, s6  }
0xa: {  	s6 =	sor.u32 s7, s9;
	s14 =	ssub.s32 s30, s31;
	s9 =	ssub.s32 $0x4E1, s9  }
0xb: {  	s12 =	sshll.u32 s6, $0x4;
	s13 =	sshll.u32 s6, $0xB;
	s10 =	sadd.s32 $0xBBC00, s10  }
0xc: {  	s11 =	smax.u32 s14, $0x1;
	s14 =	simm.s32 $0x1;
	s7 =	sadd.s32 s4, s12  }
0xd: {  	s8 =	sadd.s32 s3, s13;
	s12 =	sshrl.u32 @!p0 s1, $0x3;
	s13 =	simm.s32 $0x100  }
.LBB2_1:
0xe: {  	s20 =	simm.s32 @!p0 $0x1C03  }
0xf: {  	[spmem:s12], [sflag:s20] =	dma.local @!p0 [hbm:s5], $0x27180  }
0x10: {  	s20 =	simm.s32 @!p0 $0x3  }
0x11: {  	_ =	swait.ge @!p0 [sflag:s20], $0x27180  }
0x12: {  	[sflag:s20] =	ssyncset.done @!p0 $0x0  }
0x13: {  	[sflag:s20] =	ssyncadd.s32 @!p0 $0xFFFD8E80  }
0x14: {  	[bflag:$0x0] =	sbarrier.arrive $0xFFFF  }
0x15: {  	[tilespmem:s2], [sflag:$0x1] =	stream.linear.gather [hbm4b:s7+s2], $0x80, $0x38;
	[tilespmem:$0x1B9C0] =	vst v63  }
0x16: {  	_ = 	snop  }
0x17: {  	[tilespmem:s13], [sflag:$0x1] =	stream.linear.gather [hbm4b:s8+s2], $0x4000, $0x38;
	[tilespmem:$0x1B9C0] =	vst v63  }
0x18: {  	_ =	swait.ge [sflag:s14], $0x80  }
0x19: {  	[sflag:s14] =	ssyncset.done $0x0  }
0x1a: {  	[sflag:s14] =	ssyncadd.s32 $0xFFFFFF80  }
0x1b: {  	_ =	swait.ge [sflag:s14], $0x4000  }
0x1c: {  	p1 =	sge.u32 s9, $0x0;
	[sflag:s14] =	ssyncset.done $0x0  }
0x1d: {  	v0 =	vimm.s32 @!p1 $0x2710;
	[sflag:s14] =	ssyncadd.s32 $0xFFFFC000  }
0x1e: {  	[tilespmem:$0x70] =	vst @!p1 v0  }
0x1f: {  	[tilespmem:$0x60] =	vst @!p1 v0  }
0x20: {  	s31 =	sadd.s32 $0x0, s6;
	[tilespmem:$0x50] =	vst @!p1 v0  }
0x21: {  	s21 =	sadd.s32 $0x20, s31;
	[tilespmem:$0x40] =	vst @!p1 v0  }
0x22: {  	p2 =	slt.s32 s21, $0x4E1;
	s22 =	smov.u32 s21;
	[tilespmem:$0x30] =	vst @!p1 v0  }
0x23: {  	s22 =	simm.s32 @!p2 $0x4E1;
	[tilespmem:$0x20] =	vst @!p1 v0  }
0x24: {  	s23 =	sshll.u32 s22, $0x4;
	[tilespmem:$0x0] =	vst @!p1 v0  }
0x25: {  	s22 =	sshll.u32 s22, $0xB;
	s23 =	sadd.s32 s4, s23;
	[tilespmem:$0x10] =	vst @!p1 v0  }
0x26: {  	[tilespmem:s15], [sflag:$0x2] =	stream.linear.gather [hbm4b:s23+s2], $0x80, $0x38;
	[tilespmem:$0x1B9C0] =	vst v63  }
0x27: {  	s22 =	sadd.s32 s3, s22  }
0x28: {  	[tilespmem:s16], [sflag:$0x2] =	stream.linear.gather [hbm4b:s22+s2], $0x4000, $0x38;
	[tilespmem:$0x1B9C0] =	vst v63  }
0x29: {  	_ = 	snop  }
0x2a: {  	[spmem:s1] =	stream.indirect.scatter.add.f32 [tilespmem:s13], [sflag:$0x3], $0x80, s2, s15, $0xb8;
	[tilespmem:$0x1B9C0] =	vst v63  }
0x2b: {  	_ =	swait.ge [sflag:s17], $0x4000  }
0x2c: {  	[sflag:s17] =	ssyncset.done $0x0  }
0x2d: {  	[sflag:s17] =	ssyncadd.s32 $0xFFFFC000  }
0x2e: {  	_ =	swait.ge [sflag:s18], $0x80  }
0x2f: {  	[sflag:s18] =	ssyncset.done $0x0  }
0x30: {  	[sflag:s18] =	ssyncadd.s32 $0xFFFFFF80  }
0x31: {  	s23 =	sadd.s32 $0x40, s31;
	_ =	swait.ge [sflag:s18], $0x4000  }
0x32: {  	p2 =	slt.u32 s21, $0x4E2;
	p1 =	slt.s32 s23, $0x4E1;
	[sflag:s18] =	ssyncset.done $0x0  }
0x33: {  	v0 =	vimm.s32 @!p2 $0x2710;
	s23 =	simm.s32 @!p1 $0x4E1;
	[sflag:s18] =	ssyncadd.s32 $0xFFFFC000  }
0x34: {  	s20 =	simm.s32 $0x40;
	s22 =	sshll.u32 s23, $0x4;
	s21 =	sshll.u32 s23, $0xB;
	[tilespmem:$0x80] =	vst @!p2 v0  }
.LBB2_2:
0x35: {  	[tilespmem:$0xF0] =	vst @!p2 v0;
	s23 =	smov.u32 s20;
	s20 =	sadd.s32 $0x40, s20  }
0x36: {  	p1 =	sne.s32 s20, $0x500;
	[tilespmem:$0xE0] =	vst @!p2 v0  }
0x37: {  	[tilespmem:$0xC0] =	vst @!p2 v0  }
0x38: {  	[tilespmem:$0x90] =	vst @!p2 v0  }
0x39: {  	[tilespmem:$0xD0] =	vst @!p2 v0  }
0x3a: {  	s22 =	sadd.s32 s4, s22;
	[tilespmem:$0xA0] =	vst @!p2 v0  }
0x3b: {  	s21 =	sadd.s32 s3, s21;
	[tilespmem:$0xB0] =	vst @!p2 v0  }
0x3c: {  	[tilespmem:s2], [sflag:$0x1] =	stream.linear.gather [hbm4b:s22+s2], $0x80, $0x38;
	[tilespmem:$0x1B9C0] =	vst v63  }
0x3d: {  	_ = 	snop  }
0x3e: {  	[tilespmem:s13], [sflag:$0x1] =	stream.linear.gather [hbm4b:s21+s2], $0x4000, $0x38;
	[tilespmem:$0x1B9C0] =	vst v63  }
0x3f: {  	_ = 	snop  }
0x40: {  	[spmem:s1] =	stream.indirect.scatter.add.f32 [tilespmem:s16], [sflag:$0x3], $0x80, s15, s15, $0xb8;
	[tilespmem:$0x1B9C0] =	vst v63  }
0x41: {  	_ =	swait.ge [sflag:s17], $0x4000  }
0x42: {  	[sflag:s17] =	ssyncset.done $0x0  }
0x43: {  	[sflag:s17] =	ssyncadd.s32 $0xFFFFC000  }
0x44: {  	_ =	swait.ge [sflag:s14], $0x80  }
0x45: {  	[sflag:s14] =	ssyncset.done $0x0  }
0x46: {  	[sflag:s14] =	ssyncadd.s32 $0xFFFFFF80  }
0x47: {  	_ =	swait.ge [sflag:s14], $0x4000  }
0x48: {  	p2 =	sle.u32 s23, s9;
	[sflag:s14] =	ssyncset.done $0x0  }
0x49: {  	v0 =	vimm.s32 @!p2 $0x2710;
	[sflag:s14] =	ssyncadd.s32 $0xFFFFC000  }
0x4a: {  	[tilespmem:$0x70] =	vst @!p2 v0  }
0x4b: {  	[tilespmem:$0x60] =	vst @!p2 v0  }
0x4c: {  	s21 =	sadd.s32 s23, s6;
	[tilespmem:$0x50] =	vst @!p2 v0  }
0x4d: {  	s23 =	sadd.s32 $0x20, s21;
	s21 =	sadd.s32 $0x40, s21;
	[tilespmem:$0x40] =	vst @!p2 v0  }
0x4e: {  	p3 =	slt.s32 s23, $0x4E1;
	p4 =	slt.s32 s21, $0x4E1;
	s22 =	smov.u32 s23;
	[tilespmem:$0x30] =	vst @!p2 v0  }
0x4f: {  	s22 =	simm.s32 @!p3 $0x4E1;
	s21 =	simm.s32 @!p4 $0x4E1;
	[tilespmem:$0x20] =	vst @!p2 v0  }
0x50: {  	s24 =	sshll.u32 s22, $0x4;
	s25 =	sshll.u32 s22, $0xB;
	s22 =	sshll.u32 s21, $0x4;
	[tilespmem:$0x0] =	vst @!p2 v0  }
0x51: {  	s21 =	sshll.u32 s21, $0xB;
	s24 =	sadd.s32 s4, s24;
	[tilespmem:$0x10] =	vst @!p2 v0  }
0x52: {  	[tilespmem:s15], [sflag:$0x2] =	stream.linear.gather [hbm4b:s24+s2], $0x80, $0x38;
	[tilespmem:$0x1B9C0] =	vst v63  }
0x53: {  	s24 =	sadd.s32 s3, s25  }
0x54: {  	[tilespmem:s16], [sflag:$0x2] =	stream.linear.gather [hbm4b:s24+s2], $0x4000, $0x38;
	[tilespmem:$0x1B9C0] =	vst v63  }
0x55: {  	_ = 	snop  }
0x56: {  	[spmem:s1] =	stream.indirect.scatter.add.f32 [tilespmem:s13], [sflag:$0x3], $0x80, s2, s15, $0xb8;
	[tilespmem:$0x1B9C0] =	vst v63  }
0x57: {  	_ =	swait.ge [sflag:s17], $0x4000  }
0x58: {  	[sflag:s17] =	ssyncset.done $0x0  }
0x59: {  	[sflag:s17] =	ssyncadd.s32 $0xFFFFC000  }
0x5a: {  	_ =	swait.ge [sflag:s18], $0x80  }
0x5b: {  	[sflag:s18] =	ssyncset.done $0x0  }
.Ltmp0:
0x5c: {  	[sflag:s18] =	ssyncadd.s32 $0xFFFFFF80;
	(pc) =	sbr.rel @p1 .LBB2_2-.Ltmp0, $4  }
0x5d: {  	_ =	swait.ge [sflag:s18], $0x4000  }
0x5e: {  	p2 =	slt.u32 s23, $0x4E2;
	[sflag:s18] =	ssyncset.done $0x0  }
0x5f: {  	v0 =	vimm.s32 @!p2 $0x2710;
	[sflag:s18] =	ssyncadd.s32 $0xFFFFC000  }
0x60: {  	[tilespmem:$0x80] =	vst @!p2 v0  }
0x61: {  	[tilespmem:$0xF0] =	vst @!p2 v0  }
0x62: {  	[tilespmem:$0xE0] =	vst @!p2 v0  }
0x63: {  	[tilespmem:$0xC0] =	vst @!p2 v0  }
0x64: {  	[tilespmem:$0x90] =	vst @!p2 v0  }
0x65: {  	[tilespmem:$0xD0] =	vst @!p2 v0  }
0x66: {  	[tilespmem:$0xA0] =	vst @!p2 v0  }
0x67: {  	s20 =	sadd.s32 s4, s22;
	[tilespmem:$0xB0] =	vst @!p2 v0  }
0x68: {  	[tilespmem:s2], [sflag:$0x1] =	stream.linear.gather [hbm4b:s20+s2], $0x80, $0x38;
	[tilespmem:$0x1B9C0] =	vst v63  }
0x69: {  	s31 =	sadd.s32 s3, s21  }
0x6a: {  	[tilespmem:s13], [sflag:$0x1] =	stream.linear.gather [hbm4b:s31+s2], $0x4000, $0x38;
	[tilespmem:$0x1B9C0] =	vst v63  }
0x6b: {  	_ = 	snop  }
0x6c: {  	[spmem:s1] =	stream.indirect.scatter.add.f32 [tilespmem:s16], [sflag:$0x3], $0x80, s15, s15, $0xb8;
	[tilespmem:$0x1B9C0] =	vst v63  }
0x6d: {  	_ =	swait.ge [sflag:s17], $0x4000  }
0x6e: {  	[sflag:s17] =	ssyncset.done $0x0  }
0x6f: {  	[sflag:s17] =	ssyncadd.s32 $0xFFFFC000  }
0x70: {  	_ =	swait.ge [sflag:s14], $0x80  }
0x71: {  	[sflag:s14] =	ssyncset.done $0x0  }
0x72: {  	[sflag:s14] =	ssyncadd.s32 $0xFFFFFF80  }
0x73: {  	_ =	swait.ge [sflag:s14], $0x4000  }
0x74: {  	[sflag:s14] =	ssyncset.done $0x0  }
0x75: {  	s19 =	sadd.s32 $0x1, s19;
	[sflag:s14] =	ssyncadd.s32 $0xFFFFC000  }
0x76: {  	s20 =	simm.s32 @!p0 $0x1C03;
	p1 =	sne.s32 s19, s11;
	[bflag:$0x0] =	sbarrier.arrive $0xFFFF  }
0x77: {  	[hbm:s10], [sflag:s20] =	dma.local @!p0 [spmem:s12], $0x27100  }
.Ltmp1:
0x78: {  	_ = 	snop;
	(pc) =	sbr.rel @p1 .LBB2_1-.Ltmp1, $4  }
0x79: {  	s20 =	simm.s32 @!p0 $0x3  }
0x7a: {  	_ =	swait.ge @!p0 [sflag:s20], $0x27100  }
0x7b: {  	[sflag:s20] =	ssyncset.done @!p0 $0x0  }
0x7c: {  	[sflag:s20] =	ssyncadd.s32 @!p0 $0xFFFD8F00  }
0x7d: {  	_ =	sfence.sel $0x180000  }
0x7e: {  	[bflag:$0x0] =	sbarrier.arrive $0xFFFF  }
0x7f: {  	_ =	strace $0x90000050  }
0x80: {  	s0 =	sadd.s32 @!p0 $0x100000, s0;
	[bflag:$0x2] =	sbarrier.arrive $0xFFFF  }
0x81: {  	[sflag:s0] =	ssyncadd.tile.s32 @!p0 $0x1;
	_ =	shalt  }
.Lfunc_end2:
_tile_overlayer_lowered:
.L_overlay_start_2:
0x82: {  	(tag) =	ssettag $0x2  }
0x83: {  	s0 =	rddreg [dreg:$0x0];
	s2 =	stileid.u32  }
0x84: {  	s1 =	rddreg [dreg:$0x1];
	p0 =	sne.s32 s2, $0x0  }
0x85: {  	s3 =	rddreg [dreg:$0x2];
	[bflag:$0x3] =	sbarrier.arrive $0xFFFF;
	s2 =	simm.s32 @!p0 $0x1C03  }
0x86: {  	[timem:s3], [sflag:s2] =	dma.local @!p0 [hbm:s0], s1  }
0x87: {  	s0 =	simm.s32 @!p0 $0x3  }
0x88: {  	_ =	swait.ge @!p0 [sflag:s0], s1  }
0x89: {  	s1 =	ssub.s32 @!p0 $0x0, s1;
	[sflag:s0] =	ssyncset.done @!p0 $0x0  }
0x8a: {  	[sflag:s0] =	ssyncadd.s32 @!p0 s1  }
0x8b: {  	[bflag:$0x3] =	sbarrier.arrive $0xFFFF  }
0x8c: {  	_ =	shalt  }

// kernel: kernel.36.cloned.1.call-start
scs
__scs_entry_jumppad:
0x0: {  	(pc) =	sbr.rel $0x88, $3  }
0x1: {  	(tag) =	ssettag $0x0;
	lr =	simm.s32 $0x1  }
0x2: {  	[smem:$0x3F65] =	sst lr;
	_ =	strace $0xD0000000  }
0x3: {  	_ = 	snop  }
0x4: {  	_ = 	snop  }
0x5: {  	_ = 	snop  }
0x6: {  	_ = 	snop  }
0x7: {  	_ = 	snop  }
__scs_overlays_trampoline_lowered:
0x8: {  	[smem:$0x3F74] =	sst s0  }
0x9: {  	[smem:$0x3F75] =	sst s1  }
0xa: {  	[smem:$0x3F76] =	sst s2  }
0xb: {  	[smem:$0x3F77] =	sst s3  }
0xc: {  	[smem:$0x3F78] =	sst s4  }
0xd: {  	[smem:$0x3F79] =	sst s5  }
0xe: {  	[smem:$0x3F7A] =	sst s6  }
0xf: {  	[smem:$0x3F7B] =	sst s7  }
0x10: {  	[smem:$0x3F7C] =	sst s8  }
0x11: {  	[smem:$0x3F7D] =	sst s9;
	s0 =	simm.s32 @!p0 $0x0  }
0x12: {  	s1 =	sld [smem:$0x3F63];
	s0 =	simm.s32 @p0 $0x1  }
0x13: {  	[smem:$0x3F7E] =	sst s0;
	s0 =	simm.s32 @!p1 $0x0  }
0x14: {  	s2 =	sld [smem:$0x3F62];
	s0 =	simm.s32 @p1 $0x1  }
0x15: {  	[smem:$0x3F7F] =	sst s0;
	s0 =	simm.s32 @!p2 $0x0  }
0x16: {  	s3 =	sld [smem:$0x3FDB];
	s0 =	simm.s32 @p2 $0x1  }
0x17: {  	s4 =	simm.s32 $0x1BF5;
	[smem:$0x3F81] =	sst s0  }
0x18: {  	s0 =	sld [smem:$0x3F64];
	_ =	swait.ge [sflag:s4], $0x0  }
0x19: {  	s7 =	sld [smem:$0x3F65]  }
0x1a: {  	s8 =	sadd.s32 $0xFFFFE003, lr  }
0x1b: {  	s9 =	sadd.s32 $0xFFFFFEF7, lr;
	s5 =	simm.s32 $0xFFFFFFFF;
	p2 =	slt.u32 s8, $0xFFFFF086  }
0x1c: {  	p1 =	slt.u32 s9, $0xF7A;
	s5 =	simm.s32 @!p2 $0x0  }
0x1d: {  	s5 =	simm.s32 @p1 $0x1;
	p0 =	seq.s32 s7, s2  }
0x1e: {  	s7 =	smul.u32 @!p0 $0xF7A, s2;
	p2 =	seq.s32 @!p0 s5, $0x0  }
0x1f: {  	s9 =	smul.u32 $0xF7A, s1;
	s8 =	simm.s32 @!p0 $0x1BF5;
	p2 =	por !p2, p0  }
0x20: {  	[sflag:s8] =	ssyncset.s32 @!p0 $0xFFFFF086;
	s6 =	sadd.s32 @!p0 s3, s7;
	s7 =	simm.s32 @!p0 $0x108  }
0x21: {  	s3 =	sadd.s32 s3, s9;
	s6 =	sadd.s32 @!p0 $0x88, s6;
	s7 =	simm.s32 @p2 $0x1082  }
0x22: {  	[simem:s7], [sflag:s8] =	dma.local @!p0 [hbm:s6], $0xF7A  }
0x23: {  	s9 =	sor.u32 $0xD0000000, s2;
	s6 =	simm.s32 $0x108;
	_ =	swait.ge @!p0 [sflag:s8], $0x0  }
0x24: {  	s3 =	sadd.s32 $0x88, s3;
	s6 =	simm.s32 @!p1 $0x1082;
	[sflag:s4] =	ssyncset.s32 $0xFFFFF086  }
0x25: {  	[simem:s6], [sflag:s4] =	dma.local [hbm:s3], $0xF7A  }
0x26: {  	[smem:$0x3F65] =	sst s1;
	(tag) =	ssettag s2;
	_ =	strace s9  }
0x27: {  	s1 =	sld [smem:$0x3F75]  }
0x28: {  	s2 =	sld [smem:$0x3F76]  }
0x29: {  	s4 =	sld [smem:$0x3F78]  }
0x2a: {  	p0 =	seq.s32 s5, $0x0;
	s5 =	sld [smem:$0x3F79]  }
0x2b: {  	s6 =	sld [smem:$0x3F7A]  }
0x2c: {  	s7 =	sld [smem:$0x3F7B]  }
0x2d: {  	s3 =	simm.s32 $0x108;
	s8 =	sld [smem:$0x3F7C]  }
0x2e: {  	s3 =	simm.s32 @!p0 $0x1082;
	s9 =	sld [smem:$0x3F7D]  }
0x2f: {  	lr =	sadd.s32 s0, s3;
	s0 =	sld [smem:$0x3F74]  }
0x30: {  	s3 =	sld [smem:$0x3F77]  }
0x31: {  	[smem:$0x3F80] =	sst s10  }
0x32: {  	s10 =	sld [smem:$0x3F7E];
	_ =	sdelay $0x3  }
0x33: {  	p0 =	seq.s32 s10, $0x1;
	s10 =	sld [smem:$0x3F80];
	_ =	sdelay $0x3  }
0x34: {  	[smem:$0x3F80] =	sst s10  }
0x35: {  	s10 =	sld [smem:$0x3F7F];
	_ =	sdelay $0x3  }
0x36: {  	p1 =	seq.s32 s10, $0x1;
	s10 =	sld [smem:$0x3F80];
	_ =	sdelay $0x3  }
0x37: {  	[smem:$0x3F80] =	sst s10  }
0x38: {  	s10 =	sld [smem:$0x3F81]  }
0x39: {  	_ = 	snop;
	(pc) =	sbr.ind lr, $3  }
0x3a: {  	_ = 	snop  }
0x3b: {  	_ = 	snop  }
0x3c: {  	p2 =	seq.s32 s10, $0x1;
	s10 =	sld [smem:$0x3F80]  }
0x3d: {  	_ =	shalt  }
0x3e: {  	_ =	shalt  }
0x3f: {  	_ =	shalt  }
0x40: {  	_ =	shalt  }
0x41: {  	_ =	shalt  }
0x42: {  	_ =	shalt  }
0x43: {  	_ =	shalt  }
0x44: {  	_ =	shalt  }
0x45: {  	_ =	shalt  }
0x46: {  	_ =	shalt  }
0x47: {  	_ =	shalt  }
0x48: {  	_ =	shalt  }
0x49: {  	_ =	shalt  }
0x4a: {  	_ =	shalt  }
0x4b: {  	_ =	shalt  }
0x4c: {  	_ =	shalt  }
0x4d: {  	_ =	shalt  }
0x4e: {  	_ =	shalt  }
0x4f: {  	_ =	shalt  }
0x50: {  	_ =	shalt  }
0x51: {  	_ =	shalt  }
0x52: {  	_ =	shalt  }
0x53: {  	_ =	shalt  }
0x54: {  	_ =	shalt  }
0x55: {  	_ =	shalt  }
0x56: {  	_ =	shalt  }
0x57: {  	_ =	shalt  }
0x58: {  	_ =	shalt  }
0x59: {  	_ =	shalt  }
0x5a: {  	_ =	shalt  }
0x5b: {  	_ =	shalt  }
0x5c: {  	_ =	shalt  }
0x5d: {  	_ =	shalt  }
0x5e: {  	_ =	shalt  }
0x5f: {  	_ =	shalt  }
0x60: {  	_ =	shalt  }
0x61: {  	_ =	shalt  }
0x62: {  	_ =	shalt  }
0x63: {  	_ =	shalt  }
0x64: {  	_ =	shalt  }
0x65: {  	_ =	shalt  }
0x66: {  	_ =	shalt  }
0x67: {  	_ =	shalt  }
0x68: {  	_ =	shalt  }
0x69: {  	_ =	shalt  }
0x6a: {  	_ =	shalt  }
0x6b: {  	_ =	shalt  }
0x6c: {  	_ =	shalt  }
0x6d: {  	_ =	shalt  }
0x6e: {  	_ =	shalt  }
0x6f: {  	_ =	shalt  }
0x70: {  	_ =	shalt  }
0x71: {  	_ =	shalt  }
0x72: {  	_ =	shalt  }
0x73: {  	_ =	shalt  }
0x74: {  	_ =	shalt  }
0x75: {  	_ =	shalt  }
0x76: {  	_ =	shalt  }
0x77: {  	_ =	shalt  }
0x78: {  	_ =	shalt  }
0x79: {  	_ =	shalt  }
0x7a: {  	_ =	shalt  }
0x7b: {  	_ =	shalt  }
0x7c: {  	_ =	shalt  }
0x7d: {  	_ =	shalt  }
0x7e: {  	_ =	shalt  }
0x7f: {  	_ =	shalt  }
0x80: {  	_ =	shalt  }
0x81: {  	_ =	shalt  }
0x82: {  	_ =	shalt  }
0x83: {  	_ =	shalt  }
0x84: {  	_ =	shalt  }
0x85: {  	_ =	shalt  }
0x86: {  	_ =	shalt  }
0x87: {  	_ =	shalt  }
.Lfunc_end0:
.L_simem_size_0:
called_computation.4_lowered:
.L_overlay_start_0:
0x88: {  	s2 =	sld [smem:$0x3FD9]  }
0x89: {  	s3 =	sld [smem:$0x3FFE];
	_ =	sdelay $0x1  }
0x8a: {  	s1 =	srdreg.scid  }
0x8b: {  	s0 =	sand.u32 $0x1, s1  }
0x8c: {  	s16 =	sshll.u32 s0, $0xA;
	s2 =	sadd.s32 s3, s2  }
0x8d: {  	s2 =	sadd.s32 s2, s16  }
0x8e: {  	[smem:$0x3F8C] =	sst s2  }
0x8f: {  	_ = 	snop  }
0x90: {  	(tm) =	ssettm $0x1  }
0x91: {  	s17 =	sld [smem:$0x3FFB];
	_ =	sdelay $0x3  }
0x92: {  	_ =	strace s17  }
0x93: {  	s2 =	sld [smem:$0x3FFC];
	_ =	sdelay $0x3  }
0x94: {  	_ =	strace s2  }
0x95: {  	s2 =	sld [smem:$0x3FFD];
	_ =	sdelay $0x3  }
0x96: {  	_ =	strace s2  }
0x97: {  	_ =	strace $0x8FFFFFFF  }
0x98: {  	s18 =	sld [smem:$0x3FDB];
	_ =	sdelay $0x1  }
0x99: {  	s19 =	simm.s32 $_scs_section_size  }
0x9a: {  	s4 =	simm.s32 $_size__tile_overlayer_lowered;
	s5 =	simm.s32 $_tile_overlayer_lowered  }
0x9b: {  	s22 =	simm.s32 $0x1BFF;
	s21 =	sshll.u32 s5, $0x1;
	s2 =	sadd.s32 s19, s18  }
0x9c: {  	s6 =	simm.s32 $0x0;
	s20 =	sshll.u32 s4, $0x1;
	s4 =	sadd.s32 s21, s2  }
0x9d: {  	[timem:s6], [sflag:s22] =	dma.local [hbm:s4], s20  }
0x9e: {  	_ =	swait.ge [sflag:s22], s20  }
0x9f: {  	s3 =	ssub.s32 $0x0, s20;
	[sflag:s22] =	ssyncset.done $0x0  }
0xa0: {  	[sflag:s22] =	ssyncadd.s32 s3;
	_ =	sdelay $0x1  }
0xa1: {  	s23 =	simm.s32 $0x1B8B  }
0xa2: {  	_ =	swait.ge [sflag:s23], $0x1  }
0xa3: {  	[sflag:s23] =	ssyncset.done $0x0  }
0xa4: {  	s25 =	simm.s32 $0x1B8E;
	s24 =	sld [smem:$0x3FFE];
	[sflag:s23] =	ssyncadd.s32 $0xFFFFFFFF  }
0xa5: {  	s26 =	simm.s32 $execute0_lowered;
	[smem:$0x3FD2] =	sst s25  }
0xa6: {  	s4 =	sshll.u32 s26, $0x1;
	_ =	strace $0x80000052;
	[dreg:$0x1] =	wrdreg $0xFFFFFFFF  }
0xa7: {  	s28 =	simm.s32 $_size_execute0_lowered;
	s2 =	sadd.s32 s2, s4;
	[dreg:$0x0] =	wrdreg $0x0  }
0xa8: {  	s4 =	sshll.u32 s28, $0x1;
	[dreg:$0x2] =	wrdreg s2  }
0xa9: {  	[dreg:$0x3] =	wrdreg s4  }
0xaa: {  	[dreg:$0x4] =	wrdreg $0xC0  }
0xab: {  	_ =	task [dreg:s6], $0x5FFFF  }
0xac: {  	[dreg:$0x1] =	wrdreg $0xFFFFFFFF  }
0xad: {  	[dreg:$0x0] =	wrdreg $0x60  }
0xae: {  	[dreg:$0x2] =	wrdreg s24  }
0xaf: {  	[dreg:$0x3] =	wrdreg $0x9  }
0xb0: {  	_ =	task.clear_ibuf [dreg:s6], $0x4FFFF;
	_ =	strace $0x90000052  }
0xb1: {  	s29 =	simm.s32 $0x9;
	_ =	strace $0x80000054  }
0xb2: {  	_ =	swait.ge [sflag:s29], $0x1  }
0xb3: {  	[sflag:s29] =	ssyncadd.s32 $0xFFFFFFFF  }
0xb4: {  	_ =	strace $0x90000054  }
0xb5: {  	_ =	sfence  }
0xb6: {  	s30 =	sld [smem:$0x0];
	_ =	sdelay $0x2  }
0xb7: {  	s31 =	sshll.u32 s1, $0xD;
	s1 =	sshrl.u32 s1, $0x2  }
0xb8: {  	s3 =	sand.u32 $0x4000, s31;
	s1 =	sadd.s32 s1, s30  }
0xb9: {  	s0 =	sor.u32 s3, s0;
	s1 =	sshll.u32 s1, $0x11  }
0xba: {  	s0 =	sor.u32 s1, s0  }
0xbb: {  	s0 =	sadd.s32 $0x8F2B, s0  }
0xbc: {  	[sflag:s0] =	ssyncadd.remote.s32 $0x1  }
0xbd: {  	_ =	sfence.sel $0xFFFF  }
0xbe: {  	[dreg:$0x0] =	wrdreg $0xFFFFFFFF;
	(pc) =	sbr.abs _section_cstart, $3  }
0xbf: {  	[dreg:$0x1] =	wrdreg $0xFFFFFFFF  }
0xc0: {  	_ =	task.clear_ibuf [dreg:s6], $0x2FFFF;
	_ =	strace $0x9FFFFFFF  }
0xc1: {  	(tm) =	ssettm $0x7FFFFFFF  }
tec
execute0_lowered:
.L_overlay_start_1:
0x0: {  	(tag) =	ssettag $0x1  }
0x1: {  	s0 =	rddreg [dreg:$0x0]  }
0x2: {  	s1 =	simm.s32 $0x0;
	s2 =	srdreg.scid;
	s11 =	stileid.u32  }
0x3: {  	s14 =	simm.s32 $0x80;
	s15 =	simm.s32 $0x100;
	s16 =	simm.s32 $0x180  }
0x4: {  	s17 =	simm.s32 $0x1;
	s18 =	simm.s32 $0x200;
	s19 =	simm.s32 $0x4200  }
0x5: {  	s20 =	simm.s32 $0x3;
	s21 =	simm.s32 $0x2;
	s22 =	simm.s32 $0x8200  }
0x6: {  	s23 =	simm.s32 $0xC200;
	s28 =	simm.s32 $0x0;
	[smem:$0x7FF] =	sst s1  }
0x7: {  	s3 =	sadd.s32 $0x15800, s0;
	s4 =	sadd.s32 $0x10800, s0;
	s5 =	sadd.s32 $0xB800, s0  }
0x8: {  	s2 =	sand.u32 $0x1, s2;
	s7 =	sshll.u32 s11, $0x1;
	s6 =	sadd.s32 $0x6DA00, s0  }
0x9: {  	s8 =	sadd.s32 $0x528A00, s0;
	s26 =	sshll.u32 s11, $0xC;
	s9 =	ssub.s32 $0x2, s2  }
0xa: {  	s7 =	sor.u32 s2, s7;
	s29 =	sadd.s32 s26, s8;
	s2 =	sshll.u32 s2, $0xB  }
0xb: {  	_ =	strace $0x80000053;
	s10 =	sshll.u32 s7, $0x4;
	s30 =	sadd.s32 s2, s29  }
0xc: {  	s24 =	sshrl.u32 s9, $0x1;
	s25 =	sadd.s32 s4, s10;
	[dreg:$0x5] =	wrdreg s30  }
0xd: {  	s0 =	ssub.s32 s9, s24;
	s10 =	sadd.s32 s5, s10;
	[dreg:$0x2] =	wrdreg s25  }
0xe: {  	s31 =	sadd.s32 s26, s6;
	[dreg:$0x3] =	wrdreg s10;
	s0 =	smax.u32 s0, $0x1  }
0xf: {  	s26 =	simm.s32 $0x6;
	[dreg:$0x4] =	wrdreg s0;
	s0 =	sadd.s32 s2, s31  }
0x10: {  	s24 =	simm.s32 $0x4;
	s25 =	simm.s32 $0x5;
	[dreg:$0x6] =	wrdreg s0  }
.LBB2_1:
0x11: {  	s0 =	rddreg [dreg:$0x2];
	s11 =	sadd.s32 $0x0, s7  }
0x12: {  	[tilespmem:s1], [sflag:$0x1] =	stream.linear.gather [hbm4b:s0+s1], $0x80, $0x38;
	[tilespmem:$0x10200] =	vst v63  }
0x13: {  	s2 =	sadd.s32 $0x20, s11  }
0x14: {  	s10 =	rddreg [dreg:$0x3];
	p0 =	slt.s32 s2, $0x4E1  }
0x15: {  	[tilespmem:s14], [sflag:$0x1] =	stream.linear.gather [hbm4b:s10+s1], $0x80, $0x38;
	[tilespmem:$0x10200] =	vst v63  }
0x16: {  	s2 =	simm.s32 @!p0 $0x4E1  }
0x17: {  	s9 =	sshll.u32 s2, $0x4  }
0x18: {  	s10 =	sadd.s32 s4, s9  }
0x19: {  	[tilespmem:s15], [sflag:$0x2] =	stream.linear.gather [hbm4b:s10+s1], $0x80, $0x38;
	[tilespmem:$0x10200] =	vst v63  }
0x1a: {  	s9 =	sadd.s32 s5, s9  }
0x1b: {  	[tilespmem:s16], [sflag:$0x2] =	stream.linear.gather [hbm4b:s9+s1], $0x80, $0x38;
	[tilespmem:$0x10200] =	vst v63  }
0x1c: {  	_ =	swait.ge [sflag:s17], $0x80  }
0x1d: {  	[sflag:s17] =	ssyncset.done $0x0  }
0x1e: {  	[sflag:s17] =	ssyncadd.s32 $0xFFFFFF80  }
0x1f: {  	_ =	swait.ge [sflag:s17], $0x80  }
0x20: {  	p0 =	por $0x1, $0x1;
	[sflag:s17] =	ssyncset.done $0x0  }
0x21: {  	s9 =	simm.s32 @!p0 $0x5;
	[sflag:s17] =	ssyncadd.s32 $0xFFFFFF80  }
0x22: {  	_ =	swait.ge @!p0 [sflag:s9], $0x4000  }
0x23: {  	[sflag:s9] =	ssyncset.done @!p0 $0x0  }
0x24: {  	[sflag:s9] =	ssyncadd.s32 @!p0 $0xFFFFC000  }
0x25: {  	_ =	swait.ge @!p0 [sflag:s9], $0x4000  }
0x26: {  	[sflag:s9] =	ssyncset.done @!p0 $0x0  }
0x27: {  	[sflag:s9] =	ssyncadd.s32 @!p0 $0xFFFFC000  }
0x28: {  	[tilespmem:s18], [sflag:$0x3] =	stream.indirect.gather [hbm4b:s3+s14], $0x80, s1, s14, $0xb8;
	[tilespmem:$0x10200] =	vst v63  }
0x29: {  	_ = 	snop  }
0x2a: {  	[tilespmem:s19], [sflag:$0x3] =	stream.indirect.gather [hbm4b:s3+s14], $0x80, s14, s14, $0xb8;
	[tilespmem:$0x10200] =	vst v63  }
0x2b: {  	_ =	swait.ge [sflag:s20], $0x4000  }
0x2c: {  	[sflag:s20] =	ssyncset.done $0x0  }
0x2d: {  	[sflag:s20] =	ssyncadd.s32 $0xFFFFC000  }
0x2e: {  	s0 =	sadd.s32 $0x40, s11;
	_ =	swait.ge [sflag:s20], $0x4000  }
0x2f: {  	p1 =	slt.s32 s0, $0x4E1;
	[sflag:s20] =	ssyncset.done $0x0  }
0x30: {  	s0 =	simm.s32 @!p1 $0x4E1;
	s11 =	rddreg [dreg:$0x6];
	[sflag:s20] =	ssyncadd.s32 $0xFFFFC000  }
0x31: {  	[hbm4b:s11+s1] =	stream.linear.scatter [tilespmem:s18], [sflag:$0x5], $0x4000, $0x38;
	[tilespmem:$0x10200] =	vst v63  }
0x32: {  	s0 =	sshll.u32 s0, $0x4;
	s10 =	rddreg [dreg:$0x5]  }
0x33: {  	[hbm4b:s10+s1] =	stream.linear.scatter [tilespmem:s19], [sflag:$0x5], $0x4000, $0x38;
	[tilespmem:$0x10200] =	vst v63  }
0x34: {  	s12 =	sadd.s32 s4, s0  }
0x35: {  	[tilespmem:s1], [sflag:$0x1] =	stream.linear.gather [hbm4b:s12+s1], $0x80, $0x38;
	[tilespmem:$0x10200] =	vst v63  }
0x36: {  	s0 =	sadd.s32 s5, s0  }
0x37: {  	[tilespmem:s14], [sflag:$0x1] =	stream.linear.gather [hbm4b:s0+s1], $0x80, $0x38;
	[tilespmem:$0x10200] =	vst v63  }
0x38: {  	_ =	swait.ge [sflag:s21], $0x80  }
0x39: {  	[sflag:s21] =	ssyncset.done $0x0  }
0x3a: {  	[sflag:s21] =	ssyncadd.s32 $0xFFFFFF80  }
0x3b: {  	_ =	swait.ge [sflag:s21], $0x80  }
0x3c: {  	[sflag:s21] =	ssyncset.done $0x0  }
0x3d: {  	s0 =	simm.s32 @!p0 $0x6;
	[sflag:s21] =	ssyncadd.s32 $0xFFFFFF80  }
0x3e: {  	_ =	swait.ge @!p0 [sflag:s0], $0x4000  }
0x3f: {  	[sflag:s0] =	ssyncset.done @!p0 $0x0  }
0x40: {  	[sflag:s0] =	ssyncadd.s32 @!p0 $0xFFFFC000  }
0x41: {  	_ =	swait.ge @!p0 [sflag:s0], $0x4000  }
0x42: {  	[sflag:s0] =	ssyncset.done @!p0 $0x0  }
0x43: {  	[sflag:s0] =	ssyncadd.s32 @!p0 $0xFFFFC000  }
0x44: {  	[tilespmem:s22], [sflag:$0x4] =	stream.indirect.gather [hbm4b:s3+s14], $0x80, s15, s14, $0xb8;
	[tilespmem:$0x10200] =	vst v63  }
0x45: {  	s31 =	simm.s32 $0x40;
	s13 =	sadd.s32 $0x40, s7  }
0x46: {  	[tilespmem:s23], [sflag:$0x4] =	stream.indirect.gather [hbm4b:s3+s14], $0x80, s16, s14, $0xb8;
	[tilespmem:$0x10200] =	vst v63  }
0x47: {  	s9 =	sadd.s32 $0x40, s13;
	s29 =	sadd.s32 $0x20000, s11;
	_ =	swait.ge [sflag:s24], $0x4000  }
0x48: {  	s30 =	sadd.s32 $0x20000, s10;
	s10 =	sadd.s32 $0x20, s13;
	[sflag:s24] =	ssyncset.done $0x0  }
0x49: {  	p2 =	slt.s32 s10, $0x4E1;
	s0 =	sshll.u32 s2, $0xB;
	[sflag:s24] =	ssyncadd.s32 $0xFFFFC000  }
0x4a: {  	s2 =	simm.s32 $0x80;
	p0 =	slt.s32 s9, $0x4E1;
	_ =	swait.ge [sflag:s24], $0x4000  }
.LBB2_2:
0x4b: {  	s10 =	simm.s32 @!p2 $0x4E1  }
0x4c: {  	[sflag:s24] =	ssyncset.done $0x0;
	s11 =	sadd.s32 s6, s0;
	s12 =	smov.u32 s2  }
0x4d: {  	s13 =	sshll.u32 s10, $0x4;
	s10 =	sshll.u32 s10, $0xB;
	[sflag:s24] =	ssyncadd.s32 $0xFFFFC000  }
0x4e: {  	[hbm4b:s11+s1] =	stream.linear.scatter [tilespmem:s22], [sflag:$0x6], $0x4000, $0x38;
	[tilespmem:$0x10200] =	vst v63  }
0x4f: {  	s2 =	sadd.s32 $0x40, s2;
	s11 =	sadd.s32 s8, s0;
	s0 =	smov.u32 s10  }
0x50: {  	[hbm4b:s11+s1] =	stream.linear.scatter [tilespmem:s23], [sflag:$0x6], $0x4000, $0x38;
	[tilespmem:$0x10200] =	vst v63  }
0x51: {  	p1 =	sne.s32 s2, $0x500;
	s10 =	sadd.s32 s4, s13  }
0x52: {  	[tilespmem:s15], [sflag:$0x2] =	stream.linear.gather [hbm4b:s10+s1], $0x80, $0x38;
	[tilespmem:$0x10200] =	vst v63  }
0x53: {  	s10 =	sadd.s32 s5, s13  }
0x54: {  	[tilespmem:s16], [sflag:$0x2] =	stream.linear.gather [hbm4b:s10+s1], $0x80, $0x38;
	[tilespmem:$0x10200] =	vst v63  }
0x55: {  	_ =	swait.ge [sflag:s17], $0x80  }
0x56: {  	[sflag:s17] =	ssyncset.done $0x0  }
0x57: {  	[sflag:s17] =	ssyncadd.s32 $0xFFFFFF80  }
0x58: {  	_ =	swait.ge [sflag:s17], $0x80  }
0x59: {  	p2 =	seq.s32 s31, $0x0;
	s31 =	smov.u32 s12;
	[sflag:s17] =	ssyncset.done $0x0  }
0x5a: {  	s10 =	simm.s32 @!p2 $0x5;
	[sflag:s17] =	ssyncadd.s32 $0xFFFFFF80  }
0x5b: {  	_ =	swait.ge @!p2 [sflag:s10], $0x4000  }
0x5c: {  	[sflag:s10] =	ssyncset.done @!p2 $0x0  }
0x5d: {  	[sflag:s10] =	ssyncadd.s32 @!p2 $0xFFFFC000  }
0x5e: {  	_ =	swait.ge @!p2 [sflag:s10], $0x4000  }
0x5f: {  	[sflag:s10] =	ssyncset.done @!p2 $0x0  }
0x60: {  	[sflag:s10] =	ssyncadd.s32 @!p2 $0xFFFFC000  }
0x61: {  	[tilespmem:s18], [sflag:$0x3] =	stream.indirect.gather [hbm4b:s3+s14], $0x80, s1, s14, $0xb8;
	[tilespmem:$0x10200] =	vst v63  }
0x62: {  	_ = 	snop  }
0x63: {  	[tilespmem:s19], [sflag:$0x3] =	stream.indirect.gather [hbm4b:s3+s14], $0x80, s14, s14, $0xb8;
	[tilespmem:$0x10200] =	vst v63  }
0x64: {  	_ =	swait.ge [sflag:s20], $0x4000  }
0x65: {  	[sflag:s20] =	ssyncset.done $0x0  }
0x66: {  	[sflag:s20] =	ssyncadd.s32 $0xFFFFC000  }
0x67: {  	_ =	swait.ge [sflag:s20], $0x4000  }
0x68: {  	[sflag:s20] =	ssyncset.done $0x0  }
0x69: {  	[sflag:s20] =	ssyncadd.s32 $0xFFFFC000  }
0x6a: {  	[hbm4b:s29+s1] =	stream.linear.scatter [tilespmem:s18], [sflag:$0x5], $0x4000, $0x38;
	[tilespmem:$0x10200] =	vst v63  }
0x6b: {  	s9 =	simm.s32 @!p0 $0x4E1  }
0x6c: {  	[hbm4b:s30+s1] =	stream.linear.scatter [tilespmem:s19], [sflag:$0x5], $0x4000, $0x38;
	[tilespmem:$0x10200] =	vst v63  }
0x6d: {  	s9 =	sshll.u32 s9, $0x4  }
0x6e: {  	s10 =	sadd.s32 s4, s9  }
0x6f: {  	[tilespmem:s1], [sflag:$0x1] =	stream.linear.gather [hbm4b:s10+s1], $0x80, $0x38;
	[tilespmem:$0x10200] =	vst v63  }
0x70: {  	s9 =	sadd.s32 s5, s9  }
0x71: {  	[tilespmem:s14], [sflag:$0x1] =	stream.linear.gather [hbm4b:s9+s1], $0x80, $0x38;
	[tilespmem:$0x10200] =	vst v63  }
0x72: {  	_ =	swait.ge [sflag:s21], $0x80  }
0x73: {  	[sflag:s21] =	ssyncset.done $0x0  }
0x74: {  	[sflag:s21] =	ssyncadd.s32 $0xFFFFFF80  }
0x75: {  	_ =	swait.ge [sflag:s21], $0x80  }
0x76: {  	[sflag:s21] =	ssyncset.done $0x0  }
0x77: {  	s9 =	simm.s32 @!p2 $0x6;
	[sflag:s21] =	ssyncadd.s32 $0xFFFFFF80  }
0x78: {  	_ =	swait.ge @!p2 [sflag:s9], $0x4000  }
0x79: {  	[sflag:s9] =	ssyncset.done @!p2 $0x0  }
0x7a: {  	[sflag:s9] =	ssyncadd.s32 @!p2 $0xFFFFC000  }
0x7b: {  	_ =	swait.ge @!p2 [sflag:s9], $0x4000  }
0x7c: {  	[sflag:s9] =	ssyncset.done @!p2 $0x0  }
0x7d: {  	[sflag:s9] =	ssyncadd.s32 @!p2 $0xFFFFC000  }
0x7e: {  	[tilespmem:s22], [sflag:$0x4] =	stream.indirect.gather [hbm4b:s3+s14], $0x80, s15, s14, $0xb8;
	[tilespmem:$0x10200] =	vst v63  }
0x7f: {  	_ = 	snop  }
0x80: {  	[tilespmem:s23], [sflag:$0x4] =	stream.indirect.gather [hbm4b:s3+s14], $0x80, s16, s14, $0xb8;
	[tilespmem:$0x10200] =	vst v63  }
.Ltmp0:
0x81: {  	_ = 	snop;
	(pc) =	sbr.rel @p1 .LBB2_2-.Ltmp0, $4  }
0x82: {  	s29 =	sadd.s32 $0x20000, s29;
	_ =	swait.ge [sflag:s24], $0x4000  }
0x83: {  	s30 =	sadd.s32 $0x20000, s30;
	s9 =	sadd.s32 s31, s7;
	[sflag:s24] =	ssyncset.done $0x0  }
0x84: {  	s10 =	sadd.s32 $0x20, s9;
	s9 =	sadd.s32 $0x40, s9;
	[sflag:s24] =	ssyncadd.s32 $0xFFFFC000  }
0x85: {  	p2 =	slt.s32 s10, $0x4E1;
	p0 =	slt.s32 s9, $0x4E1;
	_ =	swait.ge [sflag:s24], $0x4000  }
0x86: {  	[sflag:s24] =	ssyncset.done $0x0  }
0x87: {  	s10 =	simm.s32 @!p2 $0x4E1;
	s2 =	sadd.s32 s6, s0;
	[sflag:s24] =	ssyncadd.s32 $0xFFFFC000  }
0x88: {  	[hbm4b:s2+s1] =	stream.linear.scatter [tilespmem:s22], [sflag:$0x6], $0x4000, $0x38;
	[tilespmem:$0x10200] =	vst v63  }
0x89: {  	s12 =	sadd.s32 s8, s0;
	s11 =	sshll.u32 s10, $0x4  }
0x8a: {  	[hbm4b:s12+s1] =	stream.linear.scatter [tilespmem:s23], [sflag:$0x6], $0x4000, $0x38;
	[tilespmem:$0x10200] =	vst v63  }
0x8b: {  	s13 =	sadd.s32 s4, s11  }
0x8c: {  	[tilespmem:s15], [sflag:$0x2] =	stream.linear.gather [hbm4b:s13+s1], $0x80, $0x38;
	[tilespmem:$0x10200] =	vst v63  }
0x8d: {  	s11 =	sadd.s32 s5, s11  }
0x8e: {  	[tilespmem:s16], [sflag:$0x2] =	stream.linear.gather [hbm4b:s11+s1], $0x80, $0x38;
	[tilespmem:$0x10200] =	vst v63  }
0x8f: {  	_ =	swait.ge [sflag:s17], $0x80  }
0x90: {  	[sflag:s17] =	ssyncset.done $0x0  }
0x91: {  	[sflag:s17] =	ssyncadd.s32 $0xFFFFFF80  }
0x92: {  	_ =	swait.ge [sflag:s17], $0x80  }
0x93: {  	p1 =	seq.s32 s31, $0x0;
	[sflag:s17] =	ssyncset.done $0x0  }
0x94: {  	s0 =	simm.s32 @!p1 $0x5;
	[sflag:s17] =	ssyncadd.s32 $0xFFFFFF80  }
0x95: {  	_ =	swait.ge @!p1 [sflag:s0], $0x4000  }
0x96: {  	[sflag:s0] =	ssyncset.done @!p1 $0x0  }
0x97: {  	[sflag:s0] =	ssyncadd.s32 @!p1 $0xFFFFC000  }
0x98: {  	_ =	swait.ge @!p1 [sflag:s0], $0x4000  }
0x99: {  	[sflag:s0] =	ssyncset.done @!p1 $0x0  }
0x9a: {  	[sflag:s0] =	ssyncadd.s32 @!p1 $0xFFFFC000  }
0x9b: {  	[tilespmem:s18], [sflag:$0x3] =	stream.indirect.gather [hbm4b:s3+s14], $0x80, s1, s14, $0xb8;
	[tilespmem:$0x10200] =	vst v63  }
0x9c: {  	_ = 	snop  }
0x9d: {  	[tilespmem:s19], [sflag:$0x3] =	stream.indirect.gather [hbm4b:s3+s14], $0x80, s14, s14, $0xb8;
	[tilespmem:$0x10200] =	vst v63  }
0x9e: {  	_ =	swait.ge [sflag:s20], $0x4000  }
0x9f: {  	[sflag:s20] =	ssyncset.done $0x0  }
0xa0: {  	[sflag:s20] =	ssyncadd.s32 $0xFFFFC000  }
0xa1: {  	_ =	swait.ge [sflag:s20], $0x4000  }
0xa2: {  	[sflag:s20] =	ssyncset.done $0x0  }
0xa3: {  	s9 =	simm.s32 @!p0 $0x4E1;
	[sflag:s20] =	ssyncadd.s32 $0xFFFFC000  }
0xa4: {  	[hbm4b:s29+s1] =	stream.linear.scatter [tilespmem:s18], [sflag:$0x5], $0x4000, $0x38;
	[tilespmem:$0x10200] =	vst v63  }
0xa5: {  	s12 =	sshll.u32 s9, $0x4  }
0xa6: {  	[hbm4b:s30+s1] =	stream.linear.scatter [tilespmem:s19], [sflag:$0x5], $0x4000, $0x38;
	[tilespmem:$0x10200] =	vst v63  }
0xa7: {  	s13 =	sadd.s32 s4, s12  }
0xa8: {  	[tilespmem:s1], [sflag:$0x1] =	stream.linear.gather [hbm4b:s13+s1], $0x80, $0x38;
	[tilespmem:$0x10200] =	vst v63  }
0xa9: {  	s0 =	sadd.s32 s5, s12  }
0xaa: {  	[tilespmem:s14], [sflag:$0x1] =	stream.linear.gather [hbm4b:s0+s1], $0x80, $0x38;
	[tilespmem:$0x10200] =	vst v63  }
0xab: {  	_ =	swait.ge [sflag:s21], $0x80  }
0xac: {  	[sflag:s21] =	ssyncset.done $0x0  }
0xad: {  	[sflag:s21] =	ssyncadd.s32 $0xFFFFFF80  }
0xae: {  	_ =	swait.ge [sflag:s21], $0x80  }
0xaf: {  	[sflag:s21] =	ssyncset.done $0x0  }
0xb0: {  	s0 =	simm.s32 @!p1 $0x6;
	[sflag:s21] =	ssyncadd.s32 $0xFFFFFF80  }
0xb1: {  	_ =	swait.ge @!p1 [sflag:s0], $0x4000  }
0xb2: {  	[sflag:s0] =	ssyncset.done @!p1 $0x0  }
0xb3: {  	[sflag:s0] =	ssyncadd.s32 @!p1 $0xFFFFC000  }
0xb4: {  	_ =	swait.ge @!p1 [sflag:s0], $0x4000  }
0xb5: {  	[sflag:s0] =	ssyncset.done @!p1 $0x0  }
0xb6: {  	[sflag:s0] =	ssyncadd.s32 @!p1 $0xFFFFC000  }
0xb7: {  	[tilespmem:s22], [sflag:$0x4] =	stream.indirect.gather [hbm4b:s3+s14], $0x80, s15, s14, $0xb8;
	[tilespmem:$0x10200] =	vst v63  }
0xb8: {  	_ = 	snop  }
0xb9: {  	[tilespmem:s23], [sflag:$0x4] =	stream.indirect.gather [hbm4b:s3+s14], $0x80, s16, s14, $0xb8;
	[tilespmem:$0x10200] =	vst v63  }
0xba: {  	_ =	swait.ge [sflag:s24], $0x4000  }
0xbb: {  	[sflag:s24] =	ssyncset.done $0x0  }
0xbc: {  	[sflag:s24] =	ssyncadd.s32 $0xFFFFC000  }
0xbd: {  	_ =	swait.ge [sflag:s24], $0x4000  }
0xbe: {  	s29 =	sshll.u32 s10, $0xB;
	[sflag:s24] =	ssyncset.done $0x0  }
0xbf: {  	s30 =	sadd.s32 s6, s29;
	[sflag:s24] =	ssyncadd.s32 $0xFFFFC000  }
0xc0: {  	[hbm4b:s30+s1] =	stream.linear.scatter [tilespmem:s22], [sflag:$0x6], $0x4000, $0x38;
	[tilespmem:$0x10200] =	vst v63  }
0xc1: {  	s0 =	sadd.s32 s8, s29  }
0xc2: {  	[hbm4b:s0+s1] =	stream.linear.scatter [tilespmem:s23], [sflag:$0x6], $0x4000, $0x38;
	[tilespmem:$0x10200] =	vst v63  }
0xc3: {  	_ =	swait.ge [sflag:s17], $0x80  }
0xc4: {  	[sflag:s17] =	ssyncset.done $0x0  }
0xc5: {  	[sflag:s17] =	ssyncadd.s32 $0xFFFFFF80  }
0xc6: {  	_ =	swait.ge [sflag:s17], $0x80  }
0xc7: {  	[sflag:s17] =	ssyncset.done $0x0  }
0xc8: {  	[sflag:s17] =	ssyncadd.s32 $0xFFFFFF80  }
0xc9: {  	_ =	swait.ge [sflag:s25], $0x4000  }
0xca: {  	[sflag:s25] =	ssyncset.done $0x0  }
0xcb: {  	[sflag:s25] =	ssyncadd.s32 $0xFFFFC000  }
0xcc: {  	_ =	swait.ge [sflag:s25], $0x4000  }
0xcd: {  	[sflag:s25] =	ssyncset.done $0x0  }
0xce: {  	[sflag:s25] =	ssyncadd.s32 $0xFFFFC000  }
0xcf: {  	_ =	swait.ge [sflag:s26], $0x4000  }
0xd0: {  	[sflag:s26] =	ssyncset.done $0x0  }
0xd1: {  	[sflag:s26] =	ssyncadd.s32 $0xFFFFC000  }
0xd2: {  	_ =	swait.ge [sflag:s26], $0x4000  }
0xd3: {  	s28 =	sadd.s32 $0x1, s28;
	s31 =	rddreg [dreg:$0x4]  }
0xd4: {  	p0 =	sne.s32 s28, s31  }
.Ltmp1:
0xd5: {  	_ = 	snop;
	(pc) =	sbr.rel @p0 .LBB2_1-.Ltmp1, $3  }
0xd6: {  	_ =	sdelay $0x1  }
0xd7: {  	[sflag:s26] =	ssyncset.done $0x0  }
0xd8: {  	[sflag:s26] =	ssyncadd.s32 $0xFFFFC000  }
0xd9: {  	_ =	sfence.sel $0x180000  }
0xda: {  	[bflag:$0x0] =	sbarrier.arrive $0xFFFF  }
0xdb: {  	_ =	strace $0x90000053  }
0xdc: {  	s0 =	stileid.u32;
	[bflag:$0x2] =	sbarrier.arrive $0xFFFF  }
0xdd: {  	p0 =	sne.s32 s0, $0x0;
	s0 =	rddreg [dreg:$0x1]  }
0xde: {  	s0 =	sadd.s32 @!p0 $0x100000, s0  }
0xdf: {  	[sflag:s0] =	ssyncadd.tile.s32 @!p0 $0x1;
	_ =	shalt  }
.Lfunc_end2:
_tile_overlayer_lowered:
.L_overlay_start_2:
0xe0: {  	(tag) =	ssettag $0x2  }
0xe1: {  	s0 =	rddreg [dreg:$0x0];
	s2 =	stileid.u32  }
0xe2: {  	s1 =	rddreg [dreg:$0x1];
	p0 =	sne.s32 s2, $0x0  }
0xe3: {  	s3 =	rddreg [dreg:$0x2];
	[bflag:$0x3] =	sbarrier.arrive $0xFFFF;
	s2 =	simm.s32 @!p0 $0x1C07  }
0xe4: {  	[timem:s3], [sflag:s2] =	dma.local @!p0 [hbm:s0], s1  }
0xe5: {  	s0 =	simm.s32 @!p0 $0x7  }
0xe6: {  	_ =	swait.ge @!p0 [sflag:s0], s1  }
0xe7: {  	s1 =	ssub.s32 @!p0 $0x0, s1;
	[sflag:s0] =	ssyncset.done @!p0 $0x0  }
0xe8: {  	[sflag:s0] =	ssyncadd.s32 @!p0 s1  }
0xe9: {  	[bflag:$0x3] =	sbarrier.arrive $0xFFFF  }
0xea: {  	_ =	shalt  }

// kernel: kernel.39.cloned.1.call-start
scs
__scs_entry_jumppad:
0x0: {  	(pc) =	sbr.rel $0x88, $3  }
0x1: {  	(tag) =	ssettag $0x0;
	lr =	simm.s32 $0x1  }
0x2: {  	[smem:$0x3F65] =	sst lr;
	_ =	strace $0xD0000000  }
0x3: {  	_ = 	snop  }
0x4: {  	_ = 	snop  }
0x5: {  	_ = 	snop  }
0x6: {  	_ = 	snop  }
0x7: {  	_ = 	snop  }
__scs_overlays_trampoline_lowered:
0x8: {  	[smem:$0x3F74] =	sst s0  }
0x9: {  	[smem:$0x3F75] =	sst s1  }
0xa: {  	[smem:$0x3F76] =	sst s2  }
0xb: {  	[smem:$0x3F77] =	sst s3  }
0xc: {  	[smem:$0x3F78] =	sst s4  }
0xd: {  	[smem:$0x3F79] =	sst s5  }
0xe: {  	[smem:$0x3F7A] =	sst s6  }
0xf: {  	[smem:$0x3F7B] =	sst s7  }
0x10: {  	[smem:$0x3F7C] =	sst s8  }
0x11: {  	[smem:$0x3F7D] =	sst s9;
	s0 =	simm.s32 @!p0 $0x0  }
0x12: {  	s1 =	sld [smem:$0x3F63];
	s0 =	simm.s32 @p0 $0x1  }
0x13: {  	[smem:$0x3F7E] =	sst s0;
	s0 =	simm.s32 @!p1 $0x0  }
0x14: {  	s2 =	sld [smem:$0x3F62];
	s0 =	simm.s32 @p1 $0x1  }
0x15: {  	[smem:$0x3F7F] =	sst s0;
	s0 =	simm.s32 @!p2 $0x0  }
0x16: {  	s3 =	sld [smem:$0x3FDB];
	s0 =	simm.s32 @p2 $0x1  }
0x17: {  	s4 =	simm.s32 $0x1BF5;
	[smem:$0x3F81] =	sst s0  }
0x18: {  	s0 =	sld [smem:$0x3F64];
	_ =	swait.ge [sflag:s4], $0x0  }
0x19: {  	s7 =	sld [smem:$0x3F65]  }
0x1a: {  	s8 =	sadd.s32 $0xFFFFE003, lr  }
0x1b: {  	s9 =	sadd.s32 $0xFFFFFEF7, lr;
	s5 =	simm.s32 $0xFFFFFFFF;
	p2 =	slt.u32 s8, $0xFFFFF086  }
0x1c: {  	p1 =	slt.u32 s9, $0xF7A;
	s5 =	simm.s32 @!p2 $0x0  }
0x1d: {  	s5 =	simm.s32 @p1 $0x1;
	p0 =	seq.s32 s7, s2  }
0x1e: {  	s7 =	smul.u32 @!p0 $0xF7A, s2;
	p2 =	seq.s32 @!p0 s5, $0x0  }
0x1f: {  	s9 =	smul.u32 $0xF7A, s1;
	s8 =	simm.s32 @!p0 $0x1BF5;
	p2 =	por !p2, p0  }
0x20: {  	[sflag:s8] =	ssyncset.s32 @!p0 $0xFFFFF086;
	s6 =	sadd.s32 @!p0 s3, s7;
	s7 =	simm.s32 @!p0 $0x108  }
0x21: {  	s3 =	sadd.s32 s3, s9;
	s6 =	sadd.s32 @!p0 $0x88, s6;
	s7 =	simm.s32 @p2 $0x1082  }
0x22: {  	[simem:s7], [sflag:s8] =	dma.local @!p0 [hbm:s6], $0xF7A  }
0x23: {  	s9 =	sor.u32 $0xD0000000, s2;
	s6 =	simm.s32 $0x108;
	_ =	swait.ge @!p0 [sflag:s8], $0x0  }
0x24: {  	s3 =	sadd.s32 $0x88, s3;
	s6 =	simm.s32 @!p1 $0x1082;
	[sflag:s4] =	ssyncset.s32 $0xFFFFF086  }
0x25: {  	[simem:s6], [sflag:s4] =	dma.local [hbm:s3], $0xF7A  }
0x26: {  	[smem:$0x3F65] =	sst s1;
	(tag) =	ssettag s2;
	_ =	strace s9  }
0x27: {  	s1 =	sld [smem:$0x3F75]  }
0x28: {  	s2 =	sld [smem:$0x3F76]  }
0x29: {  	s4 =	sld [smem:$0x3F78]  }
0x2a: {  	p0 =	seq.s32 s5, $0x0;
	s5 =	sld [smem:$0x3F79]  }
0x2b: {  	s6 =	sld [smem:$0x3F7A]  }
0x2c: {  	s7 =	sld [smem:$0x3F7B]  }
0x2d: {  	s3 =	simm.s32 $0x108;
	s8 =	sld [smem:$0x3F7C]  }
0x2e: {  	s3 =	simm.s32 @!p0 $0x1082;
	s9 =	sld [smem:$0x3F7D]  }
0x2f: {  	lr =	sadd.s32 s0, s3;
	s0 =	sld [smem:$0x3F74]  }
0x30: {  	s3 =	sld [smem:$0x3F77]  }
0x31: {  	[smem:$0x3F80] =	sst s10  }
0x32: {  	s10 =	sld [smem:$0x3F7E];
	_ =	sdelay $0x3  }
0x33: {  	p0 =	seq.s32 s10, $0x1;
	s10 =	sld [smem:$0x3F80];
	_ =	sdelay $0x3  }
0x34: {  	[smem:$0x3F80] =	sst s10  }
0x35: {  	s10 =	sld [smem:$0x3F7F];
	_ =	sdelay $0x3  }
0x36: {  	p1 =	seq.s32 s10, $0x1;
	s10 =	sld [smem:$0x3F80];
	_ =	sdelay $0x3  }
0x37: {  	[smem:$0x3F80] =	sst s10  }
0x38: {  	s10 =	sld [smem:$0x3F81]  }
0x39: {  	_ = 	snop;
	(pc) =	sbr.ind lr, $3  }
0x3a: {  	_ = 	snop  }
0x3b: {  	_ = 	snop  }
0x3c: {  	p2 =	seq.s32 s10, $0x1;
	s10 =	sld [smem:$0x3F80]  }
0x3d: {  	_ =	shalt  }
0x3e: {  	_ =	shalt  }
0x3f: {  	_ =	shalt  }
0x40: {  	_ =	shalt  }
0x41: {  	_ =	shalt  }
0x42: {  	_ =	shalt  }
0x43: {  	_ =	shalt  }
0x44: {  	_ =	shalt  }
0x45: {  	_ =	shalt  }
0x46: {  	_ =	shalt  }
0x47: {  	_ =	shalt  }
0x48: {  	_ =	shalt  }
0x49: {  	_ =	shalt  }
0x4a: {  	_ =	shalt  }
0x4b: {  	_ =	shalt  }
0x4c: {  	_ =	shalt  }
0x4d: {  	_ =	shalt  }
0x4e: {  	_ =	shalt  }
0x4f: {  	_ =	shalt  }
0x50: {  	_ =	shalt  }
0x51: {  	_ =	shalt  }
0x52: {  	_ =	shalt  }
0x53: {  	_ =	shalt  }
0x54: {  	_ =	shalt  }
0x55: {  	_ =	shalt  }
0x56: {  	_ =	shalt  }
0x57: {  	_ =	shalt  }
0x58: {  	_ =	shalt  }
0x59: {  	_ =	shalt  }
0x5a: {  	_ =	shalt  }
0x5b: {  	_ =	shalt  }
0x5c: {  	_ =	shalt  }
0x5d: {  	_ =	shalt  }
0x5e: {  	_ =	shalt  }
0x5f: {  	_ =	shalt  }
0x60: {  	_ =	shalt  }
0x61: {  	_ =	shalt  }
0x62: {  	_ =	shalt  }
0x63: {  	_ =	shalt  }
0x64: {  	_ =	shalt  }
0x65: {  	_ =	shalt  }
0x66: {  	_ =	shalt  }
0x67: {  	_ =	shalt  }
0x68: {  	_ =	shalt  }
0x69: {  	_ =	shalt  }
0x6a: {  	_ =	shalt  }
0x6b: {  	_ =	shalt  }
0x6c: {  	_ =	shalt  }
0x6d: {  	_ =	shalt  }
0x6e: {  	_ =	shalt  }
0x6f: {  	_ =	shalt  }
0x70: {  	_ =	shalt  }
0x71: {  	_ =	shalt  }
0x72: {  	_ =	shalt  }
0x73: {  	_ =	shalt  }
0x74: {  	_ =	shalt  }
0x75: {  	_ =	shalt  }
0x76: {  	_ =	shalt  }
0x77: {  	_ =	shalt  }
0x78: {  	_ =	shalt  }
0x79: {  	_ =	shalt  }
0x7a: {  	_ =	shalt  }
0x7b: {  	_ =	shalt  }
0x7c: {  	_ =	shalt  }
0x7d: {  	_ =	shalt  }
0x7e: {  	_ =	shalt  }
0x7f: {  	_ =	shalt  }
0x80: {  	_ =	shalt  }
0x81: {  	_ =	shalt  }
0x82: {  	_ =	shalt  }
0x83: {  	_ =	shalt  }
0x84: {  	_ =	shalt  }
0x85: {  	_ =	shalt  }
0x86: {  	_ =	shalt  }
0x87: {  	_ =	shalt  }
.Lfunc_end0:
.L_simem_size_0:
called_computation.5_lowered:
.L_overlay_start_0:
0x88: {  	s2 =	sld [smem:$0x3FD9]  }
0x89: {  	s3 =	sld [smem:$0x3FFE];
	_ =	sdelay $0x1  }
0x8a: {  	s1 =	srdreg.scid  }
0x8b: {  	s0 =	sand.u32 $0x1, s1  }
0x8c: {  	s17 =	sshll.u32 s0, $0xA;
	s2 =	sadd.s32 s3, s2  }
0x8d: {  	s2 =	sadd.s32 s2, s17  }
0x8e: {  	[smem:$0x3F8C] =	sst s2  }
0x8f: {  	_ = 	snop  }
0x90: {  	(tm) =	ssettm $0x1  }
0x91: {  	s18 =	sld [smem:$0x3FFB];
	_ =	sdelay $0x3  }
0x92: {  	_ =	strace s18  }
0x93: {  	s2 =	sld [smem:$0x3FFC];
	_ =	sdelay $0x3  }
0x94: {  	_ =	strace s2  }
0x95: {  	s2 =	sld [smem:$0x3FFD];
	_ =	sdelay $0x3  }
0x96: {  	_ =	strace s2  }
0x97: {  	_ =	strace $0x8FFFFFFF  }
0x98: {  	s19 =	sld [smem:$0x3FDB];
	_ =	sdelay $0x1  }
0x99: {  	s20 =	simm.s32 $_scs_section_size  }
0x9a: {  	s4 =	simm.s32 $_size__tile_overlayer_lowered;
	s5 =	simm.s32 $_tile_overlayer_lowered  }
0x9b: {  	s6 =	simm.s32 $0x1BFF;
	s21 =	sshll.u32 s5, $0x1;
	s3 =	sadd.s32 s20, s19  }
0x9c: {  	s22 =	simm.s32 $0x0;
	s4 =	sshll.u32 s4, $0x1;
	s5 =	sadd.s32 s21, s3  }
0x9d: {  	[timem:s22], [sflag:s6] =	dma.local [hbm:s5], s4  }
0x9e: {  	_ =	swait.ge [sflag:s6], s4  }
0x9f: {  	s4 =	ssub.s32 $0x0, s4;
	[sflag:s6] =	ssyncset.done $0x0  }
0xa0: {  	[sflag:s6] =	ssyncadd.s32 s4;
	_ =	sdelay $0x1  }
0xa1: {  	s23 =	simm.s32 $0x1B8B  }
0xa2: {  	_ =	swait.ge [sflag:s23], $0x1  }
0xa3: {  	[sflag:s23] =	ssyncset.done $0x0  }
0xa4: {  	[sflag:s23] =	ssyncadd.s32 $0xFFFFFFFF  }
0xa5: {  	s4 =	sld [smem:$0x0]  }
0xa6: {  	s5 =	sand.u32 $0xFFFFFFFE, s1  }
0xa7: {  	p0 =	sne.s32 s1, s5  }
0xa8: {  	s5 =	sshll.u32 @p0 s5, $0xE  }
0xa9: {  	s5 =	sadd.s32 @p0 $0x11B8D, s5;
	s6 =	sshll.u32 @p0 s4, $0x11  }
0xaa: {  	s5 =	sor.u32 @p0 s6, s5  }
0xab: {  	[sflag:s5] =	ssyncadd.remote.s32 @p0 $0x1;
	_ =	sdelay $0x1  }
0xac: {  	s5 =	simm.s32 @p0 $0x1B8D  }
0xad: {  	_ =	swait.eq @p0 [sflag:s5], $0x1  }
0xae: {  	[sflag:s5] =	ssyncadd.s32 @p0 $0xFFFFFFFF  }
0xaf: {  	s6 =	sshll.u32 @!p0 s1, $0xE  }
0xb0: {  	s6 =	sor.u32 @!p0 $0x4000, s6;
	s5 =	simm.s32 @!p0 $0x1B8D  }
0xb1: {  	s4 =	sshll.u32 @!p0 s4, $0x11;
	s6 =	sadd.s32 @!p0 $0x11B8D, s6;
	_ =	swait.eq @!p0 [sflag:s5], $0x1  }
0xb2: {  	s4 =	sor.u32 @!p0 s4, s6;
	[sflag:s5] =	ssyncadd.s32 @!p0 $0xFFFFFFFF  }
0xb3: {  	s25 =	simm.s32 $0x1B8E;
	s24 =	sld [smem:$0x3FFE];
	[sflag:s4] =	ssyncadd.remote.s32 @!p0 $0x1  }
0xb4: {  	s26 =	simm.s32 $execute0_lowered;
	[smem:$0x3FD2] =	sst s25  }
0xb5: {  	s5 =	sshll.u32 s26, $0x1;
	_ =	strace $0x80000055;
	[dreg:$0x1] =	wrdreg $0xFFFFFFFF  }
0xb6: {  	s28 =	simm.s32 $_size_execute0_lowered;
	s3 =	sadd.s32 s3, s5;
	[dreg:$0x0] =	wrdreg $0x0  }
0xb7: {  	s5 =	sshll.u32 s28, $0x1;
	[dreg:$0x2] =	wrdreg s3  }
0xb8: {  	[dreg:$0x3] =	wrdreg s5  }
0xb9: {  	[dreg:$0x4] =	wrdreg $0xC0  }
0xba: {  	_ =	task [dreg:s22], $0x5FFFF  }
0xbb: {  	[dreg:$0x1] =	wrdreg $0xFFFFFFFF  }
0xbc: {  	[dreg:$0x0] =	wrdreg $0x60  }
0xbd: {  	[dreg:$0x2] =	wrdreg s24  }
0xbe: {  	[dreg:$0x3] =	wrdreg $0xA  }
0xbf: {  	_ =	task.clear_ibuf [dreg:s22], $0x4FFFF;
	_ =	strace $0x90000055  }
0xc0: {  	s29 =	simm.s32 $0xA;
	_ =	strace $0x80000057  }
0xc1: {  	_ =	swait.ge [sflag:s29], $0x1  }
0xc2: {  	[sflag:s29] =	ssyncadd.s32 $0xFFFFFFFF  }
0xc3: {  	_ =	strace $0x90000057  }
0xc4: {  	_ =	sfence  }
0xc5: {  	s30 =	sld [smem:$0x0];
	_ =	sdelay $0x2  }
0xc6: {  	s31 =	sshll.u32 s1, $0xD;
	s1 =	sshrl.u32 s1, $0x2  }
0xc7: {  	s4 =	sand.u32 $0x4000, s31;
	s1 =	sadd.s32 s1, s30  }
0xc8: {  	s0 =	sor.u32 s4, s0;
	s1 =	sshll.u32 s1, $0x11  }
0xc9: {  	s0 =	sor.u32 s1, s0  }
0xca: {  	s0 =	sadd.s32 $0x8F2B, s0  }
0xcb: {  	[sflag:s0] =	ssyncadd.remote.s32 $0x1  }
0xcc: {  	_ =	sfence.sel $0xFFFF  }
0xcd: {  	[dreg:$0x0] =	wrdreg $0xFFFFFFFF;
	(pc) =	sbr.abs _section_cstart, $3  }
0xce: {  	[dreg:$0x1] =	wrdreg $0xFFFFFFFF  }
0xcf: {  	_ =	task.clear_ibuf [dreg:s22], $0x2FFFF;
	_ =	strace $0x9FFFFFFF  }
0xd0: {  	(tm) =	ssettm $0x7FFFFFFF  }
0xd1: {  	_ =	shalt  }
tec
execute0_lowered:
.L_overlay_start_1:
0x0: {  	(tag) =	ssettag $0x1  }
0x1: {  	s0 =	rddreg [dreg:$0x0]  }
0x2: {  	s1 =	simm.s32 $0x0;
	s2 =	srdreg.scid;
	s11 =	stileid.u32  }
0x3: {  	s14 =	simm.s32 $0x80;
	s15 =	simm.s32 $0x100;
	s16 =	simm.s32 $0x180  }
0x4: {  	s17 =	simm.s32 $0x1;
	s18 =	simm.s32 $0x200;
	s19 =	simm.s32 $0x4200  }
0x5: {  	s20 =	simm.s32 $0x3;
	s21 =	simm.s32 $0x2;
	s22 =	simm.s32 $0x8200  }
0x6: {  	s23 =	simm.s32 $0xC200;
	[smem:$0x7FF] =	sst s1;
	s3 =	sadd.s32 $0x15800, s0  }
0x7: {  	s28 =	simm.s32 $0x0;
	s4 =	sadd.s32 $0x51EA00, s0;
	s5 =	sadd.s32 $0x523A00, s0  }
0x8: {  	s2 =	sand.u32 $0x1, s2;
	s7 =	sshll.u32 s11, $0x1;
	s6 =	sadd.s32 $0x799A00, s0  }
0x9: {  	s8 =	sadd.s32 $0xA0AA00, s0;
	s26 =	sshll.u32 s11, $0xC;
	s9 =	ssub.s32 $0x2, s2  }
0xa: {  	s7 =	sor.u32 s2, s7;
	s29 =	sadd.s32 s26, s8;
	s2 =	sshll.u32 s2, $0xB  }
0xb: {  	_ =	strace $0x80000056;
	s10 =	sshll.u32 s7, $0x4;
	s30 =	sadd.s32 s2, s29  }
0xc: {  	s24 =	sshrl.u32 s9, $0x1;
	s25 =	sadd.s32 s4, s10;
	[dreg:$0x5] =	wrdreg s30  }
0xd: {  	s0 =	ssub.s32 s9, s24;
	s10 =	sadd.s32 s5, s10;
	[dreg:$0x2] =	wrdreg s25  }
0xe: {  	s31 =	sadd.s32 s26, s6;
	[dreg:$0x3] =	wrdreg s10;
	s0 =	smax.u32 s0, $0x1  }
0xf: {  	s26 =	simm.s32 $0x6;
	[dreg:$0x4] =	wrdreg s0;
	s0 =	sadd.s32 s2, s31  }
0x10: {  	s24 =	simm.s32 $0x4;
	s25 =	simm.s32 $0x5;
	[dreg:$0x6] =	wrdreg s0  }
.LBB2_1:
0x11: {  	s0 =	rddreg [dreg:$0x2];
	s11 =	sadd.s32 $0x0, s7  }
0x12: {  	[tilespmem:s1], [sflag:$0x1] =	stream.linear.gather [hbm4b:s0+s1], $0x80, $0x38;
	[tilespmem:$0x10200] =	vst v63  }
0x13: {  	s2 =	sadd.s32 $0x20, s11  }
0x14: {  	s10 =	rddreg [dreg:$0x3];
	p0 =	slt.s32 s2, $0x4E1  }
0x15: {  	[tilespmem:s14], [sflag:$0x1] =	stream.linear.gather [hbm4b:s10+s1], $0x80, $0x38;
	[tilespmem:$0x10200] =	vst v63  }
0x16: {  	s2 =	simm.s32 @!p0 $0x4E1  }
0x17: {  	s9 =	sshll.u32 s2, $0x4  }
0x18: {  	s10 =	sadd.s32 s4, s9  }
0x19: {  	[tilespmem:s15], [sflag:$0x2] =	stream.linear.gather [hbm4b:s10+s1], $0x80, $0x38;
	[tilespmem:$0x10200] =	vst v63  }
0x1a: {  	s9 =	sadd.s32 s5, s9  }
0x1b: {  	[tilespmem:s16], [sflag:$0x2] =	stream.linear.gather [hbm4b:s9+s1], $0x80, $0x38;
	[tilespmem:$0x10200] =	vst v63  }
0x1c: {  	_ =	swait.ge [sflag:s17], $0x80  }
0x1d: {  	[sflag:s17] =	ssyncset.done $0x0  }
0x1e: {  	[sflag:s17] =	ssyncadd.s32 $0xFFFFFF80  }
0x1f: {  	_ =	swait.ge [sflag:s17], $0x80  }
0x20: {  	p0 =	por $0x1, $0x1;
	[sflag:s17] =	ssyncset.done $0x0  }
0x21: {  	s9 =	simm.s32 @!p0 $0x5;
	[sflag:s17] =	ssyncadd.s32 $0xFFFFFF80  }
0x22: {  	_ =	swait.ge @!p0 [sflag:s9], $0x4000  }
0x23: {  	[sflag:s9] =	ssyncset.done @!p0 $0x0  }
0x24: {  	[sflag:s9] =	ssyncadd.s32 @!p0 $0xFFFFC000  }
0x25: {  	_ =	swait.ge @!p0 [sflag:s9], $0x4000  }
0x26: {  	[sflag:s9] =	ssyncset.done @!p0 $0x0  }
0x27: {  	[sflag:s9] =	ssyncadd.s32 @!p0 $0xFFFFC000  }
0x28: {  	[tilespmem:s18], [sflag:$0x3] =	stream.indirect.gather [hbm4b:s3+s14], $0x80, s1, s14, $0xb8;
	[tilespmem:$0x10200] =	vst v63  }
0x29: {  	_ = 	snop  }
0x2a: {  	[tilespmem:s19], [sflag:$0x3] =	stream.indirect.gather [hbm4b:s3+s14], $0x80, s14, s14, $0xb8;
	[tilespmem:$0x10200] =	vst v63  }
0x2b: {  	_ =	swait.ge [sflag:s20], $0x4000  }
0x2c: {  	[sflag:s20] =	ssyncset.done $0x0  }
0x2d: {  	[sflag:s20] =	ssyncadd.s32 $0xFFFFC000  }
0x2e: {  	s0 =	sadd.s32 $0x40, s11;
	_ =	swait.ge [sflag:s20], $0x4000  }
0x2f: {  	p1 =	slt.s32 s0, $0x4E1;
	[sflag:s20] =	ssyncset.done $0x0  }
0x30: {  	s0 =	simm.s32 @!p1 $0x4E1;
	s11 =	rddreg [dreg:$0x6];
	[sflag:s20] =	ssyncadd.s32 $0xFFFFC000  }
0x31: {  	[hbm4b:s11+s1] =	stream.linear.scatter [tilespmem:s18], [sflag:$0x5], $0x4000, $0x38;
	[tilespmem:$0x10200] =	vst v63  }
0x32: {  	s0 =	sshll.u32 s0, $0x4;
	s10 =	rddreg [dreg:$0x5]  }
0x33: {  	[hbm4b:s10+s1] =	stream.linear.scatter [tilespmem:s19], [sflag:$0x5], $0x4000, $0x38;
	[tilespmem:$0x10200] =	vst v63  }
0x34: {  	s12 =	sadd.s32 s4, s0  }
0x35: {  	[tilespmem:s1], [sflag:$0x1] =	stream.linear.gather [hbm4b:s12+s1], $0x80, $0x38;
	[tilespmem:$0x10200] =	vst v63  }
0x36: {  	s0 =	sadd.s32 s5, s0  }
0x37: {  	[tilespmem:s14], [sflag:$0x1] =	stream.linear.gather [hbm4b:s0+s1], $0x80, $0x38;
	[tilespmem:$0x10200] =	vst v63  }
0x38: {  	_ =	swait.ge [sflag:s21], $0x80  }
0x39: {  	[sflag:s21] =	ssyncset.done $0x0  }
0x3a: {  	[sflag:s21] =	ssyncadd.s32 $0xFFFFFF80  }
0x3b: {  	_ =	swait.ge [sflag:s21], $0x80  }
0x3c: {  	[sflag:s21] =	ssyncset.done $0x0  }
0x3d: {  	s0 =	simm.s32 @!p0 $0x6;
	[sflag:s21] =	ssyncadd.s32 $0xFFFFFF80  }
0x3e: {  	_ =	swait.ge @!p0 [sflag:s0], $0x4000  }
0x3f: {  	[sflag:s0] =	ssyncset.done @!p0 $0x0  }
0x40: {  	[sflag:s0] =	ssyncadd.s32 @!p0 $0xFFFFC000  }
0x41: {  	_ =	swait.ge @!p0 [sflag:s0], $0x4000  }
0x42: {  	[sflag:s0] =	ssyncset.done @!p0 $0x0  }
0x43: {  	[sflag:s0] =	ssyncadd.s32 @!p0 $0xFFFFC000  }
0x44: {  	[tilespmem:s22], [sflag:$0x4] =	stream.indirect.gather [hbm4b:s3+s14], $0x80, s15, s14, $0xb8;
	[tilespmem:$0x10200] =	vst v63  }
0x45: {  	s31 =	simm.s32 $0x40;
	s13 =	sadd.s32 $0x40, s7  }
0x46: {  	[tilespmem:s23], [sflag:$0x4] =	stream.indirect.gather [hbm4b:s3+s14], $0x80, s16, s14, $0xb8;
	[tilespmem:$0x10200] =	vst v63  }
0x47: {  	s9 =	sadd.s32 $0x40, s13;
	s29 =	sadd.s32 $0x20000, s11;
	_ =	swait.ge [sflag:s24], $0x4000  }
0x48: {  	s30 =	sadd.s32 $0x20000, s10;
	s10 =	sadd.s32 $0x20, s13;
	[sflag:s24] =	ssyncset.done $0x0  }
0x49: {  	p2 =	slt.s32 s10, $0x4E1;
	s0 =	sshll.u32 s2, $0xB;
	[sflag:s24] =	ssyncadd.s32 $0xFFFFC000  }
0x4a: {  	s2 =	simm.s32 $0x80;
	p0 =	slt.s32 s9, $0x4E1;
	_ =	swait.ge [sflag:s24], $0x4000  }
.LBB2_2:
0x4b: {  	s10 =	simm.s32 @!p2 $0x4E1  }
0x4c: {  	[sflag:s24] =	ssyncset.done $0x0;
	s11 =	sadd.s32 s6, s0;
	s12 =	smov.u32 s2  }
0x4d: {  	s13 =	sshll.u32 s10, $0x4;
	s10 =	sshll.u32 s10, $0xB;
	[sflag:s24] =	ssyncadd.s32 $0xFFFFC000  }
0x4e: {  	[hbm4b:s11+s1] =	stream.linear.scatter [tilespmem:s22], [sflag:$0x6], $0x4000, $0x38;
	[tilespmem:$0x10200] =	vst v63  }
0x4f: {  	s2 =	sadd.s32 $0x40, s2;
	s11 =	sadd.s32 s8, s0;
	s0 =	smov.u32 s10  }
0x50: {  	[hbm4b:s11+s1] =	stream.linear.scatter [tilespmem:s23], [sflag:$0x6], $0x4000, $0x38;
	[tilespmem:$0x10200] =	vst v63  }
0x51: {  	p1 =	sne.s32 s2, $0x500;
	s10 =	sadd.s32 s4, s13  }
0x52: {  	[tilespmem:s15], [sflag:$0x2] =	stream.linear.gather [hbm4b:s10+s1], $0x80, $0x38;
	[tilespmem:$0x10200] =	vst v63  }
0x53: {  	s10 =	sadd.s32 s5, s13  }
0x54: {  	[tilespmem:s16], [sflag:$0x2] =	stream.linear.gather [hbm4b:s10+s1], $0x80, $0x38;
	[tilespmem:$0x10200] =	vst v63  }
0x55: {  	_ =	swait.ge [sflag:s17], $0x80  }
0x56: {  	[sflag:s17] =	ssyncset.done $0x0  }
0x57: {  	[sflag:s17] =	ssyncadd.s32 $0xFFFFFF80  }
0x58: {  	_ =	swait.ge [sflag:s17], $0x80  }
0x59: {  	p2 =	seq.s32 s31, $0x0;
	s31 =	smov.u32 s12;
	[sflag:s17] =	ssyncset.done $0x0  }
0x5a: {  	s10 =	simm.s32 @!p2 $0x5;
	[sflag:s17] =	ssyncadd.s32 $0xFFFFFF80  }
0x5b: {  	_ =	swait.ge @!p2 [sflag:s10], $0x4000  }
0x5c: {  	[sflag:s10] =	ssyncset.done @!p2 $0x0  }
0x5d: {  	[sflag:s10] =	ssyncadd.s32 @!p2 $0xFFFFC000  }
0x5e: {  	_ =	swait.ge @!p2 [sflag:s10], $0x4000  }
0x5f: {  	[sflag:s10] =	ssyncset.done @!p2 $0x0  }
0x60: {  	[sflag:s10] =	ssyncadd.s32 @!p2 $0xFFFFC000  }
0x61: {  	[tilespmem:s18], [sflag:$0x3] =	stream.indirect.gather [hbm4b:s3+s14], $0x80, s1, s14, $0xb8;
	[tilespmem:$0x10200] =	vst v63  }
0x62: {  	_ = 	snop  }
0x63: {  	[tilespmem:s19], [sflag:$0x3] =	stream.indirect.gather [hbm4b:s3+s14], $0x80, s14, s14, $0xb8;
	[tilespmem:$0x10200] =	vst v63  }
0x64: {  	_ =	swait.ge [sflag:s20], $0x4000  }
0x65: {  	[sflag:s20] =	ssyncset.done $0x0  }
0x66: {  	[sflag:s20] =	ssyncadd.s32 $0xFFFFC000  }
0x67: {  	_ =	swait.ge [sflag:s20], $0x4000  }
0x68: {  	[sflag:s20] =	ssyncset.done $0x0  }
0x69: {  	[sflag:s20] =	ssyncadd.s32 $0xFFFFC000  }
0x6a: {  	[hbm4b:s29+s1] =	stream.linear.scatter [tilespmem:s18], [sflag:$0x5], $0x4000, $0x38;
	[tilespmem:$0x10200] =	vst v63  }
0x6b: {  	s9 =	simm.s32 @!p0 $0x4E1  }
0x6c: {  	[hbm4b:s30+s1] =	stream.linear.scatter [tilespmem:s19], [sflag:$0x5], $0x4000, $0x38;
	[tilespmem:$0x10200] =	vst v63  }
0x6d: {  	s9 =	sshll.u32 s9, $0x4  }
0x6e: {  	s10 =	sadd.s32 s4, s9  }
0x6f: {  	[tilespmem:s1], [sflag:$0x1] =	stream.linear.gather [hbm4b:s10+s1], $0x80, $0x38;
	[tilespmem:$0x10200] =	vst v63  }
0x70: {  	s9 =	sadd.s32 s5, s9  }
0x71: {  	[tilespmem:s14], [sflag:$0x1] =	stream.linear.gather [hbm4b:s9+s1], $0x80, $0x38;
	[tilespmem:$0x10200] =	vst v63  }
0x72: {  	_ =	swait.ge [sflag:s21], $0x80  }
0x73: {  	[sflag:s21] =	ssyncset.done $0x0  }
0x74: {  	[sflag:s21] =	ssyncadd.s32 $0xFFFFFF80  }
0x75: {  	_ =	swait.ge [sflag:s21], $0x80  }
0x76: {  	[sflag:s21] =	ssyncset.done $0x0  }
0x77: {  	s9 =	simm.s32 @!p2 $0x6;
	[sflag:s21] =	ssyncadd.s32 $0xFFFFFF80  }
0x78: {  	_ =	swait.ge @!p2 [sflag:s9], $0x4000  }
0x79: {  	[sflag:s9] =	ssyncset.done @!p2 $0x0  }
0x7a: {  	[sflag:s9] =	ssyncadd.s32 @!p2 $0xFFFFC000  }
0x7b: {  	_ =	swait.ge @!p2 [sflag:s9], $0x4000  }
0x7c: {  	[sflag:s9] =	ssyncset.done @!p2 $0x0  }
0x7d: {  	[sflag:s9] =	ssyncadd.s32 @!p2 $0xFFFFC000  }
0x7e: {  	[tilespmem:s22], [sflag:$0x4] =	stream.indirect.gather [hbm4b:s3+s14], $0x80, s15, s14, $0xb8;
	[tilespmem:$0x10200] =	vst v63  }
0x7f: {  	_ = 	snop  }
0x80: {  	[tilespmem:s23], [sflag:$0x4] =	stream.indirect.gather [hbm4b:s3+s14], $0x80, s16, s14, $0xb8;
	[tilespmem:$0x10200] =	vst v63  }
.Ltmp0:
0x81: {  	_ = 	snop;
	(pc) =	sbr.rel @p1 .LBB2_2-.Ltmp0, $4  }
0x82: {  	s29 =	sadd.s32 $0x20000, s29;
	_ =	swait.ge [sflag:s24], $0x4000  }
0x83: {  	s30 =	sadd.s32 $0x20000, s30;
	s9 =	sadd.s32 s31, s7;
	[sflag:s24] =	ssyncset.done $0x0  }
0x84: {  	s10 =	sadd.s32 $0x20, s9;
	s9 =	sadd.s32 $0x40, s9;
	[sflag:s24] =	ssyncadd.s32 $0xFFFFC000  }
0x85: {  	p2 =	slt.s32 s10, $0x4E1;
	p0 =	slt.s32 s9, $0x4E1;
	_ =	swait.ge [sflag:s24], $0x4000  }
0x86: {  	[sflag:s24] =	ssyncset.done $0x0  }
0x87: {  	s10 =	simm.s32 @!p2 $0x4E1;
	s2 =	sadd.s32 s6, s0;
	[sflag:s24] =	ssyncadd.s32 $0xFFFFC000  }
0x88: {  	[hbm4b:s2+s1] =	stream.linear.scatter [tilespmem:s22], [sflag:$0x6], $0x4000, $0x38;
	[tilespmem:$0x10200] =	vst v63  }
0x89: {  	s12 =	sadd.s32 s8, s0;
	s11 =	sshll.u32 s10, $0x4  }
0x8a: {  	[hbm4b:s12+s1] =	stream.linear.scatter [tilespmem:s23], [sflag:$0x6], $0x4000, $0x38;
	[tilespmem:$0x10200] =	vst v63  }
0x8b: {  	s13 =	sadd.s32 s4, s11  }
0x8c: {  	[tilespmem:s15], [sflag:$0x2] =	stream.linear.gather [hbm4b:s13+s1], $0x80, $0x38;
	[tilespmem:$0x10200] =	vst v63  }
0x8d: {  	s11 =	sadd.s32 s5, s11  }
0x8e: {  	[tilespmem:s16], [sflag:$0x2] =	stream.linear.gather [hbm4b:s11+s1], $0x80, $0x38;
	[tilespmem:$0x10200] =	vst v63  }
0x8f: {  	_ =	swait.ge [sflag:s17], $0x80  }
0x90: {  	[sflag:s17] =	ssyncset.done $0x0  }
0x91: {  	[sflag:s17] =	ssyncadd.s32 $0xFFFFFF80  }
0x92: {  	_ =	swait.ge [sflag:s17], $0x80  }
0x93: {  	p1 =	seq.s32 s31, $0x0;
	[sflag:s17] =	ssyncset.done $0x0  }
0x94: {  	s0 =	simm.s32 @!p1 $0x5;
	[sflag:s17] =	ssyncadd.s32 $0xFFFFFF80  }
0x95: {  	_ =	swait.ge @!p1 [sflag:s0], $0x4000  }
0x96: {  	[sflag:s0] =	ssyncset.done @!p1 $0x0  }
0x97: {  	[sflag:s0] =	ssyncadd.s32 @!p1 $0xFFFFC000  }
0x98: {  	_ =	swait.ge @!p1 [sflag:s0], $0x4000  }
0x99: {  	[sflag:s0] =	ssyncset.done @!p1 $0x0  }
0x9a: {  	[sflag:s0] =	ssyncadd.s32 @!p1 $0xFFFFC000  }
0x9b: {  	[tilespmem:s18], [sflag:$0x3] =	stream.indirect.gather [hbm4b:s3+s14], $0x80, s1, s14, $0xb8;
	[tilespmem:$0x10200] =	vst v63  }
0x9c: {  	_ = 	snop  }
0x9d: {  	[tilespmem:s19], [sflag:$0x3] =	stream.indirect.gather [hbm4b:s3+s14], $0x80, s14, s14, $0xb8;
	[tilespmem:$0x10200] =	vst v63  }
0x9e: {  	_ =	swait.ge [sflag:s20], $0x4000  }
0x9f: {  	[sflag:s20] =	ssyncset.done $0x0  }
0xa0: {  	[sflag:s20] =	ssyncadd.s32 $0xFFFFC000  }
0xa1: {  	_ =	swait.ge [sflag:s20], $0x4000  }
0xa2: {  	[sflag:s20] =	ssyncset.done $0x0  }
0xa3: {  	s9 =	simm.s32 @!p0 $0x4E1;
	[sflag:s20] =	ssyncadd.s32 $0xFFFFC000  }
0xa4: {  	[hbm4b:s29+s1] =	stream.linear.scatter [tilespmem:s18], [sflag:$0x5], $0x4000, $0x38;
	[tilespmem:$0x10200] =	vst v63  }
0xa5: {  	s12 =	sshll.u32 s9, $0x4  }
0xa6: {  	[hbm4b:s30+s1] =	stream.linear.scatter [tilespmem:s19], [sflag:$0x5], $0x4000, $0x38;
	[tilespmem:$0x10200] =	vst v63  }
0xa7: {  	s13 =	sadd.s32 s4, s12  }
0xa8: {  	[tilespmem:s1], [sflag:$0x1] =	stream.linear.gather [hbm4b:s13+s1], $0x80, $0x38;
	[tilespmem:$0x10200] =	vst v63  }
0xa9: {  	s0 =	sadd.s32 s5, s12  }
0xaa: {  	[tilespmem:s14], [sflag:$0x1] =	stream.linear.gather [hbm4b:s0+s1], $0x80, $0x38;
	[tilespmem:$0x10200] =	vst v63  }
0xab: {  	_ =	swait.ge [sflag:s21], $0x80  }
0xac: {  	[sflag:s21] =	ssyncset.done $0x0  }
0xad: {  	[sflag:s21] =	ssyncadd.s32 $0xFFFFFF80  }
0xae: {  	_ =	swait.ge [sflag:s21], $0x80  }
0xaf: {  	[sflag:s21] =	ssyncset.done $0x0  }
0xb0: {  	s0 =	simm.s32 @!p1 $0x6;
	[sflag:s21] =	ssyncadd.s32 $0xFFFFFF80  }
0xb1: {  	_ =	swait.ge @!p1 [sflag:s0], $0x4000  }
0xb2: {  	[sflag:s0] =	ssyncset.done @!p1 $0x0  }
0xb3: {  	[sflag:s0] =	ssyncadd.s32 @!p1 $0xFFFFC000  }
0xb4: {  	_ =	swait.ge @!p1 [sflag:s0], $0x4000  }
0xb5: {  	[sflag:s0] =	ssyncset.done @!p1 $0x0  }
0xb6: {  	[sflag:s0] =	ssyncadd.s32 @!p1 $0xFFFFC000  }
0xb7: {  	[tilespmem:s22], [sflag:$0x4] =	stream.indirect.gather [hbm4b:s3+s14], $0x80, s15, s14, $0xb8;
	[tilespmem:$0x10200] =	vst v63  }
0xb8: {  	_ = 	snop  }
0xb9: {  	[tilespmem:s23], [sflag:$0x4] =	stream.indirect.gather [hbm4b:s3+s14], $0x80, s16, s14, $0xb8;
	[tilespmem:$0x10200] =	vst v63  }
0xba: {  	_ =	swait.ge [sflag:s24], $0x4000  }
0xbb: {  	[sflag:s24] =	ssyncset.done $0x0  }
0xbc: {  	[sflag:s24] =	ssyncadd.s32 $0xFFFFC000  }
0xbd: {  	_ =	swait.ge [sflag:s24], $0x4000  }
0xbe: {  	s29 =	sshll.u32 s10, $0xB;
	[sflag:s24] =	ssyncset.done $0x0  }
0xbf: {  	s30 =	sadd.s32 s6, s29;
	[sflag:s24] =	ssyncadd.s32 $0xFFFFC000  }
0xc0: {  	[hbm4b:s30+s1] =	stream.linear.scatter [tilespmem:s22], [sflag:$0x6], $0x4000, $0x38;
	[tilespmem:$0x10200] =	vst v63  }
0xc1: {  	s0 =	sadd.s32 s8, s29  }
0xc2: {  	[hbm4b:s0+s1] =	stream.linear.scatter [tilespmem:s23], [sflag:$0x6], $0x4000, $0x38;
	[tilespmem:$0x10200] =	vst v63  }
0xc3: {  	_ =	swait.ge [sflag:s17], $0x80  }
0xc4: {  	[sflag:s17] =	ssyncset.done $0x0  }
0xc5: {  	[sflag:s17] =	ssyncadd.s32 $0xFFFFFF80  }
0xc6: {  	_ =	swait.ge [sflag:s17], $0x80  }
0xc7: {  	[sflag:s17] =	ssyncset.done $0x0  }
0xc8: {  	[sflag:s17] =	ssyncadd.s32 $0xFFFFFF80  }
0xc9: {  	_ =	swait.ge [sflag:s25], $0x4000  }
0xca: {  	[sflag:s25] =	ssyncset.done $0x0  }
0xcb: {  	[sflag:s25] =	ssyncadd.s32 $0xFFFFC000  }
0xcc: {  	_ =	swait.ge [sflag:s25], $0x4000  }
0xcd: {  	[sflag:s25] =	ssyncset.done $0x0  }
0xce: {  	[sflag:s25] =	ssyncadd.s32 $0xFFFFC000  }
0xcf: {  	_ =	swait.ge [sflag:s26], $0x4000  }
0xd0: {  	[sflag:s26] =	ssyncset.done $0x0  }
0xd1: {  	[sflag:s26] =	ssyncadd.s32 $0xFFFFC000  }
0xd2: {  	_ =	swait.ge [sflag:s26], $0x4000  }
0xd3: {  	s28 =	sadd.s32 $0x1, s28;
	s31 =	rddreg [dreg:$0x4]  }
0xd4: {  	p0 =	sne.s32 s28, s31  }
.Ltmp1:
0xd5: {  	_ = 	snop;
	(pc) =	sbr.rel @p0 .LBB2_1-.Ltmp1, $3  }
0xd6: {  	_ =	sdelay $0x1  }
0xd7: {  	[sflag:s26] =	ssyncset.done $0x0  }
0xd8: {  	[sflag:s26] =	ssyncadd.s32 $0xFFFFC000  }
0xd9: {  	_ =	sfence.sel $0x180000  }
0xda: {  	[bflag:$0x0] =	sbarrier.arrive $0xFFFF  }
0xdb: {  	_ =	strace $0x90000056  }
0xdc: {  	s0 =	stileid.u32;
	[bflag:$0x2] =	sbarrier.arrive $0xFFFF  }
0xdd: {  	p0 =	sne.s32 s0, $0x0;
	s0 =	rddreg [dreg:$0x1]  }
0xde: {  	s0 =	sadd.s32 @!p0 $0x100000, s0  }
0xdf: {  	[sflag:s0] =	ssyncadd.tile.s32 @!p0 $0x1;
	_ =	shalt  }
.Lfunc_end2:
_tile_overlayer_lowered:
.L_overlay_start_2:
0xe0: {  	(tag) =	ssettag $0x2  }
0xe1: {  	s0 =	rddreg [dreg:$0x0];
	s2 =	stileid.u32  }
0xe2: {  	s1 =	rddreg [dreg:$0x1];
	p0 =	sne.s32 s2, $0x0  }
0xe3: {  	s3 =	rddreg [dreg:$0x2];
	[bflag:$0x3] =	sbarrier.arrive $0xFFFF;
	s2 =	simm.s32 @!p0 $0x1C07  }
0xe4: {  	[timem:s3], [sflag:s2] =	dma.local @!p0 [hbm:s0], s1  }
0xe5: {  	s0 =	simm.s32 @!p0 $0x7  }
0xe6: {  	_ =	swait.ge @!p0 [sflag:s0], s1  }
0xe7: {  	s1 =	ssub.s32 @!p0 $0x0, s1;
	[sflag:s0] =	ssyncset.done @!p0 $0x0  }
0xe8: {  	[sflag:s0] =	ssyncadd.s32 @!p0 s1  }
0xe9: {  	[bflag:$0x3] =	sbarrier.arrive $0xFFFF  }
0xea: {  	_ =	shalt  }

// kernel: kernel.42.cloned.1.call-start
scs
__scs_entry_jumppad:
0x0: {  	(pc) =	sbr.rel $0x88, $3  }
0x1: {  	(tag) =	ssettag $0x0;
	lr =	simm.s32 $0x1  }
0x2: {  	[smem:$0x3F65] =	sst lr;
	_ =	strace $0xD0000000  }
0x3: {  	_ = 	snop  }
0x4: {  	_ = 	snop  }
0x5: {  	_ = 	snop  }
0x6: {  	_ = 	snop  }
0x7: {  	_ = 	snop  }
__scs_overlays_trampoline_lowered:
0x8: {  	[smem:$0x3F74] =	sst s0  }
0x9: {  	[smem:$0x3F75] =	sst s1  }
0xa: {  	[smem:$0x3F76] =	sst s2  }
0xb: {  	[smem:$0x3F77] =	sst s3  }
0xc: {  	[smem:$0x3F78] =	sst s4  }
0xd: {  	[smem:$0x3F79] =	sst s5  }
0xe: {  	[smem:$0x3F7A] =	sst s6  }
0xf: {  	[smem:$0x3F7B] =	sst s7  }
0x10: {  	[smem:$0x3F7C] =	sst s8  }
0x11: {  	[smem:$0x3F7D] =	sst s9;
	s0 =	simm.s32 @!p0 $0x0  }
0x12: {  	s1 =	sld [smem:$0x3F63];
	s0 =	simm.s32 @p0 $0x1  }
0x13: {  	[smem:$0x3F7E] =	sst s0;
	s0 =	simm.s32 @!p1 $0x0  }
0x14: {  	s2 =	sld [smem:$0x3F62];
	s0 =	simm.s32 @p1 $0x1  }
0x15: {  	[smem:$0x3F7F] =	sst s0;
	s0 =	simm.s32 @!p2 $0x0  }
0x16: {  	s3 =	sld [smem:$0x3FDB];
	s0 =	simm.s32 @p2 $0x1  }
0x17: {  	s4 =	simm.s32 $0x1BF5;
	[smem:$0x3F81] =	sst s0  }
0x18: {  	s0 =	sld [smem:$0x3F64];
	_ =	swait.ge [sflag:s4], $0x0  }
0x19: {  	s7 =	sld [smem:$0x3F65]  }
0x1a: {  	s8 =	sadd.s32 $0xFFFFE003, lr  }
0x1b: {  	s9 =	sadd.s32 $0xFFFFFEF7, lr;
	s5 =	simm.s32 $0xFFFFFFFF;
	p2 =	slt.u32 s8, $0xFFFFF086  }
0x1c: {  	p1 =	slt.u32 s9, $0xF7A;
	s5 =	simm.s32 @!p2 $0x0  }
0x1d: {  	s5 =	simm.s32 @p1 $0x1;
	p0 =	seq.s32 s7, s2  }
0x1e: {  	s7 =	smul.u32 @!p0 $0xF7A, s2;
	p2 =	seq.s32 @!p0 s5, $0x0  }
0x1f: {  	s9 =	smul.u32 $0xF7A, s1;
	s8 =	simm.s32 @!p0 $0x1BF5;
	p2 =	por !p2, p0  }
0x20: {  	[sflag:s8] =	ssyncset.s32 @!p0 $0xFFFFF086;
	s6 =	sadd.s32 @!p0 s3, s7;
	s7 =	simm.s32 @!p0 $0x108  }
0x21: {  	s3 =	sadd.s32 s3, s9;
	s6 =	sadd.s32 @!p0 $0x88, s6;
	s7 =	simm.s32 @p2 $0x1082  }
0x22: {  	[simem:s7], [sflag:s8] =	dma.local @!p0 [hbm:s6], $0xF7A  }
0x23: {  	s9 =	sor.u32 $0xD0000000, s2;
	s6 =	simm.s32 $0x108;
	_ =	swait.ge @!p0 [sflag:s8], $0x0  }
0x24: {  	s3 =	sadd.s32 $0x88, s3;
	s6 =	simm.s32 @!p1 $0x1082;
	[sflag:s4] =	ssyncset.s32 $0xFFFFF086  }
0x25: {  	[simem:s6], [sflag:s4] =	dma.local [hbm:s3], $0xF7A  }
0x26: {  	[smem:$0x3F65] =	sst s1;
	(tag) =	ssettag s2;
	_ =	strace s9  }
0x27: {  	s1 =	sld [smem:$0x3F75]  }
0x28: {  	s2 =	sld [smem:$0x3F76]  }
0x29: {  	s4 =	sld [smem:$0x3F78]  }
0x2a: {  	p0 =	seq.s32 s5, $0x0;
	s5 =	sld [smem:$0x3F79]  }
0x2b: {  	s6 =	sld [smem:$0x3F7A]  }
0x2c: {  	s7 =	sld [smem:$0x3F7B]  }
0x2d: {  	s3 =	simm.s32 $0x108;
	s8 =	sld [smem:$0x3F7C]  }
0x2e: {  	s3 =	simm.s32 @!p0 $0x1082;
	s9 =	sld [smem:$0x3F7D]  }
0x2f: {  	lr =	sadd.s32 s0, s3;
	s0 =	sld [smem:$0x3F74]  }
0x30: {  	s3 =	sld [smem:$0x3F77]  }
0x31: {  	[smem:$0x3F80] =	sst s10  }
0x32: {  	s10 =	sld [smem:$0x3F7E];
	_ =	sdelay $0x3  }
0x33: {  	p0 =	seq.s32 s10, $0x1;
	s10 =	sld [smem:$0x3F80];
	_ =	sdelay $0x3  }
0x34: {  	[smem:$0x3F80] =	sst s10  }
0x35: {  	s10 =	sld [smem:$0x3F7F];
	_ =	sdelay $0x3  }
0x36: {  	p1 =	seq.s32 s10, $0x1;
	s10 =	sld [smem:$0x3F80];
	_ =	sdelay $0x3  }
0x37: {  	[smem:$0x3F80] =	sst s10  }
0x38: {  	s10 =	sld [smem:$0x3F81]  }
0x39: {  	_ = 	snop;
	(pc) =	sbr.ind lr, $3  }
0x3a: {  	_ = 	snop  }
0x3b: {  	_ = 	snop  }
0x3c: {  	p2 =	seq.s32 s10, $0x1;
	s10 =	sld [smem:$0x3F80]  }
0x3d: {  	_ =	shalt  }
0x3e: {  	_ =	shalt  }
0x3f: {  	_ =	shalt  }
0x40: {  	_ =	shalt  }
0x41: {  	_ =	shalt  }
0x42: {  	_ =	shalt  }
0x43: {  	_ =	shalt  }
0x44: {  	_ =	shalt  }
0x45: {  	_ =	shalt  }
0x46: {  	_ =	shalt  }
0x47: {  	_ =	shalt  }
0x48: {  	_ =	shalt  }
0x49: {  	_ =	shalt  }
0x4a: {  	_ =	shalt  }
0x4b: {  	_ =	shalt  }
0x4c: {  	_ =	shalt  }
0x4d: {  	_ =	shalt  }
0x4e: {  	_ =	shalt  }
0x4f: {  	_ =	shalt  }
0x50: {  	_ =	shalt  }
0x51: {  	_ =	shalt  }
0x52: {  	_ =	shalt  }
0x53: {  	_ =	shalt  }
0x54: {  	_ =	shalt  }
0x55: {  	_ =	shalt  }
0x56: {  	_ =	shalt  }
0x57: {  	_ =	shalt  }
0x58: {  	_ =	shalt  }
0x59: {  	_ =	shalt  }
0x5a: {  	_ =	shalt  }
0x5b: {  	_ =	shalt  }
0x5c: {  	_ =	shalt  }
0x5d: {  	_ =	shalt  }
0x5e: {  	_ =	shalt  }
0x5f: {  	_ =	shalt  }
0x60: {  	_ =	shalt  }
0x61: {  	_ =	shalt  }
0x62: {  	_ =	shalt  }
0x63: {  	_ =	shalt  }
0x64: {  	_ =	shalt  }
0x65: {  	_ =	shalt  }
0x66: {  	_ =	shalt  }
0x67: {  	_ =	shalt  }
0x68: {  	_ =	shalt  }
0x69: {  	_ =	shalt  }
0x6a: {  	_ =	shalt  }
0x6b: {  	_ =	shalt  }
0x6c: {  	_ =	shalt  }
0x6d: {  	_ =	shalt  }
0x6e: {  	_ =	shalt  }
0x6f: {  	_ =	shalt  }
0x70: {  	_ =	shalt  }
0x71: {  	_ =	shalt  }
0x72: {  	_ =	shalt  }
0x73: {  	_ =	shalt  }
0x74: {  	_ =	shalt  }
0x75: {  	_ =	shalt  }
0x76: {  	_ =	shalt  }
0x77: {  	_ =	shalt  }
0x78: {  	_ =	shalt  }
0x79: {  	_ =	shalt  }
0x7a: {  	_ =	shalt  }
0x7b: {  	_ =	shalt  }
0x7c: {  	_ =	shalt  }
0x7d: {  	_ =	shalt  }
0x7e: {  	_ =	shalt  }
0x7f: {  	_ =	shalt  }
0x80: {  	_ =	shalt  }
0x81: {  	_ =	shalt  }
0x82: {  	_ =	shalt  }
0x83: {  	_ =	shalt  }
0x84: {  	_ =	shalt  }
0x85: {  	_ =	shalt  }
0x86: {  	_ =	shalt  }
0x87: {  	_ =	shalt  }
.Lfunc_end0:
.L_simem_size_0:
called_computation.6_lowered:
.L_overlay_start_0:
0x88: {  	s2 =	sld [smem:$0x3FD9]  }
0x89: {  	s3 =	sld [smem:$0x3FFE];
	_ =	sdelay $0x1  }
0x8a: {  	s1 =	srdreg.scid  }
0x8b: {  	s0 =	sand.u32 $0x1, s1  }
0x8c: {  	s16 =	sshll.u32 s0, $0xA;
	s2 =	sadd.s32 s3, s2  }
0x8d: {  	s2 =	sadd.s32 s2, s16  }
0x8e: {  	[smem:$0x3F8C] =	sst s2  }
0x8f: {  	_ = 	snop  }
0x90: {  	(tm) =	ssettm $0x1  }
0x91: {  	s17 =	sld [smem:$0x3FFB];
	_ =	sdelay $0x3  }
0x92: {  	_ =	strace s17  }
0x93: {  	s2 =	sld [smem:$0x3FFC];
	_ =	sdelay $0x3  }
0x94: {  	_ =	strace s2  }
0x95: {  	s2 =	sld [smem:$0x3FFD];
	_ =	sdelay $0x3  }
0x96: {  	_ =	strace s2  }
0x97: {  	_ =	strace $0x8FFFFFFF  }
0x98: {  	s18 =	sld [smem:$0x3FDB];
	_ =	sdelay $0x1  }
0x99: {  	s19 =	simm.s32 $_scs_section_size  }
0x9a: {  	s4 =	simm.s32 $_size__tile_overlayer_lowered;
	s5 =	simm.s32 $_tile_overlayer_lowered  }
0x9b: {  	s22 =	simm.s32 $0x1BFF;
	s21 =	sshll.u32 s5, $0x1;
	s2 =	sadd.s32 s19, s18  }
0x9c: {  	s6 =	simm.s32 $0x0;
	s20 =	sshll.u32 s4, $0x1;
	s4 =	sadd.s32 s21, s2  }
0x9d: {  	[timem:s6], [sflag:s22] =	dma.local [hbm:s4], s20  }
0x9e: {  	_ =	swait.ge [sflag:s22], s20  }
0x9f: {  	s3 =	ssub.s32 $0x0, s20;
	[sflag:s22] =	ssyncset.done $0x0  }
0xa0: {  	[sflag:s22] =	ssyncadd.s32 s3;
	_ =	sdelay $0x1  }
0xa1: {  	s23 =	simm.s32 $0x1B8B  }
0xa2: {  	_ =	swait.ge [sflag:s23], $0x1  }
0xa3: {  	[sflag:s23] =	ssyncset.done $0x0  }
0xa4: {  	s25 =	simm.s32 $0x1B8E;
	s24 =	sld [smem:$0x3FFE];
	[sflag:s23] =	ssyncadd.s32 $0xFFFFFFFF  }
0xa5: {  	s26 =	simm.s32 $execute0_lowered;
	[smem:$0x3FD2] =	sst s25  }
0xa6: {  	s4 =	sshll.u32 s26, $0x1;
	_ =	strace $0x80000058;
	[dreg:$0x1] =	wrdreg $0xFFFFFFFF  }
0xa7: {  	s28 =	simm.s32 $_size_execute0_lowered;
	s2 =	sadd.s32 s2, s4;
	[dreg:$0x0] =	wrdreg $0x0  }
0xa8: {  	s4 =	sshll.u32 s28, $0x1;
	[dreg:$0x2] =	wrdreg s2  }
0xa9: {  	[dreg:$0x3] =	wrdreg s4  }
0xaa: {  	[dreg:$0x4] =	wrdreg $0xC0  }
0xab: {  	_ =	task [dreg:s6], $0x5FFFF  }
0xac: {  	[dreg:$0x1] =	wrdreg $0xFFFFFFFF  }
0xad: {  	[dreg:$0x0] =	wrdreg $0x60  }
0xae: {  	[dreg:$0x2] =	wrdreg s24  }
0xaf: {  	[dreg:$0x3] =	wrdreg $0x81000  }
0xb0: {  	[dreg:$0x4] =	wrdreg $0x9  }
0xb1: {  	_ =	task.clear_ibuf [dreg:s6], $0x5FFFF;
	_ =	strace $0x90000058  }
0xb2: {  	s29 =	simm.s32 $0x9;
	_ =	strace $0x8000005A  }
0xb3: {  	_ =	swait.ge [sflag:s29], $0x1  }
0xb4: {  	[sflag:s29] =	ssyncadd.s32 $0xFFFFFFFF  }
0xb5: {  	_ =	strace $0x9000005A  }
0xb6: {  	_ =	sfence  }
0xb7: {  	s30 =	sld [smem:$0x0];
	_ =	sdelay $0x2  }
0xb8: {  	s31 =	sshll.u32 s1, $0xD;
	s1 =	sshrl.u32 s1, $0x2  }
0xb9: {  	s3 =	sand.u32 $0x4000, s31;
	s1 =	sadd.s32 s1, s30  }
0xba: {  	s0 =	sor.u32 s3, s0;
	s1 =	sshll.u32 s1, $0x11  }
0xbb: {  	s0 =	sor.u32 s1, s0  }
0xbc: {  	s0 =	sadd.s32 $0x8F2B, s0  }
0xbd: {  	[sflag:s0] =	ssyncadd.remote.s32 $0x1  }
0xbe: {  	_ =	sfence.sel $0xFFFF  }
0xbf: {  	[dreg:$0x0] =	wrdreg $0xFFFFFFFF;
	(pc) =	sbr.abs _section_cstart, $3  }
0xc0: {  	[dreg:$0x1] =	wrdreg $0xFFFFFFFF  }
0xc1: {  	_ =	task.clear_ibuf [dreg:s6], $0x2FFFF;
	_ =	strace $0x9FFFFFFF  }
0xc2: {  	(tm) =	ssettm $0x7FFFFFFF  }
0xc3: {  	_ =	shalt  }
tec
execute0_lowered:
.L_overlay_start_1:
0x0: {  	(tag) =	ssettag $0x1  }
0x1: {  	s6 =	rddreg [dreg:$0x0]  }
0x2: {  	s1 =	rddreg [dreg:$0x1]  }
0x3: {  	s0 =	rddreg [dreg:$0x2];
	s2 =	simm.s32 $0x0;
	s3 =	srdreg.scid  }
0x4: {  	s11 =	stileid.u32;
	s15 =	simm.s32 $0x80;
	s16 =	simm.s32 $0x4100  }
0x5: {  	s17 =	simm.s32 $0x3;
	s18 =	simm.s32 $0x2;
	s19 =	simm.s32 $0x0  }
0x6: {  	[smem:$0x7FF] =	sst s2;
	s7 =	sand.u32 $0x1, s3;
	s3 =	sadd.s32 $0x523A00, s6  }
0x7: {  	s4 =	sadd.s32 $0x10800, s6;
	s5 =	sadd.s32 $0x46800, s6;
	s8 =	smul.u32 $0x27100, s7  }
0x8: {  	s9 =	sshll.u32 s11, $0x1;
	p0 =	sne.s32 s11, $0x0;
	s30 =	ssub.s32 $0x2, s7  }
0x9: {  	_ =	strace $0x80000059;
	s31 =	sshrl.u32 s30, $0x1;
	s10 =	sadd.s32 s8, s6  }
0xa: {  	s6 =	sor.u32 s7, s9;
	s14 =	ssub.s32 s30, s31;
	s9 =	ssub.s32 $0x4E1, s9  }
0xb: {  	s12 =	sshll.u32 s6, $0x4;
	s13 =	sshll.u32 s6, $0xB;
	s10 =	sadd.s32 $0x6DA00, s10  }
0xc: {  	s11 =	smax.u32 s14, $0x1;
	s14 =	simm.s32 $0x1;
	s7 =	sadd.s32 s4, s12  }
0xd: {  	s8 =	sadd.s32 s3, s13;
	s12 =	sshrl.u32 @!p0 s1, $0x3;
	s13 =	simm.s32 $0x100  }
.LBB2_1:
0xe: {  	s20 =	simm.s32 @!p0 $0x1C03  }
0xf: {  	[spmem:s12], [sflag:s20] =	dma.local @!p0 [hbm:s5], $0x27180  }
0x10: {  	s20 =	simm.s32 @!p0 $0x3  }
0x11: {  	_ =	swait.ge @!p0 [sflag:s20], $0x27180  }
0x12: {  	[sflag:s20] =	ssyncset.done @!p0 $0x0  }
0x13: {  	[sflag:s20] =	ssyncadd.s32 @!p0 $0xFFFD8E80  }
0x14: {  	[bflag:$0x0] =	sbarrier.arrive $0xFFFF  }
0x15: {  	[tilespmem:s2], [sflag:$0x1] =	stream.linear.gather [hbm4b:s7+s2], $0x80, $0x38;
	[tilespmem:$0x1B9C0] =	vst v63  }
0x16: {  	_ = 	snop  }
0x17: {  	[tilespmem:s13], [sflag:$0x1] =	stream.linear.gather [hbm4b:s8+s2], $0x4000, $0x38;
	[tilespmem:$0x1B9C0] =	vst v63  }
0x18: {  	_ =	swait.ge [sflag:s14], $0x80  }
0x19: {  	[sflag:s14] =	ssyncset.done $0x0  }
0x1a: {  	[sflag:s14] =	ssyncadd.s32 $0xFFFFFF80  }
0x1b: {  	_ =	swait.ge [sflag:s14], $0x4000  }
0x1c: {  	p1 =	sge.u32 s9, $0x0;
	[sflag:s14] =	ssyncset.done $0x0  }
0x1d: {  	v0 =	vimm.s32 @!p1 $0x2710;
	[sflag:s14] =	ssyncadd.s32 $0xFFFFC000  }
0x1e: {  	[tilespmem:$0x70] =	vst @!p1 v0  }
0x1f: {  	[tilespmem:$0x60] =	vst @!p1 v0  }
0x20: {  	s31 =	sadd.s32 $0x0, s6;
	[tilespmem:$0x50] =	vst @!p1 v0  }
0x21: {  	s21 =	sadd.s32 $0x20, s31;
	[tilespmem:$0x40] =	vst @!p1 v0  }
0x22: {  	p2 =	slt.s32 s21, $0x4E1;
	s22 =	smov.u32 s21;
	[tilespmem:$0x30] =	vst @!p1 v0  }
0x23: {  	s22 =	simm.s32 @!p2 $0x4E1;
	[tilespmem:$0x20] =	vst @!p1 v0  }
0x24: {  	s23 =	sshll.u32 s22, $0x4;
	[tilespmem:$0x0] =	vst @!p1 v0  }
0x25: {  	s22 =	sshll.u32 s22, $0xB;
	s23 =	sadd.s32 s4, s23;
	[tilespmem:$0x10] =	vst @!p1 v0  }
0x26: {  	[tilespmem:s15], [sflag:$0x2] =	stream.linear.gather [hbm4b:s23+s2], $0x80, $0x38;
	[tilespmem:$0x1B9C0] =	vst v63  }
0x27: {  	s22 =	sadd.s32 s3, s22  }
0x28: {  	[tilespmem:s16], [sflag:$0x2] =	stream.linear.gather [hbm4b:s22+s2], $0x4000, $0x38;
	[tilespmem:$0x1B9C0] =	vst v63  }
0x29: {  	_ = 	snop  }
0x2a: {  	[spmem:s1] =	stream.indirect.scatter.add.f32 [tilespmem:s13], [sflag:$0x3], $0x80, s2, s15, $0xb8;
	[tilespmem:$0x1B9C0] =	vst v63  }
0x2b: {  	_ =	swait.ge [sflag:s17], $0x4000  }
0x2c: {  	[sflag:s17] =	ssyncset.done $0x0  }
0x2d: {  	[sflag:s17] =	ssyncadd.s32 $0xFFFFC000  }
0x2e: {  	_ =	swait.ge [sflag:s18], $0x80  }
0x2f: {  	[sflag:s18] =	ssyncset.done $0x0  }
0x30: {  	[sflag:s18] =	ssyncadd.s32 $0xFFFFFF80  }
0x31: {  	s23 =	sadd.s32 $0x40, s31;
	_ =	swait.ge [sflag:s18], $0x4000  }
0x32: {  	p2 =	slt.u32 s21, $0x4E2;
	p1 =	slt.s32 s23, $0x4E1;
	[sflag:s18] =	ssyncset.done $0x0  }
0x33: {  	v0 =	vimm.s32 @!p2 $0x2710;
	s23 =	simm.s32 @!p1 $0x4E1;
	[sflag:s18] =	ssyncadd.s32 $0xFFFFC000  }
0x34: {  	s20 =	simm.s32 $0x40;
	s22 =	sshll.u32 s23, $0x4;
	s21 =	sshll.u32 s23, $0xB;
	[tilespmem:$0x80] =	vst @!p2 v0  }
.LBB2_2:
0x35: {  	[tilespmem:$0xF0] =	vst @!p2 v0;
	s23 =	smov.u32 s20;
	s20 =	sadd.s32 $0x40, s20  }
0x36: {  	p1 =	sne.s32 s20, $0x500;
	[tilespmem:$0xE0] =	vst @!p2 v0  }
0x37: {  	[tilespmem:$0xC0] =	vst @!p2 v0  }
0x38: {  	[tilespmem:$0x90] =	vst @!p2 v0  }
0x39: {  	[tilespmem:$0xD0] =	vst @!p2 v0  }
0x3a: {  	s22 =	sadd.s32 s4, s22;
	[tilespmem:$0xA0] =	vst @!p2 v0  }
0x3b: {  	s21 =	sadd.s32 s3, s21;
	[tilespmem:$0xB0] =	vst @!p2 v0  }
0x3c: {  	[tilespmem:s2], [sflag:$0x1] =	stream.linear.gather [hbm4b:s22+s2], $0x80, $0x38;
	[tilespmem:$0x1B9C0] =	vst v63  }
0x3d: {  	_ = 	snop  }
0x3e: {  	[tilespmem:s13], [sflag:$0x1] =	stream.linear.gather [hbm4b:s21+s2], $0x4000, $0x38;
	[tilespmem:$0x1B9C0] =	vst v63  }
0x3f: {  	_ = 	snop  }
0x40: {  	[spmem:s1] =	stream.indirect.scatter.add.f32 [tilespmem:s16], [sflag:$0x3], $0x80, s15, s15, $0xb8;
	[tilespmem:$0x1B9C0] =	vst v63  }
0x41: {  	_ =	swait.ge [sflag:s17], $0x4000  }
0x42: {  	[sflag:s17] =	ssyncset.done $0x0  }
0x43: {  	[sflag:s17] =	ssyncadd.s32 $0xFFFFC000  }
0x44: {  	_ =	swait.ge [sflag:s14], $0x80  }
0x45: {  	[sflag:s14] =	ssyncset.done $0x0  }
0x46: {  	[sflag:s14] =	ssyncadd.s32 $0xFFFFFF80  }
0x47: {  	_ =	swait.ge [sflag:s14], $0x4000  }
0x48: {  	p2 =	sle.u32 s23, s9;
	[sflag:s14] =	ssyncset.done $0x0  }
0x49: {  	v0 =	vimm.s32 @!p2 $0x2710;
	[sflag:s14] =	ssyncadd.s32 $0xFFFFC000  }
0x4a: {  	[tilespmem:$0x70] =	vst @!p2 v0  }
0x4b: {  	[tilespmem:$0x60] =	vst @!p2 v0  }
0x4c: {  	s21 =	sadd.s32 s23, s6;
	[tilespmem:$0x50] =	vst @!p2 v0  }
0x4d: {  	s23 =	sadd.s32 $0x20, s21;
	s21 =	sadd.s32 $0x40, s21;
	[tilespmem:$0x40] =	vst @!p2 v0  }
0x4e: {  	p3 =	slt.s32 s23, $0x4E1;
	p4 =	slt.s32 s21, $0x4E1;
	s22 =	smov.u32 s23;
	[tilespmem:$0x30] =	vst @!p2 v0  }
0x4f: {  	s22 =	simm.s32 @!p3 $0x4E1;
	s21 =	simm.s32 @!p4 $0x4E1;
	[tilespmem:$0x20] =	vst @!p2 v0  }
0x50: {  	s24 =	sshll.u32 s22, $0x4;
	s25 =	sshll.u32 s22, $0xB;
	s22 =	sshll.u32 s21, $0x4;
	[tilespmem:$0x0] =	vst @!p2 v0  }
0x51: {  	s21 =	sshll.u32 s21, $0xB;
	s24 =	sadd.s32 s4, s24;
	[tilespmem:$0x10] =	vst @!p2 v0  }
0x52: {  	[tilespmem:s15], [sflag:$0x2] =	stream.linear.gather [hbm4b:s24+s2], $0x80, $0x38;
	[tilespmem:$0x1B9C0] =	vst v63  }
0x53: {  	s24 =	sadd.s32 s3, s25  }
0x54: {  	[tilespmem:s16], [sflag:$0x2] =	stream.linear.gather [hbm4b:s24+s2], $0x4000, $0x38;
	[tilespmem:$0x1B9C0] =	vst v63  }
0x55: {  	_ = 	snop  }
0x56: {  	[spmem:s1] =	stream.indirect.scatter.add.f32 [tilespmem:s13], [sflag:$0x3], $0x80, s2, s15, $0xb8;
	[tilespmem:$0x1B9C0] =	vst v63  }
0x57: {  	_ =	swait.ge [sflag:s17], $0x4000  }
0x58: {  	[sflag:s17] =	ssyncset.done $0x0  }
0x59: {  	[sflag:s17] =	ssyncadd.s32 $0xFFFFC000  }
0x5a: {  	_ =	swait.ge [sflag:s18], $0x80  }
0x5b: {  	[sflag:s18] =	ssyncset.done $0x0  }
.Ltmp0:
0x5c: {  	[sflag:s18] =	ssyncadd.s32 $0xFFFFFF80;
	(pc) =	sbr.rel @p1 .LBB2_2-.Ltmp0, $4  }
0x5d: {  	_ =	swait.ge [sflag:s18], $0x4000  }
0x5e: {  	p2 =	slt.u32 s23, $0x4E2;
	[sflag:s18] =	ssyncset.done $0x0  }
0x5f: {  	v0 =	vimm.s32 @!p2 $0x2710;
	[sflag:s18] =	ssyncadd.s32 $0xFFFFC000  }
0x60: {  	[tilespmem:$0x80] =	vst @!p2 v0  }
0x61: {  	[tilespmem:$0xF0] =	vst @!p2 v0  }
0x62: {  	[tilespmem:$0xE0] =	vst @!p2 v0  }
0x63: {  	[tilespmem:$0xC0] =	vst @!p2 v0  }
0x64: {  	[tilespmem:$0x90] =	vst @!p2 v0  }
0x65: {  	[tilespmem:$0xD0] =	vst @!p2 v0  }
0x66: {  	[tilespmem:$0xA0] =	vst @!p2 v0  }
0x67: {  	s20 =	sadd.s32 s4, s22;
	[tilespmem:$0xB0] =	vst @!p2 v0  }
0x68: {  	[tilespmem:s2], [sflag:$0x1] =	stream.linear.gather [hbm4b:s20+s2], $0x80, $0x38;
	[tilespmem:$0x1B9C0] =	vst v63  }
0x69: {  	s31 =	sadd.s32 s3, s21  }
0x6a: {  	[tilespmem:s13], [sflag:$0x1] =	stream.linear.gather [hbm4b:s31+s2], $0x4000, $0x38;
	[tilespmem:$0x1B9C0] =	vst v63  }
0x6b: {  	_ = 	snop  }
0x6c: {  	[spmem:s1] =	stream.indirect.scatter.add.f32 [tilespmem:s16], [sflag:$0x3], $0x80, s15, s15, $0xb8;
	[tilespmem:$0x1B9C0] =	vst v63  }
0x6d: {  	_ =	swait.ge [sflag:s17], $0x4000  }
0x6e: {  	[sflag:s17] =	ssyncset.done $0x0  }
0x6f: {  	[sflag:s17] =	ssyncadd.s32 $0xFFFFC000  }
0x70: {  	_ =	swait.ge [sflag:s14], $0x80  }
0x71: {  	[sflag:s14] =	ssyncset.done $0x0  }
0x72: {  	[sflag:s14] =	ssyncadd.s32 $0xFFFFFF80  }
0x73: {  	_ =	swait.ge [sflag:s14], $0x4000  }
0x74: {  	[sflag:s14] =	ssyncset.done $0x0  }
0x75: {  	s19 =	sadd.s32 $0x1, s19;
	[sflag:s14] =	ssyncadd.s32 $0xFFFFC000  }
0x76: {  	s20 =	simm.s32 @!p0 $0x1C03;
	p1 =	sne.s32 s19, s11;
	[bflag:$0x0] =	sbarrier.arrive $0xFFFF  }
0x77: {  	[hbm:s10], [sflag:s20] =	dma.local @!p0 [spmem:s12], $0x27100  }
.Ltmp1:
0x78: {  	_ = 	snop;
	(pc) =	sbr.rel @p1 .LBB2_1-.Ltmp1, $4  }
0x79: {  	s20 =	simm.s32 @!p0 $0x3  }
0x7a: {  	_ =	swait.ge @!p0 [sflag:s20], $0x27100  }
0x7b: {  	[sflag:s20] =	ssyncset.done @!p0 $0x0  }
0x7c: {  	[sflag:s20] =	ssyncadd.s32 @!p0 $0xFFFD8F00  }
0x7d: {  	_ =	sfence.sel $0x180000  }
0x7e: {  	[bflag:$0x0] =	sbarrier.arrive $0xFFFF  }
0x7f: {  	_ =	strace $0x90000059  }
0x80: {  	s0 =	sadd.s32 @!p0 $0x100000, s0;
	[bflag:$0x2] =	sbarrier.arrive $0xFFFF  }
0x81: {  	[sflag:s0] =	ssyncadd.tile.s32 @!p0 $0x1;
	_ =	shalt  }
.Lfunc_end2:
_tile_overlayer_lowered:
.L_overlay_start_2:
0x82: {  	(tag) =	ssettag $0x2  }
0x83: {  	s0 =	rddreg [dreg:$0x0];
	s2 =	stileid.u32  }
0x84: {  	s1 =	rddreg [dreg:$0x1];
	p0 =	sne.s32 s2, $0x0  }
0x85: {  	s3 =	rddreg [dreg:$0x2];
	[bflag:$0x3] =	sbarrier.arrive $0xFFFF;
	s2 =	simm.s32 @!p0 $0x1C03  }
0x86: {  	[timem:s3], [sflag:s2] =	dma.local @!p0 [hbm:s0], s1  }
0x87: {  	s0 =	simm.s32 @!p0 $0x3  }
0x88: {  	_ =	swait.ge @!p0 [sflag:s0], s1  }
0x89: {  	s1 =	ssub.s32 @!p0 $0x0, s1;
	[sflag:s0] =	ssyncset.done @!p0 $0x0  }
0x8a: {  	[sflag:s0] =	ssyncadd.s32 @!p0 s1  }
0x8b: {  	[bflag:$0x3] =	sbarrier.arrive $0xFFFF  }
0x8c: {  	_ =	shalt  }

// kernel: kernel.45.cloned.1.call-start
scs
__scs_entry_jumppad:
0x0: {  	(pc) =	sbr.rel $0x88, $3  }
0x1: {  	(tag) =	ssettag $0x0;
	lr =	simm.s32 $0x1  }
0x2: {  	[smem:$0x3F65] =	sst lr;
	_ =	strace $0xD0000000  }
0x3: {  	_ = 	snop  }
0x4: {  	_ = 	snop  }
0x5: {  	_ = 	snop  }
0x6: {  	_ = 	snop  }
0x7: {  	_ = 	snop  }
__scs_overlays_trampoline_lowered:
0x8: {  	[smem:$0x3F74] =	sst s0  }
0x9: {  	[smem:$0x3F75] =	sst s1  }
0xa: {  	[smem:$0x3F76] =	sst s2  }
0xb: {  	[smem:$0x3F77] =	sst s3  }
0xc: {  	[smem:$0x3F78] =	sst s4  }
0xd: {  	[smem:$0x3F79] =	sst s5  }
0xe: {  	[smem:$0x3F7A] =	sst s6  }
0xf: {  	[smem:$0x3F7B] =	sst s7  }
0x10: {  	[smem:$0x3F7C] =	sst s8  }
0x11: {  	[smem:$0x3F7D] =	sst s9;
	s0 =	simm.s32 @!p0 $0x0  }
0x12: {  	s1 =	sld [smem:$0x3F63];
	s0 =	simm.s32 @p0 $0x1  }
0x13: {  	[smem:$0x3F7E] =	sst s0;
	s0 =	simm.s32 @!p1 $0x0  }
0x14: {  	s2 =	sld [smem:$0x3F62];
	s0 =	simm.s32 @p1 $0x1  }
0x15: {  	[smem:$0x3F7F] =	sst s0;
	s0 =	simm.s32 @!p2 $0x0  }
0x16: {  	s3 =	sld [smem:$0x3FDB];
	s0 =	simm.s32 @p2 $0x1  }
0x17: {  	s4 =	simm.s32 $0x1BF5;
	[smem:$0x3F81] =	sst s0  }
0x18: {  	s0 =	sld [smem:$0x3F64];
	_ =	swait.ge [sflag:s4], $0x0  }
0x19: {  	s7 =	sld [smem:$0x3F65]  }
0x1a: {  	s8 =	sadd.s32 $0xFFFFE003, lr  }
0x1b: {  	s9 =	sadd.s32 $0xFFFFFEF7, lr;
	s5 =	simm.s32 $0xFFFFFFFF;
	p2 =	slt.u32 s8, $0xFFFFF086  }
0x1c: {  	p1 =	slt.u32 s9, $0xF7A;
	s5 =	simm.s32 @!p2 $0x0  }
0x1d: {  	s5 =	simm.s32 @p1 $0x1;
	p0 =	seq.s32 s7, s2  }
0x1e: {  	s7 =	smul.u32 @!p0 $0xF7A, s2;
	p2 =	seq.s32 @!p0 s5, $0x0  }
0x1f: {  	s9 =	smul.u32 $0xF7A, s1;
	s8 =	simm.s32 @!p0 $0x1BF5;
	p2 =	por !p2, p0  }
0x20: {  	[sflag:s8] =	ssyncset.s32 @!p0 $0xFFFFF086;
	s6 =	sadd.s32 @!p0 s3, s7;
	s7 =	simm.s32 @!p0 $0x108  }
0x21: {  	s3 =	sadd.s32 s3, s9;
	s6 =	sadd.s32 @!p0 $0x88, s6;
	s7 =	simm.s32 @p2 $0x1082  }
0x22: {  	[simem:s7], [sflag:s8] =	dma.local @!p0 [hbm:s6], $0xF7A  }
0x23: {  	s9 =	sor.u32 $0xD0000000, s2;
	s6 =	simm.s32 $0x108;
	_ =	swait.ge @!p0 [sflag:s8], $0x0  }
0x24: {  	s3 =	sadd.s32 $0x88, s3;
	s6 =	simm.s32 @!p1 $0x1082;
	[sflag:s4] =	ssyncset.s32 $0xFFFFF086  }
0x25: {  	[simem:s6], [sflag:s4] =	dma.local [hbm:s3], $0xF7A  }
0x26: {  	[smem:$0x3F65] =	sst s1;
	(tag) =	ssettag s2;
	_ =	strace s9  }
0x27: {  	s1 =	sld [smem:$0x3F75]  }
0x28: {  	s2 =	sld [smem:$0x3F76]  }
0x29: {  	s4 =	sld [smem:$0x3F78]  }
0x2a: {  	p0 =	seq.s32 s5, $0x0;
	s5 =	sld [smem:$0x3F79]  }
0x2b: {  	s6 =	sld [smem:$0x3F7A]  }
0x2c: {  	s7 =	sld [smem:$0x3F7B]  }
0x2d: {  	s3 =	simm.s32 $0x108;
	s8 =	sld [smem:$0x3F7C]  }
0x2e: {  	s3 =	simm.s32 @!p0 $0x1082;
	s9 =	sld [smem:$0x3F7D]  }
0x2f: {  	lr =	sadd.s32 s0, s3;
	s0 =	sld [smem:$0x3F74]  }
0x30: {  	s3 =	sld [smem:$0x3F77]  }
0x31: {  	[smem:$0x3F80] =	sst s10  }
0x32: {  	s10 =	sld [smem:$0x3F7E];
	_ =	sdelay $0x3  }
0x33: {  	p0 =	seq.s32 s10, $0x1;
	s10 =	sld [smem:$0x3F80];
	_ =	sdelay $0x3  }
0x34: {  	[smem:$0x3F80] =	sst s10  }
0x35: {  	s10 =	sld [smem:$0x3F7F];
	_ =	sdelay $0x3  }
0x36: {  	p1 =	seq.s32 s10, $0x1;
	s10 =	sld [smem:$0x3F80];
	_ =	sdelay $0x3  }
0x37: {  	[smem:$0x3F80] =	sst s10  }
0x38: {  	s10 =	sld [smem:$0x3F81]  }
0x39: {  	_ = 	snop;
	(pc) =	sbr.ind lr, $3  }
0x3a: {  	_ = 	snop  }
0x3b: {  	_ = 	snop  }
0x3c: {  	p2 =	seq.s32 s10, $0x1;
	s10 =	sld [smem:$0x3F80]  }
0x3d: {  	_ =	shalt  }
0x3e: {  	_ =	shalt  }
0x3f: {  	_ =	shalt  }
0x40: {  	_ =	shalt  }
0x41: {  	_ =	shalt  }
0x42: {  	_ =	shalt  }
0x43: {  	_ =	shalt  }
0x44: {  	_ =	shalt  }
0x45: {  	_ =	shalt  }
0x46: {  	_ =	shalt  }
0x47: {  	_ =	shalt  }
0x48: {  	_ =	shalt  }
0x49: {  	_ =	shalt  }
0x4a: {  	_ =	shalt  }
0x4b: {  	_ =	shalt  }
0x4c: {  	_ =	shalt  }
0x4d: {  	_ =	shalt  }
0x4e: {  	_ =	shalt  }
0x4f: {  	_ =	shalt  }
0x50: {  	_ =	shalt  }
0x51: {  	_ =	shalt  }
0x52: {  	_ =	shalt  }
0x53: {  	_ =	shalt  }
0x54: {  	_ =	shalt  }
0x55: {  	_ =	shalt  }
0x56: {  	_ =	shalt  }
0x57: {  	_ =	shalt  }
0x58: {  	_ =	shalt  }
0x59: {  	_ =	shalt  }
0x5a: {  	_ =	shalt  }
0x5b: {  	_ =	shalt  }
0x5c: {  	_ =	shalt  }
0x5d: {  	_ =	shalt  }
0x5e: {  	_ =	shalt  }
0x5f: {  	_ =	shalt  }
0x60: {  	_ =	shalt  }
0x61: {  	_ =	shalt  }
0x62: {  	_ =	shalt  }
0x63: {  	_ =	shalt  }
0x64: {  	_ =	shalt  }
0x65: {  	_ =	shalt  }
0x66: {  	_ =	shalt  }
0x67: {  	_ =	shalt  }
0x68: {  	_ =	shalt  }
0x69: {  	_ =	shalt  }
0x6a: {  	_ =	shalt  }
0x6b: {  	_ =	shalt  }
0x6c: {  	_ =	shalt  }
0x6d: {  	_ =	shalt  }
0x6e: {  	_ =	shalt  }
0x6f: {  	_ =	shalt  }
0x70: {  	_ =	shalt  }
0x71: {  	_ =	shalt  }
0x72: {  	_ =	shalt  }
0x73: {  	_ =	shalt  }
0x74: {  	_ =	shalt  }
0x75: {  	_ =	shalt  }
0x76: {  	_ =	shalt  }
0x77: {  	_ =	shalt  }
0x78: {  	_ =	shalt  }
0x79: {  	_ =	shalt  }
0x7a: {  	_ =	shalt  }
0x7b: {  	_ =	shalt  }
0x7c: {  	_ =	shalt  }
0x7d: {  	_ =	shalt  }
0x7e: {  	_ =	shalt  }
0x7f: {  	_ =	shalt  }
0x80: {  	_ =	shalt  }
0x81: {  	_ =	shalt  }
0x82: {  	_ =	shalt  }
0x83: {  	_ =	shalt  }
0x84: {  	_ =	shalt  }
0x85: {  	_ =	shalt  }
0x86: {  	_ =	shalt  }
0x87: {  	_ =	shalt  }
.Lfunc_end0:
.L_simem_size_0:
called_computation.7_lowered:
.L_overlay_start_0:
0x88: {  	s2 =	sld [smem:$0x3FD9]  }
0x89: {  	s3 =	sld [smem:$0x3FFE];
	_ =	sdelay $0x1  }
0x8a: {  	s1 =	srdreg.scid  }
0x8b: {  	s0 =	sand.u32 $0x1, s1  }
0x8c: {  	s17 =	sshll.u32 s0, $0xA;
	s2 =	sadd.s32 s3, s2  }
0x8d: {  	s2 =	sadd.s32 s2, s17  }
0x8e: {  	[smem:$0x3F8C] =	sst s2  }
0x8f: {  	_ = 	snop  }
0x90: {  	(tm) =	ssettm $0x1  }
0x91: {  	s18 =	sld [smem:$0x3FFB];
	_ =	sdelay $0x3  }
0x92: {  	_ =	strace s18  }
0x93: {  	s2 =	sld [smem:$0x3FFC];
	_ =	sdelay $0x3  }
0x94: {  	_ =	strace s2  }
0x95: {  	s2 =	sld [smem:$0x3FFD];
	_ =	sdelay $0x3  }
0x96: {  	_ =	strace s2  }
0x97: {  	_ =	strace $0x8FFFFFFF  }
0x98: {  	s19 =	sld [smem:$0x3FDB];
	_ =	sdelay $0x1  }
0x99: {  	s20 =	simm.s32 $_scs_section_size  }
0x9a: {  	s4 =	simm.s32 $_size__tile_overlayer_lowered;
	s5 =	simm.s32 $_tile_overlayer_lowered  }
0x9b: {  	s6 =	simm.s32 $0x1BFF;
	s21 =	sshll.u32 s5, $0x1;
	s3 =	sadd.s32 s20, s19  }
0x9c: {  	s22 =	simm.s32 $0x0;
	s4 =	sshll.u32 s4, $0x1;
	s5 =	sadd.s32 s21, s3  }
0x9d: {  	[timem:s22], [sflag:s6] =	dma.local [hbm:s5], s4  }
0x9e: {  	_ =	swait.ge [sflag:s6], s4  }
0x9f: {  	s4 =	ssub.s32 $0x0, s4;
	[sflag:s6] =	ssyncset.done $0x0  }
0xa0: {  	[sflag:s6] =	ssyncadd.s32 s4;
	_ =	sdelay $0x1  }
0xa1: {  	s23 =	simm.s32 $0x1B8B  }
0xa2: {  	_ =	swait.ge [sflag:s23], $0x1  }
0xa3: {  	[sflag:s23] =	ssyncset.done $0x0  }
0xa4: {  	[sflag:s23] =	ssyncadd.s32 $0xFFFFFFFF  }
0xa5: {  	s4 =	sld [smem:$0x0]  }
0xa6: {  	s5 =	sand.u32 $0xFFFFFFFE, s1  }
0xa7: {  	p0 =	sne.s32 s1, s5  }
0xa8: {  	s5 =	sshll.u32 @p0 s5, $0xE  }
0xa9: {  	s5 =	sadd.s32 @p0 $0x11B8D, s5;
	s6 =	sshll.u32 @p0 s4, $0x11  }
0xaa: {  	s5 =	sor.u32 @p0 s6, s5  }
0xab: {  	[sflag:s5] =	ssyncadd.remote.s32 @p0 $0x1;
	_ =	sdelay $0x1  }
0xac: {  	s5 =	simm.s32 @p0 $0x1B8D  }
0xad: {  	_ =	swait.eq @p0 [sflag:s5], $0x1  }
0xae: {  	[sflag:s5] =	ssyncadd.s32 @p0 $0xFFFFFFFF  }
0xaf: {  	s6 =	sshll.u32 @!p0 s1, $0xE  }
0xb0: {  	s6 =	sor.u32 @!p0 $0x4000, s6;
	s5 =	simm.s32 @!p0 $0x1B8D  }
0xb1: {  	s4 =	sshll.u32 @!p0 s4, $0x11;
	s6 =	sadd.s32 @!p0 $0x11B8D, s6;
	_ =	swait.eq @!p0 [sflag:s5], $0x1  }
0xb2: {  	s4 =	sor.u32 @!p0 s4, s6;
	[sflag:s5] =	ssyncadd.s32 @!p0 $0xFFFFFFFF  }
0xb3: {  	s25 =	simm.s32 $0x1B8E;
	s24 =	sld [smem:$0x3FFE];
	[sflag:s4] =	ssyncadd.remote.s32 @!p0 $0x1  }
0xb4: {  	s26 =	simm.s32 $execute0_lowered;
	[smem:$0x3FD2] =	sst s25  }
0xb5: {  	s5 =	sshll.u32 s26, $0x1;
	_ =	strace $0x8000005B;
	[dreg:$0x1] =	wrdreg $0xFFFFFFFF  }
0xb6: {  	s28 =	simm.s32 $_size_execute0_lowered;
	s3 =	sadd.s32 s3, s5;
	[dreg:$0x0] =	wrdreg $0x0  }
0xb7: {  	s5 =	sshll.u32 s28, $0x1;
	[dreg:$0x2] =	wrdreg s3  }
0xb8: {  	[dreg:$0x3] =	wrdreg s5  }
0xb9: {  	[dreg:$0x4] =	wrdreg $0xC0  }
0xba: {  	_ =	task [dreg:s22], $0x5FFFF  }
0xbb: {  	[dreg:$0x1] =	wrdreg $0xFFFFFFFF  }
0xbc: {  	[dreg:$0x0] =	wrdreg $0x60  }
0xbd: {  	[dreg:$0x2] =	wrdreg s24  }
0xbe: {  	[dreg:$0x3] =	wrdreg $0x81000  }
0xbf: {  	[dreg:$0x4] =	wrdreg $0xA  }
0xc0: {  	_ =	task.clear_ibuf [dreg:s22], $0x5FFFF;
	_ =	strace $0x9000005B  }
0xc1: {  	s29 =	simm.s32 $0xA;
	_ =	strace $0x8000005D  }
0xc2: {  	_ =	swait.ge [sflag:s29], $0x1  }
0xc3: {  	[sflag:s29] =	ssyncadd.s32 $0xFFFFFFFF  }
0xc4: {  	_ =	strace $0x9000005D  }
0xc5: {  	_ =	sfence  }
0xc6: {  	s30 =	sld [smem:$0x0];
	_ =	sdelay $0x2  }
0xc7: {  	s31 =	sshll.u32 s1, $0xD;
	s1 =	sshrl.u32 s1, $0x2  }
0xc8: {  	s4 =	sand.u32 $0x4000, s31;
	s1 =	sadd.s32 s1, s30  }
0xc9: {  	s0 =	sor.u32 s4, s0;
	s1 =	sshll.u32 s1, $0x11  }
0xca: {  	s0 =	sor.u32 s1, s0  }
0xcb: {  	s0 =	sadd.s32 $0x8F2B, s0  }
0xcc: {  	[sflag:s0] =	ssyncadd.remote.s32 $0x1  }
0xcd: {  	_ =	sfence.sel $0xFFFF  }
0xce: {  	[dreg:$0x0] =	wrdreg $0xFFFFFFFF;
	(pc) =	sbr.abs _section_cstart, $3  }
0xcf: {  	[dreg:$0x1] =	wrdreg $0xFFFFFFFF  }
0xd0: {  	_ =	task.clear_ibuf [dreg:s22], $0x2FFFF;
	_ =	strace $0x9FFFFFFF  }
0xd1: {  	(tm) =	ssettm $0x7FFFFFFF  }
tec
execute0_lowered:
.L_overlay_start_1:
0x0: {  	(tag) =	ssettag $0x1  }
0x1: {  	s6 =	rddreg [dreg:$0x0]  }
0x2: {  	s1 =	rddreg [dreg:$0x1]  }
0x3: {  	s0 =	rddreg [dreg:$0x2];
	s2 =	simm.s32 $0x0;
	s3 =	srdreg.scid  }
0x4: {  	s11 =	stileid.u32;
	s15 =	simm.s32 $0x80;
	s16 =	simm.s32 $0x4100  }
0x5: {  	s17 =	simm.s32 $0x3;
	s18 =	simm.s32 $0x2;
	s19 =	simm.s32 $0x0  }
0x6: {  	[smem:$0x7FF] =	sst s2;
	s7 =	sand.u32 $0x1, s3;
	s3 =	sadd.s32 $0x794A00, s6  }
0x7: {  	s4 =	sadd.s32 $0x51EA00, s6;
	s5 =	sadd.s32 $0x46800, s6;
	s8 =	smul.u32 $0x27100, s7  }
0x8: {  	s9 =	sshll.u32 s11, $0x1;
	p0 =	sne.s32 s11, $0x0;
	s30 =	ssub.s32 $0x2, s7  }
0x9: {  	_ =	strace $0x8000005C;
	s31 =	sshrl.u32 s30, $0x1;
	s10 =	sadd.s32 s8, s6  }
0xa: {  	s6 =	sor.u32 s7, s9;
	s14 =	ssub.s32 s30, s31;
	s9 =	ssub.s32 $0x4E1, s9  }
0xb: {  	s12 =	sshll.u32 s6, $0x4;
	s13 =	sshll.u32 s6, $0xB;
	s10 =	sadd.s32 $0xBBC00, s10  }
0xc: {  	s11 =	smax.u32 s14, $0x1;
	s14 =	simm.s32 $0x1;
	s7 =	sadd.s32 s4, s12  }
0xd: {  	s8 =	sadd.s32 s3, s13;
	s12 =	sshrl.u32 @!p0 s1, $0x3;
	s13 =	simm.s32 $0x100  }
.LBB2_1:
0xe: {  	s20 =	simm.s32 @!p0 $0x1C03  }
0xf: {  	[spmem:s12], [sflag:s20] =	dma.local @!p0 [hbm:s5], $0x27180  }
0x10: {  	s20 =	simm.s32 @!p0 $0x3  }
0x11: {  	_ =	swait.ge @!p0 [sflag:s20], $0x27180  }
0x12: {  	[sflag:s20] =	ssyncset.done @!p0 $0x0  }
0x13: {  	[sflag:s20] =	ssyncadd.s32 @!p0 $0xFFFD8E80  }
0x14: {  	[bflag:$0x0] =	sbarrier.arrive $0xFFFF  }
0x15: {  	[tilespmem:s2], [sflag:$0x1] =	stream.linear.gather [hbm4b:s7+s2], $0x80, $0x38;
	[tilespmem:$0x1B9C0] =	vst v63  }
0x16: {  	_ = 	snop  }
0x17: {  	[tilespmem:s13], [sflag:$0x1] =	stream.linear.gather [hbm4b:s8+s2], $0x4000, $0x38;
	[tilespmem:$0x1B9C0] =	vst v63  }
0x18: {  	_ =	swait.ge [sflag:s14], $0x80  }
0x19: {  	[sflag:s14] =	ssyncset.done $0x0  }
0x1a: {  	[sflag:s14] =	ssyncadd.s32 $0xFFFFFF80  }
0x1b: {  	_ =	swait.ge [sflag:s14], $0x4000  }
0x1c: {  	p1 =	sge.u32 s9, $0x0;
	[sflag:s14] =	ssyncset.done $0x0  }
0x1d: {  	v0 =	vimm.s32 @!p1 $0x2710;
	[sflag:s14] =	ssyncadd.s32 $0xFFFFC000  }
0x1e: {  	[tilespmem:$0x70] =	vst @!p1 v0  }
0x1f: {  	[tilespmem:$0x60] =	vst @!p1 v0  }
0x20: {  	s31 =	sadd.s32 $0x0, s6;
	[tilespmem:$0x50] =	vst @!p1 v0  }
0x21: {  	s21 =	sadd.s32 $0x20, s31;
	[tilespmem:$0x40] =	vst @!p1 v0  }
0x22: {  	p2 =	slt.s32 s21, $0x4E1;
	s22 =	smov.u32 s21;
	[tilespmem:$0x30] =	vst @!p1 v0  }
0x23: {  	s22 =	simm.s32 @!p2 $0x4E1;
	[tilespmem:$0x20] =	vst @!p1 v0  }
0x24: {  	s23 =	sshll.u32 s22, $0x4;
	[tilespmem:$0x0] =	vst @!p1 v0  }
0x25: {  	s22 =	sshll.u32 s22, $0xB;
	s23 =	sadd.s32 s4, s23;
	[tilespmem:$0x10] =	vst @!p1 v0  }
0x26: {  	[tilespmem:s15], [sflag:$0x2] =	stream.linear.gather [hbm4b:s23+s2], $0x80, $0x38;
	[tilespmem:$0x1B9C0] =	vst v63  }
0x27: {  	s22 =	sadd.s32 s3, s22  }
0x28: {  	[tilespmem:s16], [sflag:$0x2] =	stream.linear.gather [hbm4b:s22+s2], $0x4000, $0x38;
	[tilespmem:$0x1B9C0] =	vst v63  }
0x29: {  	_ = 	snop  }
0x2a: {  	[spmem:s1] =	stream.indirect.scatter.add.f32 [tilespmem:s13], [sflag:$0x3], $0x80, s2, s15, $0xb8;
	[tilespmem:$0x1B9C0] =	vst v63  }
0x2b: {  	_ =	swait.ge [sflag:s17], $0x4000  }
0x2c: {  	[sflag:s17] =	ssyncset.done $0x0  }
0x2d: {  	[sflag:s17] =	ssyncadd.s32 $0xFFFFC000  }
0x2e: {  	_ =	swait.ge [sflag:s18], $0x80  }
0x2f: {  	[sflag:s18] =	ssyncset.done $0x0  }
0x30: {  	[sflag:s18] =	ssyncadd.s32 $0xFFFFFF80  }
0x31: {  	s23 =	sadd.s32 $0x40, s31;
	_ =	swait.ge [sflag:s18], $0x4000  }
0x32: {  	p2 =	slt.u32 s21, $0x4E2;
	p1 =	slt.s32 s23, $0x4E1;
	[sflag:s18] =	ssyncset.done $0x0  }
0x33: {  	v0 =	vimm.s32 @!p2 $0x2710;
	s23 =	simm.s32 @!p1 $0x4E1;
	[sflag:s18] =	ssyncadd.s32 $0xFFFFC000  }
0x34: {  	s20 =	simm.s32 $0x40;
	s22 =	sshll.u32 s23, $0x4;
	s21 =	sshll.u32 s23, $0xB;
	[tilespmem:$0x80] =	vst @!p2 v0  }
.LBB2_2:
0x35: {  	[tilespmem:$0xF0] =	vst @!p2 v0;
	s23 =	smov.u32 s20;
	s20 =	sadd.s32 $0x40, s20  }
0x36: {  	p1 =	sne.s32 s20, $0x500;
	[tilespmem:$0xE0] =	vst @!p2 v0  }
0x37: {  	[tilespmem:$0xC0] =	vst @!p2 v0  }
0x38: {  	[tilespmem:$0x90] =	vst @!p2 v0  }
0x39: {  	[tilespmem:$0xD0] =	vst @!p2 v0  }
0x3a: {  	s22 =	sadd.s32 s4, s22;
	[tilespmem:$0xA0] =	vst @!p2 v0  }
0x3b: {  	s21 =	sadd.s32 s3, s21;
	[tilespmem:$0xB0] =	vst @!p2 v0  }
0x3c: {  	[tilespmem:s2], [sflag:$0x1] =	stream.linear.gather [hbm4b:s22+s2], $0x80, $0x38;
	[tilespmem:$0x1B9C0] =	vst v63  }
0x3d: {  	_ = 	snop  }
0x3e: {  	[tilespmem:s13], [sflag:$0x1] =	stream.linear.gather [hbm4b:s21+s2], $0x4000, $0x38;
	[tilespmem:$0x1B9C0] =	vst v63  }
0x3f: {  	_ = 	snop  }
0x40: {  	[spmem:s1] =	stream.indirect.scatter.add.f32 [tilespmem:s16], [sflag:$0x3], $0x80, s15, s15, $0xb8;
	[tilespmem:$0x1B9C0] =	vst v63  }
0x41: {  	_ =	swait.ge [sflag:s17], $0x4000  }
0x42: {  	[sflag:s17] =	ssyncset.done $0x0  }
0x43: {  	[sflag:s17] =	ssyncadd.s32 $0xFFFFC000  }
0x44: {  	_ =	swait.ge [sflag:s14], $0x80  }
0x45: {  	[sflag:s14] =	ssyncset.done $0x0  }
0x46: {  	[sflag:s14] =	ssyncadd.s32 $0xFFFFFF80  }
0x47: {  	_ =	swait.ge [sflag:s14], $0x4000  }
0x48: {  	p2 =	sle.u32 s23, s9;
	[sflag:s14] =	ssyncset.done $0x0  }
0x49: {  	v0 =	vimm.s32 @!p2 $0x2710;
	[sflag:s14] =	ssyncadd.s32 $0xFFFFC000  }
0x4a: {  	[tilespmem:$0x70] =	vst @!p2 v0  }
0x4b: {  	[tilespmem:$0x60] =	vst @!p2 v0  }
0x4c: {  	s21 =	sadd.s32 s23, s6;
	[tilespmem:$0x50] =	vst @!p2 v0  }
0x4d: {  	s23 =	sadd.s32 $0x20, s21;
	s21 =	sadd.s32 $0x40, s21;
	[tilespmem:$0x40] =	vst @!p2 v0  }
0x4e: {  	p3 =	slt.s32 s23, $0x4E1;
	p4 =	slt.s32 s21, $0x4E1;
	s22 =	smov.u32 s23;
	[tilespmem:$0x30] =	vst @!p2 v0  }
0x4f: {  	s22 =	simm.s32 @!p3 $0x4E1;
	s21 =	simm.s32 @!p4 $0x4E1;
	[tilespmem:$0x20] =	vst @!p2 v0  }
0x50: {  	s24 =	sshll.u32 s22, $0x4;
	s25 =	sshll.u32 s22, $0xB;
	s22 =	sshll.u32 s21, $0x4;
	[tilespmem:$0x0] =	vst @!p2 v0  }
0x51: {  	s21 =	sshll.u32 s21, $0xB;
	s24 =	sadd.s32 s4, s24;
	[tilespmem:$0x10] =	vst @!p2 v0  }
0x52: {  	[tilespmem:s15], [sflag:$0x2] =	stream.linear.gather [hbm4b:s24+s2], $0x80, $0x38;
	[tilespmem:$0x1B9C0] =	vst v63  }
0x53: {  	s24 =	sadd.s32 s3, s25  }
0x54: {  	[tilespmem:s16], [sflag:$0x2] =	stream.linear.gather [hbm4b:s24+s2], $0x4000, $0x38;
	[tilespmem:$0x1B9C0] =	vst v63  }
0x55: {  	_ = 	snop  }
0x56: {  	[spmem:s1] =	stream.indirect.scatter.add.f32 [tilespmem:s13], [sflag:$0x3], $0x80, s2, s15, $0xb8;
	[tilespmem:$0x1B9C0] =	vst v63  }
0x57: {  	_ =	swait.ge [sflag:s17], $0x4000  }
0x58: {  	[sflag:s17] =	ssyncset.done $0x0  }
0x59: {  	[sflag:s17] =	ssyncadd.s32 $0xFFFFC000  }
0x5a: {  	_ =	swait.ge [sflag:s18], $0x80  }
0x5b: {  	[sflag:s18] =	ssyncset.done $0x0  }
.Ltmp0:
0x5c: {  	[sflag:s18] =	ssyncadd.s32 $0xFFFFFF80;
	(pc) =	sbr.rel @p1 .LBB2_2-.Ltmp0, $4  }
0x5d: {  	_ =	swait.ge [sflag:s18], $0x4000  }
0x5e: {  	p2 =	slt.u32 s23, $0x4E2;
	[sflag:s18] =	ssyncset.done $0x0  }
0x5f: {  	v0 =	vimm.s32 @!p2 $0x2710;
	[sflag:s18] =	ssyncadd.s32 $0xFFFFC000  }
0x60: {  	[tilespmem:$0x80] =	vst @!p2 v0  }
0x61: {  	[tilespmem:$0xF0] =	vst @!p2 v0  }
0x62: {  	[tilespmem:$0xE0] =	vst @!p2 v0  }
0x63: {  	[tilespmem:$0xC0] =	vst @!p2 v0  }
0x64: {  	[tilespmem:$0x90] =	vst @!p2 v0  }
0x65: {  	[tilespmem:$0xD0] =	vst @!p2 v0  }
0x66: {  	[tilespmem:$0xA0] =	vst @!p2 v0  }
0x67: {  	s20 =	sadd.s32 s4, s22;
	[tilespmem:$0xB0] =	vst @!p2 v0  }
0x68: {  	[tilespmem:s2], [sflag:$0x1] =	stream.linear.gather [hbm4b:s20+s2], $0x80, $0x38;
	[tilespmem:$0x1B9C0] =	vst v63  }
0x69: {  	s31 =	sadd.s32 s3, s21  }
0x6a: {  	[tilespmem:s13], [sflag:$0x1] =	stream.linear.gather [hbm4b:s31+s2], $0x4000, $0x38;
	[tilespmem:$0x1B9C0] =	vst v63  }
0x6b: {  	_ = 	snop  }
0x6c: {  	[spmem:s1] =	stream.indirect.scatter.add.f32 [tilespmem:s16], [sflag:$0x3], $0x80, s15, s15, $0xb8;
	[tilespmem:$0x1B9C0] =	vst v63  }
0x6d: {  	_ =	swait.ge [sflag:s17], $0x4000  }
0x6e: {  	[sflag:s17] =	ssyncset.done $0x0  }
0x6f: {  	[sflag:s17] =	ssyncadd.s32 $0xFFFFC000  }
0x70: {  	_ =	swait.ge [sflag:s14], $0x80  }
0x71: {  	[sflag:s14] =	ssyncset.done $0x0  }
0x72: {  	[sflag:s14] =	ssyncadd.s32 $0xFFFFFF80  }
0x73: {  	_ =	swait.ge [sflag:s14], $0x4000  }
0x74: {  	[sflag:s14] =	ssyncset.done $0x0  }
0x75: {  	s19 =	sadd.s32 $0x1, s19;
	[sflag:s14] =	ssyncadd.s32 $0xFFFFC000  }
0x76: {  	s20 =	simm.s32 @!p0 $0x1C03;
	p1 =	sne.s32 s19, s11;
	[bflag:$0x0] =	sbarrier.arrive $0xFFFF  }
0x77: {  	[hbm:s10], [sflag:s20] =	dma.local @!p0 [spmem:s12], $0x27100  }
.Ltmp1:
0x78: {  	_ = 	snop;
	(pc) =	sbr.rel @p1 .LBB2_1-.Ltmp1, $4  }
0x79: {  	s20 =	simm.s32 @!p0 $0x3  }
0x7a: {  	_ =	swait.ge @!p0 [sflag:s20], $0x27100  }
0x7b: {  	[sflag:s20] =	ssyncset.done @!p0 $0x0  }
0x7c: {  	[sflag:s20] =	ssyncadd.s32 @!p0 $0xFFFD8F00  }
0x7d: {  	_ =	sfence.sel $0x180000  }
0x7e: {  	[bflag:$0x0] =	sbarrier.arrive $0xFFFF  }
0x7f: {  	_ =	strace $0x9000005C  }
0x80: {  	s0 =	sadd.s32 @!p0 $0x100000, s0;
	[bflag:$0x2] =	sbarrier.arrive $0xFFFF  }
0x81: {  	[sflag:s0] =	ssyncadd.tile.s32 @!p0 $0x1;
	_ =	shalt  }
.Lfunc_end2:
_tile_overlayer_lowered:
.L_overlay_start_2:
0x82: {  	(tag) =	ssettag $0x2  }
0x83: {  	s0 =	rddreg [dreg:$0x0];
	s2 =	stileid.u32  }
0x84: {  	s1 =	rddreg [dreg:$0x1];
	p0 =	sne.s32 s2, $0x0  }
0x85: {  	s3 =	rddreg [dreg:$0x2];
	[bflag:$0x3] =	sbarrier.arrive $0xFFFF;
	s2 =	simm.s32 @!p0 $0x1C03  }
0x86: {  	[timem:s3], [sflag:s2] =	dma.local @!p0 [hbm:s0], s1  }
0x87: {  	s0 =	simm.s32 @!p0 $0x3  }
0x88: {  	_ =	swait.ge @!p0 [sflag:s0], s1  }
0x89: {  	s1 =	ssub.s32 @!p0 $0x0, s1;
	[sflag:s0] =	ssyncset.done @!p0 $0x0  }
0x8a: {  	[sflag:s0] =	ssyncadd.s32 @!p0 s1  }
0x8b: {  	[bflag:$0x3] =	sbarrier.arrive $0xFFFF  }
0x8c: {  	_ =	shalt  }

</sc_bundles>
